<compile_context>
chip_gen: v7x
topology: tpu7x:2x2x1
jax: 0.10.2.dev20260603
libtpu: 0.0.44.dev20260713+nightly
codegen_flags: <defaults>
</compile_context>

<pallas_src>
import functools

import jax
import jax.numpy as jnp
from jax import lax
from jax.experimental import pallas as pl
from jax.experimental.pallas import tpu as pltpu
from jax.experimental.pallas import tpu_sc as plsc

_BATCH = 16384
_HIST = 200
_EMBED = 32
_N = _BATCH * _HIST

_NC = 2
_NS = 16
_NW = _NC * _NS
_MB = 128
_SB = 512
_NSB = _N // _SB
_BPW = _NSB // _NW
_SBH = _BATCH // _SB

_mesh = plsc.VectorSubcoreMesh(core_axis_name="c", subcore_axis_name="s")


@functools.partial(
    pl.kernel,
    out_type=jax.ShapeDtypeStruct((_HIST, 4, _BATCH * 8), jnp.float32),
    mesh=_mesh,
    scratch_types=[
        pltpu.VMEM((_SB,), jnp.int32),
        pltpu.VMEM((_SB,), jnp.int32),
        pltpu.VMEM((_SB, _EMBED), jnp.float32),
        pltpu.VMEM((_SB, _EMBED), jnp.float32),
        pltpu.VMEM((4 * 4096,), jnp.float32),
        pltpu.VMEM((4 * 4096,), jnp.float32),
        pltpu.SemaphoreType.DMA,
        pltpu.SemaphoreType.DMA,
        pltpu.SemaphoreType.DMA,
        pltpu.SemaphoreType.DMA,
        pltpu.SemaphoreType.DMA,
        pltpu.SemaphoreType.DMA,
    ],
    compiler_params=pltpu.CompilerParams(use_tc_tiling_on_sc=False,
                                         needs_layout_passes=False),
)
def _gather_kernel(xt_hbm, table_hbm, out_hbm, idx_v0, idx_v1,
                   rows_v0, rows_v1, buf_v0, buf_v1,
                   sem_l0, sem_l1, sem_g0, sem_g1, sem_w0, sem_w1):
    wid = lax.axis_index("s") * _NC + lax.axis_index("c")
    t0 = wid * _BPW
    idx_v = (idx_v0, idx_v1)
    rows_v = (rows_v0, rows_v1)
    buf_v = (buf_v0, buf_v1)
    sem_l = (sem_l0, sem_l1)
    sem_g = (sem_g0, sem_g1)
    sem_w = (sem_w0, sem_w1)

    iota = lax.iota(jnp.int32, 16)

    def hB(l):
        t = t0 + l
        return t // _SBH, t % _SBH

    def l_copy(l, b):
        h, B = hB(l)
        return pltpu.make_async_copy(
            xt_hbm.at[pl.ds(h * _BATCH + B * _SB, _SB)], idx_v[b], sem_l[b])

    class _GGroup:
        def __init__(self, copies):
            self.copies = copies

        def start(self):
            for c in self.copies:
                c.start()

        def wait(self):
            for c in self.copies:
                c.wait()

    def g_copy(b):
        return _GGroup([
            pltpu.make_async_copy(
                table_hbm.at[idx_v[b].at[pl.ds(half * (_SB // 2), _SB // 2)]],
                rows_v[b].at[pl.ds(half * (_SB // 2), _SB // 2)], sem_g[b])
            for half in range(2)
        ])

    def _w_copies(l, b):
        h, B = hB(l)
        return [
            pltpu.make_async_copy(
                buf_v[b].at[pl.ds(q * 4096, 4096)],
                out_hbm.at[h, q, pl.ds(B * 4096, 4096)], sem_w[b])
            for q in range(4)
        ]

    def w_start(l, b):
        for c in _w_copies(l, b):
            c.start()

    def w_wait(l, b):
        for c in _w_copies(l, b):
            c.wait()

    def transpose(b):
        def step(c0, carry):
            cm = (c0 + iota) & 31
            sbase = ((cm & 0x18) << 9) + ((cm & 7) << 7) + iota

            def load(k):
                return plsc.load_gather(rows_v[b], [iota + 16 * k, cm])

            def store(k, v):
                off_k = 1024 * (k // 8) + (16 * k % 128)
                plsc.store_scatter(buf_v[b], [sbase + off_k], v)

            depth = 4
            pend = [load(k) for k in range(depth)]
            for k in range(32 - depth):
                nxt = load(k + depth)
                store(k, pend[0])
                pend = pend[1:] + [nxt]
            for k in range(32 - depth, 32):
                store(k, pend[0])
                pend = pend[1:]
            return carry

        lax.fori_loop(0, 32, step, 0)

    l_copy(0, 0).start()
    l_copy(1, 1).start()
    l_copy(0, 0).wait()
    g_copy(0).start()
    g_copy(0).wait()
    l_copy(1, 1).wait()
    g_copy(1).start()
    transpose(0)
    w_start(0, 0)
    l_copy(2, 0).start()
    g_copy(1).wait()
    l_copy(2, 0).wait()
    g_copy(0).start()
    transpose(1)
    w_start(1, 1)
    l_copy(3, 1).start()

    def body(jj, carry):
        l = 2 * jj
        g_copy(0).wait()
        l_copy(l + 1, 1).wait()
        g_copy(1).start()
        w_wait(l - 2, 0)
        transpose(0)
        w_start(l, 0)
        l_copy(l + 2, 0).start()
        g_copy(1).wait()
        l_copy(l + 2, 0).wait()
        g_copy(0).start()
        w_wait(l - 1, 1)
        transpose(1)
        w_start(l + 1, 1)
        l_copy(l + 3, 1).start()
        return carry

    lax.fori_loop(1, _BPW // 2 - 1, body, 0)

    ll = _BPW - 2
    g_copy(0).wait()
    l_copy(ll + 1, 1).wait()
    g_copy(1).start()
    w_wait(ll - 2, 0)
    transpose(0)
    w_start(ll, 0)
    g_copy(1).wait()
    w_wait(ll - 1, 1)
    transpose(1)
    w_start(ll + 1, 1)
    w_wait(ll, 0)
    w_wait(ll + 1, 1)


def kernel(x, table):
    xt = jnp.transpose(x).reshape(-1).astype(jnp.int32)
    z = _gather_kernel(xt, table).reshape(_HIST, 4, _BATCH // _MB, 8, _MB)
    zt = lax.transpose(z, (2, 4, 0, 1, 3))
    return zt.reshape(_BATCH, _HIST, _EMBED)

# --- scband reference (transcript-rebuilt; emitter-appended) ---
"""Pipeline reference for scband-text-encoder-22892175687826 (READ-ONLY COPY).

The authoritative reference and input builder live on the scoring server;
editing this copy changes nothing except your own understanding.
"""

import jax, jax.numpy as jnp
import numpy as np

VOCAB = 1000000
EMBED_DIM = 32
BATCH = 16384
HIST = 200

def setup_inputs(seed: int = 0) -> dict:
    key = jax.random.key(seed)
    k_idx, k_tab = jax.random.split(key)
    x = jax.random.randint(k_idx, (BATCH, HIST), 0, VOCAB, dtype=jnp.int64 if jax.config.jax_enable_x64 else jnp.int32)
    table = jax.random.normal(k_tab, (VOCAB, EMBED_DIM), dtype=jnp.float32) * 0.02
    return {"x": x, "table": table}

def reference(x, table):
    # nn.Embedding forward: gather rows of the embedding table
    return jnp.take(table, x, axis=0)

if __name__ == "__main__":
    import jax
    _d = setup_inputs()
    print(jax.jit(kernel)(*tuple(_d.values())))

</pallas_src>

<mosaic_0001>
#map = affine_map<(d0, d1) -> (0)>
#map1 = affine_map<(d0, d1) -> (0, 0)>
#map2 = affine_map<(d0, d1) -> (0, 0, 0)>
module attributes {stable_mosaic.version = 14 : i64} {
  func.func @_gather_kernel(%arg0: i32, %arg1: i32, %arg2: memref<3276800xi32, #tpu.memory_space<hbm>>, %arg3: memref<1000000x32xf32, #tpu.memory_space<hbm>>, %arg4: memref<200x4x131072xf32, #tpu.memory_space<hbm>>, %arg5: memref<512xi32, #tpu.memory_space<vmem>>, %arg6: memref<512xi32, #tpu.memory_space<vmem>>, %arg7: memref<512x32xf32, #tpu.memory_space<vmem>>, %arg8: memref<512x32xf32, #tpu.memory_space<vmem>>, %arg9: memref<16384xf32, #tpu.memory_space<vmem>>, %arg10: memref<16384xf32, #tpu.memory_space<vmem>>, %arg11: memref<!tpu.dma_semaphore, #tpu.memory_space<semaphore_mem>>, %arg12: memref<!tpu.dma_semaphore, #tpu.memory_space<semaphore_mem>>, %arg13: memref<!tpu.dma_semaphore, #tpu.memory_space<semaphore_mem>>, %arg14: memref<!tpu.dma_semaphore, #tpu.memory_space<semaphore_mem>>, %arg15: memref<!tpu.dma_semaphore, #tpu.memory_space<semaphore_mem>>, %arg16: memref<!tpu.dma_semaphore, #tpu.memory_space<semaphore_mem>>) attributes {dimension_semantics = [#tpu.dimension_semantics<core_parallel>, #tpu.dimension_semantics<subcore_parallel>], iteration_bounds = array<i64: 2, 16>, scalar_prefetch = 0 : i64, scratch_operands = 12 : i64, tpu.core_type = #tpu.core_type<sc_vector_subcore>, window_params = [{transform_indices = #map}, {transform_indices = #map1}, {transform_indices = #map2}]} {
    %mul3A = arith.constant 2 : i32
    %mul3A_0 = arith.muli %arg1, %mul3A : i32
    %add3A = arith.addi %mul3A_0, %arg0 : i32
    %mul3A_1 = arith.constant 200 : i32
    %mul3A_2 = arith.muli %add3A, %mul3A_1 : i32
    %iota3A = tpu.iota {dimensions = array<i32: 0>} : vector<16xi32>
    %add3A_3 = arith.constant 0 : i32
    %add3A_4 = arith.addi %mul3A_2, %add3A_3 : i32
    %jit3A = arith.constant 32 : i32
    %div3A = arith.divsi %add3A_4, %jit3A : i32
    %sign3A = arith.constant 0 : i32
    %sign3A_5 = arith.cmpi sgt, %add3A_4, %sign3A : i32
    %sign3A_6 = arith.extui %sign3A_5 : i1 to i32
    %sign3A_7 = arith.constant 0 : i32
    %sign3A_8 = arith.cmpi slt, %add3A_4, %sign3A_7 : i32
    %sign3A_9 = arith.extui %sign3A_8 : i1 to i32
    %sign3A_10 = arith.subi %sign3A_6, %sign3A_9 : i32
    %sign3A_11 = arith.constant 0 : i32
    %sign3A_12 = arith.cmpi sgt, %jit3A, %sign3A_11 : i32
    %sign3A_13 = arith.extui %sign3A_12 : i1 to i32
    %sign3A_14 = arith.constant 0 : i32
    %sign3A_15 = arith.cmpi slt, %jit3A, %sign3A_14 : i32
    %sign3A_16 = arith.extui %sign3A_15 : i1 to i32
    %sign3A_17 = arith.subi %sign3A_13, %sign3A_16 : i32
    %ne3A = arith.cmpi ne, %sign3A_10, %sign3A_17 : i32
    %rem3A = arith.remsi %add3A_4, %jit3A : i32
    %ne3A_18 = arith.constant 0 : i32
    %ne3A_19 = arith.cmpi ne, %rem3A, %ne3A_18 : i32
    %and3A = arith.andi %ne3A, %ne3A_19 : i1
    %sub3A = arith.constant 1 : i32
    %sub3A_20 = arith.subi %div3A, %sub3A : i32
    %select_n3A = arith.select %and3A, %sub3A_20, %div3A : i32
    %jit3A_21 = arith.constant 32 : i32
    %eq3A = arith.constant 0 : i32
    %eq3A_22 = arith.cmpi eq, %jit3A_21, %eq3A : i32
    %jit3A_23 = arith.constant 1 : i32
    %select_n3A_24 = arith.select %eq3A_22, %jit3A_23, %jit3A_21 : i32
    %rem3A_25 = arith.remsi %add3A_4, %select_n3A_24 : i32
    %ne3A_26 = arith.constant 0 : i32
    %ne3A_27 = arith.cmpi ne, %rem3A_25, %ne3A_26 : i32
    %lt3A = arith.constant 0 : i32
    %lt3A_28 = arith.cmpi slt, %rem3A_25, %lt3A : i32
    %lt3A_29 = arith.constant 0 : i32
    %lt3A_30 = arith.cmpi slt, %select_n3A_24, %lt3A_29 : i32
    %ne3A_31 = arith.xori %lt3A_28, %lt3A_30 : i1
    %and3A_32 = arith.andi %ne3A_31, %ne3A_27 : i1
    %add3A_33 = arith.addi %rem3A_25, %select_n3A_24 : i32
    %select_n3A_34 = arith.select %and3A_32, %add3A_33, %rem3A_25 : i32
    %mul3A_35 = arith.constant 16384 : i32
    %mul3A_36 = arith.muli %select_n3A, %mul3A_35 : i32
    %mul3A_37 = arith.constant 512 : i32
    %mul3A_38 = arith.muli %select_n3A_34, %mul3A_37 : i32
    %add3A_39 = arith.addi %mul3A_36, %mul3A_38 : i32
    %dma_start3A = tpu.memref_slice %arg2[%add3A_39] : memref<3276800xi32, #tpu.memory_space<hbm>> -> memref<512xi32, #tpu.memory_space<hbm>>
    %dma_start3A_40 = tpu.memref_slice %arg2[%add3A_39] : memref<3276800xi32, #tpu.memory_space<hbm>> -> memref<512xi32, #tpu.memory_space<hbm>>
    tpu.enqueue_dma source(%dma_start3A_40 : memref<512xi32, #tpu.memory_space<hbm>>) target(%arg5 : memref<512xi32, #tpu.memory_space<vmem>>) target_semaphore(%arg11 : memref<!tpu.dma_semaphore, #tpu.memory_space<semaphore_mem>>)
    %add3A_41 = arith.constant 1 : i32
    %add3A_42 = arith.addi %mul3A_2, %add3A_41 : i32
    %jit3A_43 = arith.constant 32 : i32
    %div3A_44 = arith.divsi %add3A_42, %jit3A_43 : i32
    %sign3A_45 = arith.constant 0 : i32
    %sign3A_46 = arith.cmpi sgt, %add3A_42, %sign3A_45 : i32
    %sign3A_47 = arith.extui %sign3A_46 : i1 to i32
    %sign3A_48 = arith.constant 0 : i32
    %sign3A_49 = arith.cmpi slt, %add3A_42, %sign3A_48 : i32
    %sign3A_50 = arith.extui %sign3A_49 : i1 to i32
    %sign3A_51 = arith.subi %sign3A_47, %sign3A_50 : i32
    %sign3A_52 = arith.constant 0 : i32
    %sign3A_53 = arith.cmpi sgt, %jit3A_43, %sign3A_52 : i32
    %sign3A_54 = arith.extui %sign3A_53 : i1 to i32
    %sign3A_55 = arith.constant 0 : i32
    %sign3A_56 = arith.cmpi slt, %jit3A_43, %sign3A_55 : i32
    %sign3A_57 = arith.extui %sign3A_56 : i1 to i32
    %sign3A_58 = arith.subi %sign3A_54, %sign3A_57 : i32
    %ne3A_59 = arith.cmpi ne, %sign3A_51, %sign3A_58 : i32
    %rem3A_60 = arith.remsi %add3A_42, %jit3A_43 : i32
    %ne3A_61 = arith.constant 0 : i32
    %ne3A_62 = arith.cmpi ne, %rem3A_60, %ne3A_61 : i32
    %and3A_63 = arith.andi %ne3A_59, %ne3A_62 : i1
    %sub3A_64 = arith.constant 1 : i32
    %sub3A_65 = arith.subi %div3A_44, %sub3A_64 : i32
    %select_n3A_66 = arith.select %and3A_63, %sub3A_65, %div3A_44 : i32
    %jit3A_67 = arith.constant 32 : i32
    %eq3A_68 = arith.constant 0 : i32
    %eq3A_69 = arith.cmpi eq, %jit3A_67, %eq3A_68 : i32
    %jit3A_70 = arith.constant 1 : i32
    %select_n3A_71 = arith.select %eq3A_69, %jit3A_70, %jit3A_67 : i32
    %rem3A_72 = arith.remsi %add3A_42, %select_n3A_71 : i32
    %ne3A_73 = arith.constant 0 : i32
    %ne3A_74 = arith.cmpi ne, %rem3A_72, %ne3A_73 : i32
    %lt3A_75 = arith.constant 0 : i32
    %lt3A_76 = arith.cmpi slt, %rem3A_72, %lt3A_75 : i32
    %lt3A_77 = arith.constant 0 : i32
    %lt3A_78 = arith.cmpi slt, %select_n3A_71, %lt3A_77 : i32
    %ne3A_79 = arith.xori %lt3A_76, %lt3A_78 : i1
    %and3A_80 = arith.andi %ne3A_79, %ne3A_74 : i1
    %add3A_81 = arith.addi %rem3A_72, %select_n3A_71 : i32
    %select_n3A_82 = arith.select %and3A_80, %add3A_81, %rem3A_72 : i32
    %mul3A_83 = arith.constant 16384 : i32
    %mul3A_84 = arith.muli %select_n3A_66, %mul3A_83 : i32
    %mul3A_85 = arith.constant 512 : i32
    %mul3A_86 = arith.muli %select_n3A_82, %mul3A_85 : i32
    %add3A_87 = arith.addi %mul3A_84, %mul3A_86 : i32
    %dma_start3A_88 = tpu.memref_slice %arg2[%add3A_87] : memref<3276800xi32, #tpu.memory_space<hbm>> -> memref<512xi32, #tpu.memory_space<hbm>>
    %dma_start3A_89 = tpu.memref_slice %arg2[%add3A_87] : memref<3276800xi32, #tpu.memory_space<hbm>> -> memref<512xi32, #tpu.memory_space<hbm>>
    tpu.enqueue_dma source(%dma_start3A_89 : memref<512xi32, #tpu.memory_space<hbm>>) target(%arg6 : memref<512xi32, #tpu.memory_space<vmem>>) target_semaphore(%arg12 : memref<!tpu.dma_semaphore, #tpu.memory_space<semaphore_mem>>)
    %add3A_90 = arith.constant 0 : i32
    %add3A_91 = arith.addi %mul3A_2, %add3A_90 : i32
    %jit3A_92 = arith.constant 32 : i32
    %div3A_93 = arith.divsi %add3A_91, %jit3A_92 : i32
    %sign3A_94 = arith.constant 0 : i32
    %sign3A_95 = arith.cmpi sgt, %add3A_91, %sign3A_94 : i32
    %sign3A_96 = arith.extui %sign3A_95 : i1 to i32
    %sign3A_97 = arith.constant 0 : i32
    %sign3A_98 = arith.cmpi slt, %add3A_91, %sign3A_97 : i32
    %sign3A_99 = arith.extui %sign3A_98 : i1 to i32
    %sign3A_100 = arith.subi %sign3A_96, %sign3A_99 : i32
    %sign3A_101 = arith.constant 0 : i32
    %sign3A_102 = arith.cmpi sgt, %jit3A_92, %sign3A_101 : i32
    %sign3A_103 = arith.extui %sign3A_102 : i1 to i32
    %sign3A_104 = arith.constant 0 : i32
    %sign3A_105 = arith.cmpi slt, %jit3A_92, %sign3A_104 : i32
    %sign3A_106 = arith.extui %sign3A_105 : i1 to i32
    %sign3A_107 = arith.subi %sign3A_103, %sign3A_106 : i32
    %ne3A_108 = arith.cmpi ne, %sign3A_100, %sign3A_107 : i32
    %rem3A_109 = arith.remsi %add3A_91, %jit3A_92 : i32
    %ne3A_110 = arith.constant 0 : i32
    %ne3A_111 = arith.cmpi ne, %rem3A_109, %ne3A_110 : i32
    %and3A_112 = arith.andi %ne3A_108, %ne3A_111 : i1
    %sub3A_113 = arith.constant 1 : i32
    %sub3A_114 = arith.subi %div3A_93, %sub3A_113 : i32
    %select_n3A_115 = arith.select %and3A_112, %sub3A_114, %div3A_93 : i32
    %jit3A_116 = arith.constant 32 : i32
    %eq3A_117 = arith.constant 0 : i32
    %eq3A_118 = arith.cmpi eq, %jit3A_116, %eq3A_117 : i32
    %jit3A_119 = arith.constant 1 : i32
    %select_n3A_120 = arith.select %eq3A_118, %jit3A_119, %jit3A_116 : i32
    %rem3A_121 = arith.remsi %add3A_91, %select_n3A_120 : i32
    %ne3A_122 = arith.constant 0 : i32
    %ne3A_123 = arith.cmpi ne, %rem3A_121, %ne3A_122 : i32
    %lt3A_124 = arith.constant 0 : i32
    %lt3A_125 = arith.cmpi slt, %rem3A_121, %lt3A_124 : i32
    %lt3A_126 = arith.constant 0 : i32
    %lt3A_127 = arith.cmpi slt, %select_n3A_120, %lt3A_126 : i32
    %ne3A_128 = arith.xori %lt3A_125, %lt3A_127 : i1
    %and3A_129 = arith.andi %ne3A_128, %ne3A_123 : i1
    %add3A_130 = arith.addi %rem3A_121, %select_n3A_120 : i32
    %select_n3A_131 = arith.select %and3A_129, %add3A_130, %rem3A_121 : i32
    %mul3A_132 = arith.constant 16384 : i32
    %mul3A_133 = arith.muli %select_n3A_115, %mul3A_132 : i32
    %mul3A_134 = arith.constant 512 : i32
    %mul3A_135 = arith.muli %select_n3A_131, %mul3A_134 : i32
    %add3A_136 = arith.addi %mul3A_133, %mul3A_135 : i32
    %dma_wait3A = tpu.memref_slice %arg2[%add3A_136] : memref<3276800xi32, #tpu.memory_space<hbm>> -> memref<512xi32, #tpu.memory_space<hbm>>
    %dma_wait3A_137 = tpu.memref_slice %arg2[%add3A_136] : memref<3276800xi32, #tpu.memory_space<hbm>> -> memref<512xi32, #tpu.memory_space<hbm>>
    tpu.wait_dma2 semaphore(%arg11 : memref<!tpu.dma_semaphore, #tpu.memory_space<semaphore_mem>>) src(%dma_wait3A_137 : memref<512xi32, #tpu.memory_space<hbm>>) dst(%arg5 : memref<512xi32, #tpu.memory_space<vmem>>)
    %dma_start3A_138 = arith.constant 0 : i32
    %dma_start3A_139 = arith.constant 0 : i32
    %dma_start3A_140 = tpu.memref_slice %arg7[%dma_start3A_138, %dma_start3A_139] : memref<512x32xf32, #tpu.memory_space<vmem>> -> memref<256x32xf32, #tpu.memory_space<vmem>>
    %dma_start3A_141 = arith.constant 0 : i32
    %dma_start3A_142 = tpu.memref_slice %arg5[%dma_start3A_141] : memref<512xi32, #tpu.memory_space<vmem>> -> memref<256xi32, #tpu.memory_space<vmem>>
    %dma_start3A_143 = arith.constant 0 : i32
    %dma_start3A_144 = arith.constant 0 : i32
    %dma_start3A_145 = tpu.memref_slice %arg3[%dma_start3A_143, %dma_start3A_144] : memref<1000000x32xf32, #tpu.memory_space<hbm>> -> memref<1000000x32xf32, #tpu.memory_space<hbm>>
    tpu.enqueue_indirect_dma source(%dma_start3A_145 : memref<1000000x32xf32, #tpu.memory_space<hbm>>) target(%dma_start3A_140 : memref<256x32xf32, #tpu.memory_space<vmem>>) offsets(%dma_start3A_142 : memref<256xi32, #tpu.memory_space<vmem>>) semaphore(%arg13 : memref<!tpu.dma_semaphore, #tpu.memory_space<semaphore_mem>>)
    %dma_start3A_146 = arith.constant 256 : i32
    %dma_start3A_147 = arith.constant 0 : i32
    %dma_start3A_148 = tpu.memref_slice %arg7[%dma_start3A_146, %dma_start3A_147] : memref<512x32xf32, #tpu.memory_space<vmem>> -> memref<256x32xf32, #tpu.memory_space<vmem>>
    %dma_start3A_149 = arith.constant 256 : i32
    %dma_start3A_150 = tpu.memref_slice %arg5[%dma_start3A_149] : memref<512xi32, #tpu.memory_space<vmem>> -> memref<256xi32, #tpu.memory_space<vmem>>
    %dma_start3A_151 = arith.constant 0 : i32
    %dma_start3A_152 = arith.constant 0 : i32
    %dma_start3A_153 = tpu.memref_slice %arg3[%dma_start3A_151, %dma_start3A_152] : memref<1000000x32xf32, #tpu.memory_space<hbm>> -> memref<1000000x32xf32, #tpu.memory_space<hbm>>
    tpu.enqueue_indirect_dma source(%dma_start3A_153 : memref<1000000x32xf32, #tpu.memory_space<hbm>>) target(%dma_start3A_148 : memref<256x32xf32, #tpu.memory_space<vmem>>) offsets(%dma_start3A_150 : memref<256xi32, #tpu.memory_space<vmem>>) semaphore(%arg13 : memref<!tpu.dma_semaphore, #tpu.memory_space<semaphore_mem>>)
    %dma_wait3A_154 = arith.constant 0 : i32
    %dma_wait3A_155 = arith.constant 0 : i32
    %dma_wait3A_156 = tpu.memref_slice %arg7[%dma_wait3A_154, %dma_wait3A_155] : memref<512x32xf32, #tpu.memory_space<vmem>> -> memref<256x32xf32, #tpu.memory_space<vmem>>
    %dma_wait3A_157 = arith.constant 0 : i32
    %dma_wait3A_158 = tpu.memref_slice %arg5[%dma_wait3A_157] : memref<512xi32, #tpu.memory_space<vmem>> -> memref<256xi32, #tpu.memory_space<vmem>>
    %dma_wait3A_159 = arith.constant 0 : i32
    %dma_wait3A_160 = arith.constant 0 : i32
    %dma_wait3A_161 = tpu.memref_slice %arg3[%dma_wait3A_159, %dma_wait3A_160] : memref<1000000x32xf32, #tpu.memory_space<hbm>> -> memref<1000000x32xf32, #tpu.memory_space<hbm>>
    tpu.wait_indirect_dma semaphore(%arg13 : memref<!tpu.dma_semaphore, #tpu.memory_space<semaphore_mem>>) src(%dma_wait3A_161 : memref<1000000x32xf32, #tpu.memory_space<hbm>>) dst(%dma_wait3A_156 : memref<256x32xf32, #tpu.memory_space<vmem>>)
    %dma_wait3A_162 = arith.constant 256 : i32
    %dma_wait3A_163 = arith.constant 0 : i32
    %dma_wait3A_164 = tpu.memref_slice %arg7[%dma_wait3A_162, %dma_wait3A_163] : memref<512x32xf32, #tpu.memory_space<vmem>> -> memref<256x32xf32, #tpu.memory_space<vmem>>
    %dma_wait3A_165 = arith.constant 256 : i32
    %dma_wait3A_166 = tpu.memref_slice %arg5[%dma_wait3A_165] : memref<512xi32, #tpu.memory_space<vmem>> -> memref<256xi32, #tpu.memory_space<vmem>>
    %dma_wait3A_167 = arith.constant 0 : i32
    %dma_wait3A_168 = arith.constant 0 : i32
    %dma_wait3A_169 = tpu.memref_slice %arg3[%dma_wait3A_167, %dma_wait3A_168] : memref<1000000x32xf32, #tpu.memory_space<hbm>> -> memref<1000000x32xf32, #tpu.memory_space<hbm>>
    tpu.wait_indirect_dma semaphore(%arg13 : memref<!tpu.dma_semaphore, #tpu.memory_space<semaphore_mem>>) src(%dma_wait3A_169 : memref<1000000x32xf32, #tpu.memory_space<hbm>>) dst(%dma_wait3A_164 : memref<256x32xf32, #tpu.memory_space<vmem>>)
    %add3A_170 = arith.constant 1 : i32
    %add3A_171 = arith.addi %mul3A_2, %add3A_170 : i32
    %jit3A_172 = arith.constant 32 : i32
    %div3A_173 = arith.divsi %add3A_171, %jit3A_172 : i32
    %sign3A_174 = arith.constant 0 : i32
    %sign3A_175 = arith.cmpi sgt, %add3A_171, %sign3A_174 : i32
    %sign3A_176 = arith.extui %sign3A_175 : i1 to i32
    %sign3A_177 = arith.constant 0 : i32
    %sign3A_178 = arith.cmpi slt, %add3A_171, %sign3A_177 : i32
    %sign3A_179 = arith.extui %sign3A_178 : i1 to i32
    %sign3A_180 = arith.subi %sign3A_176, %sign3A_179 : i32
    %sign3A_181 = arith.constant 0 : i32
    %sign3A_182 = arith.cmpi sgt, %jit3A_172, %sign3A_181 : i32
    %sign3A_183 = arith.extui %sign3A_182 : i1 to i32
    %sign3A_184 = arith.constant 0 : i32
    %sign3A_185 = arith.cmpi slt, %jit3A_172, %sign3A_184 : i32
    %sign3A_186 = arith.extui %sign3A_185 : i1 to i32
    %sign3A_187 = arith.subi %sign3A_183, %sign3A_186 : i32
    %ne3A_188 = arith.cmpi ne, %sign3A_180, %sign3A_187 : i32
    %rem3A_189 = arith.remsi %add3A_171, %jit3A_172 : i32
    %ne3A_190 = arith.constant 0 : i32
    %ne3A_191 = arith.cmpi ne, %rem3A_189, %ne3A_190 : i32
    %and3A_192 = arith.andi %ne3A_188, %ne3A_191 : i1
    %sub3A_193 = arith.constant 1 : i32
    %sub3A_194 = arith.subi %div3A_173, %sub3A_193 : i32
    %select_n3A_195 = arith.select %and3A_192, %sub3A_194, %div3A_173 : i32
    %jit3A_196 = arith.constant 32 : i32
    %eq3A_197 = arith.constant 0 : i32
    %eq3A_198 = arith.cmpi eq, %jit3A_196, %eq3A_197 : i32
    %jit3A_199 = arith.constant 1 : i32
    %select_n3A_200 = arith.select %eq3A_198, %jit3A_199, %jit3A_196 : i32
    %rem3A_201 = arith.remsi %add3A_171, %select_n3A_200 : i32
    %ne3A_202 = arith.constant 0 : i32
    %ne3A_203 = arith.cmpi ne, %rem3A_201, %ne3A_202 : i32
    %lt3A_204 = arith.constant 0 : i32
    %lt3A_205 = arith.cmpi slt, %rem3A_201, %lt3A_204 : i32
    %lt3A_206 = arith.constant 0 : i32
    %lt3A_207 = arith.cmpi slt, %select_n3A_200, %lt3A_206 : i32
    %ne3A_208 = arith.xori %lt3A_205, %lt3A_207 : i1
    %and3A_209 = arith.andi %ne3A_208, %ne3A_203 : i1
    %add3A_210 = arith.addi %rem3A_201, %select_n3A_200 : i32
    %select_n3A_211 = arith.select %and3A_209, %add3A_210, %rem3A_201 : i32
    %mul3A_212 = arith.constant 16384 : i32
    %mul3A_213 = arith.muli %select_n3A_195, %mul3A_212 : i32
    %mul3A_214 = arith.constant 512 : i32
    %mul3A_215 = arith.muli %select_n3A_211, %mul3A_214 : i32
    %add3A_216 = arith.addi %mul3A_213, %mul3A_215 : i32
    %dma_wait3A_217 = tpu.memref_slice %arg2[%add3A_216] : memref<3276800xi32, #tpu.memory_space<hbm>> -> memref<512xi32, #tpu.memory_space<hbm>>
    %dma_wait3A_218 = tpu.memref_slice %arg2[%add3A_216] : memref<3276800xi32, #tpu.memory_space<hbm>> -> memref<512xi32, #tpu.memory_space<hbm>>
    tpu.wait_dma2 semaphore(%arg12 : memref<!tpu.dma_semaphore, #tpu.memory_space<semaphore_mem>>) src(%dma_wait3A_218 : memref<512xi32, #tpu.memory_space<hbm>>) dst(%arg6 : memref<512xi32, #tpu.memory_space<vmem>>)
    %dma_start3A_219 = arith.constant 0 : i32
    %dma_start3A_220 = arith.constant 0 : i32
    %dma_start3A_221 = tpu.memref_slice %arg8[%dma_start3A_219, %dma_start3A_220] : memref<512x32xf32, #tpu.memory_space<vmem>> -> memref<256x32xf32, #tpu.memory_space<vmem>>
    %dma_start3A_222 = arith.constant 0 : i32
    %dma_start3A_223 = tpu.memref_slice %arg6[%dma_start3A_222] : memref<512xi32, #tpu.memory_space<vmem>> -> memref<256xi32, #tpu.memory_space<vmem>>
    %dma_start3A_224 = arith.constant 0 : i32
    %dma_start3A_225 = arith.constant 0 : i32
    %dma_start3A_226 = tpu.memref_slice %arg3[%dma_start3A_224, %dma_start3A_225] : memref<1000000x32xf32, #tpu.memory_space<hbm>> -> memref<1000000x32xf32, #tpu.memory_space<hbm>>
    tpu.enqueue_indirect_dma source(%dma_start3A_226 : memref<1000000x32xf32, #tpu.memory_space<hbm>>) target(%dma_start3A_221 : memref<256x32xf32, #tpu.memory_space<vmem>>) offsets(%dma_start3A_223 : memref<256xi32, #tpu.memory_space<vmem>>) semaphore(%arg14 : memref<!tpu.dma_semaphore, #tpu.memory_space<semaphore_mem>>)
    %dma_start3A_227 = arith.constant 256 : i32
    %dma_start3A_228 = arith.constant 0 : i32
    %dma_start3A_229 = tpu.memref_slice %arg8[%dma_start3A_227, %dma_start3A_228] : memref<512x32xf32, #tpu.memory_space<vmem>> -> memref<256x32xf32, #tpu.memory_space<vmem>>
    %dma_start3A_230 = arith.constant 256 : i32
    %dma_start3A_231 = tpu.memref_slice %arg6[%dma_start3A_230] : memref<512xi32, #tpu.memory_space<vmem>> -> memref<256xi32, #tpu.memory_space<vmem>>
    %dma_start3A_232 = arith.constant 0 : i32
    %dma_start3A_233 = arith.constant 0 : i32
    %dma_start3A_234 = tpu.memref_slice %arg3[%dma_start3A_232, %dma_start3A_233] : memref<1000000x32xf32, #tpu.memory_space<hbm>> -> memref<1000000x32xf32, #tpu.memory_space<hbm>>
    tpu.enqueue_indirect_dma source(%dma_start3A_234 : memref<1000000x32xf32, #tpu.memory_space<hbm>>) target(%dma_start3A_229 : memref<256x32xf32, #tpu.memory_space<vmem>>) offsets(%dma_start3A_231 : memref<256xi32, #tpu.memory_space<vmem>>) semaphore(%arg14 : memref<!tpu.dma_semaphore, #tpu.memory_space<semaphore_mem>>)
    %scan3A = arith.constant 0 : i32
    %scan3A_235 = arith.constant 0 : i32
    %scan3A_236 = arith.constant 32 : i32
    %scan3A_237 = arith.addi %scan3A_235, %scan3A_236 : i32
    %scan3A_238 = arith.constant 1 : i32
    scf.for %scan3A_1228 = %scan3A_235 to %scan3A_237 step %scan3A_238  : i32 {
      %add3A_1229 = vector.broadcast %scan3A_1228 : i32 to vector<16xi32>
      %add3A_1230 = arith.addi %add3A_1229, %iota3A : vector<16xi32>
      %and3A_1231 = arith.constant 31 : i32
      %and3A_1232 = vector.broadcast %and3A_1231 : i32 to vector<16xi32>
      %and3A_1233 = arith.andi %add3A_1230, %and3A_1232 : vector<16xi32>
      %and3A_1234 = arith.constant 24 : i32
      %and3A_1235 = vector.broadcast %and3A_1234 : i32 to vector<16xi32>
      %and3A_1236 = arith.andi %and3A_1233, %and3A_1235 : vector<16xi32>
      %shift_left3A = arith.constant 9 : i32
      %shift_left3A_1237 = vector.broadcast %shift_left3A : i32 to vector<16xi32>
      %shift_left3A_1238 = arith.shli %and3A_1236, %shift_left3A_1237 : vector<16xi32>
      %and3A_1239 = arith.constant 7 : i32
      %and3A_1240 = vector.broadcast %and3A_1239 : i32 to vector<16xi32>
      %and3A_1241 = arith.andi %and3A_1233, %and3A_1240 : vector<16xi32>
      %shift_left3A_1242 = arith.constant 7 : i32
      %shift_left3A_1243 = vector.broadcast %shift_left3A_1242 : i32 to vector<16xi32>
      %shift_left3A_1244 = arith.shli %and3A_1241, %shift_left3A_1243 : vector<16xi32>
      %add3A_1245 = arith.addi %shift_left3A_1238, %shift_left3A_1244 : vector<16xi32>
      %add3A_1246 = arith.addi %add3A_1245, %iota3A : vector<16xi32>
      %add3A_1247 = arith.constant 0 : i32
      %add3A_1248 = vector.broadcast %add3A_1247 : i32 to vector<16xi32>
      %add3A_1249 = arith.addi %iota3A, %add3A_1248 : vector<16xi32>
      %gather3A = tpu.vector_load_idx %arg7[%add3A_1249, %and3A_1233] : memref<512x32xf32, #tpu.memory_space<vmem>>[vector<16xi32>, vector<16xi32>], vector<16xf32>,
      %add3A_1250 = arith.constant 16 : i32
      %add3A_1251 = vector.broadcast %add3A_1250 : i32 to vector<16xi32>
      %add3A_1252 = arith.addi %iota3A, %add3A_1251 : vector<16xi32>
      %gather3A_1253 = tpu.vector_load_idx %arg7[%add3A_1252, %and3A_1233] : memref<512x32xf32, #tpu.memory_space<vmem>>[vector<16xi32>, vector<16xi32>], vector<16xf32>,
      %add3A_1254 = arith.constant 32 : i32
      %add3A_1255 = vector.broadcast %add3A_1254 : i32 to vector<16xi32>
      %add3A_1256 = arith.addi %iota3A, %add3A_1255 : vector<16xi32>
      %gather3A_1257 = tpu.vector_load_idx %arg7[%add3A_1256, %and3A_1233] : memref<512x32xf32, #tpu.memory_space<vmem>>[vector<16xi32>, vector<16xi32>], vector<16xf32>,
      %add3A_1258 = arith.constant 48 : i32
      %add3A_1259 = vector.broadcast %add3A_1258 : i32 to vector<16xi32>
      %add3A_1260 = arith.addi %iota3A, %add3A_1259 : vector<16xi32>
      %gather3A_1261 = tpu.vector_load_idx %arg7[%add3A_1260, %and3A_1233] : memref<512x32xf32, #tpu.memory_space<vmem>>[vector<16xi32>, vector<16xi32>], vector<16xf32>,
      %add3A_1262 = arith.constant 64 : i32
      %add3A_1263 = vector.broadcast %add3A_1262 : i32 to vector<16xi32>
      %add3A_1264 = arith.addi %iota3A, %add3A_1263 : vector<16xi32>
      %gather3A_1265 = tpu.vector_load_idx %arg7[%add3A_1264, %and3A_1233] : memref<512x32xf32, #tpu.memory_space<vmem>>[vector<16xi32>, vector<16xi32>], vector<16xf32>,
      %add3A_1266 = arith.constant 0 : i32
      %add3A_1267 = vector.broadcast %add3A_1266 : i32 to vector<16xi32>
      %add3A_1268 = arith.addi %add3A_1246, %add3A_1267 : vector<16xi32>
      tpu.vector_store_idx %arg9[%add3A_1268], %gather3A : memref<16384xf32, #tpu.memory_space<vmem>>[vector<16xi32>], vector<16xf32>,
      %add3A_1269 = arith.constant 80 : i32
      %add3A_1270 = vector.broadcast %add3A_1269 : i32 to vector<16xi32>
      %add3A_1271 = arith.addi %iota3A, %add3A_1270 : vector<16xi32>
      %gather3A_1272 = tpu.vector_load_idx %arg7[%add3A_1271, %and3A_1233] : memref<512x32xf32, #tpu.memory_space<vmem>>[vector<16xi32>, vector<16xi32>], vector<16xf32>,
      %add3A_1273 = arith.constant 16 : i32
      %add3A_1274 = vector.broadcast %add3A_1273 : i32 to vector<16xi32>
      %add3A_1275 = arith.addi %add3A_1246, %add3A_1274 : vector<16xi32>
      tpu.vector_store_idx %arg9[%add3A_1275], %gather3A_1253 : memref<16384xf32, #tpu.memory_space<vmem>>[vector<16xi32>], vector<16xf32>,
      %add3A_1276 = arith.constant 96 : i32
      %add3A_1277 = vector.broadcast %add3A_1276 : i32 to vector<16xi32>
      %add3A_1278 = arith.addi %iota3A, %add3A_1277 : vector<16xi32>
      %gather3A_1279 = tpu.vector_load_idx %arg7[%add3A_1278, %and3A_1233] : memref<512x32xf32, #tpu.memory_space<vmem>>[vector<16xi32>, vector<16xi32>], vector<16xf32>,
      %add3A_1280 = arith.constant 32 : i32
      %add3A_1281 = vector.broadcast %add3A_1280 : i32 to vector<16xi32>
      %add3A_1282 = arith.addi %add3A_1246, %add3A_1281 : vector<16xi32>
      tpu.vector_store_idx %arg9[%add3A_1282], %gather3A_1257 : memref<16384xf32, #tpu.memory_space<vmem>>[vector<16xi32>], vector<16xf32>,
      %add3A_1283 = arith.constant 112 : i32
      %add3A_1284 = vector.broadcast %add3A_1283 : i32 to vector<16xi32>
      %add3A_1285 = arith.addi %iota3A, %add3A_1284 : vector<16xi32>
      %gather3A_1286 = tpu.vector_load_idx %arg7[%add3A_1285, %and3A_1233] : memref<512x32xf32, #tpu.memory_space<vmem>>[vector<16xi32>, vector<16xi32>], vector<16xf32>,
      %add3A_1287 = arith.constant 48 : i32
      %add3A_1288 = vector.broadcast %add3A_1287 : i32 to vector<16xi32>
      %add3A_1289 = arith.addi %add3A_1246, %add3A_1288 : vector<16xi32>
      tpu.vector_store_idx %arg9[%add3A_1289], %gather3A_1261 : memref<16384xf32, #tpu.memory_space<vmem>>[vector<16xi32>], vector<16xf32>,
      %add3A_1290 = arith.constant 128 : i32
      %add3A_1291 = vector.broadcast %add3A_1290 : i32 to vector<16xi32>
      %add3A_1292 = arith.addi %iota3A, %add3A_1291 : vector<16xi32>
      %gather3A_1293 = tpu.vector_load_idx %arg7[%add3A_1292, %and3A_1233] : memref<512x32xf32, #tpu.memory_space<vmem>>[vector<16xi32>, vector<16xi32>], vector<16xf32>,
      %add3A_1294 = arith.constant 64 : i32
      %add3A_1295 = vector.broadcast %add3A_1294 : i32 to vector<16xi32>
      %add3A_1296 = arith.addi %add3A_1246, %add3A_1295 : vector<16xi32>
      tpu.vector_store_idx %arg9[%add3A_1296], %gather3A_1265 : memref<16384xf32, #tpu.memory_space<vmem>>[vector<16xi32>], vector<16xf32>,
      %add3A_1297 = arith.constant 144 : i32
      %add3A_1298 = vector.broadcast %add3A_1297 : i32 to vector<16xi32>
      %add3A_1299 = arith.addi %iota3A, %add3A_1298 : vector<16xi32>
      %gather3A_1300 = tpu.vector_load_idx %arg7[%add3A_1299, %and3A_1233] : memref<512x32xf32, #tpu.memory_space<vmem>>[vector<16xi32>, vector<16xi32>], vector<16xf32>,
      %add3A_1301 = arith.constant 80 : i32
      %add3A_1302 = vector.broadcast %add3A_1301 : i32 to vector<16xi32>
      %add3A_1303 = arith.addi %add3A_1246, %add3A_1302 : vector<16xi32>
      tpu.vector_store_idx %arg9[%add3A_1303], %gather3A_1272 : memref<16384xf32, #tpu.memory_space<vmem>>[vector<16xi32>], vector<16xf32>,
      %add3A_1304 = arith.constant 160 : i32
      %add3A_1305 = vector.broadcast %add3A_1304 : i32 to vector<16xi32>
      %add3A_1306 = arith.addi %iota3A, %add3A_1305 : vector<16xi32>
      %gather3A_1307 = tpu.vector_load_idx %arg7[%add3A_1306, %and3A_1233] : memref<512x32xf32, #tpu.memory_space<vmem>>[vector<16xi32>, vector<16xi32>], vector<16xf32>,
      %add3A_1308 = arith.constant 96 : i32
      %add3A_1309 = vector.broadcast %add3A_1308 : i32 to vector<16xi32>
      %add3A_1310 = arith.addi %add3A_1246, %add3A_1309 : vector<16xi32>
      tpu.vector_store_idx %arg9[%add3A_1310], %gather3A_1279 : memref<16384xf32, #tpu.memory_space<vmem>>[vector<16xi32>], vector<16xf32>,
      %add3A_1311 = arith.constant 176 : i32
      %add3A_1312 = vector.broadcast %add3A_1311 : i32 to vector<16xi32>
      %add3A_1313 = arith.addi %iota3A, %add3A_1312 : vector<16xi32>
      %gather3A_1314 = tpu.vector_load_idx %arg7[%add3A_1313, %and3A_1233] : memref<512x32xf32, #tpu.memory_space<vmem>>[vector<16xi32>, vector<16xi32>], vector<16xf32>,
      %add3A_1315 = arith.constant 112 : i32
      %add3A_1316 = vector.broadcast %add3A_1315 : i32 to vector<16xi32>
      %add3A_1317 = arith.addi %add3A_1246, %add3A_1316 : vector<16xi32>
      tpu.vector_store_idx %arg9[%add3A_1317], %gather3A_1286 : memref<16384xf32, #tpu.memory_space<vmem>>[vector<16xi32>], vector<16xf32>,
      %add3A_1318 = arith.constant 192 : i32
      %add3A_1319 = vector.broadcast %add3A_1318 : i32 to vector<16xi32>
      %add3A_1320 = arith.addi %iota3A, %add3A_1319 : vector<16xi32>
      %gather3A_1321 = tpu.vector_load_idx %arg7[%add3A_1320, %and3A_1233] : memref<512x32xf32, #tpu.memory_space<vmem>>[vector<16xi32>, vector<16xi32>], vector<16xf32>,
      %add3A_1322 = arith.constant 1024 : i32
      %add3A_1323 = vector.broadcast %add3A_1322 : i32 to vector<16xi32>
      %add3A_1324 = arith.addi %add3A_1246, %add3A_1323 : vector<16xi32>
      tpu.vector_store_idx %arg9[%add3A_1324], %gather3A_1293 : memref<16384xf32, #tpu.memory_space<vmem>>[vector<16xi32>], vector<16xf32>,
      %add3A_1325 = arith.constant 208 : i32
      %add3A_1326 = vector.broadcast %add3A_1325 : i32 to vector<16xi32>
      %add3A_1327 = arith.addi %iota3A, %add3A_1326 : vector<16xi32>
      %gather3A_1328 = tpu.vector_load_idx %arg7[%add3A_1327, %and3A_1233] : memref<512x32xf32, #tpu.memory_space<vmem>>[vector<16xi32>, vector<16xi32>], vector<16xf32>,
      %add3A_1329 = arith.constant 1040 : i32
      %add3A_1330 = vector.broadcast %add3A_1329 : i32 to vector<16xi32>
      %add3A_1331 = arith.addi %add3A_1246, %add3A_1330 : vector<16xi32>
      tpu.vector_store_idx %arg9[%add3A_1331], %gather3A_1300 : memref<16384xf32, #tpu.memory_space<vmem>>[vector<16xi32>], vector<16xf32>,
      %add3A_1332 = arith.constant 224 : i32
      %add3A_1333 = vector.broadcast %add3A_1332 : i32 to vector<16xi32>
      %add3A_1334 = arith.addi %iota3A, %add3A_1333 : vector<16xi32>
      %gather3A_1335 = tpu.vector_load_idx %arg7[%add3A_1334, %and3A_1233] : memref<512x32xf32, #tpu.memory_space<vmem>>[vector<16xi32>, vector<16xi32>], vector<16xf32>,
      %add3A_1336 = arith.constant 1056 : i32
      %add3A_1337 = vector.broadcast %add3A_1336 : i32 to vector<16xi32>
      %add3A_1338 = arith.addi %add3A_1246, %add3A_1337 : vector<16xi32>
      tpu.vector_store_idx %arg9[%add3A_1338], %gather3A_1307 : memref<16384xf32, #tpu.memory_space<vmem>>[vector<16xi32>], vector<16xf32>,
      %add3A_1339 = arith.constant 240 : i32
      %add3A_1340 = vector.broadcast %add3A_1339 : i32 to vector<16xi32>
      %add3A_1341 = arith.addi %iota3A, %add3A_1340 : vector<16xi32>
      %gather3A_1342 = tpu.vector_load_idx %arg7[%add3A_1341, %and3A_1233] : memref<512x32xf32, #tpu.memory_space<vmem>>[vector<16xi32>, vector<16xi32>], vector<16xf32>,
      %add3A_1343 = arith.constant 1072 : i32
      %add3A_1344 = vector.broadcast %add3A_1343 : i32 to vector<16xi32>
      %add3A_1345 = arith.addi %add3A_1246, %add3A_1344 : vector<16xi32>
      tpu.vector_store_idx %arg9[%add3A_1345], %gather3A_1314 : memref<16384xf32, #tpu.memory_space<vmem>>[vector<16xi32>], vector<16xf32>,
      %add3A_1346 = arith.constant 256 : i32
      %add3A_1347 = vector.broadcast %add3A_1346 : i32 to vector<16xi32>
      %add3A_1348 = arith.addi %iota3A, %add3A_1347 : vector<16xi32>
      %gather3A_1349 = tpu.vector_load_idx %arg7[%add3A_1348, %and3A_1233] : memref<512x32xf32, #tpu.memory_space<vmem>>[vector<16xi32>, vector<16xi32>], vector<16xf32>,
      %add3A_1350 = arith.constant 1088 : i32
      %add3A_1351 = vector.broadcast %add3A_1350 : i32 to vector<16xi32>
      %add3A_1352 = arith.addi %add3A_1246, %add3A_1351 : vector<16xi32>
      tpu.vector_store_idx %arg9[%add3A_1352], %gather3A_1321 : memref<16384xf32, #tpu.memory_space<vmem>>[vector<16xi32>], vector<16xf32>,
      %add3A_1353 = arith.constant 272 : i32
      %add3A_1354 = vector.broadcast %add3A_1353 : i32 to vector<16xi32>
      %add3A_1355 = arith.addi %iota3A, %add3A_1354 : vector<16xi32>
      %gather3A_1356 = tpu.vector_load_idx %arg7[%add3A_1355, %and3A_1233] : memref<512x32xf32, #tpu.memory_space<vmem>>[vector<16xi32>, vector<16xi32>], vector<16xf32>,
      %add3A_1357 = arith.constant 1104 : i32
      %add3A_1358 = vector.broadcast %add3A_1357 : i32 to vector<16xi32>
      %add3A_1359 = arith.addi %add3A_1246, %add3A_1358 : vector<16xi32>
      tpu.vector_store_idx %arg9[%add3A_1359], %gather3A_1328 : memref<16384xf32, #tpu.memory_space<vmem>>[vector<16xi32>], vector<16xf32>,
      %add3A_1360 = arith.constant 288 : i32
      %add3A_1361 = vector.broadcast %add3A_1360 : i32 to vector<16xi32>
      %add3A_1362 = arith.addi %iota3A, %add3A_1361 : vector<16xi32>
      %gather3A_1363 = tpu.vector_load_idx %arg7[%add3A_1362, %and3A_1233] : memref<512x32xf32, #tpu.memory_space<vmem>>[vector<16xi32>, vector<16xi32>], vector<16xf32>,
      %add3A_1364 = arith.constant 1120 : i32
      %add3A_1365 = vector.broadcast %add3A_1364 : i32 to vector<16xi32>
      %add3A_1366 = arith.addi %add3A_1246, %add3A_1365 : vector<16xi32>
      tpu.vector_store_idx %arg9[%add3A_1366], %gather3A_1335 : memref<16384xf32, #tpu.memory_space<vmem>>[vector<16xi32>], vector<16xf32>,
      %add3A_1367 = arith.constant 304 : i32
      %add3A_1368 = vector.broadcast %add3A_1367 : i32 to vector<16xi32>
      %add3A_1369 = arith.addi %iota3A, %add3A_1368 : vector<16xi32>
      %gather3A_1370 = tpu.vector_load_idx %arg7[%add3A_1369, %and3A_1233] : memref<512x32xf32, #tpu.memory_space<vmem>>[vector<16xi32>, vector<16xi32>], vector<16xf32>,
      %add3A_1371 = arith.constant 1136 : i32
      %add3A_1372 = vector.broadcast %add3A_1371 : i32 to vector<16xi32>
      %add3A_1373 = arith.addi %add3A_1246, %add3A_1372 : vector<16xi32>
      tpu.vector_store_idx %arg9[%add3A_1373], %gather3A_1342 : memref<16384xf32, #tpu.memory_space<vmem>>[vector<16xi32>], vector<16xf32>,
      %add3A_1374 = arith.constant 320 : i32
      %add3A_1375 = vector.broadcast %add3A_1374 : i32 to vector<16xi32>
      %add3A_1376 = arith.addi %iota3A, %add3A_1375 : vector<16xi32>
      %gather3A_1377 = tpu.vector_load_idx %arg7[%add3A_1376, %and3A_1233] : memref<512x32xf32, #tpu.memory_space<vmem>>[vector<16xi32>, vector<16xi32>], vector<16xf32>,
      %add3A_1378 = arith.constant 2048 : i32
      %add3A_1379 = vector.broadcast %add3A_1378 : i32 to vector<16xi32>
      %add3A_1380 = arith.addi %add3A_1246, %add3A_1379 : vector<16xi32>
      tpu.vector_store_idx %arg9[%add3A_1380], %gather3A_1349 : memref<16384xf32, #tpu.memory_space<vmem>>[vector<16xi32>], vector<16xf32>,
      %add3A_1381 = arith.constant 336 : i32
      %add3A_1382 = vector.broadcast %add3A_1381 : i32 to vector<16xi32>
      %add3A_1383 = arith.addi %iota3A, %add3A_1382 : vector<16xi32>
      %gather3A_1384 = tpu.vector_load_idx %arg7[%add3A_1383, %and3A_1233] : memref<512x32xf32, #tpu.memory_space<vmem>>[vector<16xi32>, vector<16xi32>], vector<16xf32>,
      %add3A_1385 = arith.constant 2064 : i32
      %add3A_1386 = vector.broadcast %add3A_1385 : i32 to vector<16xi32>
      %add3A_1387 = arith.addi %add3A_1246, %add3A_1386 : vector<16xi32>
      tpu.vector_store_idx %arg9[%add3A_1387], %gather3A_1356 : memref<16384xf32, #tpu.memory_space<vmem>>[vector<16xi32>], vector<16xf32>,
      %add3A_1388 = arith.constant 352 : i32
      %add3A_1389 = vector.broadcast %add3A_1388 : i32 to vector<16xi32>
      %add3A_1390 = arith.addi %iota3A, %add3A_1389 : vector<16xi32>
      %gather3A_1391 = tpu.vector_load_idx %arg7[%add3A_1390, %and3A_1233] : memref<512x32xf32, #tpu.memory_space<vmem>>[vector<16xi32>, vector<16xi32>], vector<16xf32>,
      %add3A_1392 = arith.constant 2080 : i32
      %add3A_1393 = vector.broadcast %add3A_1392 : i32 to vector<16xi32>
      %add3A_1394 = arith.addi %add3A_1246, %add3A_1393 : vector<16xi32>
      tpu.vector_store_idx %arg9[%add3A_1394], %gather3A_1363 : memref<16384xf32, #tpu.memory_space<vmem>>[vector<16xi32>], vector<16xf32>,
      %add3A_1395 = arith.constant 368 : i32
      %add3A_1396 = vector.broadcast %add3A_1395 : i32 to vector<16xi32>
      %add3A_1397 = arith.addi %iota3A, %add3A_1396 : vector<16xi32>
      %gather3A_1398 = tpu.vector_load_idx %arg7[%add3A_1397, %and3A_1233] : memref<512x32xf32, #tpu.memory_space<vmem>>[vector<16xi32>, vector<16xi32>], vector<16xf32>,
      %add3A_1399 = arith.constant 2096 : i32
      %add3A_1400 = vector.broadcast %add3A_1399 : i32 to vector<16xi32>
      %add3A_1401 = arith.addi %add3A_1246, %add3A_1400 : vector<16xi32>
      tpu.vector_store_idx %arg9[%add3A_1401], %gather3A_1370 : memref<16384xf32, #tpu.memory_space<vmem>>[vector<16xi32>], vector<16xf32>,
      %add3A_1402 = arith.constant 384 : i32
      %add3A_1403 = vector.broadcast %add3A_1402 : i32 to vector<16xi32>
      %add3A_1404 = arith.addi %iota3A, %add3A_1403 : vector<16xi32>
      %gather3A_1405 = tpu.vector_load_idx %arg7[%add3A_1404, %and3A_1233] : memref<512x32xf32, #tpu.memory_space<vmem>>[vector<16xi32>, vector<16xi32>], vector<16xf32>,
      %add3A_1406 = arith.constant 2112 : i32
      %add3A_1407 = vector.broadcast %add3A_1406 : i32 to vector<16xi32>
      %add3A_1408 = arith.addi %add3A_1246, %add3A_1407 : vector<16xi32>
      tpu.vector_store_idx %arg9[%add3A_1408], %gather3A_1377 : memref<16384xf32, #tpu.memory_space<vmem>>[vector<16xi32>], vector<16xf32>,
      %add3A_1409 = arith.constant 400 : i32
      %add3A_1410 = vector.broadcast %add3A_1409 : i32 to vector<16xi32>
      %add3A_1411 = arith.addi %iota3A, %add3A_1410 : vector<16xi32>
      %gather3A_1412 = tpu.vector_load_idx %arg7[%add3A_1411, %and3A_1233] : memref<512x32xf32, #tpu.memory_space<vmem>>[vector<16xi32>, vector<16xi32>], vector<16xf32>,
      %add3A_1413 = arith.constant 2128 : i32
      %add3A_1414 = vector.broadcast %add3A_1413 : i32 to vector<16xi32>
      %add3A_1415 = arith.addi %add3A_1246, %add3A_1414 : vector<16xi32>
      tpu.vector_store_idx %arg9[%add3A_1415], %gather3A_1384 : memref<16384xf32, #tpu.memory_space<vmem>>[vector<16xi32>], vector<16xf32>,
      %add3A_1416 = arith.constant 416 : i32
      %add3A_1417 = vector.broadcast %add3A_1416 : i32 to vector<16xi32>
      %add3A_1418 = arith.addi %iota3A, %add3A_1417 : vector<16xi32>
      %gather3A_1419 = tpu.vector_load_idx %arg7[%add3A_1418, %and3A_1233] : memref<512x32xf32, #tpu.memory_space<vmem>>[vector<16xi32>, vector<16xi32>], vector<16xf32>,
      %add3A_1420 = arith.constant 2144 : i32
      %add3A_1421 = vector.broadcast %add3A_1420 : i32 to vector<16xi32>
      %add3A_1422 = arith.addi %add3A_1246, %add3A_1421 : vector<16xi32>
      tpu.vector_store_idx %arg9[%add3A_1422], %gather3A_1391 : memref<16384xf32, #tpu.memory_space<vmem>>[vector<16xi32>], vector<16xf32>,
      %add3A_1423 = arith.constant 432 : i32
      %add3A_1424 = vector.broadcast %add3A_1423 : i32 to vector<16xi32>
      %add3A_1425 = arith.addi %iota3A, %add3A_1424 : vector<16xi32>
      %gather3A_1426 = tpu.vector_load_idx %arg7[%add3A_1425, %and3A_1233] : memref<512x32xf32, #tpu.memory_space<vmem>>[vector<16xi32>, vector<16xi32>], vector<16xf32>,
      %add3A_1427 = arith.constant 2160 : i32
      %add3A_1428 = vector.broadcast %add3A_1427 : i32 to vector<16xi32>
      %add3A_1429 = arith.addi %add3A_1246, %add3A_1428 : vector<16xi32>
      tpu.vector_store_idx %arg9[%add3A_1429], %gather3A_1398 : memref<16384xf32, #tpu.memory_space<vmem>>[vector<16xi32>], vector<16xf32>,
      %add3A_1430 = arith.constant 448 : i32
      %add3A_1431 = vector.broadcast %add3A_1430 : i32 to vector<16xi32>
      %add3A_1432 = arith.addi %iota3A, %add3A_1431 : vector<16xi32>
      %gather3A_1433 = tpu.vector_load_idx %arg7[%add3A_1432, %and3A_1233] : memref<512x32xf32, #tpu.memory_space<vmem>>[vector<16xi32>, vector<16xi32>], vector<16xf32>,
      %add3A_1434 = arith.constant 3072 : i32
      %add3A_1435 = vector.broadcast %add3A_1434 : i32 to vector<16xi32>
      %add3A_1436 = arith.addi %add3A_1246, %add3A_1435 : vector<16xi32>
      tpu.vector_store_idx %arg9[%add3A_1436], %gather3A_1405 : memref<16384xf32, #tpu.memory_space<vmem>>[vector<16xi32>], vector<16xf32>,
      %add3A_1437 = arith.constant 464 : i32
      %add3A_1438 = vector.broadcast %add3A_1437 : i32 to vector<16xi32>
      %add3A_1439 = arith.addi %iota3A, %add3A_1438 : vector<16xi32>
      %gather3A_1440 = tpu.vector_load_idx %arg7[%add3A_1439, %and3A_1233] : memref<512x32xf32, #tpu.memory_space<vmem>>[vector<16xi32>, vector<16xi32>], vector<16xf32>,
      %add3A_1441 = arith.constant 3088 : i32
      %add3A_1442 = vector.broadcast %add3A_1441 : i32 to vector<16xi32>
      %add3A_1443 = arith.addi %add3A_1246, %add3A_1442 : vector<16xi32>
      tpu.vector_store_idx %arg9[%add3A_1443], %gather3A_1412 : memref<16384xf32, #tpu.memory_space<vmem>>[vector<16xi32>], vector<16xf32>,
      %add3A_1444 = arith.constant 480 : i32
      %add3A_1445 = vector.broadcast %add3A_1444 : i32 to vector<16xi32>
      %add3A_1446 = arith.addi %iota3A, %add3A_1445 : vector<16xi32>
      %gather3A_1447 = tpu.vector_load_idx %arg7[%add3A_1446, %and3A_1233] : memref<512x32xf32, #tpu.memory_space<vmem>>[vector<16xi32>, vector<16xi32>], vector<16xf32>,
      %add3A_1448 = arith.constant 3104 : i32
      %add3A_1449 = vector.broadcast %add3A_1448 : i32 to vector<16xi32>
      %add3A_1450 = arith.addi %add3A_1246, %add3A_1449 : vector<16xi32>
      tpu.vector_store_idx %arg9[%add3A_1450], %gather3A_1419 : memref<16384xf32, #tpu.memory_space<vmem>>[vector<16xi32>], vector<16xf32>,
      %add3A_1451 = arith.constant 496 : i32
      %add3A_1452 = vector.broadcast %add3A_1451 : i32 to vector<16xi32>
      %add3A_1453 = arith.addi %iota3A, %add3A_1452 : vector<16xi32>
      %gather3A_1454 = tpu.vector_load_idx %arg7[%add3A_1453, %and3A_1233] : memref<512x32xf32, #tpu.memory_space<vmem>>[vector<16xi32>, vector<16xi32>], vector<16xf32>,
      %add3A_1455 = arith.constant 3120 : i32
      %add3A_1456 = vector.broadcast %add3A_1455 : i32 to vector<16xi32>
      %add3A_1457 = arith.addi %add3A_1246, %add3A_1456 : vector<16xi32>
      tpu.vector_store_idx %arg9[%add3A_1457], %gather3A_1426 : memref<16384xf32, #tpu.memory_space<vmem>>[vector<16xi32>], vector<16xf32>,
      %add3A_1458 = arith.constant 3136 : i32
      %add3A_1459 = vector.broadcast %add3A_1458 : i32 to vector<16xi32>
      %add3A_1460 = arith.addi %add3A_1246, %add3A_1459 : vector<16xi32>
      tpu.vector_store_idx %arg9[%add3A_1460], %gather3A_1433 : memref<16384xf32, #tpu.memory_space<vmem>>[vector<16xi32>], vector<16xf32>,
      %add3A_1461 = arith.constant 3152 : i32
      %add3A_1462 = vector.broadcast %add3A_1461 : i32 to vector<16xi32>
      %add3A_1463 = arith.addi %add3A_1246, %add3A_1462 : vector<16xi32>
      tpu.vector_store_idx %arg9[%add3A_1463], %gather3A_1440 : memref<16384xf32, #tpu.memory_space<vmem>>[vector<16xi32>], vector<16xf32>,
      %add3A_1464 = arith.constant 3168 : i32
      %add3A_1465 = vector.broadcast %add3A_1464 : i32 to vector<16xi32>
      %add3A_1466 = arith.addi %add3A_1246, %add3A_1465 : vector<16xi32>
      tpu.vector_store_idx %arg9[%add3A_1466], %gather3A_1447 : memref<16384xf32, #tpu.memory_space<vmem>>[vector<16xi32>], vector<16xf32>,
      %add3A_1467 = arith.constant 3184 : i32
      %add3A_1468 = vector.broadcast %add3A_1467 : i32 to vector<16xi32>
      %add3A_1469 = arith.addi %add3A_1246, %add3A_1468 : vector<16xi32>
      tpu.vector_store_idx %arg9[%add3A_1469], %gather3A_1454 : memref<16384xf32, #tpu.memory_space<vmem>>[vector<16xi32>], vector<16xf32>,
    }
    %scan3A_239 = arith.constant 32 : i32
    %add3A_240 = arith.constant 0 : i32
    %add3A_241 = arith.addi %mul3A_2, %add3A_240 : i32
    %jit3A_242 = arith.constant 32 : i32
    %div3A_243 = arith.divsi %add3A_241, %jit3A_242 : i32
    %sign3A_244 = arith.constant 0 : i32
    %sign3A_245 = arith.cmpi sgt, %add3A_241, %sign3A_244 : i32
    %sign3A_246 = arith.extui %sign3A_245 : i1 to i32
    %sign3A_247 = arith.constant 0 : i32
    %sign3A_248 = arith.cmpi slt, %add3A_241, %sign3A_247 : i32
    %sign3A_249 = arith.extui %sign3A_248 : i1 to i32
    %sign3A_250 = arith.subi %sign3A_246, %sign3A_249 : i32
    %sign3A_251 = arith.constant 0 : i32
    %sign3A_252 = arith.cmpi sgt, %jit3A_242, %sign3A_251 : i32
    %sign3A_253 = arith.extui %sign3A_252 : i1 to i32
    %sign3A_254 = arith.constant 0 : i32
    %sign3A_255 = arith.cmpi slt, %jit3A_242, %sign3A_254 : i32
    %sign3A_256 = arith.extui %sign3A_255 : i1 to i32
    %sign3A_257 = arith.subi %sign3A_253, %sign3A_256 : i32
    %ne3A_258 = arith.cmpi ne, %sign3A_250, %sign3A_257 : i32
    %rem3A_259 = arith.remsi %add3A_241, %jit3A_242 : i32
    %ne3A_260 = arith.constant 0 : i32
    %ne3A_261 = arith.cmpi ne, %rem3A_259, %ne3A_260 : i32
    %and3A_262 = arith.andi %ne3A_258, %ne3A_261 : i1
    %sub3A_263 = arith.constant 1 : i32
    %sub3A_264 = arith.subi %div3A_243, %sub3A_263 : i32
    %select_n3A_265 = arith.select %and3A_262, %sub3A_264, %div3A_243 : i32
    %jit3A_266 = arith.constant 32 : i32
    %eq3A_267 = arith.constant 0 : i32
    %eq3A_268 = arith.cmpi eq, %jit3A_266, %eq3A_267 : i32
    %jit3A_269 = arith.constant 1 : i32
    %select_n3A_270 = arith.select %eq3A_268, %jit3A_269, %jit3A_266 : i32
    %rem3A_271 = arith.remsi %add3A_241, %select_n3A_270 : i32
    %ne3A_272 = arith.constant 0 : i32
    %ne3A_273 = arith.cmpi ne, %rem3A_271, %ne3A_272 : i32
    %lt3A_274 = arith.constant 0 : i32
    %lt3A_275 = arith.cmpi slt, %rem3A_271, %lt3A_274 : i32
    %lt3A_276 = arith.constant 0 : i32
    %lt3A_277 = arith.cmpi slt, %select_n3A_270, %lt3A_276 : i32
    %ne3A_278 = arith.xori %lt3A_275, %lt3A_277 : i1
    %and3A_279 = arith.andi %ne3A_278, %ne3A_273 : i1
    %add3A_280 = arith.addi %rem3A_271, %select_n3A_270 : i32
    %select_n3A_281 = arith.select %and3A_279, %add3A_280, %rem3A_271 : i32
    %mul3A_282 = arith.constant 4096 : i32
    %mul3A_283 = arith.muli %select_n3A_281, %mul3A_282 : i32
    %mul3A_284 = arith.constant 4096 : i32
    %mul3A_285 = arith.muli %select_n3A_281, %mul3A_284 : i32
    %mul3A_286 = arith.constant 4096 : i32
    %mul3A_287 = arith.muli %select_n3A_281, %mul3A_286 : i32
    %mul3A_288 = arith.constant 4096 : i32
    %mul3A_289 = arith.muli %select_n3A_281, %mul3A_288 : i32
    %dma_start3A_290 = arith.constant 0 : i32
    %dma_start3A_291 = arith.constant 0 : i32
    %dma_start3A_292 = tpu.memref_slice %arg9[%dma_start3A_291] : memref<16384xf32, #tpu.memory_space<vmem>> -> memref<4096xf32, #tpu.memory_space<vmem>>
    %dma_start3A_293 = tpu.memref_slice %arg4[%select_n3A_265, %dma_start3A_290, %mul3A_283] : memref<200x4x131072xf32, #tpu.memory_space<hbm>> -> memref<1x1x4096xf32, #tpu.memory_space<hbm>>
    %dma_start3A_294 = tpu.memref_squeeze %dma_start3A_293 : memref<1x1x4096xf32, #tpu.memory_space<hbm>> -> memref<4096xf32, #tpu.memory_space<hbm>>
    %dma_start3A_295 = tpu.memref_slice %arg4[%select_n3A_265, %dma_start3A_290, %mul3A_283] : memref<200x4x131072xf32, #tpu.memory_space<hbm>> -> memref<1x1x4096xf32, #tpu.memory_space<hbm>>
    %dma_start3A_296 = tpu.memref_squeeze %dma_start3A_295 : memref<1x1x4096xf32, #tpu.memory_space<hbm>> -> memref<4096xf32, #tpu.memory_space<hbm>>
    %dma_start3A_297 = arith.constant 0 : i32
    %dma_start3A_298 = tpu.memref_slice %arg9[%dma_start3A_297] : memref<16384xf32, #tpu.memory_space<vmem>> -> memref<4096xf32, #tpu.memory_space<vmem>>
    tpu.enqueue_dma source(%dma_start3A_298 : memref<4096xf32, #tpu.memory_space<vmem>>) target(%dma_start3A_296 : memref<4096xf32, #tpu.memory_space<hbm>>) target_semaphore(%arg15 : memref<!tpu.dma_semaphore, #tpu.memory_space<semaphore_mem>>)
    %dma_start3A_299 = arith.constant 1 : i32
    %dma_start3A_300 = arith.constant 4096 : i32
    %dma_start3A_301 = tpu.memref_slice %arg9[%dma_start3A_300] : memref<16384xf32, #tpu.memory_space<vmem>> -> memref<4096xf32, #tpu.memory_space<vmem>>
    %dma_start3A_302 = tpu.memref_slice %arg4[%select_n3A_265, %dma_start3A_299, %mul3A_285] : memref<200x4x131072xf32, #tpu.memory_space<hbm>> -> memref<1x1x4096xf32, #tpu.memory_space<hbm>>
    %dma_start3A_303 = tpu.memref_squeeze %dma_start3A_302 : memref<1x1x4096xf32, #tpu.memory_space<hbm>> -> memref<4096xf32, #tpu.memory_space<hbm>>
    %dma_start3A_304 = tpu.memref_slice %arg4[%select_n3A_265, %dma_start3A_299, %mul3A_285] : memref<200x4x131072xf32, #tpu.memory_space<hbm>> -> memref<1x1x4096xf32, #tpu.memory_space<hbm>>
    %dma_start3A_305 = tpu.memref_squeeze %dma_start3A_304 : memref<1x1x4096xf32, #tpu.memory_space<hbm>> -> memref<4096xf32, #tpu.memory_space<hbm>>
    %dma_start3A_306 = arith.constant 4096 : i32
    %dma_start3A_307 = tpu.memref_slice %arg9[%dma_start3A_306] : memref<16384xf32, #tpu.memory_space<vmem>> -> memref<4096xf32, #tpu.memory_space<vmem>>
    tpu.enqueue_dma source(%dma_start3A_307 : memref<4096xf32, #tpu.memory_space<vmem>>) target(%dma_start3A_305 : memref<4096xf32, #tpu.memory_space<hbm>>) target_semaphore(%arg15 : memref<!tpu.dma_semaphore, #tpu.memory_space<semaphore_mem>>)
    %dma_start3A_308 = arith.constant 2 : i32
    %dma_start3A_309 = arith.constant 8192 : i32
    %dma_start3A_310 = tpu.memref_slice %arg9[%dma_start3A_309] : memref<16384xf32, #tpu.memory_space<vmem>> -> memref<4096xf32, #tpu.memory_space<vmem>>
    %dma_start3A_311 = tpu.memref_slice %arg4[%select_n3A_265, %dma_start3A_308, %mul3A_287] : memref<200x4x131072xf32, #tpu.memory_space<hbm>> -> memref<1x1x4096xf32, #tpu.memory_space<hbm>>
    %dma_start3A_312 = tpu.memref_squeeze %dma_start3A_311 : memref<1x1x4096xf32, #tpu.memory_space<hbm>> -> memref<4096xf32, #tpu.memory_space<hbm>>
    %dma_start3A_313 = tpu.memref_slice %arg4[%select_n3A_265, %dma_start3A_308, %mul3A_287] : memref<200x4x131072xf32, #tpu.memory_space<hbm>> -> memref<1x1x4096xf32, #tpu.memory_space<hbm>>
    %dma_start3A_314 = tpu.memref_squeeze %dma_start3A_313 : memref<1x1x4096xf32, #tpu.memory_space<hbm>> -> memref<4096xf32, #tpu.memory_space<hbm>>
    %dma_start3A_315 = arith.constant 8192 : i32
    %dma_start3A_316 = tpu.memref_slice %arg9[%dma_start3A_315] : memref<16384xf32, #tpu.memory_space<vmem>> -> memref<4096xf32, #tpu.memory_space<vmem>>
    tpu.enqueue_dma source(%dma_start3A_316 : memref<4096xf32, #tpu.memory_space<vmem>>) target(%dma_start3A_314 : memref<4096xf32, #tpu.memory_space<hbm>>) target_semaphore(%arg15 : memref<!tpu.dma_semaphore, #tpu.memory_space<semaphore_mem>>)
    %dma_start3A_317 = arith.constant 3 : i32
    %dma_start3A_318 = arith.constant 12288 : i32
    %dma_start3A_319 = tpu.memref_slice %arg9[%dma_start3A_318] : memref<16384xf32, #tpu.memory_space<vmem>> -> memref<4096xf32, #tpu.memory_space<vmem>>
    %dma_start3A_320 = tpu.memref_slice %arg4[%select_n3A_265, %dma_start3A_317, %mul3A_289] : memref<200x4x131072xf32, #tpu.memory_space<hbm>> -> memref<1x1x4096xf32, #tpu.memory_space<hbm>>
    %dma_start3A_321 = tpu.memref_squeeze %dma_start3A_320 : memref<1x1x4096xf32, #tpu.memory_space<hbm>> -> memref<4096xf32, #tpu.memory_space<hbm>>
    %dma_start3A_322 = tpu.memref_slice %arg4[%select_n3A_265, %dma_start3A_317, %mul3A_289] : memref<200x4x131072xf32, #tpu.memory_space<hbm>> -> memref<1x1x4096xf32, #tpu.memory_space<hbm>>
    %dma_start3A_323 = tpu.memref_squeeze %dma_start3A_322 : memref<1x1x4096xf32, #tpu.memory_space<hbm>> -> memref<4096xf32, #tpu.memory_space<hbm>>
    %dma_start3A_324 = arith.constant 12288 : i32
    %dma_start3A_325 = tpu.memref_slice %arg9[%dma_start3A_324] : memref<16384xf32, #tpu.memory_space<vmem>> -> memref<4096xf32, #tpu.memory_space<vmem>>
    tpu.enqueue_dma source(%dma_start3A_325 : memref<4096xf32, #tpu.memory_space<vmem>>) target(%dma_start3A_323 : memref<4096xf32, #tpu.memory_space<hbm>>) target_semaphore(%arg15 : memref<!tpu.dma_semaphore, #tpu.memory_space<semaphore_mem>>)
    %add3A_326 = arith.constant 2 : i32
    %add3A_327 = arith.addi %mul3A_2, %add3A_326 : i32
    %jit3A_328 = arith.constant 32 : i32
    %div3A_329 = arith.divsi %add3A_327, %jit3A_328 : i32
    %sign3A_330 = arith.constant 0 : i32
    %sign3A_331 = arith.cmpi sgt, %add3A_327, %sign3A_330 : i32
    %sign3A_332 = arith.extui %sign3A_331 : i1 to i32
    %sign3A_333 = arith.constant 0 : i32
    %sign3A_334 = arith.cmpi slt, %add3A_327, %sign3A_333 : i32
    %sign3A_335 = arith.extui %sign3A_334 : i1 to i32
    %sign3A_336 = arith.subi %sign3A_332, %sign3A_335 : i32
    %sign3A_337 = arith.constant 0 : i32
    %sign3A_338 = arith.cmpi sgt, %jit3A_328, %sign3A_337 : i32
    %sign3A_339 = arith.extui %sign3A_338 : i1 to i32
    %sign3A_340 = arith.constant 0 : i32
    %sign3A_341 = arith.cmpi slt, %jit3A_328, %sign3A_340 : i32
    %sign3A_342 = arith.extui %sign3A_341 : i1 to i32
    %sign3A_343 = arith.subi %sign3A_339, %sign3A_342 : i32
    %ne3A_344 = arith.cmpi ne, %sign3A_336, %sign3A_343 : i32
    %rem3A_345 = arith.remsi %add3A_327, %jit3A_328 : i32
    %ne3A_346 = arith.constant 0 : i32
    %ne3A_347 = arith.cmpi ne, %rem3A_345, %ne3A_346 : i32
    %and3A_348 = arith.andi %ne3A_344, %ne3A_347 : i1
    %sub3A_349 = arith.constant 1 : i32
    %sub3A_350 = arith.subi %div3A_329, %sub3A_349 : i32
    %select_n3A_351 = arith.select %and3A_348, %sub3A_350, %div3A_329 : i32
    %jit3A_352 = arith.constant 32 : i32
    %eq3A_353 = arith.constant 0 : i32
    %eq3A_354 = arith.cmpi eq, %jit3A_352, %eq3A_353 : i32
    %jit3A_355 = arith.constant 1 : i32
    %select_n3A_356 = arith.select %eq3A_354, %jit3A_355, %jit3A_352 : i32
    %rem3A_357 = arith.remsi %add3A_327, %select_n3A_356 : i32
    %ne3A_358 = arith.constant 0 : i32
    %ne3A_359 = arith.cmpi ne, %rem3A_357, %ne3A_358 : i32
    %lt3A_360 = arith.constant 0 : i32
    %lt3A_361 = arith.cmpi slt, %rem3A_357, %lt3A_360 : i32
    %lt3A_362 = arith.constant 0 : i32
    %lt3A_363 = arith.cmpi slt, %select_n3A_356, %lt3A_362 : i32
    %ne3A_364 = arith.xori %lt3A_361, %lt3A_363 : i1
    %and3A_365 = arith.andi %ne3A_364, %ne3A_359 : i1
    %add3A_366 = arith.addi %rem3A_357, %select_n3A_356 : i32
    %select_n3A_367 = arith.select %and3A_365, %add3A_366, %rem3A_357 : i32
    %mul3A_368 = arith.constant 16384 : i32
    %mul3A_369 = arith.muli %select_n3A_351, %mul3A_368 : i32
    %mul3A_370 = arith.constant 512 : i32
    %mul3A_371 = arith.muli %select_n3A_367, %mul3A_370 : i32
    %add3A_372 = arith.addi %mul3A_369, %mul3A_371 : i32
    %dma_start3A_373 = tpu.memref_slice %arg2[%add3A_372] : memref<3276800xi32, #tpu.memory_space<hbm>> -> memref<512xi32, #tpu.memory_space<hbm>>
    %dma_start3A_374 = tpu.memref_slice %arg2[%add3A_372] : memref<3276800xi32, #tpu.memory_space<hbm>> -> memref<512xi32, #tpu.memory_space<hbm>>
    tpu.enqueue_dma source(%dma_start3A_374 : memref<512xi32, #tpu.memory_space<hbm>>) target(%arg5 : memref<512xi32, #tpu.memory_space<vmem>>) target_semaphore(%arg11 : memref<!tpu.dma_semaphore, #tpu.memory_space<semaphore_mem>>)
    %dma_wait3A_375 = arith.constant 0 : i32
    %dma_wait3A_376 = arith.constant 0 : i32
    %dma_wait3A_377 = tpu.memref_slice %arg8[%dma_wait3A_375, %dma_wait3A_376] : memref<512x32xf32, #tpu.memory_space<vmem>> -> memref<256x32xf32, #tpu.memory_space<vmem>>
    %dma_wait3A_378 = arith.constant 0 : i32
    %dma_wait3A_379 = tpu.memref_slice %arg6[%dma_wait3A_378] : memref<512xi32, #tpu.memory_space<vmem>> -> memref<256xi32, #tpu.memory_space<vmem>>
    %dma_wait3A_380 = arith.constant 0 : i32
    %dma_wait3A_381 = arith.constant 0 : i32
    %dma_wait3A_382 = tpu.memref_slice %arg3[%dma_wait3A_380, %dma_wait3A_381] : memref<1000000x32xf32, #tpu.memory_space<hbm>> -> memref<1000000x32xf32, #tpu.memory_space<hbm>>
    tpu.wait_indirect_dma semaphore(%arg14 : memref<!tpu.dma_semaphore, #tpu.memory_space<semaphore_mem>>) src(%dma_wait3A_382 : memref<1000000x32xf32, #tpu.memory_space<hbm>>) dst(%dma_wait3A_377 : memref<256x32xf32, #tpu.memory_space<vmem>>)
    %dma_wait3A_383 = arith.constant 256 : i32
    %dma_wait3A_384 = arith.constant 0 : i32
    %dma_wait3A_385 = tpu.memref_slice %arg8[%dma_wait3A_383, %dma_wait3A_384] : memref<512x32xf32, #tpu.memory_space<vmem>> -> memref<256x32xf32, #tpu.memory_space<vmem>>
    %dma_wait3A_386 = arith.constant 256 : i32
    %dma_wait3A_387 = tpu.memref_slice %arg6[%dma_wait3A_386] : memref<512xi32, #tpu.memory_space<vmem>> -> memref<256xi32, #tpu.memory_space<vmem>>
    %dma_wait3A_388 = arith.constant 0 : i32
    %dma_wait3A_389 = arith.constant 0 : i32
    %dma_wait3A_390 = tpu.memref_slice %arg3[%dma_wait3A_388, %dma_wait3A_389] : memref<1000000x32xf32, #tpu.memory_space<hbm>> -> memref<1000000x32xf32, #tpu.memory_space<hbm>>
    tpu.wait_indirect_dma semaphore(%arg14 : memref<!tpu.dma_semaphore, #tpu.memory_space<semaphore_mem>>) src(%dma_wait3A_390 : memref<1000000x32xf32, #tpu.memory_space<hbm>>) dst(%dma_wait3A_385 : memref<256x32xf32, #tpu.memory_space<vmem>>)
    %add3A_391 = arith.constant 2 : i32
    %add3A_392 = arith.addi %mul3A_2, %add3A_391 : i32
    %jit3A_393 = arith.constant 32 : i32
    %div3A_394 = arith.divsi %add3A_392, %jit3A_393 : i32
    %sign3A_395 = arith.constant 0 : i32
    %sign3A_396 = arith.cmpi sgt, %add3A_392, %sign3A_395 : i32
    %sign3A_397 = arith.extui %sign3A_396 : i1 to i32
    %sign3A_398 = arith.constant 0 : i32
    %sign3A_399 = arith.cmpi slt, %add3A_392, %sign3A_398 : i32
    %sign3A_400 = arith.extui %sign3A_399 : i1 to i32
    %sign3A_401 = arith.subi %sign3A_397, %sign3A_400 : i32
    %sign3A_402 = arith.constant 0 : i32
    %sign3A_403 = arith.cmpi sgt, %jit3A_393, %sign3A_402 : i32
    %sign3A_404 = arith.extui %sign3A_403 : i1 to i32
    %sign3A_405 = arith.constant 0 : i32
    %sign3A_406 = arith.cmpi slt, %jit3A_393, %sign3A_405 : i32
    %sign3A_407 = arith.extui %sign3A_406 : i1 to i32
    %sign3A_408 = arith.subi %sign3A_404, %sign3A_407 : i32
    %ne3A_409 = arith.cmpi ne, %sign3A_401, %sign3A_408 : i32
    %rem3A_410 = arith.remsi %add3A_392, %jit3A_393 : i32
    %ne3A_411 = arith.constant 0 : i32
    %ne3A_412 = arith.cmpi ne, %rem3A_410, %ne3A_411 : i32
    %and3A_413 = arith.andi %ne3A_409, %ne3A_412 : i1
    %sub3A_414 = arith.constant 1 : i32
    %sub3A_415 = arith.subi %div3A_394, %sub3A_414 : i32
    %select_n3A_416 = arith.select %and3A_413, %sub3A_415, %div3A_394 : i32
    %jit3A_417 = arith.constant 32 : i32
    %eq3A_418 = arith.constant 0 : i32
    %eq3A_419 = arith.cmpi eq, %jit3A_417, %eq3A_418 : i32
    %jit3A_420 = arith.constant 1 : i32
    %select_n3A_421 = arith.select %eq3A_419, %jit3A_420, %jit3A_417 : i32
    %rem3A_422 = arith.remsi %add3A_392, %select_n3A_421 : i32
    %ne3A_423 = arith.constant 0 : i32
    %ne3A_424 = arith.cmpi ne, %rem3A_422, %ne3A_423 : i32
    %lt3A_425 = arith.constant 0 : i32
    %lt3A_426 = arith.cmpi slt, %rem3A_422, %lt3A_425 : i32
    %lt3A_427 = arith.constant 0 : i32
    %lt3A_428 = arith.cmpi slt, %select_n3A_421, %lt3A_427 : i32
    %ne3A_429 = arith.xori %lt3A_426, %lt3A_428 : i1
    %and3A_430 = arith.andi %ne3A_429, %ne3A_424 : i1
    %add3A_431 = arith.addi %rem3A_422, %select_n3A_421 : i32
    %select_n3A_432 = arith.select %and3A_430, %add3A_431, %rem3A_422 : i32
    %mul3A_433 = arith.constant 16384 : i32
    %mul3A_434 = arith.muli %select_n3A_416, %mul3A_433 : i32
    %mul3A_435 = arith.constant 512 : i32
    %mul3A_436 = arith.muli %select_n3A_432, %mul3A_435 : i32
    %add3A_437 = arith.addi %mul3A_434, %mul3A_436 : i32
    %dma_wait3A_438 = tpu.memref_slice %arg2[%add3A_437] : memref<3276800xi32, #tpu.memory_space<hbm>> -> memref<512xi32, #tpu.memory_space<hbm>>
    %dma_wait3A_439 = tpu.memref_slice %arg2[%add3A_437] : memref<3276800xi32, #tpu.memory_space<hbm>> -> memref<512xi32, #tpu.memory_space<hbm>>
    tpu.wait_dma2 semaphore(%arg11 : memref<!tpu.dma_semaphore, #tpu.memory_space<semaphore_mem>>) src(%dma_wait3A_439 : memref<512xi32, #tpu.memory_space<hbm>>) dst(%arg5 : memref<512xi32, #tpu.memory_space<vmem>>)
    %dma_start3A_440 = arith.constant 0 : i32
    %dma_start3A_441 = arith.constant 0 : i32
    %dma_start3A_442 = tpu.memref_slice %arg7[%dma_start3A_440, %dma_start3A_441] : memref<512x32xf32, #tpu.memory_space<vmem>> -> memref<256x32xf32, #tpu.memory_space<vmem>>
    %dma_start3A_443 = arith.constant 0 : i32
    %dma_start3A_444 = tpu.memref_slice %arg5[%dma_start3A_443] : memref<512xi32, #tpu.memory_space<vmem>> -> memref<256xi32, #tpu.memory_space<vmem>>
    %dma_start3A_445 = arith.constant 0 : i32
    %dma_start3A_446 = arith.constant 0 : i32
    %dma_start3A_447 = tpu.memref_slice %arg3[%dma_start3A_445, %dma_start3A_446] : memref<1000000x32xf32, #tpu.memory_space<hbm>> -> memref<1000000x32xf32, #tpu.memory_space<hbm>>
    tpu.enqueue_indirect_dma source(%dma_start3A_447 : memref<1000000x32xf32, #tpu.memory_space<hbm>>) target(%dma_start3A_442 : memref<256x32xf32, #tpu.memory_space<vmem>>) offsets(%dma_start3A_444 : memref<256xi32, #tpu.memory_space<vmem>>) semaphore(%arg13 : memref<!tpu.dma_semaphore, #tpu.memory_space<semaphore_mem>>)
    %dma_start3A_448 = arith.constant 256 : i32
    %dma_start3A_449 = arith.constant 0 : i32
    %dma_start3A_450 = tpu.memref_slice %arg7[%dma_start3A_448, %dma_start3A_449] : memref<512x32xf32, #tpu.memory_space<vmem>> -> memref<256x32xf32, #tpu.memory_space<vmem>>
    %dma_start3A_451 = arith.constant 256 : i32
    %dma_start3A_452 = tpu.memref_slice %arg5[%dma_start3A_451] : memref<512xi32, #tpu.memory_space<vmem>> -> memref<256xi32, #tpu.memory_space<vmem>>
    %dma_start3A_453 = arith.constant 0 : i32
    %dma_start3A_454 = arith.constant 0 : i32
    %dma_start3A_455 = tpu.memref_slice %arg3[%dma_start3A_453, %dma_start3A_454] : memref<1000000x32xf32, #tpu.memory_space<hbm>> -> memref<1000000x32xf32, #tpu.memory_space<hbm>>
    tpu.enqueue_indirect_dma source(%dma_start3A_455 : memref<1000000x32xf32, #tpu.memory_space<hbm>>) target(%dma_start3A_450 : memref<256x32xf32, #tpu.memory_space<vmem>>) offsets(%dma_start3A_452 : memref<256xi32, #tpu.memory_space<vmem>>) semaphore(%arg13 : memref<!tpu.dma_semaphore, #tpu.memory_space<semaphore_mem>>)
    %scan3A_456 = arith.constant 0 : i32
    %scan3A_457 = arith.constant 0 : i32
    %scan3A_458 = arith.constant 32 : i32
    %scan3A_459 = arith.addi %scan3A_457, %scan3A_458 : i32
    %scan3A_460 = arith.constant 1 : i32
    scf.for %scan3A_1228 = %scan3A_457 to %scan3A_459 step %scan3A_460  : i32 {
      %add3A_1229 = vector.broadcast %scan3A_1228 : i32 to vector<16xi32>
      %add3A_1230 = arith.addi %add3A_1229, %iota3A : vector<16xi32>
      %and3A_1231 = arith.constant 31 : i32
      %and3A_1232 = vector.broadcast %and3A_1231 : i32 to vector<16xi32>
      %and3A_1233 = arith.andi %add3A_1230, %and3A_1232 : vector<16xi32>
      %and3A_1234 = arith.constant 24 : i32
      %and3A_1235 = vector.broadcast %and3A_1234 : i32 to vector<16xi32>
      %and3A_1236 = arith.andi %and3A_1233, %and3A_1235 : vector<16xi32>
      %shift_left3A = arith.constant 9 : i32
      %shift_left3A_1237 = vector.broadcast %shift_left3A : i32 to vector<16xi32>
      %shift_left3A_1238 = arith.shli %and3A_1236, %shift_left3A_1237 : vector<16xi32>
      %and3A_1239 = arith.constant 7 : i32
      %and3A_1240 = vector.broadcast %and3A_1239 : i32 to vector<16xi32>
      %and3A_1241 = arith.andi %and3A_1233, %and3A_1240 : vector<16xi32>
      %shift_left3A_1242 = arith.constant 7 : i32
      %shift_left3A_1243 = vector.broadcast %shift_left3A_1242 : i32 to vector<16xi32>
      %shift_left3A_1244 = arith.shli %and3A_1241, %shift_left3A_1243 : vector<16xi32>
      %add3A_1245 = arith.addi %shift_left3A_1238, %shift_left3A_1244 : vector<16xi32>
      %add3A_1246 = arith.addi %add3A_1245, %iota3A : vector<16xi32>
      %add3A_1247 = arith.constant 0 : i32
      %add3A_1248 = vector.broadcast %add3A_1247 : i32 to vector<16xi32>
      %add3A_1249 = arith.addi %iota3A, %add3A_1248 : vector<16xi32>
      %gather3A = tpu.vector_load_idx %arg8[%add3A_1249, %and3A_1233] : memref<512x32xf32, #tpu.memory_space<vmem>>[vector<16xi32>, vector<16xi32>], vector<16xf32>,
      %add3A_1250 = arith.constant 16 : i32
      %add3A_1251 = vector.broadcast %add3A_1250 : i32 to vector<16xi32>
      %add3A_1252 = arith.addi %iota3A, %add3A_1251 : vector<16xi32>
      %gather3A_1253 = tpu.vector_load_idx %arg8[%add3A_1252, %and3A_1233] : memref<512x32xf32, #tpu.memory_space<vmem>>[vector<16xi32>, vector<16xi32>], vector<16xf32>,
      %add3A_1254 = arith.constant 32 : i32
      %add3A_1255 = vector.broadcast %add3A_1254 : i32 to vector<16xi32>
      %add3A_1256 = arith.addi %iota3A, %add3A_1255 : vector<16xi32>
      %gather3A_1257 = tpu.vector_load_idx %arg8[%add3A_1256, %and3A_1233] : memref<512x32xf32, #tpu.memory_space<vmem>>[vector<16xi32>, vector<16xi32>], vector<16xf32>,
      %add3A_1258 = arith.constant 48 : i32
      %add3A_1259 = vector.broadcast %add3A_1258 : i32 to vector<16xi32>
      %add3A_1260 = arith.addi %iota3A, %add3A_1259 : vector<16xi32>
      %gather3A_1261 = tpu.vector_load_idx %arg8[%add3A_1260, %and3A_1233] : memref<512x32xf32, #tpu.memory_space<vmem>>[vector<16xi32>, vector<16xi32>], vector<16xf32>,
      %add3A_1262 = arith.constant 64 : i32
      %add3A_1263 = vector.broadcast %add3A_1262 : i32 to vector<16xi32>
      %add3A_1264 = arith.addi %iota3A, %add3A_1263 : vector<16xi32>
      %gather3A_1265 = tpu.vector_load_idx %arg8[%add3A_1264, %and3A_1233] : memref<512x32xf32, #tpu.memory_space<vmem>>[vector<16xi32>, vector<16xi32>], vector<16xf32>,
      %add3A_1266 = arith.constant 0 : i32
      %add3A_1267 = vector.broadcast %add3A_1266 : i32 to vector<16xi32>
      %add3A_1268 = arith.addi %add3A_1246, %add3A_1267 : vector<16xi32>
      tpu.vector_store_idx %arg10[%add3A_1268], %gather3A : memref<16384xf32, #tpu.memory_space<vmem>>[vector<16xi32>], vector<16xf32>,
      %add3A_1269 = arith.constant 80 : i32
      %add3A_1270 = vector.broadcast %add3A_1269 : i32 to vector<16xi32>
      %add3A_1271 = arith.addi %iota3A, %add3A_1270 : vector<16xi32>
      %gather3A_1272 = tpu.vector_load_idx %arg8[%add3A_1271, %and3A_1233] : memref<512x32xf32, #tpu.memory_space<vmem>>[vector<16xi32>, vector<16xi32>], vector<16xf32>,
      %add3A_1273 = arith.constant 16 : i32
      %add3A_1274 = vector.broadcast %add3A_1273 : i32 to vector<16xi32>
      %add3A_1275 = arith.addi %add3A_1246, %add3A_1274 : vector<16xi32>
      tpu.vector_store_idx %arg10[%add3A_1275], %gather3A_1253 : memref<16384xf32, #tpu.memory_space<vmem>>[vector<16xi32>], vector<16xf32>,
      %add3A_1276 = arith.constant 96 : i32
      %add3A_1277 = vector.broadcast %add3A_1276 : i32 to vector<16xi32>
      %add3A_1278 = arith.addi %iota3A, %add3A_1277 : vector<16xi32>
      %gather3A_1279 = tpu.vector_load_idx %arg8[%add3A_1278, %and3A_1233] : memref<512x32xf32, #tpu.memory_space<vmem>>[vector<16xi32>, vector<16xi32>], vector<16xf32>,
      %add3A_1280 = arith.constant 32 : i32
      %add3A_1281 = vector.broadcast %add3A_1280 : i32 to vector<16xi32>
      %add3A_1282 = arith.addi %add3A_1246, %add3A_1281 : vector<16xi32>
      tpu.vector_store_idx %arg10[%add3A_1282], %gather3A_1257 : memref<16384xf32, #tpu.memory_space<vmem>>[vector<16xi32>], vector<16xf32>,
      %add3A_1283 = arith.constant 112 : i32
      %add3A_1284 = vector.broadcast %add3A_1283 : i32 to vector<16xi32>
      %add3A_1285 = arith.addi %iota3A, %add3A_1284 : vector<16xi32>
      %gather3A_1286 = tpu.vector_load_idx %arg8[%add3A_1285, %and3A_1233] : memref<512x32xf32, #tpu.memory_space<vmem>>[vector<16xi32>, vector<16xi32>], vector<16xf32>,
      %add3A_1287 = arith.constant 48 : i32
      %add3A_1288 = vector.broadcast %add3A_1287 : i32 to vector<16xi32>
      %add3A_1289 = arith.addi %add3A_1246, %add3A_1288 : vector<16xi32>
      tpu.vector_store_idx %arg10[%add3A_1289], %gather3A_1261 : memref<16384xf32, #tpu.memory_space<vmem>>[vector<16xi32>], vector<16xf32>,
      %add3A_1290 = arith.constant 128 : i32
      %add3A_1291 = vector.broadcast %add3A_1290 : i32 to vector<16xi32>
      %add3A_1292 = arith.addi %iota3A, %add3A_1291 : vector<16xi32>
      %gather3A_1293 = tpu.vector_load_idx %arg8[%add3A_1292, %and3A_1233] : memref<512x32xf32, #tpu.memory_space<vmem>>[vector<16xi32>, vector<16xi32>], vector<16xf32>,
      %add3A_1294 = arith.constant 64 : i32
      %add3A_1295 = vector.broadcast %add3A_1294 : i32 to vector<16xi32>
      %add3A_1296 = arith.addi %add3A_1246, %add3A_1295 : vector<16xi32>
      tpu.vector_store_idx %arg10[%add3A_1296], %gather3A_1265 : memref<16384xf32, #tpu.memory_space<vmem>>[vector<16xi32>], vector<16xf32>,
      %add3A_1297 = arith.constant 144 : i32
      %add3A_1298 = vector.broadcast %add3A_1297 : i32 to vector<16xi32>
      %add3A_1299 = arith.addi %iota3A, %add3A_1298 : vector<16xi32>
      %gather3A_1300 = tpu.vector_load_idx %arg8[%add3A_1299, %and3A_1233] : memref<512x32xf32, #tpu.memory_space<vmem>>[vector<16xi32>, vector<16xi32>], vector<16xf32>,
      %add3A_1301 = arith.constant 80 : i32
      %add3A_1302 = vector.broadcast %add3A_1301 : i32 to vector<16xi32>
      %add3A_1303 = arith.addi %add3A_1246, %add3A_1302 : vector<16xi32>
      tpu.vector_store_idx %arg10[%add3A_1303], %gather3A_1272 : memref<16384xf32, #tpu.memory_space<vmem>>[vector<16xi32>], vector<16xf32>,
      %add3A_1304 = arith.constant 160 : i32
      %add3A_1305 = vector.broadcast %add3A_1304 : i32 to vector<16xi32>
      %add3A_1306 = arith.addi %iota3A, %add3A_1305 : vector<16xi32>
      %gather3A_1307 = tpu.vector_load_idx %arg8[%add3A_1306, %and3A_1233] : memref<512x32xf32, #tpu.memory_space<vmem>>[vector<16xi32>, vector<16xi32>], vector<16xf32>,
      %add3A_1308 = arith.constant 96 : i32
      %add3A_1309 = vector.broadcast %add3A_1308 : i32 to vector<16xi32>
      %add3A_1310 = arith.addi %add3A_1246, %add3A_1309 : vector<16xi32>
      tpu.vector_store_idx %arg10[%add3A_1310], %gather3A_1279 : memref<16384xf32, #tpu.memory_space<vmem>>[vector<16xi32>], vector<16xf32>,
      %add3A_1311 = arith.constant 176 : i32
      %add3A_1312 = vector.broadcast %add3A_1311 : i32 to vector<16xi32>
      %add3A_1313 = arith.addi %iota3A, %add3A_1312 : vector<16xi32>
      %gather3A_1314 = tpu.vector_load_idx %arg8[%add3A_1313, %and3A_1233] : memref<512x32xf32, #tpu.memory_space<vmem>>[vector<16xi32>, vector<16xi32>], vector<16xf32>,
      %add3A_1315 = arith.constant 112 : i32
      %add3A_1316 = vector.broadcast %add3A_1315 : i32 to vector<16xi32>
      %add3A_1317 = arith.addi %add3A_1246, %add3A_1316 : vector<16xi32>
      tpu.vector_store_idx %arg10[%add3A_1317], %gather3A_1286 : memref<16384xf32, #tpu.memory_space<vmem>>[vector<16xi32>], vector<16xf32>,
      %add3A_1318 = arith.constant 192 : i32
      %add3A_1319 = vector.broadcast %add3A_1318 : i32 to vector<16xi32>
      %add3A_1320 = arith.addi %iota3A, %add3A_1319 : vector<16xi32>
      %gather3A_1321 = tpu.vector_load_idx %arg8[%add3A_1320, %and3A_1233] : memref<512x32xf32, #tpu.memory_space<vmem>>[vector<16xi32>, vector<16xi32>], vector<16xf32>,
      %add3A_1322 = arith.constant 1024 : i32
      %add3A_1323 = vector.broadcast %add3A_1322 : i32 to vector<16xi32>
      %add3A_1324 = arith.addi %add3A_1246, %add3A_1323 : vector<16xi32>
      tpu.vector_store_idx %arg10[%add3A_1324], %gather3A_1293 : memref<16384xf32, #tpu.memory_space<vmem>>[vector<16xi32>], vector<16xf32>,
      %add3A_1325 = arith.constant 208 : i32
      %add3A_1326 = vector.broadcast %add3A_1325 : i32 to vector<16xi32>
      %add3A_1327 = arith.addi %iota3A, %add3A_1326 : vector<16xi32>
      %gather3A_1328 = tpu.vector_load_idx %arg8[%add3A_1327, %and3A_1233] : memref<512x32xf32, #tpu.memory_space<vmem>>[vector<16xi32>, vector<16xi32>], vector<16xf32>,
      %add3A_1329 = arith.constant 1040 : i32
      %add3A_1330 = vector.broadcast %add3A_1329 : i32 to vector<16xi32>
      %add3A_1331 = arith.addi %add3A_1246, %add3A_1330 : vector<16xi32>
      tpu.vector_store_idx %arg10[%add3A_1331], %gather3A_1300 : memref<16384xf32, #tpu.memory_space<vmem>>[vector<16xi32>], vector<16xf32>,
      %add3A_1332 = arith.constant 224 : i32
      %add3A_1333 = vector.broadcast %add3A_1332 : i32 to vector<16xi32>
      %add3A_1334 = arith.addi %iota3A, %add3A_1333 : vector<16xi32>
      %gather3A_1335 = tpu.vector_load_idx %arg8[%add3A_1334, %and3A_1233] : memref<512x32xf32, #tpu.memory_space<vmem>>[vector<16xi32>, vector<16xi32>], vector<16xf32>,
      %add3A_1336 = arith.constant 1056 : i32
      %add3A_1337 = vector.broadcast %add3A_1336 : i32 to vector<16xi32>
      %add3A_1338 = arith.addi %add3A_1246, %add3A_1337 : vector<16xi32>
      tpu.vector_store_idx %arg10[%add3A_1338], %gather3A_1307 : memref<16384xf32, #tpu.memory_space<vmem>>[vector<16xi32>], vector<16xf32>,
      %add3A_1339 = arith.constant 240 : i32
      %add3A_1340 = vector.broadcast %add3A_1339 : i32 to vector<16xi32>
      %add3A_1341 = arith.addi %iota3A, %add3A_1340 : vector<16xi32>
      %gather3A_1342 = tpu.vector_load_idx %arg8[%add3A_1341, %and3A_1233] : memref<512x32xf32, #tpu.memory_space<vmem>>[vector<16xi32>, vector<16xi32>], vector<16xf32>,
      %add3A_1343 = arith.constant 1072 : i32
      %add3A_1344 = vector.broadcast %add3A_1343 : i32 to vector<16xi32>
      %add3A_1345 = arith.addi %add3A_1246, %add3A_1344 : vector<16xi32>
      tpu.vector_store_idx %arg10[%add3A_1345], %gather3A_1314 : memref<16384xf32, #tpu.memory_space<vmem>>[vector<16xi32>], vector<16xf32>,
      %add3A_1346 = arith.constant 256 : i32
      %add3A_1347 = vector.broadcast %add3A_1346 : i32 to vector<16xi32>
      %add3A_1348 = arith.addi %iota3A, %add3A_1347 : vector<16xi32>
      %gather3A_1349 = tpu.vector_load_idx %arg8[%add3A_1348, %and3A_1233] : memref<512x32xf32, #tpu.memory_space<vmem>>[vector<16xi32>, vector<16xi32>], vector<16xf32>,
      %add3A_1350 = arith.constant 1088 : i32
      %add3A_1351 = vector.broadcast %add3A_1350 : i32 to vector<16xi32>
      %add3A_1352 = arith.addi %add3A_1246, %add3A_1351 : vector<16xi32>
      tpu.vector_store_idx %arg10[%add3A_1352], %gather3A_1321 : memref<16384xf32, #tpu.memory_space<vmem>>[vector<16xi32>], vector<16xf32>,
      %add3A_1353 = arith.constant 272 : i32
      %add3A_1354 = vector.broadcast %add3A_1353 : i32 to vector<16xi32>
      %add3A_1355 = arith.addi %iota3A, %add3A_1354 : vector<16xi32>
      %gather3A_1356 = tpu.vector_load_idx %arg8[%add3A_1355, %and3A_1233] : memref<512x32xf32, #tpu.memory_space<vmem>>[vector<16xi32>, vector<16xi32>], vector<16xf32>,
      %add3A_1357 = arith.constant 1104 : i32
      %add3A_1358 = vector.broadcast %add3A_1357 : i32 to vector<16xi32>
      %add3A_1359 = arith.addi %add3A_1246, %add3A_1358 : vector<16xi32>
      tpu.vector_store_idx %arg10[%add3A_1359], %gather3A_1328 : memref<16384xf32, #tpu.memory_space<vmem>>[vector<16xi32>], vector<16xf32>,
      %add3A_1360 = arith.constant 288 : i32
      %add3A_1361 = vector.broadcast %add3A_1360 : i32 to vector<16xi32>
      %add3A_1362 = arith.addi %iota3A, %add3A_1361 : vector<16xi32>
      %gather3A_1363 = tpu.vector_load_idx %arg8[%add3A_1362, %and3A_1233] : memref<512x32xf32, #tpu.memory_space<vmem>>[vector<16xi32>, vector<16xi32>], vector<16xf32>,
      %add3A_1364 = arith.constant 1120 : i32
      %add3A_1365 = vector.broadcast %add3A_1364 : i32 to vector<16xi32>
      %add3A_1366 = arith.addi %add3A_1246, %add3A_1365 : vector<16xi32>
      tpu.vector_store_idx %arg10[%add3A_1366], %gather3A_1335 : memref<16384xf32, #tpu.memory_space<vmem>>[vector<16xi32>], vector<16xf32>,
      %add3A_1367 = arith.constant 304 : i32
      %add3A_1368 = vector.broadcast %add3A_1367 : i32 to vector<16xi32>
      %add3A_1369 = arith.addi %iota3A, %add3A_1368 : vector<16xi32>
      %gather3A_1370 = tpu.vector_load_idx %arg8[%add3A_1369, %and3A_1233] : memref<512x32xf32, #tpu.memory_space<vmem>>[vector<16xi32>, vector<16xi32>], vector<16xf32>,
      %add3A_1371 = arith.constant 1136 : i32
      %add3A_1372 = vector.broadcast %add3A_1371 : i32 to vector<16xi32>
      %add3A_1373 = arith.addi %add3A_1246, %add3A_1372 : vector<16xi32>
      tpu.vector_store_idx %arg10[%add3A_1373], %gather3A_1342 : memref<16384xf32, #tpu.memory_space<vmem>>[vector<16xi32>], vector<16xf32>,
      %add3A_1374 = arith.constant 320 : i32
      %add3A_1375 = vector.broadcast %add3A_1374 : i32 to vector<16xi32>
      %add3A_1376 = arith.addi %iota3A, %add3A_1375 : vector<16xi32>
      %gather3A_1377 = tpu.vector_load_idx %arg8[%add3A_1376, %and3A_1233] : memref<512x32xf32, #tpu.memory_space<vmem>>[vector<16xi32>, vector<16xi32>], vector<16xf32>,
      %add3A_1378 = arith.constant 2048 : i32
      %add3A_1379 = vector.broadcast %add3A_1378 : i32 to vector<16xi32>
      %add3A_1380 = arith.addi %add3A_1246, %add3A_1379 : vector<16xi32>
      tpu.vector_store_idx %arg10[%add3A_1380], %gather3A_1349 : memref<16384xf32, #tpu.memory_space<vmem>>[vector<16xi32>], vector<16xf32>,
      %add3A_1381 = arith.constant 336 : i32
      %add3A_1382 = vector.broadcast %add3A_1381 : i32 to vector<16xi32>
      %add3A_1383 = arith.addi %iota3A, %add3A_1382 : vector<16xi32>
      %gather3A_1384 = tpu.vector_load_idx %arg8[%add3A_1383, %and3A_1233] : memref<512x32xf32, #tpu.memory_space<vmem>>[vector<16xi32>, vector<16xi32>], vector<16xf32>,
      %add3A_1385 = arith.constant 2064 : i32
      %add3A_1386 = vector.broadcast %add3A_1385 : i32 to vector<16xi32>
      %add3A_1387 = arith.addi %add3A_1246, %add3A_1386 : vector<16xi32>
      tpu.vector_store_idx %arg10[%add3A_1387], %gather3A_1356 : memref<16384xf32, #tpu.memory_space<vmem>>[vector<16xi32>], vector<16xf32>,
      %add3A_1388 = arith.constant 352 : i32
      %add3A_1389 = vector.broadcast %add3A_1388 : i32 to vector<16xi32>
      %add3A_1390 = arith.addi %iota3A, %add3A_1389 : vector<16xi32>
      %gather3A_1391 = tpu.vector_load_idx %arg8[%add3A_1390, %and3A_1233] : memref<512x32xf32, #tpu.memory_space<vmem>>[vector<16xi32>, vector<16xi32>], vector<16xf32>,
      %add3A_1392 = arith.constant 2080 : i32
      %add3A_1393 = vector.broadcast %add3A_1392 : i32 to vector<16xi32>
      %add3A_1394 = arith.addi %add3A_1246, %add3A_1393 : vector<16xi32>
      tpu.vector_store_idx %arg10[%add3A_1394], %gather3A_1363 : memref<16384xf32, #tpu.memory_space<vmem>>[vector<16xi32>], vector<16xf32>,
      %add3A_1395 = arith.constant 368 : i32
      %add3A_1396 = vector.broadcast %add3A_1395 : i32 to vector<16xi32>
      %add3A_1397 = arith.addi %iota3A, %add3A_1396 : vector<16xi32>
      %gather3A_1398 = tpu.vector_load_idx %arg8[%add3A_1397, %and3A_1233] : memref<512x32xf32, #tpu.memory_space<vmem>>[vector<16xi32>, vector<16xi32>], vector<16xf32>,
      %add3A_1399 = arith.constant 2096 : i32
      %add3A_1400 = vector.broadcast %add3A_1399 : i32 to vector<16xi32>
      %add3A_1401 = arith.addi %add3A_1246, %add3A_1400 : vector<16xi32>
      tpu.vector_store_idx %arg10[%add3A_1401], %gather3A_1370 : memref<16384xf32, #tpu.memory_space<vmem>>[vector<16xi32>], vector<16xf32>,
      %add3A_1402 = arith.constant 384 : i32
      %add3A_1403 = vector.broadcast %add3A_1402 : i32 to vector<16xi32>
      %add3A_1404 = arith.addi %iota3A, %add3A_1403 : vector<16xi32>
      %gather3A_1405 = tpu.vector_load_idx %arg8[%add3A_1404, %and3A_1233] : memref<512x32xf32, #tpu.memory_space<vmem>>[vector<16xi32>, vector<16xi32>], vector<16xf32>,
      %add3A_1406 = arith.constant 2112 : i32
      %add3A_1407 = vector.broadcast %add3A_1406 : i32 to vector<16xi32>
      %add3A_1408 = arith.addi %add3A_1246, %add3A_1407 : vector<16xi32>
      tpu.vector_store_idx %arg10[%add3A_1408], %gather3A_1377 : memref<16384xf32, #tpu.memory_space<vmem>>[vector<16xi32>], vector<16xf32>,
      %add3A_1409 = arith.constant 400 : i32
      %add3A_1410 = vector.broadcast %add3A_1409 : i32 to vector<16xi32>
      %add3A_1411 = arith.addi %iota3A, %add3A_1410 : vector<16xi32>
      %gather3A_1412 = tpu.vector_load_idx %arg8[%add3A_1411, %and3A_1233] : memref<512x32xf32, #tpu.memory_space<vmem>>[vector<16xi32>, vector<16xi32>], vector<16xf32>,
      %add3A_1413 = arith.constant 2128 : i32
      %add3A_1414 = vector.broadcast %add3A_1413 : i32 to vector<16xi32>
      %add3A_1415 = arith.addi %add3A_1246, %add3A_1414 : vector<16xi32>
      tpu.vector_store_idx %arg10[%add3A_1415], %gather3A_1384 : memref<16384xf32, #tpu.memory_space<vmem>>[vector<16xi32>], vector<16xf32>,
      %add3A_1416 = arith.constant 416 : i32
      %add3A_1417 = vector.broadcast %add3A_1416 : i32 to vector<16xi32>
      %add3A_1418 = arith.addi %iota3A, %add3A_1417 : vector<16xi32>
      %gather3A_1419 = tpu.vector_load_idx %arg8[%add3A_1418, %and3A_1233] : memref<512x32xf32, #tpu.memory_space<vmem>>[vector<16xi32>, vector<16xi32>], vector<16xf32>,
      %add3A_1420 = arith.constant 2144 : i32
      %add3A_1421 = vector.broadcast %add3A_1420 : i32 to vector<16xi32>
      %add3A_1422 = arith.addi %add3A_1246, %add3A_1421 : vector<16xi32>
      tpu.vector_store_idx %arg10[%add3A_1422], %gather3A_1391 : memref<16384xf32, #tpu.memory_space<vmem>>[vector<16xi32>], vector<16xf32>,
      %add3A_1423 = arith.constant 432 : i32
      %add3A_1424 = vector.broadcast %add3A_1423 : i32 to vector<16xi32>
      %add3A_1425 = arith.addi %iota3A, %add3A_1424 : vector<16xi32>
      %gather3A_1426 = tpu.vector_load_idx %arg8[%add3A_1425, %and3A_1233] : memref<512x32xf32, #tpu.memory_space<vmem>>[vector<16xi32>, vector<16xi32>], vector<16xf32>,
      %add3A_1427 = arith.constant 2160 : i32
      %add3A_1428 = vector.broadcast %add3A_1427 : i32 to vector<16xi32>
      %add3A_1429 = arith.addi %add3A_1246, %add3A_1428 : vector<16xi32>
      tpu.vector_store_idx %arg10[%add3A_1429], %gather3A_1398 : memref<16384xf32, #tpu.memory_space<vmem>>[vector<16xi32>], vector<16xf32>,
      %add3A_1430 = arith.constant 448 : i32
      %add3A_1431 = vector.broadcast %add3A_1430 : i32 to vector<16xi32>
      %add3A_1432 = arith.addi %iota3A, %add3A_1431 : vector<16xi32>
      %gather3A_1433 = tpu.vector_load_idx %arg8[%add3A_1432, %and3A_1233] : memref<512x32xf32, #tpu.memory_space<vmem>>[vector<16xi32>, vector<16xi32>], vector<16xf32>,
      %add3A_1434 = arith.constant 3072 : i32
      %add3A_1435 = vector.broadcast %add3A_1434 : i32 to vector<16xi32>
      %add3A_1436 = arith.addi %add3A_1246, %add3A_1435 : vector<16xi32>
      tpu.vector_store_idx %arg10[%add3A_1436], %gather3A_1405 : memref<16384xf32, #tpu.memory_space<vmem>>[vector<16xi32>], vector<16xf32>,
      %add3A_1437 = arith.constant 464 : i32
      %add3A_1438 = vector.broadcast %add3A_1437 : i32 to vector<16xi32>
      %add3A_1439 = arith.addi %iota3A, %add3A_1438 : vector<16xi32>
      %gather3A_1440 = tpu.vector_load_idx %arg8[%add3A_1439, %and3A_1233] : memref<512x32xf32, #tpu.memory_space<vmem>>[vector<16xi32>, vector<16xi32>], vector<16xf32>,
      %add3A_1441 = arith.constant 3088 : i32
      %add3A_1442 = vector.broadcast %add3A_1441 : i32 to vector<16xi32>
      %add3A_1443 = arith.addi %add3A_1246, %add3A_1442 : vector<16xi32>
      tpu.vector_store_idx %arg10[%add3A_1443], %gather3A_1412 : memref<16384xf32, #tpu.memory_space<vmem>>[vector<16xi32>], vector<16xf32>,
      %add3A_1444 = arith.constant 480 : i32
      %add3A_1445 = vector.broadcast %add3A_1444 : i32 to vector<16xi32>
      %add3A_1446 = arith.addi %iota3A, %add3A_1445 : vector<16xi32>
      %gather3A_1447 = tpu.vector_load_idx %arg8[%add3A_1446, %and3A_1233] : memref<512x32xf32, #tpu.memory_space<vmem>>[vector<16xi32>, vector<16xi32>], vector<16xf32>,
      %add3A_1448 = arith.constant 3104 : i32
      %add3A_1449 = vector.broadcast %add3A_1448 : i32 to vector<16xi32>
      %add3A_1450 = arith.addi %add3A_1246, %add3A_1449 : vector<16xi32>
      tpu.vector_store_idx %arg10[%add3A_1450], %gather3A_1419 : memref<16384xf32, #tpu.memory_space<vmem>>[vector<16xi32>], vector<16xf32>,
      %add3A_1451 = arith.constant 496 : i32
      %add3A_1452 = vector.broadcast %add3A_1451 : i32 to vector<16xi32>
      %add3A_1453 = arith.addi %iota3A, %add3A_1452 : vector<16xi32>
      %gather3A_1454 = tpu.vector_load_idx %arg8[%add3A_1453, %and3A_1233] : memref<512x32xf32, #tpu.memory_space<vmem>>[vector<16xi32>, vector<16xi32>], vector<16xf32>,
      %add3A_1455 = arith.constant 3120 : i32
      %add3A_1456 = vector.broadcast %add3A_1455 : i32 to vector<16xi32>
      %add3A_1457 = arith.addi %add3A_1246, %add3A_1456 : vector<16xi32>
      tpu.vector_store_idx %arg10[%add3A_1457], %gather3A_1426 : memref<16384xf32, #tpu.memory_space<vmem>>[vector<16xi32>], vector<16xf32>,
      %add3A_1458 = arith.constant 3136 : i32
      %add3A_1459 = vector.broadcast %add3A_1458 : i32 to vector<16xi32>
      %add3A_1460 = arith.addi %add3A_1246, %add3A_1459 : vector<16xi32>
      tpu.vector_store_idx %arg10[%add3A_1460], %gather3A_1433 : memref<16384xf32, #tpu.memory_space<vmem>>[vector<16xi32>], vector<16xf32>,
      %add3A_1461 = arith.constant 3152 : i32
      %add3A_1462 = vector.broadcast %add3A_1461 : i32 to vector<16xi32>
      %add3A_1463 = arith.addi %add3A_1246, %add3A_1462 : vector<16xi32>
      tpu.vector_store_idx %arg10[%add3A_1463], %gather3A_1440 : memref<16384xf32, #tpu.memory_space<vmem>>[vector<16xi32>], vector<16xf32>,
      %add3A_1464 = arith.constant 3168 : i32
      %add3A_1465 = vector.broadcast %add3A_1464 : i32 to vector<16xi32>
      %add3A_1466 = arith.addi %add3A_1246, %add3A_1465 : vector<16xi32>
      tpu.vector_store_idx %arg10[%add3A_1466], %gather3A_1447 : memref<16384xf32, #tpu.memory_space<vmem>>[vector<16xi32>], vector<16xf32>,
      %add3A_1467 = arith.constant 3184 : i32
      %add3A_1468 = vector.broadcast %add3A_1467 : i32 to vector<16xi32>
      %add3A_1469 = arith.addi %add3A_1246, %add3A_1468 : vector<16xi32>
      tpu.vector_store_idx %arg10[%add3A_1469], %gather3A_1454 : memref<16384xf32, #tpu.memory_space<vmem>>[vector<16xi32>], vector<16xf32>,
    }
    %scan3A_461 = arith.constant 32 : i32
    %add3A_462 = arith.constant 1 : i32
    %add3A_463 = arith.addi %mul3A_2, %add3A_462 : i32
    %jit3A_464 = arith.constant 32 : i32
    %div3A_465 = arith.divsi %add3A_463, %jit3A_464 : i32
    %sign3A_466 = arith.constant 0 : i32
    %sign3A_467 = arith.cmpi sgt, %add3A_463, %sign3A_466 : i32
    %sign3A_468 = arith.extui %sign3A_467 : i1 to i32
    %sign3A_469 = arith.constant 0 : i32
    %sign3A_470 = arith.cmpi slt, %add3A_463, %sign3A_469 : i32
    %sign3A_471 = arith.extui %sign3A_470 : i1 to i32
    %sign3A_472 = arith.subi %sign3A_468, %sign3A_471 : i32
    %sign3A_473 = arith.constant 0 : i32
    %sign3A_474 = arith.cmpi sgt, %jit3A_464, %sign3A_473 : i32
    %sign3A_475 = arith.extui %sign3A_474 : i1 to i32
    %sign3A_476 = arith.constant 0 : i32
    %sign3A_477 = arith.cmpi slt, %jit3A_464, %sign3A_476 : i32
    %sign3A_478 = arith.extui %sign3A_477 : i1 to i32
    %sign3A_479 = arith.subi %sign3A_475, %sign3A_478 : i32
    %ne3A_480 = arith.cmpi ne, %sign3A_472, %sign3A_479 : i32
    %rem3A_481 = arith.remsi %add3A_463, %jit3A_464 : i32
    %ne3A_482 = arith.constant 0 : i32
    %ne3A_483 = arith.cmpi ne, %rem3A_481, %ne3A_482 : i32
    %and3A_484 = arith.andi %ne3A_480, %ne3A_483 : i1
    %sub3A_485 = arith.constant 1 : i32
    %sub3A_486 = arith.subi %div3A_465, %sub3A_485 : i32
    %select_n3A_487 = arith.select %and3A_484, %sub3A_486, %div3A_465 : i32
    %jit3A_488 = arith.constant 32 : i32
    %eq3A_489 = arith.constant 0 : i32
    %eq3A_490 = arith.cmpi eq, %jit3A_488, %eq3A_489 : i32
    %jit3A_491 = arith.constant 1 : i32
    %select_n3A_492 = arith.select %eq3A_490, %jit3A_491, %jit3A_488 : i32
    %rem3A_493 = arith.remsi %add3A_463, %select_n3A_492 : i32
    %ne3A_494 = arith.constant 0 : i32
    %ne3A_495 = arith.cmpi ne, %rem3A_493, %ne3A_494 : i32
    %lt3A_496 = arith.constant 0 : i32
    %lt3A_497 = arith.cmpi slt, %rem3A_493, %lt3A_496 : i32
    %lt3A_498 = arith.constant 0 : i32
    %lt3A_499 = arith.cmpi slt, %select_n3A_492, %lt3A_498 : i32
    %ne3A_500 = arith.xori %lt3A_497, %lt3A_499 : i1
    %and3A_501 = arith.andi %ne3A_500, %ne3A_495 : i1
    %add3A_502 = arith.addi %rem3A_493, %select_n3A_492 : i32
    %select_n3A_503 = arith.select %and3A_501, %add3A_502, %rem3A_493 : i32
    %mul3A_504 = arith.constant 4096 : i32
    %mul3A_505 = arith.muli %select_n3A_503, %mul3A_504 : i32
    %mul3A_506 = arith.constant 4096 : i32
    %mul3A_507 = arith.muli %select_n3A_503, %mul3A_506 : i32
    %mul3A_508 = arith.constant 4096 : i32
    %mul3A_509 = arith.muli %select_n3A_503, %mul3A_508 : i32
    %mul3A_510 = arith.constant 4096 : i32
    %mul3A_511 = arith.muli %select_n3A_503, %mul3A_510 : i32
    %dma_start3A_512 = arith.constant 0 : i32
    %dma_start3A_513 = arith.constant 0 : i32
    %dma_start3A_514 = tpu.memref_slice %arg10[%dma_start3A_513] : memref<16384xf32, #tpu.memory_space<vmem>> -> memref<4096xf32, #tpu.memory_space<vmem>>
    %dma_start3A_515 = tpu.memref_slice %arg4[%select_n3A_487, %dma_start3A_512, %mul3A_505] : memref<200x4x131072xf32, #tpu.memory_space<hbm>> -> memref<1x1x4096xf32, #tpu.memory_space<hbm>>
    %dma_start3A_516 = tpu.memref_squeeze %dma_start3A_515 : memref<1x1x4096xf32, #tpu.memory_space<hbm>> -> memref<4096xf32, #tpu.memory_space<hbm>>
    %dma_start3A_517 = tpu.memref_slice %arg4[%select_n3A_487, %dma_start3A_512, %mul3A_505] : memref<200x4x131072xf32, #tpu.memory_space<hbm>> -> memref<1x1x4096xf32, #tpu.memory_space<hbm>>
    %dma_start3A_518 = tpu.memref_squeeze %dma_start3A_517 : memref<1x1x4096xf32, #tpu.memory_space<hbm>> -> memref<4096xf32, #tpu.memory_space<hbm>>
    %dma_start3A_519 = arith.constant 0 : i32
    %dma_start3A_520 = tpu.memref_slice %arg10[%dma_start3A_519] : memref<16384xf32, #tpu.memory_space<vmem>> -> memref<4096xf32, #tpu.memory_space<vmem>>
    tpu.enqueue_dma source(%dma_start3A_520 : memref<4096xf32, #tpu.memory_space<vmem>>) target(%dma_start3A_518 : memref<4096xf32, #tpu.memory_space<hbm>>) target_semaphore(%arg16 : memref<!tpu.dma_semaphore, #tpu.memory_space<semaphore_mem>>)
    %dma_start3A_521 = arith.constant 1 : i32
    %dma_start3A_522 = arith.constant 4096 : i32
    %dma_start3A_523 = tpu.memref_slice %arg10[%dma_start3A_522] : memref<16384xf32, #tpu.memory_space<vmem>> -> memref<4096xf32, #tpu.memory_space<vmem>>
    %dma_start3A_524 = tpu.memref_slice %arg4[%select_n3A_487, %dma_start3A_521, %mul3A_507] : memref<200x4x131072xf32, #tpu.memory_space<hbm>> -> memref<1x1x4096xf32, #tpu.memory_space<hbm>>
    %dma_start3A_525 = tpu.memref_squeeze %dma_start3A_524 : memref<1x1x4096xf32, #tpu.memory_space<hbm>> -> memref<4096xf32, #tpu.memory_space<hbm>>
    %dma_start3A_526 = tpu.memref_slice %arg4[%select_n3A_487, %dma_start3A_521, %mul3A_507] : memref<200x4x131072xf32, #tpu.memory_space<hbm>> -> memref<1x1x4096xf32, #tpu.memory_space<hbm>>
    %dma_start3A_527 = tpu.memref_squeeze %dma_start3A_526 : memref<1x1x4096xf32, #tpu.memory_space<hbm>> -> memref<4096xf32, #tpu.memory_space<hbm>>
    %dma_start3A_528 = arith.constant 4096 : i32
    %dma_start3A_529 = tpu.memref_slice %arg10[%dma_start3A_528] : memref<16384xf32, #tpu.memory_space<vmem>> -> memref<4096xf32, #tpu.memory_space<vmem>>
    tpu.enqueue_dma source(%dma_start3A_529 : memref<4096xf32, #tpu.memory_space<vmem>>) target(%dma_start3A_527 : memref<4096xf32, #tpu.memory_space<hbm>>) target_semaphore(%arg16 : memref<!tpu.dma_semaphore, #tpu.memory_space<semaphore_mem>>)
    %dma_start3A_530 = arith.constant 2 : i32
    %dma_start3A_531 = arith.constant 8192 : i32
    %dma_start3A_532 = tpu.memref_slice %arg10[%dma_start3A_531] : memref<16384xf32, #tpu.memory_space<vmem>> -> memref<4096xf32, #tpu.memory_space<vmem>>
    %dma_start3A_533 = tpu.memref_slice %arg4[%select_n3A_487, %dma_start3A_530, %mul3A_509] : memref<200x4x131072xf32, #tpu.memory_space<hbm>> -> memref<1x1x4096xf32, #tpu.memory_space<hbm>>
    %dma_start3A_534 = tpu.memref_squeeze %dma_start3A_533 : memref<1x1x4096xf32, #tpu.memory_space<hbm>> -> memref<4096xf32, #tpu.memory_space<hbm>>
    %dma_start3A_535 = tpu.memref_slice %arg4[%select_n3A_487, %dma_start3A_530, %mul3A_509] : memref<200x4x131072xf32, #tpu.memory_space<hbm>> -> memref<1x1x4096xf32, #tpu.memory_space<hbm>>
    %dma_start3A_536 = tpu.memref_squeeze %dma_start3A_535 : memref<1x1x4096xf32, #tpu.memory_space<hbm>> -> memref<4096xf32, #tpu.memory_space<hbm>>
    %dma_start3A_537 = arith.constant 8192 : i32
    %dma_start3A_538 = tpu.memref_slice %arg10[%dma_start3A_537] : memref<16384xf32, #tpu.memory_space<vmem>> -> memref<4096xf32, #tpu.memory_space<vmem>>
    tpu.enqueue_dma source(%dma_start3A_538 : memref<4096xf32, #tpu.memory_space<vmem>>) target(%dma_start3A_536 : memref<4096xf32, #tpu.memory_space<hbm>>) target_semaphore(%arg16 : memref<!tpu.dma_semaphore, #tpu.memory_space<semaphore_mem>>)
    %dma_start3A_539 = arith.constant 3 : i32
    %dma_start3A_540 = arith.constant 12288 : i32
    %dma_start3A_541 = tpu.memref_slice %arg10[%dma_start3A_540] : memref<16384xf32, #tpu.memory_space<vmem>> -> memref<4096xf32, #tpu.memory_space<vmem>>
    %dma_start3A_542 = tpu.memref_slice %arg4[%select_n3A_487, %dma_start3A_539, %mul3A_511] : memref<200x4x131072xf32, #tpu.memory_space<hbm>> -> memref<1x1x4096xf32, #tpu.memory_space<hbm>>
    %dma_start3A_543 = tpu.memref_squeeze %dma_start3A_542 : memref<1x1x4096xf32, #tpu.memory_space<hbm>> -> memref<4096xf32, #tpu.memory_space<hbm>>
    %dma_start3A_544 = tpu.memref_slice %arg4[%select_n3A_487, %dma_start3A_539, %mul3A_511] : memref<200x4x131072xf32, #tpu.memory_space<hbm>> -> memref<1x1x4096xf32, #tpu.memory_space<hbm>>
    %dma_start3A_545 = tpu.memref_squeeze %dma_start3A_544 : memref<1x1x4096xf32, #tpu.memory_space<hbm>> -> memref<4096xf32, #tpu.memory_space<hbm>>
    %dma_start3A_546 = arith.constant 12288 : i32
    %dma_start3A_547 = tpu.memref_slice %arg10[%dma_start3A_546] : memref<16384xf32, #tpu.memory_space<vmem>> -> memref<4096xf32, #tpu.memory_space<vmem>>
    tpu.enqueue_dma source(%dma_start3A_547 : memref<4096xf32, #tpu.memory_space<vmem>>) target(%dma_start3A_545 : memref<4096xf32, #tpu.memory_space<hbm>>) target_semaphore(%arg16 : memref<!tpu.dma_semaphore, #tpu.memory_space<semaphore_mem>>)
    %add3A_548 = arith.constant 3 : i32
    %add3A_549 = arith.addi %mul3A_2, %add3A_548 : i32
    %jit3A_550 = arith.constant 32 : i32
    %div3A_551 = arith.divsi %add3A_549, %jit3A_550 : i32
    %sign3A_552 = arith.constant 0 : i32
    %sign3A_553 = arith.cmpi sgt, %add3A_549, %sign3A_552 : i32
    %sign3A_554 = arith.extui %sign3A_553 : i1 to i32
    %sign3A_555 = arith.constant 0 : i32
    %sign3A_556 = arith.cmpi slt, %add3A_549, %sign3A_555 : i32
    %sign3A_557 = arith.extui %sign3A_556 : i1 to i32
    %sign3A_558 = arith.subi %sign3A_554, %sign3A_557 : i32
    %sign3A_559 = arith.constant 0 : i32
    %sign3A_560 = arith.cmpi sgt, %jit3A_550, %sign3A_559 : i32
    %sign3A_561 = arith.extui %sign3A_560 : i1 to i32
    %sign3A_562 = arith.constant 0 : i32
    %sign3A_563 = arith.cmpi slt, %jit3A_550, %sign3A_562 : i32
    %sign3A_564 = arith.extui %sign3A_563 : i1 to i32
    %sign3A_565 = arith.subi %sign3A_561, %sign3A_564 : i32
    %ne3A_566 = arith.cmpi ne, %sign3A_558, %sign3A_565 : i32
    %rem3A_567 = arith.remsi %add3A_549, %jit3A_550 : i32
    %ne3A_568 = arith.constant 0 : i32
    %ne3A_569 = arith.cmpi ne, %rem3A_567, %ne3A_568 : i32
    %and3A_570 = arith.andi %ne3A_566, %ne3A_569 : i1
    %sub3A_571 = arith.constant 1 : i32
    %sub3A_572 = arith.subi %div3A_551, %sub3A_571 : i32
    %select_n3A_573 = arith.select %and3A_570, %sub3A_572, %div3A_551 : i32
    %jit3A_574 = arith.constant 32 : i32
    %eq3A_575 = arith.constant 0 : i32
    %eq3A_576 = arith.cmpi eq, %jit3A_574, %eq3A_575 : i32
    %jit3A_577 = arith.constant 1 : i32
    %select_n3A_578 = arith.select %eq3A_576, %jit3A_577, %jit3A_574 : i32
    %rem3A_579 = arith.remsi %add3A_549, %select_n3A_578 : i32
    %ne3A_580 = arith.constant 0 : i32
    %ne3A_581 = arith.cmpi ne, %rem3A_579, %ne3A_580 : i32
    %lt3A_582 = arith.constant 0 : i32
    %lt3A_583 = arith.cmpi slt, %rem3A_579, %lt3A_582 : i32
    %lt3A_584 = arith.constant 0 : i32
    %lt3A_585 = arith.cmpi slt, %select_n3A_578, %lt3A_584 : i32
    %ne3A_586 = arith.xori %lt3A_583, %lt3A_585 : i1
    %and3A_587 = arith.andi %ne3A_586, %ne3A_581 : i1
    %add3A_588 = arith.addi %rem3A_579, %select_n3A_578 : i32
    %select_n3A_589 = arith.select %and3A_587, %add3A_588, %rem3A_579 : i32
    %mul3A_590 = arith.constant 16384 : i32
    %mul3A_591 = arith.muli %select_n3A_573, %mul3A_590 : i32
    %mul3A_592 = arith.constant 512 : i32
    %mul3A_593 = arith.muli %select_n3A_589, %mul3A_592 : i32
    %add3A_594 = arith.addi %mul3A_591, %mul3A_593 : i32
    %dma_start3A_595 = tpu.memref_slice %arg2[%add3A_594] : memref<3276800xi32, #tpu.memory_space<hbm>> -> memref<512xi32, #tpu.memory_space<hbm>>
    %dma_start3A_596 = tpu.memref_slice %arg2[%add3A_594] : memref<3276800xi32, #tpu.memory_space<hbm>> -> memref<512xi32, #tpu.memory_space<hbm>>
    tpu.enqueue_dma source(%dma_start3A_596 : memref<512xi32, #tpu.memory_space<hbm>>) target(%arg6 : memref<512xi32, #tpu.memory_space<vmem>>) target_semaphore(%arg12 : memref<!tpu.dma_semaphore, #tpu.memory_space<semaphore_mem>>)
    %scan3A_597 = arith.constant 0 : i32
    %scan3A_598 = arith.constant 1 : i32
    %scan3A_599 = arith.constant 98 : i32
    %scan3A_600 = arith.addi %scan3A_598, %scan3A_599 : i32
    %scan3A_601 = arith.constant 1 : i32
    scf.for %scan3A_1228 = %scan3A_598 to %scan3A_600 step %scan3A_601  : i32 {
      %mul3A_1229 = arith.constant 2 : i32
      %mul3A_1230 = arith.muli %mul3A_1229, %scan3A_1228 : i32
      %dma_wait3A_1231 = arith.constant 0 : i32
      %dma_wait3A_1232 = arith.constant 0 : i32
      %dma_wait3A_1233 = tpu.memref_slice %arg7[%dma_wait3A_1231, %dma_wait3A_1232] : memref<512x32xf32, #tpu.memory_space<vmem>> -> memref<256x32xf32, #tpu.memory_space<vmem>>
      %dma_wait3A_1234 = arith.constant 0 : i32
      %dma_wait3A_1235 = tpu.memref_slice %arg5[%dma_wait3A_1234] : memref<512xi32, #tpu.memory_space<vmem>> -> memref<256xi32, #tpu.memory_space<vmem>>
      %dma_wait3A_1236 = arith.constant 0 : i32
      %dma_wait3A_1237 = arith.constant 0 : i32
      %dma_wait3A_1238 = tpu.memref_slice %arg3[%dma_wait3A_1236, %dma_wait3A_1237] : memref<1000000x32xf32, #tpu.memory_space<hbm>> -> memref<1000000x32xf32, #tpu.memory_space<hbm>>
      tpu.wait_indirect_dma semaphore(%arg13 : memref<!tpu.dma_semaphore, #tpu.memory_space<semaphore_mem>>) src(%dma_wait3A_1238 : memref<1000000x32xf32, #tpu.memory_space<hbm>>) dst(%dma_wait3A_1233 : memref<256x32xf32, #tpu.memory_space<vmem>>)
      %dma_wait3A_1239 = arith.constant 256 : i32
      %dma_wait3A_1240 = arith.constant 0 : i32
      %dma_wait3A_1241 = tpu.memref_slice %arg7[%dma_wait3A_1239, %dma_wait3A_1240] : memref<512x32xf32, #tpu.memory_space<vmem>> -> memref<256x32xf32, #tpu.memory_space<vmem>>
      %dma_wait3A_1242 = arith.constant 256 : i32
      %dma_wait3A_1243 = tpu.memref_slice %arg5[%dma_wait3A_1242] : memref<512xi32, #tpu.memory_space<vmem>> -> memref<256xi32, #tpu.memory_space<vmem>>
      %dma_wait3A_1244 = arith.constant 0 : i32
      %dma_wait3A_1245 = arith.constant 0 : i32
      %dma_wait3A_1246 = tpu.memref_slice %arg3[%dma_wait3A_1244, %dma_wait3A_1245] : memref<1000000x32xf32, #tpu.memory_space<hbm>> -> memref<1000000x32xf32, #tpu.memory_space<hbm>>
      tpu.wait_indirect_dma semaphore(%arg13 : memref<!tpu.dma_semaphore, #tpu.memory_space<semaphore_mem>>) src(%dma_wait3A_1246 : memref<1000000x32xf32, #tpu.memory_space<hbm>>) dst(%dma_wait3A_1241 : memref<256x32xf32, #tpu.memory_space<vmem>>)
      %add3A_1247 = arith.constant 1 : i32
      %add3A_1248 = arith.addi %mul3A_1230, %add3A_1247 : i32
      %add3A_1249 = arith.addi %mul3A_2, %add3A_1248 : i32
      %jit3A_1250 = arith.constant 32 : i32
      %div3A_1251 = arith.divsi %add3A_1249, %jit3A_1250 : i32
      %sign3A_1252 = arith.constant 0 : i32
      %sign3A_1253 = arith.cmpi sgt, %add3A_1249, %sign3A_1252 : i32
      %sign3A_1254 = arith.extui %sign3A_1253 : i1 to i32
      %sign3A_1255 = arith.constant 0 : i32
      %sign3A_1256 = arith.cmpi slt, %add3A_1249, %sign3A_1255 : i32
      %sign3A_1257 = arith.extui %sign3A_1256 : i1 to i32
      %sign3A_1258 = arith.subi %sign3A_1254, %sign3A_1257 : i32
      %sign3A_1259 = arith.constant 0 : i32
      %sign3A_1260 = arith.cmpi sgt, %jit3A_1250, %sign3A_1259 : i32
      %sign3A_1261 = arith.extui %sign3A_1260 : i1 to i32
      %sign3A_1262 = arith.constant 0 : i32
      %sign3A_1263 = arith.cmpi slt, %jit3A_1250, %sign3A_1262 : i32
      %sign3A_1264 = arith.extui %sign3A_1263 : i1 to i32
      %sign3A_1265 = arith.subi %sign3A_1261, %sign3A_1264 : i32
      %ne3A_1266 = arith.cmpi ne, %sign3A_1258, %sign3A_1265 : i32
      %rem3A_1267 = arith.remsi %add3A_1249, %jit3A_1250 : i32
      %ne3A_1268 = arith.constant 0 : i32
      %ne3A_1269 = arith.cmpi ne, %rem3A_1267, %ne3A_1268 : i32
      %and3A_1270 = arith.andi %ne3A_1266, %ne3A_1269 : i1
      %sub3A_1271 = arith.constant 1 : i32
      %sub3A_1272 = arith.subi %div3A_1251, %sub3A_1271 : i32
      %select_n3A_1273 = arith.select %and3A_1270, %sub3A_1272, %div3A_1251 : i32
      %jit3A_1274 = arith.constant 32 : i32
      %eq3A_1275 = arith.constant 0 : i32
      %eq3A_1276 = arith.cmpi eq, %jit3A_1274, %eq3A_1275 : i32
      %jit3A_1277 = arith.constant 1 : i32
      %select_n3A_1278 = arith.select %eq3A_1276, %jit3A_1277, %jit3A_1274 : i32
      %rem3A_1279 = arith.remsi %add3A_1249, %select_n3A_1278 : i32
      %ne3A_1280 = arith.constant 0 : i32
      %ne3A_1281 = arith.cmpi ne, %rem3A_1279, %ne3A_1280 : i32
      %lt3A_1282 = arith.constant 0 : i32
      %lt3A_1283 = arith.cmpi slt, %rem3A_1279, %lt3A_1282 : i32
      %lt3A_1284 = arith.constant 0 : i32
      %lt3A_1285 = arith.cmpi slt, %select_n3A_1278, %lt3A_1284 : i32
      %ne3A_1286 = arith.xori %lt3A_1283, %lt3A_1285 : i1
      %and3A_1287 = arith.andi %ne3A_1286, %ne3A_1281 : i1
      %add3A_1288 = arith.addi %rem3A_1279, %select_n3A_1278 : i32
      %select_n3A_1289 = arith.select %and3A_1287, %add3A_1288, %rem3A_1279 : i32
      %mul3A_1290 = arith.constant 16384 : i32
      %mul3A_1291 = arith.muli %select_n3A_1273, %mul3A_1290 : i32
      %mul3A_1292 = arith.constant 512 : i32
      %mul3A_1293 = arith.muli %select_n3A_1289, %mul3A_1292 : i32
      %add3A_1294 = arith.addi %mul3A_1291, %mul3A_1293 : i32
      %dma_wait3A_1295 = tpu.memref_slice %arg2[%add3A_1294] : memref<3276800xi32, #tpu.memory_space<hbm>> -> memref<512xi32, #tpu.memory_space<hbm>>
      %dma_wait3A_1296 = tpu.memref_slice %arg2[%add3A_1294] : memref<3276800xi32, #tpu.memory_space<hbm>> -> memref<512xi32, #tpu.memory_space<hbm>>
      tpu.wait_dma2 semaphore(%arg12 : memref<!tpu.dma_semaphore, #tpu.memory_space<semaphore_mem>>) src(%dma_wait3A_1296 : memref<512xi32, #tpu.memory_space<hbm>>) dst(%arg6 : memref<512xi32, #tpu.memory_space<vmem>>)
      %dma_start3A_1297 = arith.constant 0 : i32
      %dma_start3A_1298 = arith.constant 0 : i32
      %dma_start3A_1299 = tpu.memref_slice %arg8[%dma_start3A_1297, %dma_start3A_1298] : memref<512x32xf32, #tpu.memory_space<vmem>> -> memref<256x32xf32, #tpu.memory_space<vmem>>
      %dma_start3A_1300 = arith.constant 0 : i32
      %dma_start3A_1301 = tpu.memref_slice %arg6[%dma_start3A_1300] : memref<512xi32, #tpu.memory_space<vmem>> -> memref<256xi32, #tpu.memory_space<vmem>>
      %dma_start3A_1302 = arith.constant 0 : i32
      %dma_start3A_1303 = arith.constant 0 : i32
      %dma_start3A_1304 = tpu.memref_slice %arg3[%dma_start3A_1302, %dma_start3A_1303] : memref<1000000x32xf32, #tpu.memory_space<hbm>> -> memref<1000000x32xf32, #tpu.memory_space<hbm>>
      tpu.enqueue_indirect_dma source(%dma_start3A_1304 : memref<1000000x32xf32, #tpu.memory_space<hbm>>) target(%dma_start3A_1299 : memref<256x32xf32, #tpu.memory_space<vmem>>) offsets(%dma_start3A_1301 : memref<256xi32, #tpu.memory_space<vmem>>) semaphore(%arg14 : memref<!tpu.dma_semaphore, #tpu.memory_space<semaphore_mem>>)
      %dma_start3A_1305 = arith.constant 256 : i32
      %dma_start3A_1306 = arith.constant 0 : i32
      %dma_start3A_1307 = tpu.memref_slice %arg8[%dma_start3A_1305, %dma_start3A_1306] : memref<512x32xf32, #tpu.memory_space<vmem>> -> memref<256x32xf32, #tpu.memory_space<vmem>>
      %dma_start3A_1308 = arith.constant 256 : i32
      %dma_start3A_1309 = tpu.memref_slice %arg6[%dma_start3A_1308] : memref<512xi32, #tpu.memory_space<vmem>> -> memref<256xi32, #tpu.memory_space<vmem>>
      %dma_start3A_1310 = arith.constant 0 : i32
      %dma_start3A_1311 = arith.constant 0 : i32
      %dma_start3A_1312 = tpu.memref_slice %arg3[%dma_start3A_1310, %dma_start3A_1311] : memref<1000000x32xf32, #tpu.memory_space<hbm>> -> memref<1000000x32xf32, #tpu.memory_space<hbm>>
      tpu.enqueue_indirect_dma source(%dma_start3A_1312 : memref<1000000x32xf32, #tpu.memory_space<hbm>>) target(%dma_start3A_1307 : memref<256x32xf32, #tpu.memory_space<vmem>>) offsets(%dma_start3A_1309 : memref<256xi32, #tpu.memory_space<vmem>>) semaphore(%arg14 : memref<!tpu.dma_semaphore, #tpu.memory_space<semaphore_mem>>)
      %sub3A_1313 = arith.constant 2 : i32
      %sub3A_1314 = arith.subi %mul3A_1230, %sub3A_1313 : i32
      %add3A_1315 = arith.addi %mul3A_2, %sub3A_1314 : i32
      %jit3A_1316 = arith.constant 32 : i32
      %div3A_1317 = arith.divsi %add3A_1315, %jit3A_1316 : i32
      %sign3A_1318 = arith.constant 0 : i32
      %sign3A_1319 = arith.cmpi sgt, %add3A_1315, %sign3A_1318 : i32
      %sign3A_1320 = arith.extui %sign3A_1319 : i1 to i32
      %sign3A_1321 = arith.constant 0 : i32
      %sign3A_1322 = arith.cmpi slt, %add3A_1315, %sign3A_1321 : i32
      %sign3A_1323 = arith.extui %sign3A_1322 : i1 to i32
      %sign3A_1324 = arith.subi %sign3A_1320, %sign3A_1323 : i32
      %sign3A_1325 = arith.constant 0 : i32
      %sign3A_1326 = arith.cmpi sgt, %jit3A_1316, %sign3A_1325 : i32
      %sign3A_1327 = arith.extui %sign3A_1326 : i1 to i32
      %sign3A_1328 = arith.constant 0 : i32
      %sign3A_1329 = arith.cmpi slt, %jit3A_1316, %sign3A_1328 : i32
      %sign3A_1330 = arith.extui %sign3A_1329 : i1 to i32
      %sign3A_1331 = arith.subi %sign3A_1327, %sign3A_1330 : i32
      %ne3A_1332 = arith.cmpi ne, %sign3A_1324, %sign3A_1331 : i32
      %rem3A_1333 = arith.remsi %add3A_1315, %jit3A_1316 : i32
      %ne3A_1334 = arith.constant 0 : i32
      %ne3A_1335 = arith.cmpi ne, %rem3A_1333, %ne3A_1334 : i32
      %and3A_1336 = arith.andi %ne3A_1332, %ne3A_1335 : i1
      %sub3A_1337 = arith.constant 1 : i32
      %sub3A_1338 = arith.subi %div3A_1317, %sub3A_1337 : i32
      %select_n3A_1339 = arith.select %and3A_1336, %sub3A_1338, %div3A_1317 : i32
      %jit3A_1340 = arith.constant 32 : i32
      %eq3A_1341 = arith.constant 0 : i32
      %eq3A_1342 = arith.cmpi eq, %jit3A_1340, %eq3A_1341 : i32
      %jit3A_1343 = arith.constant 1 : i32
      %select_n3A_1344 = arith.select %eq3A_1342, %jit3A_1343, %jit3A_1340 : i32
      %rem3A_1345 = arith.remsi %add3A_1315, %select_n3A_1344 : i32
      %ne3A_1346 = arith.constant 0 : i32
      %ne3A_1347 = arith.cmpi ne, %rem3A_1345, %ne3A_1346 : i32
      %lt3A_1348 = arith.constant 0 : i32
      %lt3A_1349 = arith.cmpi slt, %rem3A_1345, %lt3A_1348 : i32
      %lt3A_1350 = arith.constant 0 : i32
      %lt3A_1351 = arith.cmpi slt, %select_n3A_1344, %lt3A_1350 : i32
      %ne3A_1352 = arith.xori %lt3A_1349, %lt3A_1351 : i1
      %and3A_1353 = arith.andi %ne3A_1352, %ne3A_1347 : i1
      %add3A_1354 = arith.addi %rem3A_1345, %select_n3A_1344 : i32
      %select_n3A_1355 = arith.select %and3A_1353, %add3A_1354, %rem3A_1345 : i32
      %mul3A_1356 = arith.constant 4096 : i32
      %mul3A_1357 = arith.muli %select_n3A_1355, %mul3A_1356 : i32
      %mul3A_1358 = arith.constant 4096 : i32
      %mul3A_1359 = arith.muli %select_n3A_1355, %mul3A_1358 : i32
      %mul3A_1360 = arith.constant 4096 : i32
      %mul3A_1361 = arith.muli %select_n3A_1355, %mul3A_1360 : i32
      %mul3A_1362 = arith.constant 4096 : i32
      %mul3A_1363 = arith.muli %select_n3A_1355, %mul3A_1362 : i32
      %dma_wait3A_1364 = arith.constant 0 : i32
      %dma_wait3A_1365 = arith.constant 0 : i32
      %dma_wait3A_1366 = tpu.memref_slice %arg9[%dma_wait3A_1365] : memref<16384xf32, #tpu.memory_space<vmem>> -> memref<4096xf32, #tpu.memory_space<vmem>>
      %dma_wait3A_1367 = tpu.memref_slice %arg4[%select_n3A_1339, %dma_wait3A_1364, %mul3A_1357] : memref<200x4x131072xf32, #tpu.memory_space<hbm>> -> memref<1x1x4096xf32, #tpu.memory_space<hbm>>
      %dma_wait3A_1368 = tpu.memref_squeeze %dma_wait3A_1367 : memref<1x1x4096xf32, #tpu.memory_space<hbm>> -> memref<4096xf32, #tpu.memory_space<hbm>>
      %dma_wait3A_1369 = tpu.memref_slice %arg4[%select_n3A_1339, %dma_wait3A_1364, %mul3A_1357] : memref<200x4x131072xf32, #tpu.memory_space<hbm>> -> memref<1x1x4096xf32, #tpu.memory_space<hbm>>
      %dma_wait3A_1370 = tpu.memref_squeeze %dma_wait3A_1369 : memref<1x1x4096xf32, #tpu.memory_space<hbm>> -> memref<4096xf32, #tpu.memory_space<hbm>>
      %dma_wait3A_1371 = arith.constant 0 : i32
      %dma_wait3A_1372 = tpu.memref_slice %arg9[%dma_wait3A_1371] : memref<16384xf32, #tpu.memory_space<vmem>> -> memref<4096xf32, #tpu.memory_space<vmem>>
      tpu.wait_dma2 semaphore(%arg15 : memref<!tpu.dma_semaphore, #tpu.memory_space<semaphore_mem>>) src(%dma_wait3A_1372 : memref<4096xf32, #tpu.memory_space<vmem>>) dst(%dma_wait3A_1370 : memref<4096xf32, #tpu.memory_space<hbm>>)
      %dma_wait3A_1373 = arith.constant 1 : i32
      %dma_wait3A_1374 = arith.constant 4096 : i32
      %dma_wait3A_1375 = tpu.memref_slice %arg9[%dma_wait3A_1374] : memref<16384xf32, #tpu.memory_space<vmem>> -> memref<4096xf32, #tpu.memory_space<vmem>>
      %dma_wait3A_1376 = tpu.memref_slice %arg4[%select_n3A_1339, %dma_wait3A_1373, %mul3A_1359] : memref<200x4x131072xf32, #tpu.memory_space<hbm>> -> memref<1x1x4096xf32, #tpu.memory_space<hbm>>
      %dma_wait3A_1377 = tpu.memref_squeeze %dma_wait3A_1376 : memref<1x1x4096xf32, #tpu.memory_space<hbm>> -> memref<4096xf32, #tpu.memory_space<hbm>>
      %dma_wait3A_1378 = tpu.memref_slice %arg4[%select_n3A_1339, %dma_wait3A_1373, %mul3A_1359] : memref<200x4x131072xf32, #tpu.memory_space<hbm>> -> memref<1x1x4096xf32, #tpu.memory_space<hbm>>
      %dma_wait3A_1379 = tpu.memref_squeeze %dma_wait3A_1378 : memref<1x1x4096xf32, #tpu.memory_space<hbm>> -> memref<4096xf32, #tpu.memory_space<hbm>>
      %dma_wait3A_1380 = arith.constant 4096 : i32
      %dma_wait3A_1381 = tpu.memref_slice %arg9[%dma_wait3A_1380] : memref<16384xf32, #tpu.memory_space<vmem>> -> memref<4096xf32, #tpu.memory_space<vmem>>
      tpu.wait_dma2 semaphore(%arg15 : memref<!tpu.dma_semaphore, #tpu.memory_space<semaphore_mem>>) src(%dma_wait3A_1381 : memref<4096xf32, #tpu.memory_space<vmem>>) dst(%dma_wait3A_1379 : memref<4096xf32, #tpu.memory_space<hbm>>)
      %dma_wait3A_1382 = arith.constant 2 : i32
      %dma_wait3A_1383 = arith.constant 8192 : i32
      %dma_wait3A_1384 = tpu.memref_slice %arg9[%dma_wait3A_1383] : memref<16384xf32, #tpu.memory_space<vmem>> -> memref<4096xf32, #tpu.memory_space<vmem>>
      %dma_wait3A_1385 = tpu.memref_slice %arg4[%select_n3A_1339, %dma_wait3A_1382, %mul3A_1361] : memref<200x4x131072xf32, #tpu.memory_space<hbm>> -> memref<1x1x4096xf32, #tpu.memory_space<hbm>>
      %dma_wait3A_1386 = tpu.memref_squeeze %dma_wait3A_1385 : memref<1x1x4096xf32, #tpu.memory_space<hbm>> -> memref<4096xf32, #tpu.memory_space<hbm>>
      %dma_wait3A_1387 = tpu.memref_slice %arg4[%select_n3A_1339, %dma_wait3A_1382, %mul3A_1361] : memref<200x4x131072xf32, #tpu.memory_space<hbm>> -> memref<1x1x4096xf32, #tpu.memory_space<hbm>>
      %dma_wait3A_1388 = tpu.memref_squeeze %dma_wait3A_1387 : memref<1x1x4096xf32, #tpu.memory_space<hbm>> -> memref<4096xf32, #tpu.memory_space<hbm>>
      %dma_wait3A_1389 = arith.constant 8192 : i32
      %dma_wait3A_1390 = tpu.memref_slice %arg9[%dma_wait3A_1389] : memref<16384xf32, #tpu.memory_space<vmem>> -> memref<4096xf32, #tpu.memory_space<vmem>>
      tpu.wait_dma2 semaphore(%arg15 : memref<!tpu.dma_semaphore, #tpu.memory_space<semaphore_mem>>) src(%dma_wait3A_1390 : memref<4096xf32, #tpu.memory_space<vmem>>) dst(%dma_wait3A_1388 : memref<4096xf32, #tpu.memory_space<hbm>>)
      %dma_wait3A_1391 = arith.constant 3 : i32
      %dma_wait3A_1392 = arith.constant 12288 : i32
      %dma_wait3A_1393 = tpu.memref_slice %arg9[%dma_wait3A_1392] : memref<16384xf32, #tpu.memory_space<vmem>> -> memref<4096xf32, #tpu.memory_space<vmem>>
      %dma_wait3A_1394 = tpu.memref_slice %arg4[%select_n3A_1339, %dma_wait3A_1391, %mul3A_1363] : memref<200x4x131072xf32, #tpu.memory_space<hbm>> -> memref<1x1x4096xf32, #tpu.memory_space<hbm>>
      %dma_wait3A_1395 = tpu.memref_squeeze %dma_wait3A_1394 : memref<1x1x4096xf32, #tpu.memory_space<hbm>> -> memref<4096xf32, #tpu.memory_space<hbm>>
      %dma_wait3A_1396 = tpu.memref_slice %arg4[%select_n3A_1339, %dma_wait3A_1391, %mul3A_1363] : memref<200x4x131072xf32, #tpu.memory_space<hbm>> -> memref<1x1x4096xf32, #tpu.memory_space<hbm>>
      %dma_wait3A_1397 = tpu.memref_squeeze %dma_wait3A_1396 : memref<1x1x4096xf32, #tpu.memory_space<hbm>> -> memref<4096xf32, #tpu.memory_space<hbm>>
      %dma_wait3A_1398 = arith.constant 12288 : i32
      %dma_wait3A_1399 = tpu.memref_slice %arg9[%dma_wait3A_1398] : memref<16384xf32, #tpu.memory_space<vmem>> -> memref<4096xf32, #tpu.memory_space<vmem>>
      tpu.wait_dma2 semaphore(%arg15 : memref<!tpu.dma_semaphore, #tpu.memory_space<semaphore_mem>>) src(%dma_wait3A_1399 : memref<4096xf32, #tpu.memory_space<vmem>>) dst(%dma_wait3A_1397 : memref<4096xf32, #tpu.memory_space<hbm>>)
      %scan3A_1400 = arith.constant 0 : i32
      %scan3A_1401 = arith.constant 0 : i32
      %scan3A_1402 = arith.constant 32 : i32
      %scan3A_1403 = arith.addi %scan3A_1401, %scan3A_1402 : i32
      %scan3A_1404 = arith.constant 1 : i32
      scf.for %scan3A_1853 = %scan3A_1401 to %scan3A_1403 step %scan3A_1404  : i32 {
        %add3A_1854 = vector.broadcast %scan3A_1853 : i32 to vector<16xi32>
        %add3A_1855 = arith.addi %add3A_1854, %iota3A : vector<16xi32>
        %and3A_1856 = arith.constant 31 : i32
        %and3A_1857 = vector.broadcast %and3A_1856 : i32 to vector<16xi32>
        %and3A_1858 = arith.andi %add3A_1855, %and3A_1857 : vector<16xi32>
        %and3A_1859 = arith.constant 24 : i32
        %and3A_1860 = vector.broadcast %and3A_1859 : i32 to vector<16xi32>
        %and3A_1861 = arith.andi %and3A_1858, %and3A_1860 : vector<16xi32>
        %shift_left3A = arith.constant 9 : i32
        %shift_left3A_1862 = vector.broadcast %shift_left3A : i32 to vector<16xi32>
        %shift_left3A_1863 = arith.shli %and3A_1861, %shift_left3A_1862 : vector<16xi32>
        %and3A_1864 = arith.constant 7 : i32
        %and3A_1865 = vector.broadcast %and3A_1864 : i32 to vector<16xi32>
        %and3A_1866 = arith.andi %and3A_1858, %and3A_1865 : vector<16xi32>
        %shift_left3A_1867 = arith.constant 7 : i32
        %shift_left3A_1868 = vector.broadcast %shift_left3A_1867 : i32 to vector<16xi32>
        %shift_left3A_1869 = arith.shli %and3A_1866, %shift_left3A_1868 : vector<16xi32>
        %add3A_1870 = arith.addi %shift_left3A_1863, %shift_left3A_1869 : vector<16xi32>
        %add3A_1871 = arith.addi %add3A_1870, %iota3A : vector<16xi32>
        %add3A_1872 = arith.constant 0 : i32
        %add3A_1873 = vector.broadcast %add3A_1872 : i32 to vector<16xi32>
        %add3A_1874 = arith.addi %iota3A, %add3A_1873 : vector<16xi32>
        %gather3A = tpu.vector_load_idx %arg7[%add3A_1874, %and3A_1858] : memref<512x32xf32, #tpu.memory_space<vmem>>[vector<16xi32>, vector<16xi32>], vector<16xf32>,
        %add3A_1875 = arith.constant 16 : i32
        %add3A_1876 = vector.broadcast %add3A_1875 : i32 to vector<16xi32>
        %add3A_1877 = arith.addi %iota3A, %add3A_1876 : vector<16xi32>
        %gather3A_1878 = tpu.vector_load_idx %arg7[%add3A_1877, %and3A_1858] : memref<512x32xf32, #tpu.memory_space<vmem>>[vector<16xi32>, vector<16xi32>], vector<16xf32>,
        %add3A_1879 = arith.constant 32 : i32
        %add3A_1880 = vector.broadcast %add3A_1879 : i32 to vector<16xi32>
        %add3A_1881 = arith.addi %iota3A, %add3A_1880 : vector<16xi32>
        %gather3A_1882 = tpu.vector_load_idx %arg7[%add3A_1881, %and3A_1858] : memref<512x32xf32, #tpu.memory_space<vmem>>[vector<16xi32>, vector<16xi32>], vector<16xf32>,
        %add3A_1883 = arith.constant 48 : i32
        %add3A_1884 = vector.broadcast %add3A_1883 : i32 to vector<16xi32>
        %add3A_1885 = arith.addi %iota3A, %add3A_1884 : vector<16xi32>
        %gather3A_1886 = tpu.vector_load_idx %arg7[%add3A_1885, %and3A_1858] : memref<512x32xf32, #tpu.memory_space<vmem>>[vector<16xi32>, vector<16xi32>], vector<16xf32>,
        %add3A_1887 = arith.constant 64 : i32
        %add3A_1888 = vector.broadcast %add3A_1887 : i32 to vector<16xi32>
        %add3A_1889 = arith.addi %iota3A, %add3A_1888 : vector<16xi32>
        %gather3A_1890 = tpu.vector_load_idx %arg7[%add3A_1889, %and3A_1858] : memref<512x32xf32, #tpu.memory_space<vmem>>[vector<16xi32>, vector<16xi32>], vector<16xf32>,
        %add3A_1891 = arith.constant 0 : i32
        %add3A_1892 = vector.broadcast %add3A_1891 : i32 to vector<16xi32>
        %add3A_1893 = arith.addi %add3A_1871, %add3A_1892 : vector<16xi32>
        tpu.vector_store_idx %arg9[%add3A_1893], %gather3A : memref<16384xf32, #tpu.memory_space<vmem>>[vector<16xi32>], vector<16xf32>,
        %add3A_1894 = arith.constant 80 : i32
        %add3A_1895 = vector.broadcast %add3A_1894 : i32 to vector<16xi32>
        %add3A_1896 = arith.addi %iota3A, %add3A_1895 : vector<16xi32>
        %gather3A_1897 = tpu.vector_load_idx %arg7[%add3A_1896, %and3A_1858] : memref<512x32xf32, #tpu.memory_space<vmem>>[vector<16xi32>, vector<16xi32>], vector<16xf32>,
        %add3A_1898 = arith.constant 16 : i32
        %add3A_1899 = vector.broadcast %add3A_1898 : i32 to vector<16xi32>
        %add3A_1900 = arith.addi %add3A_1871, %add3A_1899 : vector<16xi32>
        tpu.vector_store_idx %arg9[%add3A_1900], %gather3A_1878 : memref<16384xf32, #tpu.memory_space<vmem>>[vector<16xi32>], vector<16xf32>,
        %add3A_1901 = arith.constant 96 : i32
        %add3A_1902 = vector.broadcast %add3A_1901 : i32 to vector<16xi32>
        %add3A_1903 = arith.addi %iota3A, %add3A_1902 : vector<16xi32>
        %gather3A_1904 = tpu.vector_load_idx %arg7[%add3A_1903, %and3A_1858] : memref<512x32xf32, #tpu.memory_space<vmem>>[vector<16xi32>, vector<16xi32>], vector<16xf32>,
        %add3A_1905 = arith.constant 32 : i32
        %add3A_1906 = vector.broadcast %add3A_1905 : i32 to vector<16xi32>
        %add3A_1907 = arith.addi %add3A_1871, %add3A_1906 : vector<16xi32>
        tpu.vector_store_idx %arg9[%add3A_1907], %gather3A_1882 : memref<16384xf32, #tpu.memory_space<vmem>>[vector<16xi32>], vector<16xf32>,
        %add3A_1908 = arith.constant 112 : i32
        %add3A_1909 = vector.broadcast %add3A_1908 : i32 to vector<16xi32>
        %add3A_1910 = arith.addi %iota3A, %add3A_1909 : vector<16xi32>
        %gather3A_1911 = tpu.vector_load_idx %arg7[%add3A_1910, %and3A_1858] : memref<512x32xf32, #tpu.memory_space<vmem>>[vector<16xi32>, vector<16xi32>], vector<16xf32>,
        %add3A_1912 = arith.constant 48 : i32
        %add3A_1913 = vector.broadcast %add3A_1912 : i32 to vector<16xi32>
        %add3A_1914 = arith.addi %add3A_1871, %add3A_1913 : vector<16xi32>
        tpu.vector_store_idx %arg9[%add3A_1914], %gather3A_1886 : memref<16384xf32, #tpu.memory_space<vmem>>[vector<16xi32>], vector<16xf32>,
        %add3A_1915 = arith.constant 128 : i32
        %add3A_1916 = vector.broadcast %add3A_1915 : i32 to vector<16xi32>
        %add3A_1917 = arith.addi %iota3A, %add3A_1916 : vector<16xi32>
        %gather3A_1918 = tpu.vector_load_idx %arg7[%add3A_1917, %and3A_1858] : memref<512x32xf32, #tpu.memory_space<vmem>>[vector<16xi32>, vector<16xi32>], vector<16xf32>,
        %add3A_1919 = arith.constant 64 : i32
        %add3A_1920 = vector.broadcast %add3A_1919 : i32 to vector<16xi32>
        %add3A_1921 = arith.addi %add3A_1871, %add3A_1920 : vector<16xi32>
        tpu.vector_store_idx %arg9[%add3A_1921], %gather3A_1890 : memref<16384xf32, #tpu.memory_space<vmem>>[vector<16xi32>], vector<16xf32>,
        %add3A_1922 = arith.constant 144 : i32
        %add3A_1923 = vector.broadcast %add3A_1922 : i32 to vector<16xi32>
        %add3A_1924 = arith.addi %iota3A, %add3A_1923 : vector<16xi32>
        %gather3A_1925 = tpu.vector_load_idx %arg7[%add3A_1924, %and3A_1858] : memref<512x32xf32, #tpu.memory_space<vmem>>[vector<16xi32>, vector<16xi32>], vector<16xf32>,
        %add3A_1926 = arith.constant 80 : i32
        %add3A_1927 = vector.broadcast %add3A_1926 : i32 to vector<16xi32>
        %add3A_1928 = arith.addi %add3A_1871, %add3A_1927 : vector<16xi32>
        tpu.vector_store_idx %arg9[%add3A_1928], %gather3A_1897 : memref<16384xf32, #tpu.memory_space<vmem>>[vector<16xi32>], vector<16xf32>,
        %add3A_1929 = arith.constant 160 : i32
        %add3A_1930 = vector.broadcast %add3A_1929 : i32 to vector<16xi32>
        %add3A_1931 = arith.addi %iota3A, %add3A_1930 : vector<16xi32>
        %gather3A_1932 = tpu.vector_load_idx %arg7[%add3A_1931, %and3A_1858] : memref<512x32xf32, #tpu.memory_space<vmem>>[vector<16xi32>, vector<16xi32>], vector<16xf32>,
        %add3A_1933 = arith.constant 96 : i32
        %add3A_1934 = vector.broadcast %add3A_1933 : i32 to vector<16xi32>
        %add3A_1935 = arith.addi %add3A_1871, %add3A_1934 : vector<16xi32>
        tpu.vector_store_idx %arg9[%add3A_1935], %gather3A_1904 : memref<16384xf32, #tpu.memory_space<vmem>>[vector<16xi32>], vector<16xf32>,
        %add3A_1936 = arith.constant 176 : i32
        %add3A_1937 = vector.broadcast %add3A_1936 : i32 to vector<16xi32>
        %add3A_1938 = arith.addi %iota3A, %add3A_1937 : vector<16xi32>
        %gather3A_1939 = tpu.vector_load_idx %arg7[%add3A_1938, %and3A_1858] : memref<512x32xf32, #tpu.memory_space<vmem>>[vector<16xi32>, vector<16xi32>], vector<16xf32>,
        %add3A_1940 = arith.constant 112 : i32
        %add3A_1941 = vector.broadcast %add3A_1940 : i32 to vector<16xi32>
        %add3A_1942 = arith.addi %add3A_1871, %add3A_1941 : vector<16xi32>
        tpu.vector_store_idx %arg9[%add3A_1942], %gather3A_1911 : memref<16384xf32, #tpu.memory_space<vmem>>[vector<16xi32>], vector<16xf32>,
        %add3A_1943 = arith.constant 192 : i32
        %add3A_1944 = vector.broadcast %add3A_1943 : i32 to vector<16xi32>
        %add3A_1945 = arith.addi %iota3A, %add3A_1944 : vector<16xi32>
        %gather3A_1946 = tpu.vector_load_idx %arg7[%add3A_1945, %and3A_1858] : memref<512x32xf32, #tpu.memory_space<vmem>>[vector<16xi32>, vector<16xi32>], vector<16xf32>,
        %add3A_1947 = arith.constant 1024 : i32
        %add3A_1948 = vector.broadcast %add3A_1947 : i32 to vector<16xi32>
        %add3A_1949 = arith.addi %add3A_1871, %add3A_1948 : vector<16xi32>
        tpu.vector_store_idx %arg9[%add3A_1949], %gather3A_1918 : memref<16384xf32, #tpu.memory_space<vmem>>[vector<16xi32>], vector<16xf32>,
        %add3A_1950 = arith.constant 208 : i32
        %add3A_1951 = vector.broadcast %add3A_1950 : i32 to vector<16xi32>
        %add3A_1952 = arith.addi %iota3A, %add3A_1951 : vector<16xi32>
        %gather3A_1953 = tpu.vector_load_idx %arg7[%add3A_1952, %and3A_1858] : memref<512x32xf32, #tpu.memory_space<vmem>>[vector<16xi32>, vector<16xi32>], vector<16xf32>,
        %add3A_1954 = arith.constant 1040 : i32
        %add3A_1955 = vector.broadcast %add3A_1954 : i32 to vector<16xi32>
        %add3A_1956 = arith.addi %add3A_1871, %add3A_1955 : vector<16xi32>
        tpu.vector_store_idx %arg9[%add3A_1956], %gather3A_1925 : memref<16384xf32, #tpu.memory_space<vmem>>[vector<16xi32>], vector<16xf32>,
        %add3A_1957 = arith.constant 224 : i32
        %add3A_1958 = vector.broadcast %add3A_1957 : i32 to vector<16xi32>
        %add3A_1959 = arith.addi %iota3A, %add3A_1958 : vector<16xi32>
        %gather3A_1960 = tpu.vector_load_idx %arg7[%add3A_1959, %and3A_1858] : memref<512x32xf32, #tpu.memory_space<vmem>>[vector<16xi32>, vector<16xi32>], vector<16xf32>,
        %add3A_1961 = arith.constant 1056 : i32
        %add3A_1962 = vector.broadcast %add3A_1961 : i32 to vector<16xi32>
        %add3A_1963 = arith.addi %add3A_1871, %add3A_1962 : vector<16xi32>
        tpu.vector_store_idx %arg9[%add3A_1963], %gather3A_1932 : memref<16384xf32, #tpu.memory_space<vmem>>[vector<16xi32>], vector<16xf32>,
        %add3A_1964 = arith.constant 240 : i32
        %add3A_1965 = vector.broadcast %add3A_1964 : i32 to vector<16xi32>
        %add3A_1966 = arith.addi %iota3A, %add3A_1965 : vector<16xi32>
        %gather3A_1967 = tpu.vector_load_idx %arg7[%add3A_1966, %and3A_1858] : memref<512x32xf32, #tpu.memory_space<vmem>>[vector<16xi32>, vector<16xi32>], vector<16xf32>,
        %add3A_1968 = arith.constant 1072 : i32
        %add3A_1969 = vector.broadcast %add3A_1968 : i32 to vector<16xi32>
        %add3A_1970 = arith.addi %add3A_1871, %add3A_1969 : vector<16xi32>
        tpu.vector_store_idx %arg9[%add3A_1970], %gather3A_1939 : memref<16384xf32, #tpu.memory_space<vmem>>[vector<16xi32>], vector<16xf32>,
        %add3A_1971 = arith.constant 256 : i32
        %add3A_1972 = vector.broadcast %add3A_1971 : i32 to vector<16xi32>
        %add3A_1973 = arith.addi %iota3A, %add3A_1972 : vector<16xi32>
        %gather3A_1974 = tpu.vector_load_idx %arg7[%add3A_1973, %and3A_1858] : memref<512x32xf32, #tpu.memory_space<vmem>>[vector<16xi32>, vector<16xi32>], vector<16xf32>,
        %add3A_1975 = arith.constant 1088 : i32
        %add3A_1976 = vector.broadcast %add3A_1975 : i32 to vector<16xi32>
        %add3A_1977 = arith.addi %add3A_1871, %add3A_1976 : vector<16xi32>
        tpu.vector_store_idx %arg9[%add3A_1977], %gather3A_1946 : memref<16384xf32, #tpu.memory_space<vmem>>[vector<16xi32>], vector<16xf32>,
        %add3A_1978 = arith.constant 272 : i32
        %add3A_1979 = vector.broadcast %add3A_1978 : i32 to vector<16xi32>
        %add3A_1980 = arith.addi %iota3A, %add3A_1979 : vector<16xi32>
        %gather3A_1981 = tpu.vector_load_idx %arg7[%add3A_1980, %and3A_1858] : memref<512x32xf32, #tpu.memory_space<vmem>>[vector<16xi32>, vector<16xi32>], vector<16xf32>,
        %add3A_1982 = arith.constant 1104 : i32
        %add3A_1983 = vector.broadcast %add3A_1982 : i32 to vector<16xi32>
        %add3A_1984 = arith.addi %add3A_1871, %add3A_1983 : vector<16xi32>
        tpu.vector_store_idx %arg9[%add3A_1984], %gather3A_1953 : memref<16384xf32, #tpu.memory_space<vmem>>[vector<16xi32>], vector<16xf32>,
        %add3A_1985 = arith.constant 288 : i32
        %add3A_1986 = vector.broadcast %add3A_1985 : i32 to vector<16xi32>
        %add3A_1987 = arith.addi %iota3A, %add3A_1986 : vector<16xi32>
        %gather3A_1988 = tpu.vector_load_idx %arg7[%add3A_1987, %and3A_1858] : memref<512x32xf32, #tpu.memory_space<vmem>>[vector<16xi32>, vector<16xi32>], vector<16xf32>,
        %add3A_1989 = arith.constant 1120 : i32
        %add3A_1990 = vector.broadcast %add3A_1989 : i32 to vector<16xi32>
        %add3A_1991 = arith.addi %add3A_1871, %add3A_1990 : vector<16xi32>
        tpu.vector_store_idx %arg9[%add3A_1991], %gather3A_1960 : memref<16384xf32, #tpu.memory_space<vmem>>[vector<16xi32>], vector<16xf32>,
        %add3A_1992 = arith.constant 304 : i32
        %add3A_1993 = vector.broadcast %add3A_1992 : i32 to vector<16xi32>
        %add3A_1994 = arith.addi %iota3A, %add3A_1993 : vector<16xi32>
        %gather3A_1995 = tpu.vector_load_idx %arg7[%add3A_1994, %and3A_1858] : memref<512x32xf32, #tpu.memory_space<vmem>>[vector<16xi32>, vector<16xi32>], vector<16xf32>,
        %add3A_1996 = arith.constant 1136 : i32
        %add3A_1997 = vector.broadcast %add3A_1996 : i32 to vector<16xi32>
        %add3A_1998 = arith.addi %add3A_1871, %add3A_1997 : vector<16xi32>
        tpu.vector_store_idx %arg9[%add3A_1998], %gather3A_1967 : memref<16384xf32, #tpu.memory_space<vmem>>[vector<16xi32>], vector<16xf32>,
        %add3A_1999 = arith.constant 320 : i32
        %add3A_2000 = vector.broadcast %add3A_1999 : i32 to vector<16xi32>
        %add3A_2001 = arith.addi %iota3A, %add3A_2000 : vector<16xi32>
        %gather3A_2002 = tpu.vector_load_idx %arg7[%add3A_2001, %and3A_1858] : memref<512x32xf32, #tpu.memory_space<vmem>>[vector<16xi32>, vector<16xi32>], vector<16xf32>,
        %add3A_2003 = arith.constant 2048 : i32
        %add3A_2004 = vector.broadcast %add3A_2003 : i32 to vector<16xi32>
        %add3A_2005 = arith.addi %add3A_1871, %add3A_2004 : vector<16xi32>
        tpu.vector_store_idx %arg9[%add3A_2005], %gather3A_1974 : memref<16384xf32, #tpu.memory_space<vmem>>[vector<16xi32>], vector<16xf32>,
        %add3A_2006 = arith.constant 336 : i32
        %add3A_2007 = vector.broadcast %add3A_2006 : i32 to vector<16xi32>
        %add3A_2008 = arith.addi %iota3A, %add3A_2007 : vector<16xi32>
        %gather3A_2009 = tpu.vector_load_idx %arg7[%add3A_2008, %and3A_1858] : memref<512x32xf32, #tpu.memory_space<vmem>>[vector<16xi32>, vector<16xi32>], vector<16xf32>,
        %add3A_2010 = arith.constant 2064 : i32
        %add3A_2011 = vector.broadcast %add3A_2010 : i32 to vector<16xi32>
        %add3A_2012 = arith.addi %add3A_1871, %add3A_2011 : vector<16xi32>
        tpu.vector_store_idx %arg9[%add3A_2012], %gather3A_1981 : memref<16384xf32, #tpu.memory_space<vmem>>[vector<16xi32>], vector<16xf32>,
        %add3A_2013 = arith.constant 352 : i32
        %add3A_2014 = vector.broadcast %add3A_2013 : i32 to vector<16xi32>
        %add3A_2015 = arith.addi %iota3A, %add3A_2014 : vector<16xi32>
        %gather3A_2016 = tpu.vector_load_idx %arg7[%add3A_2015, %and3A_1858] : memref<512x32xf32, #tpu.memory_space<vmem>>[vector<16xi32>, vector<16xi32>], vector<16xf32>,
        %add3A_2017 = arith.constant 2080 : i32
        %add3A_2018 = vector.broadcast %add3A_2017 : i32 to vector<16xi32>
        %add3A_2019 = arith.addi %add3A_1871, %add3A_2018 : vector<16xi32>
        tpu.vector_store_idx %arg9[%add3A_2019], %gather3A_1988 : memref<16384xf32, #tpu.memory_space<vmem>>[vector<16xi32>], vector<16xf32>,
        %add3A_2020 = arith.constant 368 : i32
        %add3A_2021 = vector.broadcast %add3A_2020 : i32 to vector<16xi32>
        %add3A_2022 = arith.addi %iota3A, %add3A_2021 : vector<16xi32>
        %gather3A_2023 = tpu.vector_load_idx %arg7[%add3A_2022, %and3A_1858] : memref<512x32xf32, #tpu.memory_space<vmem>>[vector<16xi32>, vector<16xi32>], vector<16xf32>,
        %add3A_2024 = arith.constant 2096 : i32
        %add3A_2025 = vector.broadcast %add3A_2024 : i32 to vector<16xi32>
        %add3A_2026 = arith.addi %add3A_1871, %add3A_2025 : vector<16xi32>
        tpu.vector_store_idx %arg9[%add3A_2026], %gather3A_1995 : memref<16384xf32, #tpu.memory_space<vmem>>[vector<16xi32>], vector<16xf32>,
        %add3A_2027 = arith.constant 384 : i32
        %add3A_2028 = vector.broadcast %add3A_2027 : i32 to vector<16xi32>
        %add3A_2029 = arith.addi %iota3A, %add3A_2028 : vector<16xi32>
        %gather3A_2030 = tpu.vector_load_idx %arg7[%add3A_2029, %and3A_1858] : memref<512x32xf32, #tpu.memory_space<vmem>>[vector<16xi32>, vector<16xi32>], vector<16xf32>,
        %add3A_2031 = arith.constant 2112 : i32
        %add3A_2032 = vector.broadcast %add3A_2031 : i32 to vector<16xi32>
        %add3A_2033 = arith.addi %add3A_1871, %add3A_2032 : vector<16xi32>
        tpu.vector_store_idx %arg9[%add3A_2033], %gather3A_2002 : memref<16384xf32, #tpu.memory_space<vmem>>[vector<16xi32>], vector<16xf32>,
        %add3A_2034 = arith.constant 400 : i32
        %add3A_2035 = vector.broadcast %add3A_2034 : i32 to vector<16xi32>
        %add3A_2036 = arith.addi %iota3A, %add3A_2035 : vector<16xi32>
        %gather3A_2037 = tpu.vector_load_idx %arg7[%add3A_2036, %and3A_1858] : memref<512x32xf32, #tpu.memory_space<vmem>>[vector<16xi32>, vector<16xi32>], vector<16xf32>,
        %add3A_2038 = arith.constant 2128 : i32
        %add3A_2039 = vector.broadcast %add3A_2038 : i32 to vector<16xi32>
        %add3A_2040 = arith.addi %add3A_1871, %add3A_2039 : vector<16xi32>
        tpu.vector_store_idx %arg9[%add3A_2040], %gather3A_2009 : memref<16384xf32, #tpu.memory_space<vmem>>[vector<16xi32>], vector<16xf32>,
        %add3A_2041 = arith.constant 416 : i32
        %add3A_2042 = vector.broadcast %add3A_2041 : i32 to vector<16xi32>
        %add3A_2043 = arith.addi %iota3A, %add3A_2042 : vector<16xi32>
        %gather3A_2044 = tpu.vector_load_idx %arg7[%add3A_2043, %and3A_1858] : memref<512x32xf32, #tpu.memory_space<vmem>>[vector<16xi32>, vector<16xi32>], vector<16xf32>,
        %add3A_2045 = arith.constant 2144 : i32
        %add3A_2046 = vector.broadcast %add3A_2045 : i32 to vector<16xi32>
        %add3A_2047 = arith.addi %add3A_1871, %add3A_2046 : vector<16xi32>
        tpu.vector_store_idx %arg9[%add3A_2047], %gather3A_2016 : memref<16384xf32, #tpu.memory_space<vmem>>[vector<16xi32>], vector<16xf32>,
        %add3A_2048 = arith.constant 432 : i32
        %add3A_2049 = vector.broadcast %add3A_2048 : i32 to vector<16xi32>
        %add3A_2050 = arith.addi %iota3A, %add3A_2049 : vector<16xi32>
        %gather3A_2051 = tpu.vector_load_idx %arg7[%add3A_2050, %and3A_1858] : memref<512x32xf32, #tpu.memory_space<vmem>>[vector<16xi32>, vector<16xi32>], vector<16xf32>,
        %add3A_2052 = arith.constant 2160 : i32
        %add3A_2053 = vector.broadcast %add3A_2052 : i32 to vector<16xi32>
        %add3A_2054 = arith.addi %add3A_1871, %add3A_2053 : vector<16xi32>
        tpu.vector_store_idx %arg9[%add3A_2054], %gather3A_2023 : memref<16384xf32, #tpu.memory_space<vmem>>[vector<16xi32>], vector<16xf32>,
        %add3A_2055 = arith.constant 448 : i32
        %add3A_2056 = vector.broadcast %add3A_2055 : i32 to vector<16xi32>
        %add3A_2057 = arith.addi %iota3A, %add3A_2056 : vector<16xi32>
        %gather3A_2058 = tpu.vector_load_idx %arg7[%add3A_2057, %and3A_1858] : memref<512x32xf32, #tpu.memory_space<vmem>>[vector<16xi32>, vector<16xi32>], vector<16xf32>,
        %add3A_2059 = arith.constant 3072 : i32
        %add3A_2060 = vector.broadcast %add3A_2059 : i32 to vector<16xi32>
        %add3A_2061 = arith.addi %add3A_1871, %add3A_2060 : vector<16xi32>
        tpu.vector_store_idx %arg9[%add3A_2061], %gather3A_2030 : memref<16384xf32, #tpu.memory_space<vmem>>[vector<16xi32>], vector<16xf32>,
        %add3A_2062 = arith.constant 464 : i32
        %add3A_2063 = vector.broadcast %add3A_2062 : i32 to vector<16xi32>
        %add3A_2064 = arith.addi %iota3A, %add3A_2063 : vector<16xi32>
        %gather3A_2065 = tpu.vector_load_idx %arg7[%add3A_2064, %and3A_1858] : memref<512x32xf32, #tpu.memory_space<vmem>>[vector<16xi32>, vector<16xi32>], vector<16xf32>,
        %add3A_2066 = arith.constant 3088 : i32
        %add3A_2067 = vector.broadcast %add3A_2066 : i32 to vector<16xi32>
        %add3A_2068 = arith.addi %add3A_1871, %add3A_2067 : vector<16xi32>
        tpu.vector_store_idx %arg9[%add3A_2068], %gather3A_2037 : memref<16384xf32, #tpu.memory_space<vmem>>[vector<16xi32>], vector<16xf32>,
        %add3A_2069 = arith.constant 480 : i32
        %add3A_2070 = vector.broadcast %add3A_2069 : i32 to vector<16xi32>
        %add3A_2071 = arith.addi %iota3A, %add3A_2070 : vector<16xi32>
        %gather3A_2072 = tpu.vector_load_idx %arg7[%add3A_2071, %and3A_1858] : memref<512x32xf32, #tpu.memory_space<vmem>>[vector<16xi32>, vector<16xi32>], vector<16xf32>,
        %add3A_2073 = arith.constant 3104 : i32
        %add3A_2074 = vector.broadcast %add3A_2073 : i32 to vector<16xi32>
        %add3A_2075 = arith.addi %add3A_1871, %add3A_2074 : vector<16xi32>
        tpu.vector_store_idx %arg9[%add3A_2075], %gather3A_2044 : memref<16384xf32, #tpu.memory_space<vmem>>[vector<16xi32>], vector<16xf32>,
        %add3A_2076 = arith.constant 496 : i32
        %add3A_2077 = vector.broadcast %add3A_2076 : i32 to vector<16xi32>
        %add3A_2078 = arith.addi %iota3A, %add3A_2077 : vector<16xi32>
        %gather3A_2079 = tpu.vector_load_idx %arg7[%add3A_2078, %and3A_1858] : memref<512x32xf32, #tpu.memory_space<vmem>>[vector<16xi32>, vector<16xi32>], vector<16xf32>,
        %add3A_2080 = arith.constant 3120 : i32
        %add3A_2081 = vector.broadcast %add3A_2080 : i32 to vector<16xi32>
        %add3A_2082 = arith.addi %add3A_1871, %add3A_2081 : vector<16xi32>
        tpu.vector_store_idx %arg9[%add3A_2082], %gather3A_2051 : memref<16384xf32, #tpu.memory_space<vmem>>[vector<16xi32>], vector<16xf32>,
        %add3A_2083 = arith.constant 3136 : i32
        %add3A_2084 = vector.broadcast %add3A_2083 : i32 to vector<16xi32>
        %add3A_2085 = arith.addi %add3A_1871, %add3A_2084 : vector<16xi32>
        tpu.vector_store_idx %arg9[%add3A_2085], %gather3A_2058 : memref<16384xf32, #tpu.memory_space<vmem>>[vector<16xi32>], vector<16xf32>,
        %add3A_2086 = arith.constant 3152 : i32
        %add3A_2087 = vector.broadcast %add3A_2086 : i32 to vector<16xi32>
        %add3A_2088 = arith.addi %add3A_1871, %add3A_2087 : vector<16xi32>
        tpu.vector_store_idx %arg9[%add3A_2088], %gather3A_2065 : memref<16384xf32, #tpu.memory_space<vmem>>[vector<16xi32>], vector<16xf32>,
        %add3A_2089 = arith.constant 3168 : i32
        %add3A_2090 = vector.broadcast %add3A_2089 : i32 to vector<16xi32>
        %add3A_2091 = arith.addi %add3A_1871, %add3A_2090 : vector<16xi32>
        tpu.vector_store_idx %arg9[%add3A_2091], %gather3A_2072 : memref<16384xf32, #tpu.memory_space<vmem>>[vector<16xi32>], vector<16xf32>,
        %add3A_2092 = arith.constant 3184 : i32
        %add3A_2093 = vector.broadcast %add3A_2092 : i32 to vector<16xi32>
        %add3A_2094 = arith.addi %add3A_1871, %add3A_2093 : vector<16xi32>
        tpu.vector_store_idx %arg9[%add3A_2094], %gather3A_2079 : memref<16384xf32, #tpu.memory_space<vmem>>[vector<16xi32>], vector<16xf32>,
      }
      %scan3A_1405 = arith.constant 32 : i32
      %add3A_1406 = arith.addi %mul3A_2, %mul3A_1230 : i32
      %jit3A_1407 = arith.constant 32 : i32
      %div3A_1408 = arith.divsi %add3A_1406, %jit3A_1407 : i32
      %sign3A_1409 = arith.constant 0 : i32
      %sign3A_1410 = arith.cmpi sgt, %add3A_1406, %sign3A_1409 : i32
      %sign3A_1411 = arith.extui %sign3A_1410 : i1 to i32
      %sign3A_1412 = arith.constant 0 : i32
      %sign3A_1413 = arith.cmpi slt, %add3A_1406, %sign3A_1412 : i32
      %sign3A_1414 = arith.extui %sign3A_1413 : i1 to i32
      %sign3A_1415 = arith.subi %sign3A_1411, %sign3A_1414 : i32
      %sign3A_1416 = arith.constant 0 : i32
      %sign3A_1417 = arith.cmpi sgt, %jit3A_1407, %sign3A_1416 : i32
      %sign3A_1418 = arith.extui %sign3A_1417 : i1 to i32
      %sign3A_1419 = arith.constant 0 : i32
      %sign3A_1420 = arith.cmpi slt, %jit3A_1407, %sign3A_1419 : i32
      %sign3A_1421 = arith.extui %sign3A_1420 : i1 to i32
      %sign3A_1422 = arith.subi %sign3A_1418, %sign3A_1421 : i32
      %ne3A_1423 = arith.cmpi ne, %sign3A_1415, %sign3A_1422 : i32
      %rem3A_1424 = arith.remsi %add3A_1406, %jit3A_1407 : i32
      %ne3A_1425 = arith.constant 0 : i32
      %ne3A_1426 = arith.cmpi ne, %rem3A_1424, %ne3A_1425 : i32
      %and3A_1427 = arith.andi %ne3A_1423, %ne3A_1426 : i1
      %sub3A_1428 = arith.constant 1 : i32
      %sub3A_1429 = arith.subi %div3A_1408, %sub3A_1428 : i32
      %select_n3A_1430 = arith.select %and3A_1427, %sub3A_1429, %div3A_1408 : i32
      %jit3A_1431 = arith.constant 32 : i32
      %eq3A_1432 = arith.constant 0 : i32
      %eq3A_1433 = arith.cmpi eq, %jit3A_1431, %eq3A_1432 : i32
      %jit3A_1434 = arith.constant 1 : i32
      %select_n3A_1435 = arith.select %eq3A_1433, %jit3A_1434, %jit3A_1431 : i32
      %rem3A_1436 = arith.remsi %add3A_1406, %select_n3A_1435 : i32
      %ne3A_1437 = arith.constant 0 : i32
      %ne3A_1438 = arith.cmpi ne, %rem3A_1436, %ne3A_1437 : i32
      %lt3A_1439 = arith.constant 0 : i32
      %lt3A_1440 = arith.cmpi slt, %rem3A_1436, %lt3A_1439 : i32
      %lt3A_1441 = arith.constant 0 : i32
      %lt3A_1442 = arith.cmpi slt, %select_n3A_1435, %lt3A_1441 : i32
      %ne3A_1443 = arith.xori %lt3A_1440, %lt3A_1442 : i1
      %and3A_1444 = arith.andi %ne3A_1443, %ne3A_1438 : i1
      %add3A_1445 = arith.addi %rem3A_1436, %select_n3A_1435 : i32
      %select_n3A_1446 = arith.select %and3A_1444, %add3A_1445, %rem3A_1436 : i32
      %mul3A_1447 = arith.constant 4096 : i32
      %mul3A_1448 = arith.muli %select_n3A_1446, %mul3A_1447 : i32
      %mul3A_1449 = arith.constant 4096 : i32
      %mul3A_1450 = arith.muli %select_n3A_1446, %mul3A_1449 : i32
      %mul3A_1451 = arith.constant 4096 : i32
      %mul3A_1452 = arith.muli %select_n3A_1446, %mul3A_1451 : i32
      %mul3A_1453 = arith.constant 4096 : i32
      %mul3A_1454 = arith.muli %select_n3A_1446, %mul3A_1453 : i32
      %dma_start3A_1455 = arith.constant 0 : i32
      %dma_start3A_1456 = arith.constant 0 : i32
      %dma_start3A_1457 = tpu.memref_slice %arg9[%dma_start3A_1456] : memref<16384xf32, #tpu.memory_space<vmem>> -> memref<4096xf32, #tpu.memory_space<vmem>>
      %dma_start3A_1458 = tpu.memref_slice %arg4[%select_n3A_1430, %dma_start3A_1455, %mul3A_1448] : memref<200x4x131072xf32, #tpu.memory_space<hbm>> -> memref<1x1x4096xf32, #tpu.memory_space<hbm>>
      %dma_start3A_1459 = tpu.memref_squeeze %dma_start3A_1458 : memref<1x1x4096xf32, #tpu.memory_space<hbm>> -> memref<4096xf32, #tpu.memory_space<hbm>>
      %dma_start3A_1460 = tpu.memref_slice %arg4[%select_n3A_1430, %dma_start3A_1455, %mul3A_1448] : memref<200x4x131072xf32, #tpu.memory_space<hbm>> -> memref<1x1x4096xf32, #tpu.memory_space<hbm>>
      %dma_start3A_1461 = tpu.memref_squeeze %dma_start3A_1460 : memref<1x1x4096xf32, #tpu.memory_space<hbm>> -> memref<4096xf32, #tpu.memory_space<hbm>>
      %dma_start3A_1462 = arith.constant 0 : i32
      %dma_start3A_1463 = tpu.memref_slice %arg9[%dma_start3A_1462] : memref<16384xf32, #tpu.memory_space<vmem>> -> memref<4096xf32, #tpu.memory_space<vmem>>
      tpu.enqueue_dma source(%dma_start3A_1463 : memref<4096xf32, #tpu.memory_space<vmem>>) target(%dma_start3A_1461 : memref<4096xf32, #tpu.memory_space<hbm>>) target_semaphore(%arg15 : memref<!tpu.dma_semaphore, #tpu.memory_space<semaphore_mem>>)
      %dma_start3A_1464 = arith.constant 1 : i32
      %dma_start3A_1465 = arith.constant 4096 : i32
      %dma_start3A_1466 = tpu.memref_slice %arg9[%dma_start3A_1465] : memref<16384xf32, #tpu.memory_space<vmem>> -> memref<4096xf32, #tpu.memory_space<vmem>>
      %dma_start3A_1467 = tpu.memref_slice %arg4[%select_n3A_1430, %dma_start3A_1464, %mul3A_1450] : memref<200x4x131072xf32, #tpu.memory_space<hbm>> -> memref<1x1x4096xf32, #tpu.memory_space<hbm>>
      %dma_start3A_1468 = tpu.memref_squeeze %dma_start3A_1467 : memref<1x1x4096xf32, #tpu.memory_space<hbm>> -> memref<4096xf32, #tpu.memory_space<hbm>>
      %dma_start3A_1469 = tpu.memref_slice %arg4[%select_n3A_1430, %dma_start3A_1464, %mul3A_1450] : memref<200x4x131072xf32, #tpu.memory_space<hbm>> -> memref<1x1x4096xf32, #tpu.memory_space<hbm>>
      %dma_start3A_1470 = tpu.memref_squeeze %dma_start3A_1469 : memref<1x1x4096xf32, #tpu.memory_space<hbm>> -> memref<4096xf32, #tpu.memory_space<hbm>>
      %dma_start3A_1471 = arith.constant 4096 : i32
      %dma_start3A_1472 = tpu.memref_slice %arg9[%dma_start3A_1471] : memref<16384xf32, #tpu.memory_space<vmem>> -> memref<4096xf32, #tpu.memory_space<vmem>>
      tpu.enqueue_dma source(%dma_start3A_1472 : memref<4096xf32, #tpu.memory_space<vmem>>) target(%dma_start3A_1470 : memref<4096xf32, #tpu.memory_space<hbm>>) target_semaphore(%arg15 : memref<!tpu.dma_semaphore, #tpu.memory_space<semaphore_mem>>)
      %dma_start3A_1473 = arith.constant 2 : i32
      %dma_start3A_1474 = arith.constant 8192 : i32
      %dma_start3A_1475 = tpu.memref_slice %arg9[%dma_start3A_1474] : memref<16384xf32, #tpu.memory_space<vmem>> -> memref<4096xf32, #tpu.memory_space<vmem>>
      %dma_start3A_1476 = tpu.memref_slice %arg4[%select_n3A_1430, %dma_start3A_1473, %mul3A_1452] : memref<200x4x131072xf32, #tpu.memory_space<hbm>> -> memref<1x1x4096xf32, #tpu.memory_space<hbm>>
      %dma_start3A_1477 = tpu.memref_squeeze %dma_start3A_1476 : memref<1x1x4096xf32, #tpu.memory_space<hbm>> -> memref<4096xf32, #tpu.memory_space<hbm>>
      %dma_start3A_1478 = tpu.memref_slice %arg4[%select_n3A_1430, %dma_start3A_1473, %mul3A_1452] : memref<200x4x131072xf32, #tpu.memory_space<hbm>> -> memref<1x1x4096xf32, #tpu.memory_space<hbm>>
      %dma_start3A_1479 = tpu.memref_squeeze %dma_start3A_1478 : memref<1x1x4096xf32, #tpu.memory_space<hbm>> -> memref<4096xf32, #tpu.memory_space<hbm>>
      %dma_start3A_1480 = arith.constant 8192 : i32
      %dma_start3A_1481 = tpu.memref_slice %arg9[%dma_start3A_1480] : memref<16384xf32, #tpu.memory_space<vmem>> -> memref<4096xf32, #tpu.memory_space<vmem>>
      tpu.enqueue_dma source(%dma_start3A_1481 : memref<4096xf32, #tpu.memory_space<vmem>>) target(%dma_start3A_1479 : memref<4096xf32, #tpu.memory_space<hbm>>) target_semaphore(%arg15 : memref<!tpu.dma_semaphore, #tpu.memory_space<semaphore_mem>>)
      %dma_start3A_1482 = arith.constant 3 : i32
      %dma_start3A_1483 = arith.constant 12288 : i32
      %dma_start3A_1484 = tpu.memref_slice %arg9[%dma_start3A_1483] : memref<16384xf32, #tpu.memory_space<vmem>> -> memref<4096xf32, #tpu.memory_space<vmem>>
      %dma_start3A_1485 = tpu.memref_slice %arg4[%select_n3A_1430, %dma_start3A_1482, %mul3A_1454] : memref<200x4x131072xf32, #tpu.memory_space<hbm>> -> memref<1x1x4096xf32, #tpu.memory_space<hbm>>
      %dma_start3A_1486 = tpu.memref_squeeze %dma_start3A_1485 : memref<1x1x4096xf32, #tpu.memory_space<hbm>> -> memref<4096xf32, #tpu.memory_space<hbm>>
      %dma_start3A_1487 = tpu.memref_slice %arg4[%select_n3A_1430, %dma_start3A_1482, %mul3A_1454] : memref<200x4x131072xf32, #tpu.memory_space<hbm>> -> memref<1x1x4096xf32, #tpu.memory_space<hbm>>
      %dma_start3A_1488 = tpu.memref_squeeze %dma_start3A_1487 : memref<1x1x4096xf32, #tpu.memory_space<hbm>> -> memref<4096xf32, #tpu.memory_space<hbm>>
      %dma_start3A_1489 = arith.constant 12288 : i32
      %dma_start3A_1490 = tpu.memref_slice %arg9[%dma_start3A_1489] : memref<16384xf32, #tpu.memory_space<vmem>> -> memref<4096xf32, #tpu.memory_space<vmem>>
      tpu.enqueue_dma source(%dma_start3A_1490 : memref<4096xf32, #tpu.memory_space<vmem>>) target(%dma_start3A_1488 : memref<4096xf32, #tpu.memory_space<hbm>>) target_semaphore(%arg15 : memref<!tpu.dma_semaphore, #tpu.memory_space<semaphore_mem>>)
      %add3A_1491 = arith.constant 2 : i32
      %add3A_1492 = arith.addi %mul3A_1230, %add3A_1491 : i32
      %add3A_1493 = arith.addi %mul3A_2, %add3A_1492 : i32
      %jit3A_1494 = arith.constant 32 : i32
      %div3A_1495 = arith.divsi %add3A_1493, %jit3A_1494 : i32
      %sign3A_1496 = arith.constant 0 : i32
      %sign3A_1497 = arith.cmpi sgt, %add3A_1493, %sign3A_1496 : i32
      %sign3A_1498 = arith.extui %sign3A_1497 : i1 to i32
      %sign3A_1499 = arith.constant 0 : i32
      %sign3A_1500 = arith.cmpi slt, %add3A_1493, %sign3A_1499 : i32
      %sign3A_1501 = arith.extui %sign3A_1500 : i1 to i32
      %sign3A_1502 = arith.subi %sign3A_1498, %sign3A_1501 : i32
      %sign3A_1503 = arith.constant 0 : i32
      %sign3A_1504 = arith.cmpi sgt, %jit3A_1494, %sign3A_1503 : i32
      %sign3A_1505 = arith.extui %sign3A_1504 : i1 to i32
      %sign3A_1506 = arith.constant 0 : i32
      %sign3A_1507 = arith.cmpi slt, %jit3A_1494, %sign3A_1506 : i32
      %sign3A_1508 = arith.extui %sign3A_1507 : i1 to i32
      %sign3A_1509 = arith.subi %sign3A_1505, %sign3A_1508 : i32
      %ne3A_1510 = arith.cmpi ne, %sign3A_1502, %sign3A_1509 : i32
      %rem3A_1511 = arith.remsi %add3A_1493, %jit3A_1494 : i32
      %ne3A_1512 = arith.constant 0 : i32
      %ne3A_1513 = arith.cmpi ne, %rem3A_1511, %ne3A_1512 : i32
      %and3A_1514 = arith.andi %ne3A_1510, %ne3A_1513 : i1
      %sub3A_1515 = arith.constant 1 : i32
      %sub3A_1516 = arith.subi %div3A_1495, %sub3A_1515 : i32
      %select_n3A_1517 = arith.select %and3A_1514, %sub3A_1516, %div3A_1495 : i32
      %jit3A_1518 = arith.constant 32 : i32
      %eq3A_1519 = arith.constant 0 : i32
      %eq3A_1520 = arith.cmpi eq, %jit3A_1518, %eq3A_1519 : i32
      %jit3A_1521 = arith.constant 1 : i32
      %select_n3A_1522 = arith.select %eq3A_1520, %jit3A_1521, %jit3A_1518 : i32
      %rem3A_1523 = arith.remsi %add3A_1493, %select_n3A_1522 : i32
      %ne3A_1524 = arith.constant 0 : i32
      %ne3A_1525 = arith.cmpi ne, %rem3A_1523, %ne3A_1524 : i32
      %lt3A_1526 = arith.constant 0 : i32
      %lt3A_1527 = arith.cmpi slt, %rem3A_1523, %lt3A_1526 : i32
      %lt3A_1528 = arith.constant 0 : i32
      %lt3A_1529 = arith.cmpi slt, %select_n3A_1522, %lt3A_1528 : i32
      %ne3A_1530 = arith.xori %lt3A_1527, %lt3A_1529 : i1
      %and3A_1531 = arith.andi %ne3A_1530, %ne3A_1525 : i1
      %add3A_1532 = arith.addi %rem3A_1523, %select_n3A_1522 : i32
      %select_n3A_1533 = arith.select %and3A_1531, %add3A_1532, %rem3A_1523 : i32
      %mul3A_1534 = arith.constant 16384 : i32
      %mul3A_1535 = arith.muli %select_n3A_1517, %mul3A_1534 : i32
      %mul3A_1536 = arith.constant 512 : i32
      %mul3A_1537 = arith.muli %select_n3A_1533, %mul3A_1536 : i32
      %add3A_1538 = arith.addi %mul3A_1535, %mul3A_1537 : i32
      %dma_start3A_1539 = tpu.memref_slice %arg2[%add3A_1538] : memref<3276800xi32, #tpu.memory_space<hbm>> -> memref<512xi32, #tpu.memory_space<hbm>>
      %dma_start3A_1540 = tpu.memref_slice %arg2[%add3A_1538] : memref<3276800xi32, #tpu.memory_space<hbm>> -> memref<512xi32, #tpu.memory_space<hbm>>
      tpu.enqueue_dma source(%dma_start3A_1540 : memref<512xi32, #tpu.memory_space<hbm>>) target(%arg5 : memref<512xi32, #tpu.memory_space<vmem>>) target_semaphore(%arg11 : memref<!tpu.dma_semaphore, #tpu.memory_space<semaphore_mem>>)
      %dma_wait3A_1541 = arith.constant 0 : i32
      %dma_wait3A_1542 = arith.constant 0 : i32
      %dma_wait3A_1543 = tpu.memref_slice %arg8[%dma_wait3A_1541, %dma_wait3A_1542] : memref<512x32xf32, #tpu.memory_space<vmem>> -> memref<256x32xf32, #tpu.memory_space<vmem>>
      %dma_wait3A_1544 = arith.constant 0 : i32
      %dma_wait3A_1545 = tpu.memref_slice %arg6[%dma_wait3A_1544] : memref<512xi32, #tpu.memory_space<vmem>> -> memref<256xi32, #tpu.memory_space<vmem>>
      %dma_wait3A_1546 = arith.constant 0 : i32
      %dma_wait3A_1547 = arith.constant 0 : i32
      %dma_wait3A_1548 = tpu.memref_slice %arg3[%dma_wait3A_1546, %dma_wait3A_1547] : memref<1000000x32xf32, #tpu.memory_space<hbm>> -> memref<1000000x32xf32, #tpu.memory_space<hbm>>
      tpu.wait_indirect_dma semaphore(%arg14 : memref<!tpu.dma_semaphore, #tpu.memory_space<semaphore_mem>>) src(%dma_wait3A_1548 : memref<1000000x32xf32, #tpu.memory_space<hbm>>) dst(%dma_wait3A_1543 : memref<256x32xf32, #tpu.memory_space<vmem>>)
      %dma_wait3A_1549 = arith.constant 256 : i32
      %dma_wait3A_1550 = arith.constant 0 : i32
      %dma_wait3A_1551 = tpu.memref_slice %arg8[%dma_wait3A_1549, %dma_wait3A_1550] : memref<512x32xf32, #tpu.memory_space<vmem>> -> memref<256x32xf32, #tpu.memory_space<vmem>>
      %dma_wait3A_1552 = arith.constant 256 : i32
      %dma_wait3A_1553 = tpu.memref_slice %arg6[%dma_wait3A_1552] : memref<512xi32, #tpu.memory_space<vmem>> -> memref<256xi32, #tpu.memory_space<vmem>>
      %dma_wait3A_1554 = arith.constant 0 : i32
      %dma_wait3A_1555 = arith.constant 0 : i32
      %dma_wait3A_1556 = tpu.memref_slice %arg3[%dma_wait3A_1554, %dma_wait3A_1555] : memref<1000000x32xf32, #tpu.memory_space<hbm>> -> memref<1000000x32xf32, #tpu.memory_space<hbm>>
      tpu.wait_indirect_dma semaphore(%arg14 : memref<!tpu.dma_semaphore, #tpu.memory_space<semaphore_mem>>) src(%dma_wait3A_1556 : memref<1000000x32xf32, #tpu.memory_space<hbm>>) dst(%dma_wait3A_1551 : memref<256x32xf32, #tpu.memory_space<vmem>>)
      %add3A_1557 = arith.constant 2 : i32
      %add3A_1558 = arith.addi %mul3A_1230, %add3A_1557 : i32
      %add3A_1559 = arith.addi %mul3A_2, %add3A_1558 : i32
      %jit3A_1560 = arith.constant 32 : i32
      %div3A_1561 = arith.divsi %add3A_1559, %jit3A_1560 : i32
      %sign3A_1562 = arith.constant 0 : i32
      %sign3A_1563 = arith.cmpi sgt, %add3A_1559, %sign3A_1562 : i32
      %sign3A_1564 = arith.extui %sign3A_1563 : i1 to i32
      %sign3A_1565 = arith.constant 0 : i32
      %sign3A_1566 = arith.cmpi slt, %add3A_1559, %sign3A_1565 : i32
      %sign3A_1567 = arith.extui %sign3A_1566 : i1 to i32
      %sign3A_1568 = arith.subi %sign3A_1564, %sign3A_1567 : i32
      %sign3A_1569 = arith.constant 0 : i32
      %sign3A_1570 = arith.cmpi sgt, %jit3A_1560, %sign3A_1569 : i32
      %sign3A_1571 = arith.extui %sign3A_1570 : i1 to i32
      %sign3A_1572 = arith.constant 0 : i32
      %sign3A_1573 = arith.cmpi slt, %jit3A_1560, %sign3A_1572 : i32
      %sign3A_1574 = arith.extui %sign3A_1573 : i1 to i32
      %sign3A_1575 = arith.subi %sign3A_1571, %sign3A_1574 : i32
      %ne3A_1576 = arith.cmpi ne, %sign3A_1568, %sign3A_1575 : i32
      %rem3A_1577 = arith.remsi %add3A_1559, %jit3A_1560 : i32
      %ne3A_1578 = arith.constant 0 : i32
      %ne3A_1579 = arith.cmpi ne, %rem3A_1577, %ne3A_1578 : i32
      %and3A_1580 = arith.andi %ne3A_1576, %ne3A_1579 : i1
      %sub3A_1581 = arith.constant 1 : i32
      %sub3A_1582 = arith.subi %div3A_1561, %sub3A_1581 : i32
      %select_n3A_1583 = arith.select %and3A_1580, %sub3A_1582, %div3A_1561 : i32
      %jit3A_1584 = arith.constant 32 : i32
      %eq3A_1585 = arith.constant 0 : i32
      %eq3A_1586 = arith.cmpi eq, %jit3A_1584, %eq3A_1585 : i32
      %jit3A_1587 = arith.constant 1 : i32
      %select_n3A_1588 = arith.select %eq3A_1586, %jit3A_1587, %jit3A_1584 : i32
      %rem3A_1589 = arith.remsi %add3A_1559, %select_n3A_1588 : i32
      %ne3A_1590 = arith.constant 0 : i32
      %ne3A_1591 = arith.cmpi ne, %rem3A_1589, %ne3A_1590 : i32
      %lt3A_1592 = arith.constant 0 : i32
      %lt3A_1593 = arith.cmpi slt, %rem3A_1589, %lt3A_1592 : i32
      %lt3A_1594 = arith.constant 0 : i32
      %lt3A_1595 = arith.cmpi slt, %select_n3A_1588, %lt3A_1594 : i32
      %ne3A_1596 = arith.xori %lt3A_1593, %lt3A_1595 : i1
      %and3A_1597 = arith.andi %ne3A_1596, %ne3A_1591 : i1
      %add3A_1598 = arith.addi %rem3A_1589, %select_n3A_1588 : i32
      %select_n3A_1599 = arith.select %and3A_1597, %add3A_1598, %rem3A_1589 : i32
      %mul3A_1600 = arith.constant 16384 : i32
      %mul3A_1601 = arith.muli %select_n3A_1583, %mul3A_1600 : i32
      %mul3A_1602 = arith.constant 512 : i32
      %mul3A_1603 = arith.muli %select_n3A_1599, %mul3A_1602 : i32
      %add3A_1604 = arith.addi %mul3A_1601, %mul3A_1603 : i32
      %dma_wait3A_1605 = tpu.memref_slice %arg2[%add3A_1604] : memref<3276800xi32, #tpu.memory_space<hbm>> -> memref<512xi32, #tpu.memory_space<hbm>>
      %dma_wait3A_1606 = tpu.memref_slice %arg2[%add3A_1604] : memref<3276800xi32, #tpu.memory_space<hbm>> -> memref<512xi32, #tpu.memory_space<hbm>>
      tpu.wait_dma2 semaphore(%arg11 : memref<!tpu.dma_semaphore, #tpu.memory_space<semaphore_mem>>) src(%dma_wait3A_1606 : memref<512xi32, #tpu.memory_space<hbm>>) dst(%arg5 : memref<512xi32, #tpu.memory_space<vmem>>)
      %dma_start3A_1607 = arith.constant 0 : i32
      %dma_start3A_1608 = arith.constant 0 : i32
      %dma_start3A_1609 = tpu.memref_slice %arg7[%dma_start3A_1607, %dma_start3A_1608] : memref<512x32xf32, #tpu.memory_space<vmem>> -> memref<256x32xf32, #tpu.memory_space<vmem>>
      %dma_start3A_1610 = arith.constant 0 : i32
      %dma_start3A_1611 = tpu.memref_slice %arg5[%dma_start3A_1610] : memref<512xi32, #tpu.memory_space<vmem>> -> memref<256xi32, #tpu.memory_space<vmem>>
      %dma_start3A_1612 = arith.constant 0 : i32
      %dma_start3A_1613 = arith.constant 0 : i32
      %dma_start3A_1614 = tpu.memref_slice %arg3[%dma_start3A_1612, %dma_start3A_1613] : memref<1000000x32xf32, #tpu.memory_space<hbm>> -> memref<1000000x32xf32, #tpu.memory_space<hbm>>
      tpu.enqueue_indirect_dma source(%dma_start3A_1614 : memref<1000000x32xf32, #tpu.memory_space<hbm>>) target(%dma_start3A_1609 : memref<256x32xf32, #tpu.memory_space<vmem>>) offsets(%dma_start3A_1611 : memref<256xi32, #tpu.memory_space<vmem>>) semaphore(%arg13 : memref<!tpu.dma_semaphore, #tpu.memory_space<semaphore_mem>>)
      %dma_start3A_1615 = arith.constant 256 : i32
      %dma_start3A_1616 = arith.constant 0 : i32
      %dma_start3A_1617 = tpu.memref_slice %arg7[%dma_start3A_1615, %dma_start3A_1616] : memref<512x32xf32, #tpu.memory_space<vmem>> -> memref<256x32xf32, #tpu.memory_space<vmem>>
      %dma_start3A_1618 = arith.constant 256 : i32
      %dma_start3A_1619 = tpu.memref_slice %arg5[%dma_start3A_1618] : memref<512xi32, #tpu.memory_space<vmem>> -> memref<256xi32, #tpu.memory_space<vmem>>
      %dma_start3A_1620 = arith.constant 0 : i32
      %dma_start3A_1621 = arith.constant 0 : i32
      %dma_start3A_1622 = tpu.memref_slice %arg3[%dma_start3A_1620, %dma_start3A_1621] : memref<1000000x32xf32, #tpu.memory_space<hbm>> -> memref<1000000x32xf32, #tpu.memory_space<hbm>>
      tpu.enqueue_indirect_dma source(%dma_start3A_1622 : memref<1000000x32xf32, #tpu.memory_space<hbm>>) target(%dma_start3A_1617 : memref<256x32xf32, #tpu.memory_space<vmem>>) offsets(%dma_start3A_1619 : memref<256xi32, #tpu.memory_space<vmem>>) semaphore(%arg13 : memref<!tpu.dma_semaphore, #tpu.memory_space<semaphore_mem>>)
      %sub3A_1623 = arith.constant 1 : i32
      %sub3A_1624 = arith.subi %mul3A_1230, %sub3A_1623 : i32
      %add3A_1625 = arith.addi %mul3A_2, %sub3A_1624 : i32
      %jit3A_1626 = arith.constant 32 : i32
      %div3A_1627 = arith.divsi %add3A_1625, %jit3A_1626 : i32
      %sign3A_1628 = arith.constant 0 : i32
      %sign3A_1629 = arith.cmpi sgt, %add3A_1625, %sign3A_1628 : i32
      %sign3A_1630 = arith.extui %sign3A_1629 : i1 to i32
      %sign3A_1631 = arith.constant 0 : i32
      %sign3A_1632 = arith.cmpi slt, %add3A_1625, %sign3A_1631 : i32
      %sign3A_1633 = arith.extui %sign3A_1632 : i1 to i32
      %sign3A_1634 = arith.subi %sign3A_1630, %sign3A_1633 : i32
      %sign3A_1635 = arith.constant 0 : i32
      %sign3A_1636 = arith.cmpi sgt, %jit3A_1626, %sign3A_1635 : i32
      %sign3A_1637 = arith.extui %sign3A_1636 : i1 to i32
      %sign3A_1638 = arith.constant 0 : i32
      %sign3A_1639 = arith.cmpi slt, %jit3A_1626, %sign3A_1638 : i32
      %sign3A_1640 = arith.extui %sign3A_1639 : i1 to i32
      %sign3A_1641 = arith.subi %sign3A_1637, %sign3A_1640 : i32
      %ne3A_1642 = arith.cmpi ne, %sign3A_1634, %sign3A_1641 : i32
      %rem3A_1643 = arith.remsi %add3A_1625, %jit3A_1626 : i32
      %ne3A_1644 = arith.constant 0 : i32
      %ne3A_1645 = arith.cmpi ne, %rem3A_1643, %ne3A_1644 : i32
      %and3A_1646 = arith.andi %ne3A_1642, %ne3A_1645 : i1
      %sub3A_1647 = arith.constant 1 : i32
      %sub3A_1648 = arith.subi %div3A_1627, %sub3A_1647 : i32
      %select_n3A_1649 = arith.select %and3A_1646, %sub3A_1648, %div3A_1627 : i32
      %jit3A_1650 = arith.constant 32 : i32
      %eq3A_1651 = arith.constant 0 : i32
      %eq3A_1652 = arith.cmpi eq, %jit3A_1650, %eq3A_1651 : i32
      %jit3A_1653 = arith.constant 1 : i32
      %select_n3A_1654 = arith.select %eq3A_1652, %jit3A_1653, %jit3A_1650 : i32
      %rem3A_1655 = arith.remsi %add3A_1625, %select_n3A_1654 : i32
      %ne3A_1656 = arith.constant 0 : i32
      %ne3A_1657 = arith.cmpi ne, %rem3A_1655, %ne3A_1656 : i32
      %lt3A_1658 = arith.constant 0 : i32
      %lt3A_1659 = arith.cmpi slt, %rem3A_1655, %lt3A_1658 : i32
      %lt3A_1660 = arith.constant 0 : i32
      %lt3A_1661 = arith.cmpi slt, %select_n3A_1654, %lt3A_1660 : i32
      %ne3A_1662 = arith.xori %lt3A_1659, %lt3A_1661 : i1
      %and3A_1663 = arith.andi %ne3A_1662, %ne3A_1657 : i1
      %add3A_1664 = arith.addi %rem3A_1655, %select_n3A_1654 : i32
      %select_n3A_1665 = arith.select %and3A_1663, %add3A_1664, %rem3A_1655 : i32
      %mul3A_1666 = arith.constant 4096 : i32
      %mul3A_1667 = arith.muli %select_n3A_1665, %mul3A_1666 : i32
      %mul3A_1668 = arith.constant 4096 : i32
      %mul3A_1669 = arith.muli %select_n3A_1665, %mul3A_1668 : i32
      %mul3A_1670 = arith.constant 4096 : i32
      %mul3A_1671 = arith.muli %select_n3A_1665, %mul3A_1670 : i32
      %mul3A_1672 = arith.constant 4096 : i32
      %mul3A_1673 = arith.muli %select_n3A_1665, %mul3A_1672 : i32
      %dma_wait3A_1674 = arith.constant 0 : i32
      %dma_wait3A_1675 = arith.constant 0 : i32
      %dma_wait3A_1676 = tpu.memref_slice %arg10[%dma_wait3A_1675] : memref<16384xf32, #tpu.memory_space<vmem>> -> memref<4096xf32, #tpu.memory_space<vmem>>
      %dma_wait3A_1677 = tpu.memref_slice %arg4[%select_n3A_1649, %dma_wait3A_1674, %mul3A_1667] : memref<200x4x131072xf32, #tpu.memory_space<hbm>> -> memref<1x1x4096xf32, #tpu.memory_space<hbm>>
      %dma_wait3A_1678 = tpu.memref_squeeze %dma_wait3A_1677 : memref<1x1x4096xf32, #tpu.memory_space<hbm>> -> memref<4096xf32, #tpu.memory_space<hbm>>
      %dma_wait3A_1679 = tpu.memref_slice %arg4[%select_n3A_1649, %dma_wait3A_1674, %mul3A_1667] : memref<200x4x131072xf32, #tpu.memory_space<hbm>> -> memref<1x1x4096xf32, #tpu.memory_space<hbm>>
      %dma_wait3A_1680 = tpu.memref_squeeze %dma_wait3A_1679 : memref<1x1x4096xf32, #tpu.memory_space<hbm>> -> memref<4096xf32, #tpu.memory_space<hbm>>
      %dma_wait3A_1681 = arith.constant 0 : i32
      %dma_wait3A_1682 = tpu.memref_slice %arg10[%dma_wait3A_1681] : memref<16384xf32, #tpu.memory_space<vmem>> -> memref<4096xf32, #tpu.memory_space<vmem>>
      tpu.wait_dma2 semaphore(%arg16 : memref<!tpu.dma_semaphore, #tpu.memory_space<semaphore_mem>>) src(%dma_wait3A_1682 : memref<4096xf32, #tpu.memory_space<vmem>>) dst(%dma_wait3A_1680 : memref<4096xf32, #tpu.memory_space<hbm>>)
      %dma_wait3A_1683 = arith.constant 1 : i32
      %dma_wait3A_1684 = arith.constant 4096 : i32
      %dma_wait3A_1685 = tpu.memref_slice %arg10[%dma_wait3A_1684] : memref<16384xf32, #tpu.memory_space<vmem>> -> memref<4096xf32, #tpu.memory_space<vmem>>
      %dma_wait3A_1686 = tpu.memref_slice %arg4[%select_n3A_1649, %dma_wait3A_1683, %mul3A_1669] : memref<200x4x131072xf32, #tpu.memory_space<hbm>> -> memref<1x1x4096xf32, #tpu.memory_space<hbm>>
      %dma_wait3A_1687 = tpu.memref_squeeze %dma_wait3A_1686 : memref<1x1x4096xf32, #tpu.memory_space<hbm>> -> memref<4096xf32, #tpu.memory_space<hbm>>
      %dma_wait3A_1688 = tpu.memref_slice %arg4[%select_n3A_1649, %dma_wait3A_1683, %mul3A_1669] : memref<200x4x131072xf32, #tpu.memory_space<hbm>> -> memref<1x1x4096xf32, #tpu.memory_space<hbm>>
      %dma_wait3A_1689 = tpu.memref_squeeze %dma_wait3A_1688 : memref<1x1x4096xf32, #tpu.memory_space<hbm>> -> memref<4096xf32, #tpu.memory_space<hbm>>
      %dma_wait3A_1690 = arith.constant 4096 : i32
      %dma_wait3A_1691 = tpu.memref_slice %arg10[%dma_wait3A_1690] : memref<16384xf32, #tpu.memory_space<vmem>> -> memref<4096xf32, #tpu.memory_space<vmem>>
      tpu.wait_dma2 semaphore(%arg16 : memref<!tpu.dma_semaphore, #tpu.memory_space<semaphore_mem>>) src(%dma_wait3A_1691 : memref<4096xf32, #tpu.memory_space<vmem>>) dst(%dma_wait3A_1689 : memref<4096xf32, #tpu.memory_space<hbm>>)
      %dma_wait3A_1692 = arith.constant 2 : i32
      %dma_wait3A_1693 = arith.constant 8192 : i32
      %dma_wait3A_1694 = tpu.memref_slice %arg10[%dma_wait3A_1693] : memref<16384xf32, #tpu.memory_space<vmem>> -> memref<4096xf32, #tpu.memory_space<vmem>>
      %dma_wait3A_1695 = tpu.memref_slice %arg4[%select_n3A_1649, %dma_wait3A_1692, %mul3A_1671] : memref<200x4x131072xf32, #tpu.memory_space<hbm>> -> memref<1x1x4096xf32, #tpu.memory_space<hbm>>
      %dma_wait3A_1696 = tpu.memref_squeeze %dma_wait3A_1695 : memref<1x1x4096xf32, #tpu.memory_space<hbm>> -> memref<4096xf32, #tpu.memory_space<hbm>>
      %dma_wait3A_1697 = tpu.memref_slice %arg4[%select_n3A_1649, %dma_wait3A_1692, %mul3A_1671] : memref<200x4x131072xf32, #tpu.memory_space<hbm>> -> memref<1x1x4096xf32, #tpu.memory_space<hbm>>
      %dma_wait3A_1698 = tpu.memref_squeeze %dma_wait3A_1697 : memref<1x1x4096xf32, #tpu.memory_space<hbm>> -> memref<4096xf32, #tpu.memory_space<hbm>>
      %dma_wait3A_1699 = arith.constant 8192 : i32
      %dma_wait3A_1700 = tpu.memref_slice %arg10[%dma_wait3A_1699] : memref<16384xf32, #tpu.memory_space<vmem>> -> memref<4096xf32, #tpu.memory_space<vmem>>
      tpu.wait_dma2 semaphore(%arg16 : memref<!tpu.dma_semaphore, #tpu.memory_space<semaphore_mem>>) src(%dma_wait3A_1700 : memref<4096xf32, #tpu.memory_space<vmem>>) dst(%dma_wait3A_1698 : memref<4096xf32, #tpu.memory_space<hbm>>)
      %dma_wait3A_1701 = arith.constant 3 : i32
      %dma_wait3A_1702 = arith.constant 12288 : i32
      %dma_wait3A_1703 = tpu.memref_slice %arg10[%dma_wait3A_1702] : memref<16384xf32, #tpu.memory_space<vmem>> -> memref<4096xf32, #tpu.memory_space<vmem>>
      %dma_wait3A_1704 = tpu.memref_slice %arg4[%select_n3A_1649, %dma_wait3A_1701, %mul3A_1673] : memref<200x4x131072xf32, #tpu.memory_space<hbm>> -> memref<1x1x4096xf32, #tpu.memory_space<hbm>>
      %dma_wait3A_1705 = tpu.memref_squeeze %dma_wait3A_1704 : memref<1x1x4096xf32, #tpu.memory_space<hbm>> -> memref<4096xf32, #tpu.memory_space<hbm>>
      %dma_wait3A_1706 = tpu.memref_slice %arg4[%select_n3A_1649, %dma_wait3A_1701, %mul3A_1673] : memref<200x4x131072xf32, #tpu.memory_space<hbm>> -> memref<1x1x4096xf32, #tpu.memory_space<hbm>>
      %dma_wait3A_1707 = tpu.memref_squeeze %dma_wait3A_1706 : memref<1x1x4096xf32, #tpu.memory_space<hbm>> -> memref<4096xf32, #tpu.memory_space<hbm>>
      %dma_wait3A_1708 = arith.constant 12288 : i32
      %dma_wait3A_1709 = tpu.memref_slice %arg10[%dma_wait3A_1708] : memref<16384xf32, #tpu.memory_space<vmem>> -> memref<4096xf32, #tpu.memory_space<vmem>>
      tpu.wait_dma2 semaphore(%arg16 : memref<!tpu.dma_semaphore, #tpu.memory_space<semaphore_mem>>) src(%dma_wait3A_1709 : memref<4096xf32, #tpu.memory_space<vmem>>) dst(%dma_wait3A_1707 : memref<4096xf32, #tpu.memory_space<hbm>>)
      %scan3A_1710 = arith.constant 0 : i32
      %scan3A_1711 = arith.constant 0 : i32
      %scan3A_1712 = arith.constant 32 : i32
      %scan3A_1713 = arith.addi %scan3A_1711, %scan3A_1712 : i32
      %scan3A_1714 = arith.constant 1 : i32
      scf.for %scan3A_1853 = %scan3A_1711 to %scan3A_1713 step %scan3A_1714  : i32 {
        %add3A_1854 = vector.broadcast %scan3A_1853 : i32 to vector<16xi32>
        %add3A_1855 = arith.addi %add3A_1854, %iota3A : vector<16xi32>
        %and3A_1856 = arith.constant 31 : i32
        %and3A_1857 = vector.broadcast %and3A_1856 : i32 to vector<16xi32>
        %and3A_1858 = arith.andi %add3A_1855, %and3A_1857 : vector<16xi32>
        %and3A_1859 = arith.constant 24 : i32
        %and3A_1860 = vector.broadcast %and3A_1859 : i32 to vector<16xi32>
        %and3A_1861 = arith.andi %and3A_1858, %and3A_1860 : vector<16xi32>
        %shift_left3A = arith.constant 9 : i32
        %shift_left3A_1862 = vector.broadcast %shift_left3A : i32 to vector<16xi32>
        %shift_left3A_1863 = arith.shli %and3A_1861, %shift_left3A_1862 : vector<16xi32>
        %and3A_1864 = arith.constant 7 : i32
        %and3A_1865 = vector.broadcast %and3A_1864 : i32 to vector<16xi32>
        %and3A_1866 = arith.andi %and3A_1858, %and3A_1865 : vector<16xi32>
        %shift_left3A_1867 = arith.constant 7 : i32
        %shift_left3A_1868 = vector.broadcast %shift_left3A_1867 : i32 to vector<16xi32>
        %shift_left3A_1869 = arith.shli %and3A_1866, %shift_left3A_1868 : vector<16xi32>
        %add3A_1870 = arith.addi %shift_left3A_1863, %shift_left3A_1869 : vector<16xi32>
        %add3A_1871 = arith.addi %add3A_1870, %iota3A : vector<16xi32>
        %add3A_1872 = arith.constant 0 : i32
        %add3A_1873 = vector.broadcast %add3A_1872 : i32 to vector<16xi32>
        %add3A_1874 = arith.addi %iota3A, %add3A_1873 : vector<16xi32>
        %gather3A = tpu.vector_load_idx %arg8[%add3A_1874, %and3A_1858] : memref<512x32xf32, #tpu.memory_space<vmem>>[vector<16xi32>, vector<16xi32>], vector<16xf32>,
        %add3A_1875 = arith.constant 16 : i32
        %add3A_1876 = vector.broadcast %add3A_1875 : i32 to vector<16xi32>
        %add3A_1877 = arith.addi %iota3A, %add3A_1876 : vector<16xi32>
        %gather3A_1878 = tpu.vector_load_idx %arg8[%add3A_1877, %and3A_1858] : memref<512x32xf32, #tpu.memory_space<vmem>>[vector<16xi32>, vector<16xi32>], vector<16xf32>,
        %add3A_1879 = arith.constant 32 : i32
        %add3A_1880 = vector.broadcast %add3A_1879 : i32 to vector<16xi32>
        %add3A_1881 = arith.addi %iota3A, %add3A_1880 : vector<16xi32>
        %gather3A_1882 = tpu.vector_load_idx %arg8[%add3A_1881, %and3A_1858] : memref<512x32xf32, #tpu.memory_space<vmem>>[vector<16xi32>, vector<16xi32>], vector<16xf32>,
        %add3A_1883 = arith.constant 48 : i32
        %add3A_1884 = vector.broadcast %add3A_1883 : i32 to vector<16xi32>
        %add3A_1885 = arith.addi %iota3A, %add3A_1884 : vector<16xi32>
        %gather3A_1886 = tpu.vector_load_idx %arg8[%add3A_1885, %and3A_1858] : memref<512x32xf32, #tpu.memory_space<vmem>>[vector<16xi32>, vector<16xi32>], vector<16xf32>,
        %add3A_1887 = arith.constant 64 : i32
        %add3A_1888 = vector.broadcast %add3A_1887 : i32 to vector<16xi32>
        %add3A_1889 = arith.addi %iota3A, %add3A_1888 : vector<16xi32>
        %gather3A_1890 = tpu.vector_load_idx %arg8[%add3A_1889, %and3A_1858] : memref<512x32xf32, #tpu.memory_space<vmem>>[vector<16xi32>, vector<16xi32>], vector<16xf32>,
        %add3A_1891 = arith.constant 0 : i32
        %add3A_1892 = vector.broadcast %add3A_1891 : i32 to vector<16xi32>
        %add3A_1893 = arith.addi %add3A_1871, %add3A_1892 : vector<16xi32>
        tpu.vector_store_idx %arg10[%add3A_1893], %gather3A : memref<16384xf32, #tpu.memory_space<vmem>>[vector<16xi32>], vector<16xf32>,
        %add3A_1894 = arith.constant 80 : i32
        %add3A_1895 = vector.broadcast %add3A_1894 : i32 to vector<16xi32>
        %add3A_1896 = arith.addi %iota3A, %add3A_1895 : vector<16xi32>
        %gather3A_1897 = tpu.vector_load_idx %arg8[%add3A_1896, %and3A_1858] : memref<512x32xf32, #tpu.memory_space<vmem>>[vector<16xi32>, vector<16xi32>], vector<16xf32>,
        %add3A_1898 = arith.constant 16 : i32
        %add3A_1899 = vector.broadcast %add3A_1898 : i32 to vector<16xi32>
        %add3A_1900 = arith.addi %add3A_1871, %add3A_1899 : vector<16xi32>
        tpu.vector_store_idx %arg10[%add3A_1900], %gather3A_1878 : memref<16384xf32, #tpu.memory_space<vmem>>[vector<16xi32>], vector<16xf32>,
        %add3A_1901 = arith.constant 96 : i32
        %add3A_1902 = vector.broadcast %add3A_1901 : i32 to vector<16xi32>
        %add3A_1903 = arith.addi %iota3A, %add3A_1902 : vector<16xi32>
        %gather3A_1904 = tpu.vector_load_idx %arg8[%add3A_1903, %and3A_1858] : memref<512x32xf32, #tpu.memory_space<vmem>>[vector<16xi32>, vector<16xi32>], vector<16xf32>,
        %add3A_1905 = arith.constant 32 : i32
        %add3A_1906 = vector.broadcast %add3A_1905 : i32 to vector<16xi32>
        %add3A_1907 = arith.addi %add3A_1871, %add3A_1906 : vector<16xi32>
        tpu.vector_store_idx %arg10[%add3A_1907], %gather3A_1882 : memref<16384xf32, #tpu.memory_space<vmem>>[vector<16xi32>], vector<16xf32>,
        %add3A_1908 = arith.constant 112 : i32
        %add3A_1909 = vector.broadcast %add3A_1908 : i32 to vector<16xi32>
        %add3A_1910 = arith.addi %iota3A, %add3A_1909 : vector<16xi32>
        %gather3A_1911 = tpu.vector_load_idx %arg8[%add3A_1910, %and3A_1858] : memref<512x32xf32, #tpu.memory_space<vmem>>[vector<16xi32>, vector<16xi32>], vector<16xf32>,
        %add3A_1912 = arith.constant 48 : i32
        %add3A_1913 = vector.broadcast %add3A_1912 : i32 to vector<16xi32>
        %add3A_1914 = arith.addi %add3A_1871, %add3A_1913 : vector<16xi32>
        tpu.vector_store_idx %arg10[%add3A_1914], %gather3A_1886 : memref<16384xf32, #tpu.memory_space<vmem>>[vector<16xi32>], vector<16xf32>,
        %add3A_1915 = arith.constant 128 : i32
        %add3A_1916 = vector.broadcast %add3A_1915 : i32 to vector<16xi32>
        %add3A_1917 = arith.addi %iota3A, %add3A_1916 : vector<16xi32>
        %gather3A_1918 = tpu.vector_load_idx %arg8[%add3A_1917, %and3A_1858] : memref<512x32xf32, #tpu.memory_space<vmem>>[vector<16xi32>, vector<16xi32>], vector<16xf32>,
        %add3A_1919 = arith.constant 64 : i32
        %add3A_1920 = vector.broadcast %add3A_1919 : i32 to vector<16xi32>
        %add3A_1921 = arith.addi %add3A_1871, %add3A_1920 : vector<16xi32>
        tpu.vector_store_idx %arg10[%add3A_1921], %gather3A_1890 : memref<16384xf32, #tpu.memory_space<vmem>>[vector<16xi32>], vector<16xf32>,
        %add3A_1922 = arith.constant 144 : i32
        %add3A_1923 = vector.broadcast %add3A_1922 : i32 to vector<16xi32>
        %add3A_1924 = arith.addi %iota3A, %add3A_1923 : vector<16xi32>
        %gather3A_1925 = tpu.vector_load_idx %arg8[%add3A_1924, %and3A_1858] : memref<512x32xf32, #tpu.memory_space<vmem>>[vector<16xi32>, vector<16xi32>], vector<16xf32>,
        %add3A_1926 = arith.constant 80 : i32
        %add3A_1927 = vector.broadcast %add3A_1926 : i32 to vector<16xi32>
        %add3A_1928 = arith.addi %add3A_1871, %add3A_1927 : vector<16xi32>
        tpu.vector_store_idx %arg10[%add3A_1928], %gather3A_1897 : memref<16384xf32, #tpu.memory_space<vmem>>[vector<16xi32>], vector<16xf32>,
        %add3A_1929 = arith.constant 160 : i32
        %add3A_1930 = vector.broadcast %add3A_1929 : i32 to vector<16xi32>
        %add3A_1931 = arith.addi %iota3A, %add3A_1930 : vector<16xi32>
        %gather3A_1932 = tpu.vector_load_idx %arg8[%add3A_1931, %and3A_1858] : memref<512x32xf32, #tpu.memory_space<vmem>>[vector<16xi32>, vector<16xi32>], vector<16xf32>,
        %add3A_1933 = arith.constant 96 : i32
        %add3A_1934 = vector.broadcast %add3A_1933 : i32 to vector<16xi32>
        %add3A_1935 = arith.addi %add3A_1871, %add3A_1934 : vector<16xi32>
        tpu.vector_store_idx %arg10[%add3A_1935], %gather3A_1904 : memref<16384xf32, #tpu.memory_space<vmem>>[vector<16xi32>], vector<16xf32>,
        %add3A_1936 = arith.constant 176 : i32
        %add3A_1937 = vector.broadcast %add3A_1936 : i32 to vector<16xi32>
        %add3A_1938 = arith.addi %iota3A, %add3A_1937 : vector<16xi32>
        %gather3A_1939 = tpu.vector_load_idx %arg8[%add3A_1938, %and3A_1858] : memref<512x32xf32, #tpu.memory_space<vmem>>[vector<16xi32>, vector<16xi32>], vector<16xf32>,
        %add3A_1940 = arith.constant 112 : i32
        %add3A_1941 = vector.broadcast %add3A_1940 : i32 to vector<16xi32>
        %add3A_1942 = arith.addi %add3A_1871, %add3A_1941 : vector<16xi32>
        tpu.vector_store_idx %arg10[%add3A_1942], %gather3A_1911 : memref<16384xf32, #tpu.memory_space<vmem>>[vector<16xi32>], vector<16xf32>,
        %add3A_1943 = arith.constant 192 : i32
        %add3A_1944 = vector.broadcast %add3A_1943 : i32 to vector<16xi32>
        %add3A_1945 = arith.addi %iota3A, %add3A_1944 : vector<16xi32>
        %gather3A_1946 = tpu.vector_load_idx %arg8[%add3A_1945, %and3A_1858] : memref<512x32xf32, #tpu.memory_space<vmem>>[vector<16xi32>, vector<16xi32>], vector<16xf32>,
        %add3A_1947 = arith.constant 1024 : i32
        %add3A_1948 = vector.broadcast %add3A_1947 : i32 to vector<16xi32>
        %add3A_1949 = arith.addi %add3A_1871, %add3A_1948 : vector<16xi32>
        tpu.vector_store_idx %arg10[%add3A_1949], %gather3A_1918 : memref<16384xf32, #tpu.memory_space<vmem>>[vector<16xi32>], vector<16xf32>,
        %add3A_1950 = arith.constant 208 : i32
        %add3A_1951 = vector.broadcast %add3A_1950 : i32 to vector<16xi32>
        %add3A_1952 = arith.addi %iota3A, %add3A_1951 : vector<16xi32>
        %gather3A_1953 = tpu.vector_load_idx %arg8[%add3A_1952, %and3A_1858] : memref<512x32xf32, #tpu.memory_space<vmem>>[vector<16xi32>, vector<16xi32>], vector<16xf32>,
        %add3A_1954 = arith.constant 1040 : i32
        %add3A_1955 = vector.broadcast %add3A_1954 : i32 to vector<16xi32>
        %add3A_1956 = arith.addi %add3A_1871, %add3A_1955 : vector<16xi32>
        tpu.vector_store_idx %arg10[%add3A_1956], %gather3A_1925 : memref<16384xf32, #tpu.memory_space<vmem>>[vector<16xi32>], vector<16xf32>,
        %add3A_1957 = arith.constant 224 : i32
        %add3A_1958 = vector.broadcast %add3A_1957 : i32 to vector<16xi32>
        %add3A_1959 = arith.addi %iota3A, %add3A_1958 : vector<16xi32>
        %gather3A_1960 = tpu.vector_load_idx %arg8[%add3A_1959, %and3A_1858] : memref<512x32xf32, #tpu.memory_space<vmem>>[vector<16xi32>, vector<16xi32>], vector<16xf32>,
        %add3A_1961 = arith.constant 1056 : i32
        %add3A_1962 = vector.broadcast %add3A_1961 : i32 to vector<16xi32>
        %add3A_1963 = arith.addi %add3A_1871, %add3A_1962 : vector<16xi32>
        tpu.vector_store_idx %arg10[%add3A_1963], %gather3A_1932 : memref<16384xf32, #tpu.memory_space<vmem>>[vector<16xi32>], vector<16xf32>,
        %add3A_1964 = arith.constant 240 : i32
        %add3A_1965 = vector.broadcast %add3A_1964 : i32 to vector<16xi32>
        %add3A_1966 = arith.addi %iota3A, %add3A_1965 : vector<16xi32>
        %gather3A_1967 = tpu.vector_load_idx %arg8[%add3A_1966, %and3A_1858] : memref<512x32xf32, #tpu.memory_space<vmem>>[vector<16xi32>, vector<16xi32>], vector<16xf32>,
        %add3A_1968 = arith.constant 1072 : i32
        %add3A_1969 = vector.broadcast %add3A_1968 : i32 to vector<16xi32>
        %add3A_1970 = arith.addi %add3A_1871, %add3A_1969 : vector<16xi32>
        tpu.vector_store_idx %arg10[%add3A_1970], %gather3A_1939 : memref<16384xf32, #tpu.memory_space<vmem>>[vector<16xi32>], vector<16xf32>,
        %add3A_1971 = arith.constant 256 : i32
        %add3A_1972 = vector.broadcast %add3A_1971 : i32 to vector<16xi32>
        %add3A_1973 = arith.addi %iota3A, %add3A_1972 : vector<16xi32>
        %gather3A_1974 = tpu.vector_load_idx %arg8[%add3A_1973, %and3A_1858] : memref<512x32xf32, #tpu.memory_space<vmem>>[vector<16xi32>, vector<16xi32>], vector<16xf32>,
        %add3A_1975 = arith.constant 1088 : i32
        %add3A_1976 = vector.broadcast %add3A_1975 : i32 to vector<16xi32>
        %add3A_1977 = arith.addi %add3A_1871, %add3A_1976 : vector<16xi32>
        tpu.vector_store_idx %arg10[%add3A_1977], %gather3A_1946 : memref<16384xf32, #tpu.memory_space<vmem>>[vector<16xi32>], vector<16xf32>,
        %add3A_1978 = arith.constant 272 : i32
        %add3A_1979 = vector.broadcast %add3A_1978 : i32 to vector<16xi32>
        %add3A_1980 = arith.addi %iota3A, %add3A_1979 : vector<16xi32>
        %gather3A_1981 = tpu.vector_load_idx %arg8[%add3A_1980, %and3A_1858] : memref<512x32xf32, #tpu.memory_space<vmem>>[vector<16xi32>, vector<16xi32>], vector<16xf32>,
        %add3A_1982 = arith.constant 1104 : i32
        %add3A_1983 = vector.broadcast %add3A_1982 : i32 to vector<16xi32>
        %add3A_1984 = arith.addi %add3A_1871, %add3A_1983 : vector<16xi32>
        tpu.vector_store_idx %arg10[%add3A_1984], %gather3A_1953 : memref<16384xf32, #tpu.memory_space<vmem>>[vector<16xi32>], vector<16xf32>,
        %add3A_1985 = arith.constant 288 : i32
        %add3A_1986 = vector.broadcast %add3A_1985 : i32 to vector<16xi32>
        %add3A_1987 = arith.addi %iota3A, %add3A_1986 : vector<16xi32>
        %gather3A_1988 = tpu.vector_load_idx %arg8[%add3A_1987, %and3A_1858] : memref<512x32xf32, #tpu.memory_space<vmem>>[vector<16xi32>, vector<16xi32>], vector<16xf32>,
        %add3A_1989 = arith.constant 1120 : i32
        %add3A_1990 = vector.broadcast %add3A_1989 : i32 to vector<16xi32>
        %add3A_1991 = arith.addi %add3A_1871, %add3A_1990 : vector<16xi32>
        tpu.vector_store_idx %arg10[%add3A_1991], %gather3A_1960 : memref<16384xf32, #tpu.memory_space<vmem>>[vector<16xi32>], vector<16xf32>,
        %add3A_1992 = arith.constant 304 : i32
        %add3A_1993 = vector.broadcast %add3A_1992 : i32 to vector<16xi32>
        %add3A_1994 = arith.addi %iota3A, %add3A_1993 : vector<16xi32>
        %gather3A_1995 = tpu.vector_load_idx %arg8[%add3A_1994, %and3A_1858] : memref<512x32xf32, #tpu.memory_space<vmem>>[vector<16xi32>, vector<16xi32>], vector<16xf32>,
        %add3A_1996 = arith.constant 1136 : i32
        %add3A_1997 = vector.broadcast %add3A_1996 : i32 to vector<16xi32>
        %add3A_1998 = arith.addi %add3A_1871, %add3A_1997 : vector<16xi32>
        tpu.vector_store_idx %arg10[%add3A_1998], %gather3A_1967 : memref<16384xf32, #tpu.memory_space<vmem>>[vector<16xi32>], vector<16xf32>,
        %add3A_1999 = arith.constant 320 : i32
        %add3A_2000 = vector.broadcast %add3A_1999 : i32 to vector<16xi32>
        %add3A_2001 = arith.addi %iota3A, %add3A_2000 : vector<16xi32>
        %gather3A_2002 = tpu.vector_load_idx %arg8[%add3A_2001, %and3A_1858] : memref<512x32xf32, #tpu.memory_space<vmem>>[vector<16xi32>, vector<16xi32>], vector<16xf32>,
        %add3A_2003 = arith.constant 2048 : i32
        %add3A_2004 = vector.broadcast %add3A_2003 : i32 to vector<16xi32>
        %add3A_2005 = arith.addi %add3A_1871, %add3A_2004 : vector<16xi32>
        tpu.vector_store_idx %arg10[%add3A_2005], %gather3A_1974 : memref<16384xf32, #tpu.memory_space<vmem>>[vector<16xi32>], vector<16xf32>,
        %add3A_2006 = arith.constant 336 : i32
        %add3A_2007 = vector.broadcast %add3A_2006 : i32 to vector<16xi32>
        %add3A_2008 = arith.addi %iota3A, %add3A_2007 : vector<16xi32>
        %gather3A_2009 = tpu.vector_load_idx %arg8[%add3A_2008, %and3A_1858] : memref<512x32xf32, #tpu.memory_space<vmem>>[vector<16xi32>, vector<16xi32>], vector<16xf32>,
        %add3A_2010 = arith.constant 2064 : i32
        %add3A_2011 = vector.broadcast %add3A_2010 : i32 to vector<16xi32>
        %add3A_2012 = arith.addi %add3A_1871, %add3A_2011 : vector<16xi32>
        tpu.vector_store_idx %arg10[%add3A_2012], %gather3A_1981 : memref<16384xf32, #tpu.memory_space<vmem>>[vector<16xi32>], vector<16xf32>,
        %add3A_2013 = arith.constant 352 : i32
        %add3A_2014 = vector.broadcast %add3A_2013 : i32 to vector<16xi32>
        %add3A_2015 = arith.addi %iota3A, %add3A_2014 : vector<16xi32>
        %gather3A_2016 = tpu.vector_load_idx %arg8[%add3A_2015, %and3A_1858] : memref<512x32xf32, #tpu.memory_space<vmem>>[vector<16xi32>, vector<16xi32>], vector<16xf32>,
        %add3A_2017 = arith.constant 2080 : i32
        %add3A_2018 = vector.broadcast %add3A_2017 : i32 to vector<16xi32>
        %add3A_2019 = arith.addi %add3A_1871, %add3A_2018 : vector<16xi32>
        tpu.vector_store_idx %arg10[%add3A_2019], %gather3A_1988 : memref<16384xf32, #tpu.memory_space<vmem>>[vector<16xi32>], vector<16xf32>,
        %add3A_2020 = arith.constant 368 : i32
        %add3A_2021 = vector.broadcast %add3A_2020 : i32 to vector<16xi32>
        %add3A_2022 = arith.addi %iota3A, %add3A_2021 : vector<16xi32>
        %gather3A_2023 = tpu.vector_load_idx %arg8[%add3A_2022, %and3A_1858] : memref<512x32xf32, #tpu.memory_space<vmem>>[vector<16xi32>, vector<16xi32>], vector<16xf32>,
        %add3A_2024 = arith.constant 2096 : i32
        %add3A_2025 = vector.broadcast %add3A_2024 : i32 to vector<16xi32>
        %add3A_2026 = arith.addi %add3A_1871, %add3A_2025 : vector<16xi32>
        tpu.vector_store_idx %arg10[%add3A_2026], %gather3A_1995 : memref<16384xf32, #tpu.memory_space<vmem>>[vector<16xi32>], vector<16xf32>,
        %add3A_2027 = arith.constant 384 : i32
        %add3A_2028 = vector.broadcast %add3A_2027 : i32 to vector<16xi32>
        %add3A_2029 = arith.addi %iota3A, %add3A_2028 : vector<16xi32>
        %gather3A_2030 = tpu.vector_load_idx %arg8[%add3A_2029, %and3A_1858] : memref<512x32xf32, #tpu.memory_space<vmem>>[vector<16xi32>, vector<16xi32>], vector<16xf32>,
        %add3A_2031 = arith.constant 2112 : i32
        %add3A_2032 = vector.broadcast %add3A_2031 : i32 to vector<16xi32>
        %add3A_2033 = arith.addi %add3A_1871, %add3A_2032 : vector<16xi32>
        tpu.vector_store_idx %arg10[%add3A_2033], %gather3A_2002 : memref<16384xf32, #tpu.memory_space<vmem>>[vector<16xi32>], vector<16xf32>,
        %add3A_2034 = arith.constant 400 : i32
        %add3A_2035 = vector.broadcast %add3A_2034 : i32 to vector<16xi32>
        %add3A_2036 = arith.addi %iota3A, %add3A_2035 : vector<16xi32>
        %gather3A_2037 = tpu.vector_load_idx %arg8[%add3A_2036, %and3A_1858] : memref<512x32xf32, #tpu.memory_space<vmem>>[vector<16xi32>, vector<16xi32>], vector<16xf32>,
        %add3A_2038 = arith.constant 2128 : i32
        %add3A_2039 = vector.broadcast %add3A_2038 : i32 to vector<16xi32>
        %add3A_2040 = arith.addi %add3A_1871, %add3A_2039 : vector<16xi32>
        tpu.vector_store_idx %arg10[%add3A_2040], %gather3A_2009 : memref<16384xf32, #tpu.memory_space<vmem>>[vector<16xi32>], vector<16xf32>,
        %add3A_2041 = arith.constant 416 : i32
        %add3A_2042 = vector.broadcast %add3A_2041 : i32 to vector<16xi32>
        %add3A_2043 = arith.addi %iota3A, %add3A_2042 : vector<16xi32>
        %gather3A_2044 = tpu.vector_load_idx %arg8[%add3A_2043, %and3A_1858] : memref<512x32xf32, #tpu.memory_space<vmem>>[vector<16xi32>, vector<16xi32>], vector<16xf32>,
        %add3A_2045 = arith.constant 2144 : i32
        %add3A_2046 = vector.broadcast %add3A_2045 : i32 to vector<16xi32>
        %add3A_2047 = arith.addi %add3A_1871, %add3A_2046 : vector<16xi32>
        tpu.vector_store_idx %arg10[%add3A_2047], %gather3A_2016 : memref<16384xf32, #tpu.memory_space<vmem>>[vector<16xi32>], vector<16xf32>,
        %add3A_2048 = arith.constant 432 : i32
        %add3A_2049 = vector.broadcast %add3A_2048 : i32 to vector<16xi32>
        %add3A_2050 = arith.addi %iota3A, %add3A_2049 : vector<16xi32>
        %gather3A_2051 = tpu.vector_load_idx %arg8[%add3A_2050, %and3A_1858] : memref<512x32xf32, #tpu.memory_space<vmem>>[vector<16xi32>, vector<16xi32>], vector<16xf32>,
        %add3A_2052 = arith.constant 2160 : i32
        %add3A_2053 = vector.broadcast %add3A_2052 : i32 to vector<16xi32>
        %add3A_2054 = arith.addi %add3A_1871, %add3A_2053 : vector<16xi32>
        tpu.vector_store_idx %arg10[%add3A_2054], %gather3A_2023 : memref<16384xf32, #tpu.memory_space<vmem>>[vector<16xi32>], vector<16xf32>,
        %add3A_2055 = arith.constant 448 : i32
        %add3A_2056 = vector.broadcast %add3A_2055 : i32 to vector<16xi32>
        %add3A_2057 = arith.addi %iota3A, %add3A_2056 : vector<16xi32>
        %gather3A_2058 = tpu.vector_load_idx %arg8[%add3A_2057, %and3A_1858] : memref<512x32xf32, #tpu.memory_space<vmem>>[vector<16xi32>, vector<16xi32>], vector<16xf32>,
        %add3A_2059 = arith.constant 3072 : i32
        %add3A_2060 = vector.broadcast %add3A_2059 : i32 to vector<16xi32>
        %add3A_2061 = arith.addi %add3A_1871, %add3A_2060 : vector<16xi32>
        tpu.vector_store_idx %arg10[%add3A_2061], %gather3A_2030 : memref<16384xf32, #tpu.memory_space<vmem>>[vector<16xi32>], vector<16xf32>,
        %add3A_2062 = arith.constant 464 : i32
        %add3A_2063 = vector.broadcast %add3A_2062 : i32 to vector<16xi32>
        %add3A_2064 = arith.addi %iota3A, %add3A_2063 : vector<16xi32>
        %gather3A_2065 = tpu.vector_load_idx %arg8[%add3A_2064, %and3A_1858] : memref<512x32xf32, #tpu.memory_space<vmem>>[vector<16xi32>, vector<16xi32>], vector<16xf32>,
        %add3A_2066 = arith.constant 3088 : i32
        %add3A_2067 = vector.broadcast %add3A_2066 : i32 to vector<16xi32>
        %add3A_2068 = arith.addi %add3A_1871, %add3A_2067 : vector<16xi32>
        tpu.vector_store_idx %arg10[%add3A_2068], %gather3A_2037 : memref<16384xf32, #tpu.memory_space<vmem>>[vector<16xi32>], vector<16xf32>,
        %add3A_2069 = arith.constant 480 : i32
        %add3A_2070 = vector.broadcast %add3A_2069 : i32 to vector<16xi32>
        %add3A_2071 = arith.addi %iota3A, %add3A_2070 : vector<16xi32>
        %gather3A_2072 = tpu.vector_load_idx %arg8[%add3A_2071, %and3A_1858] : memref<512x32xf32, #tpu.memory_space<vmem>>[vector<16xi32>, vector<16xi32>], vector<16xf32>,
        %add3A_2073 = arith.constant 3104 : i32
        %add3A_2074 = vector.broadcast %add3A_2073 : i32 to vector<16xi32>
        %add3A_2075 = arith.addi %add3A_1871, %add3A_2074 : vector<16xi32>
        tpu.vector_store_idx %arg10[%add3A_2075], %gather3A_2044 : memref<16384xf32, #tpu.memory_space<vmem>>[vector<16xi32>], vector<16xf32>,
        %add3A_2076 = arith.constant 496 : i32
        %add3A_2077 = vector.broadcast %add3A_2076 : i32 to vector<16xi32>
        %add3A_2078 = arith.addi %iota3A, %add3A_2077 : vector<16xi32>
        %gather3A_2079 = tpu.vector_load_idx %arg8[%add3A_2078, %and3A_1858] : memref<512x32xf32, #tpu.memory_space<vmem>>[vector<16xi32>, vector<16xi32>], vector<16xf32>,
        %add3A_2080 = arith.constant 3120 : i32
        %add3A_2081 = vector.broadcast %add3A_2080 : i32 to vector<16xi32>
        %add3A_2082 = arith.addi %add3A_1871, %add3A_2081 : vector<16xi32>
        tpu.vector_store_idx %arg10[%add3A_2082], %gather3A_2051 : memref<16384xf32, #tpu.memory_space<vmem>>[vector<16xi32>], vector<16xf32>,
        %add3A_2083 = arith.constant 3136 : i32
        %add3A_2084 = vector.broadcast %add3A_2083 : i32 to vector<16xi32>
        %add3A_2085 = arith.addi %add3A_1871, %add3A_2084 : vector<16xi32>
        tpu.vector_store_idx %arg10[%add3A_2085], %gather3A_2058 : memref<16384xf32, #tpu.memory_space<vmem>>[vector<16xi32>], vector<16xf32>,
        %add3A_2086 = arith.constant 3152 : i32
        %add3A_2087 = vector.broadcast %add3A_2086 : i32 to vector<16xi32>
        %add3A_2088 = arith.addi %add3A_1871, %add3A_2087 : vector<16xi32>
        tpu.vector_store_idx %arg10[%add3A_2088], %gather3A_2065 : memref<16384xf32, #tpu.memory_space<vmem>>[vector<16xi32>], vector<16xf32>,
        %add3A_2089 = arith.constant 3168 : i32
        %add3A_2090 = vector.broadcast %add3A_2089 : i32 to vector<16xi32>
        %add3A_2091 = arith.addi %add3A_1871, %add3A_2090 : vector<16xi32>
        tpu.vector_store_idx %arg10[%add3A_2091], %gather3A_2072 : memref<16384xf32, #tpu.memory_space<vmem>>[vector<16xi32>], vector<16xf32>,
        %add3A_2092 = arith.constant 3184 : i32
        %add3A_2093 = vector.broadcast %add3A_2092 : i32 to vector<16xi32>
        %add3A_2094 = arith.addi %add3A_1871, %add3A_2093 : vector<16xi32>
        tpu.vector_store_idx %arg10[%add3A_2094], %gather3A_2079 : memref<16384xf32, #tpu.memory_space<vmem>>[vector<16xi32>], vector<16xf32>,
      }
      %scan3A_1715 = arith.constant 32 : i32
      %add3A_1716 = arith.constant 1 : i32
      %add3A_1717 = arith.addi %mul3A_1230, %add3A_1716 : i32
      %add3A_1718 = arith.addi %mul3A_2, %add3A_1717 : i32
      %jit3A_1719 = arith.constant 32 : i32
      %div3A_1720 = arith.divsi %add3A_1718, %jit3A_1719 : i32
      %sign3A_1721 = arith.constant 0 : i32
      %sign3A_1722 = arith.cmpi sgt, %add3A_1718, %sign3A_1721 : i32
      %sign3A_1723 = arith.extui %sign3A_1722 : i1 to i32
      %sign3A_1724 = arith.constant 0 : i32
      %sign3A_1725 = arith.cmpi slt, %add3A_1718, %sign3A_1724 : i32
      %sign3A_1726 = arith.extui %sign3A_1725 : i1 to i32
      %sign3A_1727 = arith.subi %sign3A_1723, %sign3A_1726 : i32
      %sign3A_1728 = arith.constant 0 : i32
      %sign3A_1729 = arith.cmpi sgt, %jit3A_1719, %sign3A_1728 : i32
      %sign3A_1730 = arith.extui %sign3A_1729 : i1 to i32
      %sign3A_1731 = arith.constant 0 : i32
      %sign3A_1732 = arith.cmpi slt, %jit3A_1719, %sign3A_1731 : i32
      %sign3A_1733 = arith.extui %sign3A_1732 : i1 to i32
      %sign3A_1734 = arith.subi %sign3A_1730, %sign3A_1733 : i32
      %ne3A_1735 = arith.cmpi ne, %sign3A_1727, %sign3A_1734 : i32
      %rem3A_1736 = arith.remsi %add3A_1718, %jit3A_1719 : i32
      %ne3A_1737 = arith.constant 0 : i32
      %ne3A_1738 = arith.cmpi ne, %rem3A_1736, %ne3A_1737 : i32
      %and3A_1739 = arith.andi %ne3A_1735, %ne3A_1738 : i1
      %sub3A_1740 = arith.constant 1 : i32
      %sub3A_1741 = arith.subi %div3A_1720, %sub3A_1740 : i32
      %select_n3A_1742 = arith.select %and3A_1739, %sub3A_1741, %div3A_1720 : i32
      %jit3A_1743 = arith.constant 32 : i32
      %eq3A_1744 = arith.constant 0 : i32
      %eq3A_1745 = arith.cmpi eq, %jit3A_1743, %eq3A_1744 : i32
      %jit3A_1746 = arith.constant 1 : i32
      %select_n3A_1747 = arith.select %eq3A_1745, %jit3A_1746, %jit3A_1743 : i32
      %rem3A_1748 = arith.remsi %add3A_1718, %select_n3A_1747 : i32
      %ne3A_1749 = arith.constant 0 : i32
      %ne3A_1750 = arith.cmpi ne, %rem3A_1748, %ne3A_1749 : i32
      %lt3A_1751 = arith.constant 0 : i32
      %lt3A_1752 = arith.cmpi slt, %rem3A_1748, %lt3A_1751 : i32
      %lt3A_1753 = arith.constant 0 : i32
      %lt3A_1754 = arith.cmpi slt, %select_n3A_1747, %lt3A_1753 : i32
      %ne3A_1755 = arith.xori %lt3A_1752, %lt3A_1754 : i1
      %and3A_1756 = arith.andi %ne3A_1755, %ne3A_1750 : i1
      %add3A_1757 = arith.addi %rem3A_1748, %select_n3A_1747 : i32
      %select_n3A_1758 = arith.select %and3A_1756, %add3A_1757, %rem3A_1748 : i32
      %mul3A_1759 = arith.constant 4096 : i32
      %mul3A_1760 = arith.muli %select_n3A_1758, %mul3A_1759 : i32
      %mul3A_1761 = arith.constant 4096 : i32
      %mul3A_1762 = arith.muli %select_n3A_1758, %mul3A_1761 : i32
      %mul3A_1763 = arith.constant 4096 : i32
      %mul3A_1764 = arith.muli %select_n3A_1758, %mul3A_1763 : i32
      %mul3A_1765 = arith.constant 4096 : i32
      %mul3A_1766 = arith.muli %select_n3A_1758, %mul3A_1765 : i32
      %dma_start3A_1767 = arith.constant 0 : i32
      %dma_start3A_1768 = arith.constant 0 : i32
      %dma_start3A_1769 = tpu.memref_slice %arg10[%dma_start3A_1768] : memref<16384xf32, #tpu.memory_space<vmem>> -> memref<4096xf32, #tpu.memory_space<vmem>>
      %dma_start3A_1770 = tpu.memref_slice %arg4[%select_n3A_1742, %dma_start3A_1767, %mul3A_1760] : memref<200x4x131072xf32, #tpu.memory_space<hbm>> -> memref<1x1x4096xf32, #tpu.memory_space<hbm>>
      %dma_start3A_1771 = tpu.memref_squeeze %dma_start3A_1770 : memref<1x1x4096xf32, #tpu.memory_space<hbm>> -> memref<4096xf32, #tpu.memory_space<hbm>>
      %dma_start3A_1772 = tpu.memref_slice %arg4[%select_n3A_1742, %dma_start3A_1767, %mul3A_1760] : memref<200x4x131072xf32, #tpu.memory_space<hbm>> -> memref<1x1x4096xf32, #tpu.memory_space<hbm>>
      %dma_start3A_1773 = tpu.memref_squeeze %dma_start3A_1772 : memref<1x1x4096xf32, #tpu.memory_space<hbm>> -> memref<4096xf32, #tpu.memory_space<hbm>>
      %dma_start3A_1774 = arith.constant 0 : i32
      %dma_start3A_1775 = tpu.memref_slice %arg10[%dma_start3A_1774] : memref<16384xf32, #tpu.memory_space<vmem>> -> memref<4096xf32, #tpu.memory_space<vmem>>
      tpu.enqueue_dma source(%dma_start3A_1775 : memref<4096xf32, #tpu.memory_space<vmem>>) target(%dma_start3A_1773 : memref<4096xf32, #tpu.memory_space<hbm>>) target_semaphore(%arg16 : memref<!tpu.dma_semaphore, #tpu.memory_space<semaphore_mem>>)
      %dma_start3A_1776 = arith.constant 1 : i32
      %dma_start3A_1777 = arith.constant 4096 : i32
      %dma_start3A_1778 = tpu.memref_slice %arg10[%dma_start3A_1777] : memref<16384xf32, #tpu.memory_space<vmem>> -> memref<4096xf32, #tpu.memory_space<vmem>>
      %dma_start3A_1779 = tpu.memref_slice %arg4[%select_n3A_1742, %dma_start3A_1776, %mul3A_1762] : memref<200x4x131072xf32, #tpu.memory_space<hbm>> -> memref<1x1x4096xf32, #tpu.memory_space<hbm>>
      %dma_start3A_1780 = tpu.memref_squeeze %dma_start3A_1779 : memref<1x1x4096xf32, #tpu.memory_space<hbm>> -> memref<4096xf32, #tpu.memory_space<hbm>>
      %dma_start3A_1781 = tpu.memref_slice %arg4[%select_n3A_1742, %dma_start3A_1776, %mul3A_1762] : memref<200x4x131072xf32, #tpu.memory_space<hbm>> -> memref<1x1x4096xf32, #tpu.memory_space<hbm>>
      %dma_start3A_1782 = tpu.memref_squeeze %dma_start3A_1781 : memref<1x1x4096xf32, #tpu.memory_space<hbm>> -> memref<4096xf32, #tpu.memory_space<hbm>>
      %dma_start3A_1783 = arith.constant 4096 : i32
      %dma_start3A_1784 = tpu.memref_slice %arg10[%dma_start3A_1783] : memref<16384xf32, #tpu.memory_space<vmem>> -> memref<4096xf32, #tpu.memory_space<vmem>>
      tpu.enqueue_dma source(%dma_start3A_1784 : memref<4096xf32, #tpu.memory_space<vmem>>) target(%dma_start3A_1782 : memref<4096xf32, #tpu.memory_space<hbm>>) target_semaphore(%arg16 : memref<!tpu.dma_semaphore, #tpu.memory_space<semaphore_mem>>)
      %dma_start3A_1785 = arith.constant 2 : i32
      %dma_start3A_1786 = arith.constant 8192 : i32
      %dma_start3A_1787 = tpu.memref_slice %arg10[%dma_start3A_1786] : memref<16384xf32, #tpu.memory_space<vmem>> -> memref<4096xf32, #tpu.memory_space<vmem>>
      %dma_start3A_1788 = tpu.memref_slice %arg4[%select_n3A_1742, %dma_start3A_1785, %mul3A_1764] : memref<200x4x131072xf32, #tpu.memory_space<hbm>> -> memref<1x1x4096xf32, #tpu.memory_space<hbm>>
      %dma_start3A_1789 = tpu.memref_squeeze %dma_start3A_1788 : memref<1x1x4096xf32, #tpu.memory_space<hbm>> -> memref<4096xf32, #tpu.memory_space<hbm>>
      %dma_start3A_1790 = tpu.memref_slice %arg4[%select_n3A_1742, %dma_start3A_1785, %mul3A_1764] : memref<200x4x131072xf32, #tpu.memory_space<hbm>> -> memref<1x1x4096xf32, #tpu.memory_space<hbm>>
      %dma_start3A_1791 = tpu.memref_squeeze %dma_start3A_1790 : memref<1x1x4096xf32, #tpu.memory_space<hbm>> -> memref<4096xf32, #tpu.memory_space<hbm>>
      %dma_start3A_1792 = arith.constant 8192 : i32
      %dma_start3A_1793 = tpu.memref_slice %arg10[%dma_start3A_1792] : memref<16384xf32, #tpu.memory_space<vmem>> -> memref<4096xf32, #tpu.memory_space<vmem>>
      tpu.enqueue_dma source(%dma_start3A_1793 : memref<4096xf32, #tpu.memory_space<vmem>>) target(%dma_start3A_1791 : memref<4096xf32, #tpu.memory_space<hbm>>) target_semaphore(%arg16 : memref<!tpu.dma_semaphore, #tpu.memory_space<semaphore_mem>>)
      %dma_start3A_1794 = arith.constant 3 : i32
      %dma_start3A_1795 = arith.constant 12288 : i32
      %dma_start3A_1796 = tpu.memref_slice %arg10[%dma_start3A_1795] : memref<16384xf32, #tpu.memory_space<vmem>> -> memref<4096xf32, #tpu.memory_space<vmem>>
      %dma_start3A_1797 = tpu.memref_slice %arg4[%select_n3A_1742, %dma_start3A_1794, %mul3A_1766] : memref<200x4x131072xf32, #tpu.memory_space<hbm>> -> memref<1x1x4096xf32, #tpu.memory_space<hbm>>
      %dma_start3A_1798 = tpu.memref_squeeze %dma_start3A_1797 : memref<1x1x4096xf32, #tpu.memory_space<hbm>> -> memref<4096xf32, #tpu.memory_space<hbm>>
      %dma_start3A_1799 = tpu.memref_slice %arg4[%select_n3A_1742, %dma_start3A_1794, %mul3A_1766] : memref<200x4x131072xf32, #tpu.memory_space<hbm>> -> memref<1x1x4096xf32, #tpu.memory_space<hbm>>
      %dma_start3A_1800 = tpu.memref_squeeze %dma_start3A_1799 : memref<1x1x4096xf32, #tpu.memory_space<hbm>> -> memref<4096xf32, #tpu.memory_space<hbm>>
      %dma_start3A_1801 = arith.constant 12288 : i32
      %dma_start3A_1802 = tpu.memref_slice %arg10[%dma_start3A_1801] : memref<16384xf32, #tpu.memory_space<vmem>> -> memref<4096xf32, #tpu.memory_space<vmem>>
      tpu.enqueue_dma source(%dma_start3A_1802 : memref<4096xf32, #tpu.memory_space<vmem>>) target(%dma_start3A_1800 : memref<4096xf32, #tpu.memory_space<hbm>>) target_semaphore(%arg16 : memref<!tpu.dma_semaphore, #tpu.memory_space<semaphore_mem>>)
      %add3A_1803 = arith.constant 3 : i32
      %add3A_1804 = arith.addi %mul3A_1230, %add3A_1803 : i32
      %add3A_1805 = arith.addi %mul3A_2, %add3A_1804 : i32
      %jit3A_1806 = arith.constant 32 : i32
      %div3A_1807 = arith.divsi %add3A_1805, %jit3A_1806 : i32
      %sign3A_1808 = arith.constant 0 : i32
      %sign3A_1809 = arith.cmpi sgt, %add3A_1805, %sign3A_1808 : i32
      %sign3A_1810 = arith.extui %sign3A_1809 : i1 to i32
      %sign3A_1811 = arith.constant 0 : i32
      %sign3A_1812 = arith.cmpi slt, %add3A_1805, %sign3A_1811 : i32
      %sign3A_1813 = arith.extui %sign3A_1812 : i1 to i32
      %sign3A_1814 = arith.subi %sign3A_1810, %sign3A_1813 : i32
      %sign3A_1815 = arith.constant 0 : i32
      %sign3A_1816 = arith.cmpi sgt, %jit3A_1806, %sign3A_1815 : i32
      %sign3A_1817 = arith.extui %sign3A_1816 : i1 to i32
      %sign3A_1818 = arith.constant 0 : i32
      %sign3A_1819 = arith.cmpi slt, %jit3A_1806, %sign3A_1818 : i32
      %sign3A_1820 = arith.extui %sign3A_1819 : i1 to i32
      %sign3A_1821 = arith.subi %sign3A_1817, %sign3A_1820 : i32
      %ne3A_1822 = arith.cmpi ne, %sign3A_1814, %sign3A_1821 : i32
      %rem3A_1823 = arith.remsi %add3A_1805, %jit3A_1806 : i32
      %ne3A_1824 = arith.constant 0 : i32
      %ne3A_1825 = arith.cmpi ne, %rem3A_1823, %ne3A_1824 : i32
      %and3A_1826 = arith.andi %ne3A_1822, %ne3A_1825 : i1
      %sub3A_1827 = arith.constant 1 : i32
      %sub3A_1828 = arith.subi %div3A_1807, %sub3A_1827 : i32
      %select_n3A_1829 = arith.select %and3A_1826, %sub3A_1828, %div3A_1807 : i32
      %jit3A_1830 = arith.constant 32 : i32
      %eq3A_1831 = arith.constant 0 : i32
      %eq3A_1832 = arith.cmpi eq, %jit3A_1830, %eq3A_1831 : i32
      %jit3A_1833 = arith.constant 1 : i32
      %select_n3A_1834 = arith.select %eq3A_1832, %jit3A_1833, %jit3A_1830 : i32
      %rem3A_1835 = arith.remsi %add3A_1805, %select_n3A_1834 : i32
      %ne3A_1836 = arith.constant 0 : i32
      %ne3A_1837 = arith.cmpi ne, %rem3A_1835, %ne3A_1836 : i32
      %lt3A_1838 = arith.constant 0 : i32
      %lt3A_1839 = arith.cmpi slt, %rem3A_1835, %lt3A_1838 : i32
      %lt3A_1840 = arith.constant 0 : i32
      %lt3A_1841 = arith.cmpi slt, %select_n3A_1834, %lt3A_1840 : i32
      %ne3A_1842 = arith.xori %lt3A_1839, %lt3A_1841 : i1
      %and3A_1843 = arith.andi %ne3A_1842, %ne3A_1837 : i1
      %add3A_1844 = arith.addi %rem3A_1835, %select_n3A_1834 : i32
      %select_n3A_1845 = arith.select %and3A_1843, %add3A_1844, %rem3A_1835 : i32
      %mul3A_1846 = arith.constant 16384 : i32
      %mul3A_1847 = arith.muli %select_n3A_1829, %mul3A_1846 : i32
      %mul3A_1848 = arith.constant 512 : i32
      %mul3A_1849 = arith.muli %select_n3A_1845, %mul3A_1848 : i32
      %add3A_1850 = arith.addi %mul3A_1847, %mul3A_1849 : i32
      %dma_start3A_1851 = tpu.memref_slice %arg2[%add3A_1850] : memref<3276800xi32, #tpu.memory_space<hbm>> -> memref<512xi32, #tpu.memory_space<hbm>>
      %dma_start3A_1852 = tpu.memref_slice %arg2[%add3A_1850] : memref<3276800xi32, #tpu.memory_space<hbm>> -> memref<512xi32, #tpu.memory_space<hbm>>
      tpu.enqueue_dma source(%dma_start3A_1852 : memref<512xi32, #tpu.memory_space<hbm>>) target(%arg6 : memref<512xi32, #tpu.memory_space<vmem>>) target_semaphore(%arg12 : memref<!tpu.dma_semaphore, #tpu.memory_space<semaphore_mem>>)
    }
    %scan3A_602 = arith.constant 98 : i32
    %dma_wait3A_603 = arith.constant 0 : i32
    %dma_wait3A_604 = arith.constant 0 : i32
    %dma_wait3A_605 = tpu.memref_slice %arg7[%dma_wait3A_603, %dma_wait3A_604] : memref<512x32xf32, #tpu.memory_space<vmem>> -> memref<256x32xf32, #tpu.memory_space<vmem>>
    %dma_wait3A_606 = arith.constant 0 : i32
    %dma_wait3A_607 = tpu.memref_slice %arg5[%dma_wait3A_606] : memref<512xi32, #tpu.memory_space<vmem>> -> memref<256xi32, #tpu.memory_space<vmem>>
    %dma_wait3A_608 = arith.constant 0 : i32
    %dma_wait3A_609 = arith.constant 0 : i32
    %dma_wait3A_610 = tpu.memref_slice %arg3[%dma_wait3A_608, %dma_wait3A_609] : memref<1000000x32xf32, #tpu.memory_space<hbm>> -> memref<1000000x32xf32, #tpu.memory_space<hbm>>
    tpu.wait_indirect_dma semaphore(%arg13 : memref<!tpu.dma_semaphore, #tpu.memory_space<semaphore_mem>>) src(%dma_wait3A_610 : memref<1000000x32xf32, #tpu.memory_space<hbm>>) dst(%dma_wait3A_605 : memref<256x32xf32, #tpu.memory_space<vmem>>)
    %dma_wait3A_611 = arith.constant 256 : i32
    %dma_wait3A_612 = arith.constant 0 : i32
    %dma_wait3A_613 = tpu.memref_slice %arg7[%dma_wait3A_611, %dma_wait3A_612] : memref<512x32xf32, #tpu.memory_space<vmem>> -> memref<256x32xf32, #tpu.memory_space<vmem>>
    %dma_wait3A_614 = arith.constant 256 : i32
    %dma_wait3A_615 = tpu.memref_slice %arg5[%dma_wait3A_614] : memref<512xi32, #tpu.memory_space<vmem>> -> memref<256xi32, #tpu.memory_space<vmem>>
    %dma_wait3A_616 = arith.constant 0 : i32
    %dma_wait3A_617 = arith.constant 0 : i32
    %dma_wait3A_618 = tpu.memref_slice %arg3[%dma_wait3A_616, %dma_wait3A_617] : memref<1000000x32xf32, #tpu.memory_space<hbm>> -> memref<1000000x32xf32, #tpu.memory_space<hbm>>
    tpu.wait_indirect_dma semaphore(%arg13 : memref<!tpu.dma_semaphore, #tpu.memory_space<semaphore_mem>>) src(%dma_wait3A_618 : memref<1000000x32xf32, #tpu.memory_space<hbm>>) dst(%dma_wait3A_613 : memref<256x32xf32, #tpu.memory_space<vmem>>)
    %add3A_619 = arith.constant 199 : i32
    %add3A_620 = arith.addi %mul3A_2, %add3A_619 : i32
    %jit3A_621 = arith.constant 32 : i32
    %div3A_622 = arith.divsi %add3A_620, %jit3A_621 : i32
    %sign3A_623 = arith.constant 0 : i32
    %sign3A_624 = arith.cmpi sgt, %add3A_620, %sign3A_623 : i32
    %sign3A_625 = arith.extui %sign3A_624 : i1 to i32
    %sign3A_626 = arith.constant 0 : i32
    %sign3A_627 = arith.cmpi slt, %add3A_620, %sign3A_626 : i32
    %sign3A_628 = arith.extui %sign3A_627 : i1 to i32
    %sign3A_629 = arith.subi %sign3A_625, %sign3A_628 : i32
    %sign3A_630 = arith.constant 0 : i32
    %sign3A_631 = arith.cmpi sgt, %jit3A_621, %sign3A_630 : i32
    %sign3A_632 = arith.extui %sign3A_631 : i1 to i32
    %sign3A_633 = arith.constant 0 : i32
    %sign3A_634 = arith.cmpi slt, %jit3A_621, %sign3A_633 : i32
    %sign3A_635 = arith.extui %sign3A_634 : i1 to i32
    %sign3A_636 = arith.subi %sign3A_632, %sign3A_635 : i32
    %ne3A_637 = arith.cmpi ne, %sign3A_629, %sign3A_636 : i32
    %rem3A_638 = arith.remsi %add3A_620, %jit3A_621 : i32
    %ne3A_639 = arith.constant 0 : i32
    %ne3A_640 = arith.cmpi ne, %rem3A_638, %ne3A_639 : i32
    %and3A_641 = arith.andi %ne3A_637, %ne3A_640 : i1
    %sub3A_642 = arith.constant 1 : i32
    %sub3A_643 = arith.subi %div3A_622, %sub3A_642 : i32
    %select_n3A_644 = arith.select %and3A_641, %sub3A_643, %div3A_622 : i32
    %jit3A_645 = arith.constant 32 : i32
    %eq3A_646 = arith.constant 0 : i32
    %eq3A_647 = arith.cmpi eq, %jit3A_645, %eq3A_646 : i32
    %jit3A_648 = arith.constant 1 : i32
    %select_n3A_649 = arith.select %eq3A_647, %jit3A_648, %jit3A_645 : i32
    %rem3A_650 = arith.remsi %add3A_620, %select_n3A_649 : i32
    %ne3A_651 = arith.constant 0 : i32
    %ne3A_652 = arith.cmpi ne, %rem3A_650, %ne3A_651 : i32
    %lt3A_653 = arith.constant 0 : i32
    %lt3A_654 = arith.cmpi slt, %rem3A_650, %lt3A_653 : i32
    %lt3A_655 = arith.constant 0 : i32
    %lt3A_656 = arith.cmpi slt, %select_n3A_649, %lt3A_655 : i32
    %ne3A_657 = arith.xori %lt3A_654, %lt3A_656 : i1
    %and3A_658 = arith.andi %ne3A_657, %ne3A_652 : i1
    %add3A_659 = arith.addi %rem3A_650, %select_n3A_649 : i32
    %select_n3A_660 = arith.select %and3A_658, %add3A_659, %rem3A_650 : i32
    %mul3A_661 = arith.constant 16384 : i32
    %mul3A_662 = arith.muli %select_n3A_644, %mul3A_661 : i32
    %mul3A_663 = arith.constant 512 : i32
    %mul3A_664 = arith.muli %select_n3A_660, %mul3A_663 : i32
    %add3A_665 = arith.addi %mul3A_662, %mul3A_664 : i32
    %dma_wait3A_666 = tpu.memref_slice %arg2[%add3A_665] : memref<3276800xi32, #tpu.memory_space<hbm>> -> memref<512xi32, #tpu.memory_space<hbm>>
    %dma_wait3A_667 = tpu.memref_slice %arg2[%add3A_665] : memref<3276800xi32, #tpu.memory_space<hbm>> -> memref<512xi32, #tpu.memory_space<hbm>>
    tpu.wait_dma2 semaphore(%arg12 : memref<!tpu.dma_semaphore, #tpu.memory_space<semaphore_mem>>) src(%dma_wait3A_667 : memref<512xi32, #tpu.memory_space<hbm>>) dst(%arg6 : memref<512xi32, #tpu.memory_space<vmem>>)
    %dma_start3A_668 = arith.constant 0 : i32
    %dma_start3A_669 = arith.constant 0 : i32
    %dma_start3A_670 = tpu.memref_slice %arg8[%dma_start3A_668, %dma_start3A_669] : memref<512x32xf32, #tpu.memory_space<vmem>> -> memref<256x32xf32, #tpu.memory_space<vmem>>
    %dma_start3A_671 = arith.constant 0 : i32
    %dma_start3A_672 = tpu.memref_slice %arg6[%dma_start3A_671] : memref<512xi32, #tpu.memory_space<vmem>> -> memref<256xi32, #tpu.memory_space<vmem>>
    %dma_start3A_673 = arith.constant 0 : i32
    %dma_start3A_674 = arith.constant 0 : i32
    %dma_start3A_675 = tpu.memref_slice %arg3[%dma_start3A_673, %dma_start3A_674] : memref<1000000x32xf32, #tpu.memory_space<hbm>> -> memref<1000000x32xf32, #tpu.memory_space<hbm>>
    tpu.enqueue_indirect_dma source(%dma_start3A_675 : memref<1000000x32xf32, #tpu.memory_space<hbm>>) target(%dma_start3A_670 : memref<256x32xf32, #tpu.memory_space<vmem>>) offsets(%dma_start3A_672 : memref<256xi32, #tpu.memory_space<vmem>>) semaphore(%arg14 : memref<!tpu.dma_semaphore, #tpu.memory_space<semaphore_mem>>)
    %dma_start3A_676 = arith.constant 256 : i32
    %dma_start3A_677 = arith.constant 0 : i32
    %dma_start3A_678 = tpu.memref_slice %arg8[%dma_start3A_676, %dma_start3A_677] : memref<512x32xf32, #tpu.memory_space<vmem>> -> memref<256x32xf32, #tpu.memory_space<vmem>>
    %dma_start3A_679 = arith.constant 256 : i32
    %dma_start3A_680 = tpu.memref_slice %arg6[%dma_start3A_679] : memref<512xi32, #tpu.memory_space<vmem>> -> memref<256xi32, #tpu.memory_space<vmem>>
    %dma_start3A_681 = arith.constant 0 : i32
    %dma_start3A_682 = arith.constant 0 : i32
    %dma_start3A_683 = tpu.memref_slice %arg3[%dma_start3A_681, %dma_start3A_682] : memref<1000000x32xf32, #tpu.memory_space<hbm>> -> memref<1000000x32xf32, #tpu.memory_space<hbm>>
    tpu.enqueue_indirect_dma source(%dma_start3A_683 : memref<1000000x32xf32, #tpu.memory_space<hbm>>) target(%dma_start3A_678 : memref<256x32xf32, #tpu.memory_space<vmem>>) offsets(%dma_start3A_680 : memref<256xi32, #tpu.memory_space<vmem>>) semaphore(%arg14 : memref<!tpu.dma_semaphore, #tpu.memory_space<semaphore_mem>>)
    %add3A_684 = arith.constant 196 : i32
    %add3A_685 = arith.addi %mul3A_2, %add3A_684 : i32
    %jit3A_686 = arith.constant 32 : i32
    %div3A_687 = arith.divsi %add3A_685, %jit3A_686 : i32
    %sign3A_688 = arith.constant 0 : i32
    %sign3A_689 = arith.cmpi sgt, %add3A_685, %sign3A_688 : i32
    %sign3A_690 = arith.extui %sign3A_689 : i1 to i32
    %sign3A_691 = arith.constant 0 : i32
    %sign3A_692 = arith.cmpi slt, %add3A_685, %sign3A_691 : i32
    %sign3A_693 = arith.extui %sign3A_692 : i1 to i32
    %sign3A_694 = arith.subi %sign3A_690, %sign3A_693 : i32
    %sign3A_695 = arith.constant 0 : i32
    %sign3A_696 = arith.cmpi sgt, %jit3A_686, %sign3A_695 : i32
    %sign3A_697 = arith.extui %sign3A_696 : i1 to i32
    %sign3A_698 = arith.constant 0 : i32
    %sign3A_699 = arith.cmpi slt, %jit3A_686, %sign3A_698 : i32
    %sign3A_700 = arith.extui %sign3A_699 : i1 to i32
    %sign3A_701 = arith.subi %sign3A_697, %sign3A_700 : i32
    %ne3A_702 = arith.cmpi ne, %sign3A_694, %sign3A_701 : i32
    %rem3A_703 = arith.remsi %add3A_685, %jit3A_686 : i32
    %ne3A_704 = arith.constant 0 : i32
    %ne3A_705 = arith.cmpi ne, %rem3A_703, %ne3A_704 : i32
    %and3A_706 = arith.andi %ne3A_702, %ne3A_705 : i1
    %sub3A_707 = arith.constant 1 : i32
    %sub3A_708 = arith.subi %div3A_687, %sub3A_707 : i32
    %select_n3A_709 = arith.select %and3A_706, %sub3A_708, %div3A_687 : i32
    %jit3A_710 = arith.constant 32 : i32
    %eq3A_711 = arith.constant 0 : i32
    %eq3A_712 = arith.cmpi eq, %jit3A_710, %eq3A_711 : i32
    %jit3A_713 = arith.constant 1 : i32
    %select_n3A_714 = arith.select %eq3A_712, %jit3A_713, %jit3A_710 : i32
    %rem3A_715 = arith.remsi %add3A_685, %select_n3A_714 : i32
    %ne3A_716 = arith.constant 0 : i32
    %ne3A_717 = arith.cmpi ne, %rem3A_715, %ne3A_716 : i32
    %lt3A_718 = arith.constant 0 : i32
    %lt3A_719 = arith.cmpi slt, %rem3A_715, %lt3A_718 : i32
    %lt3A_720 = arith.constant 0 : i32
    %lt3A_721 = arith.cmpi slt, %select_n3A_714, %lt3A_720 : i32
    %ne3A_722 = arith.xori %lt3A_719, %lt3A_721 : i1
    %and3A_723 = arith.andi %ne3A_722, %ne3A_717 : i1
    %add3A_724 = arith.addi %rem3A_715, %select_n3A_714 : i32
    %select_n3A_725 = arith.select %and3A_723, %add3A_724, %rem3A_715 : i32
    %mul3A_726 = arith.constant 4096 : i32
    %mul3A_727 = arith.muli %select_n3A_725, %mul3A_726 : i32
    %mul3A_728 = arith.constant 4096 : i32
    %mul3A_729 = arith.muli %select_n3A_725, %mul3A_728 : i32
    %mul3A_730 = arith.constant 4096 : i32
    %mul3A_731 = arith.muli %select_n3A_725, %mul3A_730 : i32
    %mul3A_732 = arith.constant 4096 : i32
    %mul3A_733 = arith.muli %select_n3A_725, %mul3A_732 : i32
    %dma_wait3A_734 = arith.constant 0 : i32
    %dma_wait3A_735 = arith.constant 0 : i32
    %dma_wait3A_736 = tpu.memref_slice %arg9[%dma_wait3A_735] : memref<16384xf32, #tpu.memory_space<vmem>> -> memref<4096xf32, #tpu.memory_space<vmem>>
    %dma_wait3A_737 = tpu.memref_slice %arg4[%select_n3A_709, %dma_wait3A_734, %mul3A_727] : memref<200x4x131072xf32, #tpu.memory_space<hbm>> -> memref<1x1x4096xf32, #tpu.memory_space<hbm>>
    %dma_wait3A_738 = tpu.memref_squeeze %dma_wait3A_737 : memref<1x1x4096xf32, #tpu.memory_space<hbm>> -> memref<4096xf32, #tpu.memory_space<hbm>>
    %dma_wait3A_739 = tpu.memref_slice %arg4[%select_n3A_709, %dma_wait3A_734, %mul3A_727] : memref<200x4x131072xf32, #tpu.memory_space<hbm>> -> memref<1x1x4096xf32, #tpu.memory_space<hbm>>
    %dma_wait3A_740 = tpu.memref_squeeze %dma_wait3A_739 : memref<1x1x4096xf32, #tpu.memory_space<hbm>> -> memref<4096xf32, #tpu.memory_space<hbm>>
    %dma_wait3A_741 = arith.constant 0 : i32
    %dma_wait3A_742 = tpu.memref_slice %arg9[%dma_wait3A_741] : memref<16384xf32, #tpu.memory_space<vmem>> -> memref<4096xf32, #tpu.memory_space<vmem>>
    tpu.wait_dma2 semaphore(%arg15 : memref<!tpu.dma_semaphore, #tpu.memory_space<semaphore_mem>>) src(%dma_wait3A_742 : memref<4096xf32, #tpu.memory_space<vmem>>) dst(%dma_wait3A_740 : memref<4096xf32, #tpu.memory_space<hbm>>)
    %dma_wait3A_743 = arith.constant 1 : i32
    %dma_wait3A_744 = arith.constant 4096 : i32
    %dma_wait3A_745 = tpu.memref_slice %arg9[%dma_wait3A_744] : memref<16384xf32, #tpu.memory_space<vmem>> -> memref<4096xf32, #tpu.memory_space<vmem>>
    %dma_wait3A_746 = tpu.memref_slice %arg4[%select_n3A_709, %dma_wait3A_743, %mul3A_729] : memref<200x4x131072xf32, #tpu.memory_space<hbm>> -> memref<1x1x4096xf32, #tpu.memory_space<hbm>>
    %dma_wait3A_747 = tpu.memref_squeeze %dma_wait3A_746 : memref<1x1x4096xf32, #tpu.memory_space<hbm>> -> memref<4096xf32, #tpu.memory_space<hbm>>
    %dma_wait3A_748 = tpu.memref_slice %arg4[%select_n3A_709, %dma_wait3A_743, %mul3A_729] : memref<200x4x131072xf32, #tpu.memory_space<hbm>> -> memref<1x1x4096xf32, #tpu.memory_space<hbm>>
    %dma_wait3A_749 = tpu.memref_squeeze %dma_wait3A_748 : memref<1x1x4096xf32, #tpu.memory_space<hbm>> -> memref<4096xf32, #tpu.memory_space<hbm>>
    %dma_wait3A_750 = arith.constant 4096 : i32
    %dma_wait3A_751 = tpu.memref_slice %arg9[%dma_wait3A_750] : memref<16384xf32, #tpu.memory_space<vmem>> -> memref<4096xf32, #tpu.memory_space<vmem>>
    tpu.wait_dma2 semaphore(%arg15 : memref<!tpu.dma_semaphore, #tpu.memory_space<semaphore_mem>>) src(%dma_wait3A_751 : memref<4096xf32, #tpu.memory_space<vmem>>) dst(%dma_wait3A_749 : memref<4096xf32, #tpu.memory_space<hbm>>)
    %dma_wait3A_752 = arith.constant 2 : i32
    %dma_wait3A_753 = arith.constant 8192 : i32
    %dma_wait3A_754 = tpu.memref_slice %arg9[%dma_wait3A_753] : memref<16384xf32, #tpu.memory_space<vmem>> -> memref<4096xf32, #tpu.memory_space<vmem>>
    %dma_wait3A_755 = tpu.memref_slice %arg4[%select_n3A_709, %dma_wait3A_752, %mul3A_731] : memref<200x4x131072xf32, #tpu.memory_space<hbm>> -> memref<1x1x4096xf32, #tpu.memory_space<hbm>>
    %dma_wait3A_756 = tpu.memref_squeeze %dma_wait3A_755 : memref<1x1x4096xf32, #tpu.memory_space<hbm>> -> memref<4096xf32, #tpu.memory_space<hbm>>
    %dma_wait3A_757 = tpu.memref_slice %arg4[%select_n3A_709, %dma_wait3A_752, %mul3A_731] : memref<200x4x131072xf32, #tpu.memory_space<hbm>> -> memref<1x1x4096xf32, #tpu.memory_space<hbm>>
    %dma_wait3A_758 = tpu.memref_squeeze %dma_wait3A_757 : memref<1x1x4096xf32, #tpu.memory_space<hbm>> -> memref<4096xf32, #tpu.memory_space<hbm>>
    %dma_wait3A_759 = arith.constant 8192 : i32
    %dma_wait3A_760 = tpu.memref_slice %arg9[%dma_wait3A_759] : memref<16384xf32, #tpu.memory_space<vmem>> -> memref<4096xf32, #tpu.memory_space<vmem>>
    tpu.wait_dma2 semaphore(%arg15 : memref<!tpu.dma_semaphore, #tpu.memory_space<semaphore_mem>>) src(%dma_wait3A_760 : memref<4096xf32, #tpu.memory_space<vmem>>) dst(%dma_wait3A_758 : memref<4096xf32, #tpu.memory_space<hbm>>)
    %dma_wait3A_761 = arith.constant 3 : i32
    %dma_wait3A_762 = arith.constant 12288 : i32
    %dma_wait3A_763 = tpu.memref_slice %arg9[%dma_wait3A_762] : memref<16384xf32, #tpu.memory_space<vmem>> -> memref<4096xf32, #tpu.memory_space<vmem>>
    %dma_wait3A_764 = tpu.memref_slice %arg4[%select_n3A_709, %dma_wait3A_761, %mul3A_733] : memref<200x4x131072xf32, #tpu.memory_space<hbm>> -> memref<1x1x4096xf32, #tpu.memory_space<hbm>>
    %dma_wait3A_765 = tpu.memref_squeeze %dma_wait3A_764 : memref<1x1x4096xf32, #tpu.memory_space<hbm>> -> memref<4096xf32, #tpu.memory_space<hbm>>
    %dma_wait3A_766 = tpu.memref_slice %arg4[%select_n3A_709, %dma_wait3A_761, %mul3A_733] : memref<200x4x131072xf32, #tpu.memory_space<hbm>> -> memref<1x1x4096xf32, #tpu.memory_space<hbm>>
    %dma_wait3A_767 = tpu.memref_squeeze %dma_wait3A_766 : memref<1x1x4096xf32, #tpu.memory_space<hbm>> -> memref<4096xf32, #tpu.memory_space<hbm>>
    %dma_wait3A_768 = arith.constant 12288 : i32
    %dma_wait3A_769 = tpu.memref_slice %arg9[%dma_wait3A_768] : memref<16384xf32, #tpu.memory_space<vmem>> -> memref<4096xf32, #tpu.memory_space<vmem>>
    tpu.wait_dma2 semaphore(%arg15 : memref<!tpu.dma_semaphore, #tpu.memory_space<semaphore_mem>>) src(%dma_wait3A_769 : memref<4096xf32, #tpu.memory_space<vmem>>) dst(%dma_wait3A_767 : memref<4096xf32, #tpu.memory_space<hbm>>)
    %scan3A_770 = arith.constant 0 : i32
    %scan3A_771 = arith.constant 0 : i32
    %scan3A_772 = arith.constant 32 : i32
    %scan3A_773 = arith.addi %scan3A_771, %scan3A_772 : i32
    %scan3A_774 = arith.constant 1 : i32
    scf.for %scan3A_1228 = %scan3A_771 to %scan3A_773 step %scan3A_774  : i32 {
      %add3A_1229 = vector.broadcast %scan3A_1228 : i32 to vector<16xi32>
      %add3A_1230 = arith.addi %add3A_1229, %iota3A : vector<16xi32>
      %and3A_1231 = arith.constant 31 : i32
      %and3A_1232 = vector.broadcast %and3A_1231 : i32 to vector<16xi32>
      %and3A_1233 = arith.andi %add3A_1230, %and3A_1232 : vector<16xi32>
      %and3A_1234 = arith.constant 24 : i32
      %and3A_1235 = vector.broadcast %and3A_1234 : i32 to vector<16xi32>
      %and3A_1236 = arith.andi %and3A_1233, %and3A_1235 : vector<16xi32>
      %shift_left3A = arith.constant 9 : i32
      %shift_left3A_1237 = vector.broadcast %shift_left3A : i32 to vector<16xi32>
      %shift_left3A_1238 = arith.shli %and3A_1236, %shift_left3A_1237 : vector<16xi32>
      %and3A_1239 = arith.constant 7 : i32
      %and3A_1240 = vector.broadcast %and3A_1239 : i32 to vector<16xi32>
      %and3A_1241 = arith.andi %and3A_1233, %and3A_1240 : vector<16xi32>
      %shift_left3A_1242 = arith.constant 7 : i32
      %shift_left3A_1243 = vector.broadcast %shift_left3A_1242 : i32 to vector<16xi32>
      %shift_left3A_1244 = arith.shli %and3A_1241, %shift_left3A_1243 : vector<16xi32>
      %add3A_1245 = arith.addi %shift_left3A_1238, %shift_left3A_1244 : vector<16xi32>
      %add3A_1246 = arith.addi %add3A_1245, %iota3A : vector<16xi32>
      %add3A_1247 = arith.constant 0 : i32
      %add3A_1248 = vector.broadcast %add3A_1247 : i32 to vector<16xi32>
      %add3A_1249 = arith.addi %iota3A, %add3A_1248 : vector<16xi32>
      %gather3A = tpu.vector_load_idx %arg7[%add3A_1249, %and3A_1233] : memref<512x32xf32, #tpu.memory_space<vmem>>[vector<16xi32>, vector<16xi32>], vector<16xf32>,
      %add3A_1250 = arith.constant 16 : i32
      %add3A_1251 = vector.broadcast %add3A_1250 : i32 to vector<16xi32>
      %add3A_1252 = arith.addi %iota3A, %add3A_1251 : vector<16xi32>
      %gather3A_1253 = tpu.vector_load_idx %arg7[%add3A_1252, %and3A_1233] : memref<512x32xf32, #tpu.memory_space<vmem>>[vector<16xi32>, vector<16xi32>], vector<16xf32>,
      %add3A_1254 = arith.constant 32 : i32
      %add3A_1255 = vector.broadcast %add3A_1254 : i32 to vector<16xi32>
      %add3A_1256 = arith.addi %iota3A, %add3A_1255 : vector<16xi32>
      %gather3A_1257 = tpu.vector_load_idx %arg7[%add3A_1256, %and3A_1233] : memref<512x32xf32, #tpu.memory_space<vmem>>[vector<16xi32>, vector<16xi32>], vector<16xf32>,
      %add3A_1258 = arith.constant 48 : i32
      %add3A_1259 = vector.broadcast %add3A_1258 : i32 to vector<16xi32>
      %add3A_1260 = arith.addi %iota3A, %add3A_1259 : vector<16xi32>
      %gather3A_1261 = tpu.vector_load_idx %arg7[%add3A_1260, %and3A_1233] : memref<512x32xf32, #tpu.memory_space<vmem>>[vector<16xi32>, vector<16xi32>], vector<16xf32>,
      %add3A_1262 = arith.constant 64 : i32
      %add3A_1263 = vector.broadcast %add3A_1262 : i32 to vector<16xi32>
      %add3A_1264 = arith.addi %iota3A, %add3A_1263 : vector<16xi32>
      %gather3A_1265 = tpu.vector_load_idx %arg7[%add3A_1264, %and3A_1233] : memref<512x32xf32, #tpu.memory_space<vmem>>[vector<16xi32>, vector<16xi32>], vector<16xf32>,
      %add3A_1266 = arith.constant 0 : i32
      %add3A_1267 = vector.broadcast %add3A_1266 : i32 to vector<16xi32>
      %add3A_1268 = arith.addi %add3A_1246, %add3A_1267 : vector<16xi32>
      tpu.vector_store_idx %arg9[%add3A_1268], %gather3A : memref<16384xf32, #tpu.memory_space<vmem>>[vector<16xi32>], vector<16xf32>,
      %add3A_1269 = arith.constant 80 : i32
      %add3A_1270 = vector.broadcast %add3A_1269 : i32 to vector<16xi32>
      %add3A_1271 = arith.addi %iota3A, %add3A_1270 : vector<16xi32>
      %gather3A_1272 = tpu.vector_load_idx %arg7[%add3A_1271, %and3A_1233] : memref<512x32xf32, #tpu.memory_space<vmem>>[vector<16xi32>, vector<16xi32>], vector<16xf32>,
      %add3A_1273 = arith.constant 16 : i32
      %add3A_1274 = vector.broadcast %add3A_1273 : i32 to vector<16xi32>
      %add3A_1275 = arith.addi %add3A_1246, %add3A_1274 : vector<16xi32>
      tpu.vector_store_idx %arg9[%add3A_1275], %gather3A_1253 : memref<16384xf32, #tpu.memory_space<vmem>>[vector<16xi32>], vector<16xf32>,
      %add3A_1276 = arith.constant 96 : i32
      %add3A_1277 = vector.broadcast %add3A_1276 : i32 to vector<16xi32>
      %add3A_1278 = arith.addi %iota3A, %add3A_1277 : vector<16xi32>
      %gather3A_1279 = tpu.vector_load_idx %arg7[%add3A_1278, %and3A_1233] : memref<512x32xf32, #tpu.memory_space<vmem>>[vector<16xi32>, vector<16xi32>], vector<16xf32>,
      %add3A_1280 = arith.constant 32 : i32
      %add3A_1281 = vector.broadcast %add3A_1280 : i32 to vector<16xi32>
      %add3A_1282 = arith.addi %add3A_1246, %add3A_1281 : vector<16xi32>
      tpu.vector_store_idx %arg9[%add3A_1282], %gather3A_1257 : memref<16384xf32, #tpu.memory_space<vmem>>[vector<16xi32>], vector<16xf32>,
      %add3A_1283 = arith.constant 112 : i32
      %add3A_1284 = vector.broadcast %add3A_1283 : i32 to vector<16xi32>
      %add3A_1285 = arith.addi %iota3A, %add3A_1284 : vector<16xi32>
      %gather3A_1286 = tpu.vector_load_idx %arg7[%add3A_1285, %and3A_1233] : memref<512x32xf32, #tpu.memory_space<vmem>>[vector<16xi32>, vector<16xi32>], vector<16xf32>,
      %add3A_1287 = arith.constant 48 : i32
      %add3A_1288 = vector.broadcast %add3A_1287 : i32 to vector<16xi32>
      %add3A_1289 = arith.addi %add3A_1246, %add3A_1288 : vector<16xi32>
      tpu.vector_store_idx %arg9[%add3A_1289], %gather3A_1261 : memref<16384xf32, #tpu.memory_space<vmem>>[vector<16xi32>], vector<16xf32>,
      %add3A_1290 = arith.constant 128 : i32
      %add3A_1291 = vector.broadcast %add3A_1290 : i32 to vector<16xi32>
      %add3A_1292 = arith.addi %iota3A, %add3A_1291 : vector<16xi32>
      %gather3A_1293 = tpu.vector_load_idx %arg7[%add3A_1292, %and3A_1233] : memref<512x32xf32, #tpu.memory_space<vmem>>[vector<16xi32>, vector<16xi32>], vector<16xf32>,
      %add3A_1294 = arith.constant 64 : i32
      %add3A_1295 = vector.broadcast %add3A_1294 : i32 to vector<16xi32>
      %add3A_1296 = arith.addi %add3A_1246, %add3A_1295 : vector<16xi32>
      tpu.vector_store_idx %arg9[%add3A_1296], %gather3A_1265 : memref<16384xf32, #tpu.memory_space<vmem>>[vector<16xi32>], vector<16xf32>,
      %add3A_1297 = arith.constant 144 : i32
      %add3A_1298 = vector.broadcast %add3A_1297 : i32 to vector<16xi32>
      %add3A_1299 = arith.addi %iota3A, %add3A_1298 : vector<16xi32>
      %gather3A_1300 = tpu.vector_load_idx %arg7[%add3A_1299, %and3A_1233] : memref<512x32xf32, #tpu.memory_space<vmem>>[vector<16xi32>, vector<16xi32>], vector<16xf32>,
      %add3A_1301 = arith.constant 80 : i32
      %add3A_1302 = vector.broadcast %add3A_1301 : i32 to vector<16xi32>
      %add3A_1303 = arith.addi %add3A_1246, %add3A_1302 : vector<16xi32>
      tpu.vector_store_idx %arg9[%add3A_1303], %gather3A_1272 : memref<16384xf32, #tpu.memory_space<vmem>>[vector<16xi32>], vector<16xf32>,
      %add3A_1304 = arith.constant 160 : i32
      %add3A_1305 = vector.broadcast %add3A_1304 : i32 to vector<16xi32>
      %add3A_1306 = arith.addi %iota3A, %add3A_1305 : vector<16xi32>
      %gather3A_1307 = tpu.vector_load_idx %arg7[%add3A_1306, %and3A_1233] : memref<512x32xf32, #tpu.memory_space<vmem>>[vector<16xi32>, vector<16xi32>], vector<16xf32>,
      %add3A_1308 = arith.constant 96 : i32
      %add3A_1309 = vector.broadcast %add3A_1308 : i32 to vector<16xi32>
      %add3A_1310 = arith.addi %add3A_1246, %add3A_1309 : vector<16xi32>
      tpu.vector_store_idx %arg9[%add3A_1310], %gather3A_1279 : memref<16384xf32, #tpu.memory_space<vmem>>[vector<16xi32>], vector<16xf32>,
      %add3A_1311 = arith.constant 176 : i32
      %add3A_1312 = vector.broadcast %add3A_1311 : i32 to vector<16xi32>
      %add3A_1313 = arith.addi %iota3A, %add3A_1312 : vector<16xi32>
      %gather3A_1314 = tpu.vector_load_idx %arg7[%add3A_1313, %and3A_1233] : memref<512x32xf32, #tpu.memory_space<vmem>>[vector<16xi32>, vector<16xi32>], vector<16xf32>,
      %add3A_1315 = arith.constant 112 : i32
      %add3A_1316 = vector.broadcast %add3A_1315 : i32 to vector<16xi32>
      %add3A_1317 = arith.addi %add3A_1246, %add3A_1316 : vector<16xi32>
      tpu.vector_store_idx %arg9[%add3A_1317], %gather3A_1286 : memref<16384xf32, #tpu.memory_space<vmem>>[vector<16xi32>], vector<16xf32>,
      %add3A_1318 = arith.constant 192 : i32
      %add3A_1319 = vector.broadcast %add3A_1318 : i32 to vector<16xi32>
      %add3A_1320 = arith.addi %iota3A, %add3A_1319 : vector<16xi32>
      %gather3A_1321 = tpu.vector_load_idx %arg7[%add3A_1320, %and3A_1233] : memref<512x32xf32, #tpu.memory_space<vmem>>[vector<16xi32>, vector<16xi32>], vector<16xf32>,
      %add3A_1322 = arith.constant 1024 : i32
      %add3A_1323 = vector.broadcast %add3A_1322 : i32 to vector<16xi32>
      %add3A_1324 = arith.addi %add3A_1246, %add3A_1323 : vector<16xi32>
      tpu.vector_store_idx %arg9[%add3A_1324], %gather3A_1293 : memref<16384xf32, #tpu.memory_space<vmem>>[vector<16xi32>], vector<16xf32>,
      %add3A_1325 = arith.constant 208 : i32
      %add3A_1326 = vector.broadcast %add3A_1325 : i32 to vector<16xi32>
      %add3A_1327 = arith.addi %iota3A, %add3A_1326 : vector<16xi32>
      %gather3A_1328 = tpu.vector_load_idx %arg7[%add3A_1327, %and3A_1233] : memref<512x32xf32, #tpu.memory_space<vmem>>[vector<16xi32>, vector<16xi32>], vector<16xf32>,
      %add3A_1329 = arith.constant 1040 : i32
      %add3A_1330 = vector.broadcast %add3A_1329 : i32 to vector<16xi32>
      %add3A_1331 = arith.addi %add3A_1246, %add3A_1330 : vector<16xi32>
      tpu.vector_store_idx %arg9[%add3A_1331], %gather3A_1300 : memref<16384xf32, #tpu.memory_space<vmem>>[vector<16xi32>], vector<16xf32>,
      %add3A_1332 = arith.constant 224 : i32
      %add3A_1333 = vector.broadcast %add3A_1332 : i32 to vector<16xi32>
      %add3A_1334 = arith.addi %iota3A, %add3A_1333 : vector<16xi32>
      %gather3A_1335 = tpu.vector_load_idx %arg7[%add3A_1334, %and3A_1233] : memref<512x32xf32, #tpu.memory_space<vmem>>[vector<16xi32>, vector<16xi32>], vector<16xf32>,
      %add3A_1336 = arith.constant 1056 : i32
      %add3A_1337 = vector.broadcast %add3A_1336 : i32 to vector<16xi32>
      %add3A_1338 = arith.addi %add3A_1246, %add3A_1337 : vector<16xi32>
      tpu.vector_store_idx %arg9[%add3A_1338], %gather3A_1307 : memref<16384xf32, #tpu.memory_space<vmem>>[vector<16xi32>], vector<16xf32>,
      %add3A_1339 = arith.constant 240 : i32
      %add3A_1340 = vector.broadcast %add3A_1339 : i32 to vector<16xi32>
      %add3A_1341 = arith.addi %iota3A, %add3A_1340 : vector<16xi32>
      %gather3A_1342 = tpu.vector_load_idx %arg7[%add3A_1341, %and3A_1233] : memref<512x32xf32, #tpu.memory_space<vmem>>[vector<16xi32>, vector<16xi32>], vector<16xf32>,
      %add3A_1343 = arith.constant 1072 : i32
      %add3A_1344 = vector.broadcast %add3A_1343 : i32 to vector<16xi32>
      %add3A_1345 = arith.addi %add3A_1246, %add3A_1344 : vector<16xi32>
      tpu.vector_store_idx %arg9[%add3A_1345], %gather3A_1314 : memref<16384xf32, #tpu.memory_space<vmem>>[vector<16xi32>], vector<16xf32>,
      %add3A_1346 = arith.constant 256 : i32
      %add3A_1347 = vector.broadcast %add3A_1346 : i32 to vector<16xi32>
      %add3A_1348 = arith.addi %iota3A, %add3A_1347 : vector<16xi32>
      %gather3A_1349 = tpu.vector_load_idx %arg7[%add3A_1348, %and3A_1233] : memref<512x32xf32, #tpu.memory_space<vmem>>[vector<16xi32>, vector<16xi32>], vector<16xf32>,
      %add3A_1350 = arith.constant 1088 : i32
      %add3A_1351 = vector.broadcast %add3A_1350 : i32 to vector<16xi32>
      %add3A_1352 = arith.addi %add3A_1246, %add3A_1351 : vector<16xi32>
      tpu.vector_store_idx %arg9[%add3A_1352], %gather3A_1321 : memref<16384xf32, #tpu.memory_space<vmem>>[vector<16xi32>], vector<16xf32>,
      %add3A_1353 = arith.constant 272 : i32
      %add3A_1354 = vector.broadcast %add3A_1353 : i32 to vector<16xi32>
      %add3A_1355 = arith.addi %iota3A, %add3A_1354 : vector<16xi32>
      %gather3A_1356 = tpu.vector_load_idx %arg7[%add3A_1355, %and3A_1233] : memref<512x32xf32, #tpu.memory_space<vmem>>[vector<16xi32>, vector<16xi32>], vector<16xf32>,
      %add3A_1357 = arith.constant 1104 : i32
      %add3A_1358 = vector.broadcast %add3A_1357 : i32 to vector<16xi32>
      %add3A_1359 = arith.addi %add3A_1246, %add3A_1358 : vector<16xi32>
      tpu.vector_store_idx %arg9[%add3A_1359], %gather3A_1328 : memref<16384xf32, #tpu.memory_space<vmem>>[vector<16xi32>], vector<16xf32>,
      %add3A_1360 = arith.constant 288 : i32
      %add3A_1361 = vector.broadcast %add3A_1360 : i32 to vector<16xi32>
      %add3A_1362 = arith.addi %iota3A, %add3A_1361 : vector<16xi32>
      %gather3A_1363 = tpu.vector_load_idx %arg7[%add3A_1362, %and3A_1233] : memref<512x32xf32, #tpu.memory_space<vmem>>[vector<16xi32>, vector<16xi32>], vector<16xf32>,
      %add3A_1364 = arith.constant 1120 : i32
      %add3A_1365 = vector.broadcast %add3A_1364 : i32 to vector<16xi32>
      %add3A_1366 = arith.addi %add3A_1246, %add3A_1365 : vector<16xi32>
      tpu.vector_store_idx %arg9[%add3A_1366], %gather3A_1335 : memref<16384xf32, #tpu.memory_space<vmem>>[vector<16xi32>], vector<16xf32>,
      %add3A_1367 = arith.constant 304 : i32
      %add3A_1368 = vector.broadcast %add3A_1367 : i32 to vector<16xi32>
      %add3A_1369 = arith.addi %iota3A, %add3A_1368 : vector<16xi32>
      %gather3A_1370 = tpu.vector_load_idx %arg7[%add3A_1369, %and3A_1233] : memref<512x32xf32, #tpu.memory_space<vmem>>[vector<16xi32>, vector<16xi32>], vector<16xf32>,
      %add3A_1371 = arith.constant 1136 : i32
      %add3A_1372 = vector.broadcast %add3A_1371 : i32 to vector<16xi32>
      %add3A_1373 = arith.addi %add3A_1246, %add3A_1372 : vector<16xi32>
      tpu.vector_store_idx %arg9[%add3A_1373], %gather3A_1342 : memref<16384xf32, #tpu.memory_space<vmem>>[vector<16xi32>], vector<16xf32>,
      %add3A_1374 = arith.constant 320 : i32
      %add3A_1375 = vector.broadcast %add3A_1374 : i32 to vector<16xi32>
      %add3A_1376 = arith.addi %iota3A, %add3A_1375 : vector<16xi32>
      %gather3A_1377 = tpu.vector_load_idx %arg7[%add3A_1376, %and3A_1233] : memref<512x32xf32, #tpu.memory_space<vmem>>[vector<16xi32>, vector<16xi32>], vector<16xf32>,
      %add3A_1378 = arith.constant 2048 : i32
      %add3A_1379 = vector.broadcast %add3A_1378 : i32 to vector<16xi32>
      %add3A_1380 = arith.addi %add3A_1246, %add3A_1379 : vector<16xi32>
      tpu.vector_store_idx %arg9[%add3A_1380], %gather3A_1349 : memref<16384xf32, #tpu.memory_space<vmem>>[vector<16xi32>], vector<16xf32>,
      %add3A_1381 = arith.constant 336 : i32
      %add3A_1382 = vector.broadcast %add3A_1381 : i32 to vector<16xi32>
      %add3A_1383 = arith.addi %iota3A, %add3A_1382 : vector<16xi32>
      %gather3A_1384 = tpu.vector_load_idx %arg7[%add3A_1383, %and3A_1233] : memref<512x32xf32, #tpu.memory_space<vmem>>[vector<16xi32>, vector<16xi32>], vector<16xf32>,
      %add3A_1385 = arith.constant 2064 : i32
      %add3A_1386 = vector.broadcast %add3A_1385 : i32 to vector<16xi32>
      %add3A_1387 = arith.addi %add3A_1246, %add3A_1386 : vector<16xi32>
      tpu.vector_store_idx %arg9[%add3A_1387], %gather3A_1356 : memref<16384xf32, #tpu.memory_space<vmem>>[vector<16xi32>], vector<16xf32>,
      %add3A_1388 = arith.constant 352 : i32
      %add3A_1389 = vector.broadcast %add3A_1388 : i32 to vector<16xi32>
      %add3A_1390 = arith.addi %iota3A, %add3A_1389 : vector<16xi32>
      %gather3A_1391 = tpu.vector_load_idx %arg7[%add3A_1390, %and3A_1233] : memref<512x32xf32, #tpu.memory_space<vmem>>[vector<16xi32>, vector<16xi32>], vector<16xf32>,
      %add3A_1392 = arith.constant 2080 : i32
      %add3A_1393 = vector.broadcast %add3A_1392 : i32 to vector<16xi32>
      %add3A_1394 = arith.addi %add3A_1246, %add3A_1393 : vector<16xi32>
      tpu.vector_store_idx %arg9[%add3A_1394], %gather3A_1363 : memref<16384xf32, #tpu.memory_space<vmem>>[vector<16xi32>], vector<16xf32>,
      %add3A_1395 = arith.constant 368 : i32
      %add3A_1396 = vector.broadcast %add3A_1395 : i32 to vector<16xi32>
      %add3A_1397 = arith.addi %iota3A, %add3A_1396 : vector<16xi32>
      %gather3A_1398 = tpu.vector_load_idx %arg7[%add3A_1397, %and3A_1233] : memref<512x32xf32, #tpu.memory_space<vmem>>[vector<16xi32>, vector<16xi32>], vector<16xf32>,
      %add3A_1399 = arith.constant 2096 : i32
      %add3A_1400 = vector.broadcast %add3A_1399 : i32 to vector<16xi32>
      %add3A_1401 = arith.addi %add3A_1246, %add3A_1400 : vector<16xi32>
      tpu.vector_store_idx %arg9[%add3A_1401], %gather3A_1370 : memref<16384xf32, #tpu.memory_space<vmem>>[vector<16xi32>], vector<16xf32>,
      %add3A_1402 = arith.constant 384 : i32
      %add3A_1403 = vector.broadcast %add3A_1402 : i32 to vector<16xi32>
      %add3A_1404 = arith.addi %iota3A, %add3A_1403 : vector<16xi32>
      %gather3A_1405 = tpu.vector_load_idx %arg7[%add3A_1404, %and3A_1233] : memref<512x32xf32, #tpu.memory_space<vmem>>[vector<16xi32>, vector<16xi32>], vector<16xf32>,
      %add3A_1406 = arith.constant 2112 : i32
      %add3A_1407 = vector.broadcast %add3A_1406 : i32 to vector<16xi32>
      %add3A_1408 = arith.addi %add3A_1246, %add3A_1407 : vector<16xi32>
      tpu.vector_store_idx %arg9[%add3A_1408], %gather3A_1377 : memref<16384xf32, #tpu.memory_space<vmem>>[vector<16xi32>], vector<16xf32>,
      %add3A_1409 = arith.constant 400 : i32
      %add3A_1410 = vector.broadcast %add3A_1409 : i32 to vector<16xi32>
      %add3A_1411 = arith.addi %iota3A, %add3A_1410 : vector<16xi32>
      %gather3A_1412 = tpu.vector_load_idx %arg7[%add3A_1411, %and3A_1233] : memref<512x32xf32, #tpu.memory_space<vmem>>[vector<16xi32>, vector<16xi32>], vector<16xf32>,
      %add3A_1413 = arith.constant 2128 : i32
      %add3A_1414 = vector.broadcast %add3A_1413 : i32 to vector<16xi32>
      %add3A_1415 = arith.addi %add3A_1246, %add3A_1414 : vector<16xi32>
      tpu.vector_store_idx %arg9[%add3A_1415], %gather3A_1384 : memref<16384xf32, #tpu.memory_space<vmem>>[vector<16xi32>], vector<16xf32>,
      %add3A_1416 = arith.constant 416 : i32
      %add3A_1417 = vector.broadcast %add3A_1416 : i32 to vector<16xi32>
      %add3A_1418 = arith.addi %iota3A, %add3A_1417 : vector<16xi32>
      %gather3A_1419 = tpu.vector_load_idx %arg7[%add3A_1418, %and3A_1233] : memref<512x32xf32, #tpu.memory_space<vmem>>[vector<16xi32>, vector<16xi32>], vector<16xf32>,
      %add3A_1420 = arith.constant 2144 : i32
      %add3A_1421 = vector.broadcast %add3A_1420 : i32 to vector<16xi32>
      %add3A_1422 = arith.addi %add3A_1246, %add3A_1421 : vector<16xi32>
      tpu.vector_store_idx %arg9[%add3A_1422], %gather3A_1391 : memref<16384xf32, #tpu.memory_space<vmem>>[vector<16xi32>], vector<16xf32>,
      %add3A_1423 = arith.constant 432 : i32
      %add3A_1424 = vector.broadcast %add3A_1423 : i32 to vector<16xi32>
      %add3A_1425 = arith.addi %iota3A, %add3A_1424 : vector<16xi32>
      %gather3A_1426 = tpu.vector_load_idx %arg7[%add3A_1425, %and3A_1233] : memref<512x32xf32, #tpu.memory_space<vmem>>[vector<16xi32>, vector<16xi32>], vector<16xf32>,
      %add3A_1427 = arith.constant 2160 : i32
      %add3A_1428 = vector.broadcast %add3A_1427 : i32 to vector<16xi32>
      %add3A_1429 = arith.addi %add3A_1246, %add3A_1428 : vector<16xi32>
      tpu.vector_store_idx %arg9[%add3A_1429], %gather3A_1398 : memref<16384xf32, #tpu.memory_space<vmem>>[vector<16xi32>], vector<16xf32>,
      %add3A_1430 = arith.constant 448 : i32
      %add3A_1431 = vector.broadcast %add3A_1430 : i32 to vector<16xi32>
      %add3A_1432 = arith.addi %iota3A, %add3A_1431 : vector<16xi32>
      %gather3A_1433 = tpu.vector_load_idx %arg7[%add3A_1432, %and3A_1233] : memref<512x32xf32, #tpu.memory_space<vmem>>[vector<16xi32>, vector<16xi32>], vector<16xf32>,
      %add3A_1434 = arith.constant 3072 : i32
      %add3A_1435 = vector.broadcast %add3A_1434 : i32 to vector<16xi32>
      %add3A_1436 = arith.addi %add3A_1246, %add3A_1435 : vector<16xi32>
      tpu.vector_store_idx %arg9[%add3A_1436], %gather3A_1405 : memref<16384xf32, #tpu.memory_space<vmem>>[vector<16xi32>], vector<16xf32>,
      %add3A_1437 = arith.constant 464 : i32
      %add3A_1438 = vector.broadcast %add3A_1437 : i32 to vector<16xi32>
      %add3A_1439 = arith.addi %iota3A, %add3A_1438 : vector<16xi32>
      %gather3A_1440 = tpu.vector_load_idx %arg7[%add3A_1439, %and3A_1233] : memref<512x32xf32, #tpu.memory_space<vmem>>[vector<16xi32>, vector<16xi32>], vector<16xf32>,
      %add3A_1441 = arith.constant 3088 : i32
      %add3A_1442 = vector.broadcast %add3A_1441 : i32 to vector<16xi32>
      %add3A_1443 = arith.addi %add3A_1246, %add3A_1442 : vector<16xi32>
      tpu.vector_store_idx %arg9[%add3A_1443], %gather3A_1412 : memref<16384xf32, #tpu.memory_space<vmem>>[vector<16xi32>], vector<16xf32>,
      %add3A_1444 = arith.constant 480 : i32
      %add3A_1445 = vector.broadcast %add3A_1444 : i32 to vector<16xi32>
      %add3A_1446 = arith.addi %iota3A, %add3A_1445 : vector<16xi32>
      %gather3A_1447 = tpu.vector_load_idx %arg7[%add3A_1446, %and3A_1233] : memref<512x32xf32, #tpu.memory_space<vmem>>[vector<16xi32>, vector<16xi32>], vector<16xf32>,
      %add3A_1448 = arith.constant 3104 : i32
      %add3A_1449 = vector.broadcast %add3A_1448 : i32 to vector<16xi32>
      %add3A_1450 = arith.addi %add3A_1246, %add3A_1449 : vector<16xi32>
      tpu.vector_store_idx %arg9[%add3A_1450], %gather3A_1419 : memref<16384xf32, #tpu.memory_space<vmem>>[vector<16xi32>], vector<16xf32>,
      %add3A_1451 = arith.constant 496 : i32
      %add3A_1452 = vector.broadcast %add3A_1451 : i32 to vector<16xi32>
      %add3A_1453 = arith.addi %iota3A, %add3A_1452 : vector<16xi32>
      %gather3A_1454 = tpu.vector_load_idx %arg7[%add3A_1453, %and3A_1233] : memref<512x32xf32, #tpu.memory_space<vmem>>[vector<16xi32>, vector<16xi32>], vector<16xf32>,
      %add3A_1455 = arith.constant 3120 : i32
      %add3A_1456 = vector.broadcast %add3A_1455 : i32 to vector<16xi32>
      %add3A_1457 = arith.addi %add3A_1246, %add3A_1456 : vector<16xi32>
      tpu.vector_store_idx %arg9[%add3A_1457], %gather3A_1426 : memref<16384xf32, #tpu.memory_space<vmem>>[vector<16xi32>], vector<16xf32>,
      %add3A_1458 = arith.constant 3136 : i32
      %add3A_1459 = vector.broadcast %add3A_1458 : i32 to vector<16xi32>
      %add3A_1460 = arith.addi %add3A_1246, %add3A_1459 : vector<16xi32>
      tpu.vector_store_idx %arg9[%add3A_1460], %gather3A_1433 : memref<16384xf32, #tpu.memory_space<vmem>>[vector<16xi32>], vector<16xf32>,
      %add3A_1461 = arith.constant 3152 : i32
      %add3A_1462 = vector.broadcast %add3A_1461 : i32 to vector<16xi32>
      %add3A_1463 = arith.addi %add3A_1246, %add3A_1462 : vector<16xi32>
      tpu.vector_store_idx %arg9[%add3A_1463], %gather3A_1440 : memref<16384xf32, #tpu.memory_space<vmem>>[vector<16xi32>], vector<16xf32>,
      %add3A_1464 = arith.constant 3168 : i32
      %add3A_1465 = vector.broadcast %add3A_1464 : i32 to vector<16xi32>
      %add3A_1466 = arith.addi %add3A_1246, %add3A_1465 : vector<16xi32>
      tpu.vector_store_idx %arg9[%add3A_1466], %gather3A_1447 : memref<16384xf32, #tpu.memory_space<vmem>>[vector<16xi32>], vector<16xf32>,
      %add3A_1467 = arith.constant 3184 : i32
      %add3A_1468 = vector.broadcast %add3A_1467 : i32 to vector<16xi32>
      %add3A_1469 = arith.addi %add3A_1246, %add3A_1468 : vector<16xi32>
      tpu.vector_store_idx %arg9[%add3A_1469], %gather3A_1454 : memref<16384xf32, #tpu.memory_space<vmem>>[vector<16xi32>], vector<16xf32>,
    }
    %scan3A_775 = arith.constant 32 : i32
    %add3A_776 = arith.constant 198 : i32
    %add3A_777 = arith.addi %mul3A_2, %add3A_776 : i32
    %jit3A_778 = arith.constant 32 : i32
    %div3A_779 = arith.divsi %add3A_777, %jit3A_778 : i32
    %sign3A_780 = arith.constant 0 : i32
    %sign3A_781 = arith.cmpi sgt, %add3A_777, %sign3A_780 : i32
    %sign3A_782 = arith.extui %sign3A_781 : i1 to i32
    %sign3A_783 = arith.constant 0 : i32
    %sign3A_784 = arith.cmpi slt, %add3A_777, %sign3A_783 : i32
    %sign3A_785 = arith.extui %sign3A_784 : i1 to i32
    %sign3A_786 = arith.subi %sign3A_782, %sign3A_785 : i32
    %sign3A_787 = arith.constant 0 : i32
    %sign3A_788 = arith.cmpi sgt, %jit3A_778, %sign3A_787 : i32
    %sign3A_789 = arith.extui %sign3A_788 : i1 to i32
    %sign3A_790 = arith.constant 0 : i32
    %sign3A_791 = arith.cmpi slt, %jit3A_778, %sign3A_790 : i32
    %sign3A_792 = arith.extui %sign3A_791 : i1 to i32
    %sign3A_793 = arith.subi %sign3A_789, %sign3A_792 : i32
    %ne3A_794 = arith.cmpi ne, %sign3A_786, %sign3A_793 : i32
    %rem3A_795 = arith.remsi %add3A_777, %jit3A_778 : i32
    %ne3A_796 = arith.constant 0 : i32
    %ne3A_797 = arith.cmpi ne, %rem3A_795, %ne3A_796 : i32
    %and3A_798 = arith.andi %ne3A_794, %ne3A_797 : i1
    %sub3A_799 = arith.constant 1 : i32
    %sub3A_800 = arith.subi %div3A_779, %sub3A_799 : i32
    %select_n3A_801 = arith.select %and3A_798, %sub3A_800, %div3A_779 : i32
    %jit3A_802 = arith.constant 32 : i32
    %eq3A_803 = arith.constant 0 : i32
    %eq3A_804 = arith.cmpi eq, %jit3A_802, %eq3A_803 : i32
    %jit3A_805 = arith.constant 1 : i32
    %select_n3A_806 = arith.select %eq3A_804, %jit3A_805, %jit3A_802 : i32
    %rem3A_807 = arith.remsi %add3A_777, %select_n3A_806 : i32
    %ne3A_808 = arith.constant 0 : i32
    %ne3A_809 = arith.cmpi ne, %rem3A_807, %ne3A_808 : i32
    %lt3A_810 = arith.constant 0 : i32
    %lt3A_811 = arith.cmpi slt, %rem3A_807, %lt3A_810 : i32
    %lt3A_812 = arith.constant 0 : i32
    %lt3A_813 = arith.cmpi slt, %select_n3A_806, %lt3A_812 : i32
    %ne3A_814 = arith.xori %lt3A_811, %lt3A_813 : i1
    %and3A_815 = arith.andi %ne3A_814, %ne3A_809 : i1
    %add3A_816 = arith.addi %rem3A_807, %select_n3A_806 : i32
    %select_n3A_817 = arith.select %and3A_815, %add3A_816, %rem3A_807 : i32
    %mul3A_818 = arith.constant 4096 : i32
    %mul3A_819 = arith.muli %select_n3A_817, %mul3A_818 : i32
    %mul3A_820 = arith.constant 4096 : i32
    %mul3A_821 = arith.muli %select_n3A_817, %mul3A_820 : i32
    %mul3A_822 = arith.constant 4096 : i32
    %mul3A_823 = arith.muli %select_n3A_817, %mul3A_822 : i32
    %mul3A_824 = arith.constant 4096 : i32
    %mul3A_825 = arith.muli %select_n3A_817, %mul3A_824 : i32
    %dma_start3A_826 = arith.constant 0 : i32
    %dma_start3A_827 = arith.constant 0 : i32
    %dma_start3A_828 = tpu.memref_slice %arg9[%dma_start3A_827] : memref<16384xf32, #tpu.memory_space<vmem>> -> memref<4096xf32, #tpu.memory_space<vmem>>
    %dma_start3A_829 = tpu.memref_slice %arg4[%select_n3A_801, %dma_start3A_826, %mul3A_819] : memref<200x4x131072xf32, #tpu.memory_space<hbm>> -> memref<1x1x4096xf32, #tpu.memory_space<hbm>>
    %dma_start3A_830 = tpu.memref_squeeze %dma_start3A_829 : memref<1x1x4096xf32, #tpu.memory_space<hbm>> -> memref<4096xf32, #tpu.memory_space<hbm>>
    %dma_start3A_831 = tpu.memref_slice %arg4[%select_n3A_801, %dma_start3A_826, %mul3A_819] : memref<200x4x131072xf32, #tpu.memory_space<hbm>> -> memref<1x1x4096xf32, #tpu.memory_space<hbm>>
    %dma_start3A_832 = tpu.memref_squeeze %dma_start3A_831 : memref<1x1x4096xf32, #tpu.memory_space<hbm>> -> memref<4096xf32, #tpu.memory_space<hbm>>
    %dma_start3A_833 = arith.constant 0 : i32
    %dma_start3A_834 = tpu.memref_slice %arg9[%dma_start3A_833] : memref<16384xf32, #tpu.memory_space<vmem>> -> memref<4096xf32, #tpu.memory_space<vmem>>
    tpu.enqueue_dma source(%dma_start3A_834 : memref<4096xf32, #tpu.memory_space<vmem>>) target(%dma_start3A_832 : memref<4096xf32, #tpu.memory_space<hbm>>) target_semaphore(%arg15 : memref<!tpu.dma_semaphore, #tpu.memory_space<semaphore_mem>>)
    %dma_start3A_835 = arith.constant 1 : i32
    %dma_start3A_836 = arith.constant 4096 : i32
    %dma_start3A_837 = tpu.memref_slice %arg9[%dma_start3A_836] : memref<16384xf32, #tpu.memory_space<vmem>> -> memref<4096xf32, #tpu.memory_space<vmem>>
    %dma_start3A_838 = tpu.memref_slice %arg4[%select_n3A_801, %dma_start3A_835, %mul3A_821] : memref<200x4x131072xf32, #tpu.memory_space<hbm>> -> memref<1x1x4096xf32, #tpu.memory_space<hbm>>
    %dma_start3A_839 = tpu.memref_squeeze %dma_start3A_838 : memref<1x1x4096xf32, #tpu.memory_space<hbm>> -> memref<4096xf32, #tpu.memory_space<hbm>>
    %dma_start3A_840 = tpu.memref_slice %arg4[%select_n3A_801, %dma_start3A_835, %mul3A_821] : memref<200x4x131072xf32, #tpu.memory_space<hbm>> -> memref<1x1x4096xf32, #tpu.memory_space<hbm>>
    %dma_start3A_841 = tpu.memref_squeeze %dma_start3A_840 : memref<1x1x4096xf32, #tpu.memory_space<hbm>> -> memref<4096xf32, #tpu.memory_space<hbm>>
    %dma_start3A_842 = arith.constant 4096 : i32
    %dma_start3A_843 = tpu.memref_slice %arg9[%dma_start3A_842] : memref<16384xf32, #tpu.memory_space<vmem>> -> memref<4096xf32, #tpu.memory_space<vmem>>
    tpu.enqueue_dma source(%dma_start3A_843 : memref<4096xf32, #tpu.memory_space<vmem>>) target(%dma_start3A_841 : memref<4096xf32, #tpu.memory_space<hbm>>) target_semaphore(%arg15 : memref<!tpu.dma_semaphore, #tpu.memory_space<semaphore_mem>>)
    %dma_start3A_844 = arith.constant 2 : i32
    %dma_start3A_845 = arith.constant 8192 : i32
    %dma_start3A_846 = tpu.memref_slice %arg9[%dma_start3A_845] : memref<16384xf32, #tpu.memory_space<vmem>> -> memref<4096xf32, #tpu.memory_space<vmem>>
    %dma_start3A_847 = tpu.memref_slice %arg4[%select_n3A_801, %dma_start3A_844, %mul3A_823] : memref<200x4x131072xf32, #tpu.memory_space<hbm>> -> memref<1x1x4096xf32, #tpu.memory_space<hbm>>
    %dma_start3A_848 = tpu.memref_squeeze %dma_start3A_847 : memref<1x1x4096xf32, #tpu.memory_space<hbm>> -> memref<4096xf32, #tpu.memory_space<hbm>>
    %dma_start3A_849 = tpu.memref_slice %arg4[%select_n3A_801, %dma_start3A_844, %mul3A_823] : memref<200x4x131072xf32, #tpu.memory_space<hbm>> -> memref<1x1x4096xf32, #tpu.memory_space<hbm>>
    %dma_start3A_850 = tpu.memref_squeeze %dma_start3A_849 : memref<1x1x4096xf32, #tpu.memory_space<hbm>> -> memref<4096xf32, #tpu.memory_space<hbm>>
    %dma_start3A_851 = arith.constant 8192 : i32
    %dma_start3A_852 = tpu.memref_slice %arg9[%dma_start3A_851] : memref<16384xf32, #tpu.memory_space<vmem>> -> memref<4096xf32, #tpu.memory_space<vmem>>
    tpu.enqueue_dma source(%dma_start3A_852 : memref<4096xf32, #tpu.memory_space<vmem>>) target(%dma_start3A_850 : memref<4096xf32, #tpu.memory_space<hbm>>) target_semaphore(%arg15 : memref<!tpu.dma_semaphore, #tpu.memory_space<semaphore_mem>>)
    %dma_start3A_853 = arith.constant 3 : i32
    %dma_start3A_854 = arith.constant 12288 : i32
    %dma_start3A_855 = tpu.memref_slice %arg9[%dma_start3A_854] : memref<16384xf32, #tpu.memory_space<vmem>> -> memref<4096xf32, #tpu.memory_space<vmem>>
    %dma_start3A_856 = tpu.memref_slice %arg4[%select_n3A_801, %dma_start3A_853, %mul3A_825] : memref<200x4x131072xf32, #tpu.memory_space<hbm>> -> memref<1x1x4096xf32, #tpu.memory_space<hbm>>
    %dma_start3A_857 = tpu.memref_squeeze %dma_start3A_856 : memref<1x1x4096xf32, #tpu.memory_space<hbm>> -> memref<4096xf32, #tpu.memory_space<hbm>>
    %dma_start3A_858 = tpu.memref_slice %arg4[%select_n3A_801, %dma_start3A_853, %mul3A_825] : memref<200x4x131072xf32, #tpu.memory_space<hbm>> -> memref<1x1x4096xf32, #tpu.memory_space<hbm>>
    %dma_start3A_859 = tpu.memref_squeeze %dma_start3A_858 : memref<1x1x4096xf32, #tpu.memory_space<hbm>> -> memref<4096xf32, #tpu.memory_space<hbm>>
    %dma_start3A_860 = arith.constant 12288 : i32
    %dma_start3A_861 = tpu.memref_slice %arg9[%dma_start3A_860] : memref<16384xf32, #tpu.memory_space<vmem>> -> memref<4096xf32, #tpu.memory_space<vmem>>
    tpu.enqueue_dma source(%dma_start3A_861 : memref<4096xf32, #tpu.memory_space<vmem>>) target(%dma_start3A_859 : memref<4096xf32, #tpu.memory_space<hbm>>) target_semaphore(%arg15 : memref<!tpu.dma_semaphore, #tpu.memory_space<semaphore_mem>>)
    %dma_wait3A_862 = arith.constant 0 : i32
    %dma_wait3A_863 = arith.constant 0 : i32
    %dma_wait3A_864 = tpu.memref_slice %arg8[%dma_wait3A_862, %dma_wait3A_863] : memref<512x32xf32, #tpu.memory_space<vmem>> -> memref<256x32xf32, #tpu.memory_space<vmem>>
    %dma_wait3A_865 = arith.constant 0 : i32
    %dma_wait3A_866 = tpu.memref_slice %arg6[%dma_wait3A_865] : memref<512xi32, #tpu.memory_space<vmem>> -> memref<256xi32, #tpu.memory_space<vmem>>
    %dma_wait3A_867 = arith.constant 0 : i32
    %dma_wait3A_868 = arith.constant 0 : i32
    %dma_wait3A_869 = tpu.memref_slice %arg3[%dma_wait3A_867, %dma_wait3A_868] : memref<1000000x32xf32, #tpu.memory_space<hbm>> -> memref<1000000x32xf32, #tpu.memory_space<hbm>>
    tpu.wait_indirect_dma semaphore(%arg14 : memref<!tpu.dma_semaphore, #tpu.memory_space<semaphore_mem>>) src(%dma_wait3A_869 : memref<1000000x32xf32, #tpu.memory_space<hbm>>) dst(%dma_wait3A_864 : memref<256x32xf32, #tpu.memory_space<vmem>>)
    %dma_wait3A_870 = arith.constant 256 : i32
    %dma_wait3A_871 = arith.constant 0 : i32
    %dma_wait3A_872 = tpu.memref_slice %arg8[%dma_wait3A_870, %dma_wait3A_871] : memref<512x32xf32, #tpu.memory_space<vmem>> -> memref<256x32xf32, #tpu.memory_space<vmem>>
    %dma_wait3A_873 = arith.constant 256 : i32
    %dma_wait3A_874 = tpu.memref_slice %arg6[%dma_wait3A_873] : memref<512xi32, #tpu.memory_space<vmem>> -> memref<256xi32, #tpu.memory_space<vmem>>
    %dma_wait3A_875 = arith.constant 0 : i32
    %dma_wait3A_876 = arith.constant 0 : i32
    %dma_wait3A_877 = tpu.memref_slice %arg3[%dma_wait3A_875, %dma_wait3A_876] : memref<1000000x32xf32, #tpu.memory_space<hbm>> -> memref<1000000x32xf32, #tpu.memory_space<hbm>>
    tpu.wait_indirect_dma semaphore(%arg14 : memref<!tpu.dma_semaphore, #tpu.memory_space<semaphore_mem>>) src(%dma_wait3A_877 : memref<1000000x32xf32, #tpu.memory_space<hbm>>) dst(%dma_wait3A_872 : memref<256x32xf32, #tpu.memory_space<vmem>>)
    %add3A_878 = arith.constant 197 : i32
    %add3A_879 = arith.addi %mul3A_2, %add3A_878 : i32
    %jit3A_880 = arith.constant 32 : i32
    %div3A_881 = arith.divsi %add3A_879, %jit3A_880 : i32
    %sign3A_882 = arith.constant 0 : i32
    %sign3A_883 = arith.cmpi sgt, %add3A_879, %sign3A_882 : i32
    %sign3A_884 = arith.extui %sign3A_883 : i1 to i32
    %sign3A_885 = arith.constant 0 : i32
    %sign3A_886 = arith.cmpi slt, %add3A_879, %sign3A_885 : i32
    %sign3A_887 = arith.extui %sign3A_886 : i1 to i32
    %sign3A_888 = arith.subi %sign3A_884, %sign3A_887 : i32
    %sign3A_889 = arith.constant 0 : i32
    %sign3A_890 = arith.cmpi sgt, %jit3A_880, %sign3A_889 : i32
    %sign3A_891 = arith.extui %sign3A_890 : i1 to i32
    %sign3A_892 = arith.constant 0 : i32
    %sign3A_893 = arith.cmpi slt, %jit3A_880, %sign3A_892 : i32
    %sign3A_894 = arith.extui %sign3A_893 : i1 to i32
    %sign3A_895 = arith.subi %sign3A_891, %sign3A_894 : i32
    %ne3A_896 = arith.cmpi ne, %sign3A_888, %sign3A_895 : i32
    %rem3A_897 = arith.remsi %add3A_879, %jit3A_880 : i32
    %ne3A_898 = arith.constant 0 : i32
    %ne3A_899 = arith.cmpi ne, %rem3A_897, %ne3A_898 : i32
    %and3A_900 = arith.andi %ne3A_896, %ne3A_899 : i1
    %sub3A_901 = arith.constant 1 : i32
    %sub3A_902 = arith.subi %div3A_881, %sub3A_901 : i32
    %select_n3A_903 = arith.select %and3A_900, %sub3A_902, %div3A_881 : i32
    %jit3A_904 = arith.constant 32 : i32
    %eq3A_905 = arith.constant 0 : i32
    %eq3A_906 = arith.cmpi eq, %jit3A_904, %eq3A_905 : i32
    %jit3A_907 = arith.constant 1 : i32
    %select_n3A_908 = arith.select %eq3A_906, %jit3A_907, %jit3A_904 : i32
    %rem3A_909 = arith.remsi %add3A_879, %select_n3A_908 : i32
    %ne3A_910 = arith.constant 0 : i32
    %ne3A_911 = arith.cmpi ne, %rem3A_909, %ne3A_910 : i32
    %lt3A_912 = arith.constant 0 : i32
    %lt3A_913 = arith.cmpi slt, %rem3A_909, %lt3A_912 : i32
    %lt3A_914 = arith.constant 0 : i32
    %lt3A_915 = arith.cmpi slt, %select_n3A_908, %lt3A_914 : i32
    %ne3A_916 = arith.xori %lt3A_913, %lt3A_915 : i1
    %and3A_917 = arith.andi %ne3A_916, %ne3A_911 : i1
    %add3A_918 = arith.addi %rem3A_909, %select_n3A_908 : i32
    %select_n3A_919 = arith.select %and3A_917, %add3A_918, %rem3A_909 : i32
    %mul3A_920 = arith.constant 4096 : i32
    %mul3A_921 = arith.muli %select_n3A_919, %mul3A_920 : i32
    %mul3A_922 = arith.constant 4096 : i32
    %mul3A_923 = arith.muli %select_n3A_919, %mul3A_922 : i32
    %mul3A_924 = arith.constant 4096 : i32
    %mul3A_925 = arith.muli %select_n3A_919, %mul3A_924 : i32
    %mul3A_926 = arith.constant 4096 : i32
    %mul3A_927 = arith.muli %select_n3A_919, %mul3A_926 : i32
    %dma_wait3A_928 = arith.constant 0 : i32
    %dma_wait3A_929 = arith.constant 0 : i32
    %dma_wait3A_930 = tpu.memref_slice %arg10[%dma_wait3A_929] : memref<16384xf32, #tpu.memory_space<vmem>> -> memref<4096xf32, #tpu.memory_space<vmem>>
    %dma_wait3A_931 = tpu.memref_slice %arg4[%select_n3A_903, %dma_wait3A_928, %mul3A_921] : memref<200x4x131072xf32, #tpu.memory_space<hbm>> -> memref<1x1x4096xf32, #tpu.memory_space<hbm>>
    %dma_wait3A_932 = tpu.memref_squeeze %dma_wait3A_931 : memref<1x1x4096xf32, #tpu.memory_space<hbm>> -> memref<4096xf32, #tpu.memory_space<hbm>>
    %dma_wait3A_933 = tpu.memref_slice %arg4[%select_n3A_903, %dma_wait3A_928, %mul3A_921] : memref<200x4x131072xf32, #tpu.memory_space<hbm>> -> memref<1x1x4096xf32, #tpu.memory_space<hbm>>
    %dma_wait3A_934 = tpu.memref_squeeze %dma_wait3A_933 : memref<1x1x4096xf32, #tpu.memory_space<hbm>> -> memref<4096xf32, #tpu.memory_space<hbm>>
    %dma_wait3A_935 = arith.constant 0 : i32
    %dma_wait3A_936 = tpu.memref_slice %arg10[%dma_wait3A_935] : memref<16384xf32, #tpu.memory_space<vmem>> -> memref<4096xf32, #tpu.memory_space<vmem>>
    tpu.wait_dma2 semaphore(%arg16 : memref<!tpu.dma_semaphore, #tpu.memory_space<semaphore_mem>>) src(%dma_wait3A_936 : memref<4096xf32, #tpu.memory_space<vmem>>) dst(%dma_wait3A_934 : memref<4096xf32, #tpu.memory_space<hbm>>)
    %dma_wait3A_937 = arith.constant 1 : i32
    %dma_wait3A_938 = arith.constant 4096 : i32
    %dma_wait3A_939 = tpu.memref_slice %arg10[%dma_wait3A_938] : memref<16384xf32, #tpu.memory_space<vmem>> -> memref<4096xf32, #tpu.memory_space<vmem>>
    %dma_wait3A_940 = tpu.memref_slice %arg4[%select_n3A_903, %dma_wait3A_937, %mul3A_923] : memref<200x4x131072xf32, #tpu.memory_space<hbm>> -> memref<1x1x4096xf32, #tpu.memory_space<hbm>>
    %dma_wait3A_941 = tpu.memref_squeeze %dma_wait3A_940 : memref<1x1x4096xf32, #tpu.memory_space<hbm>> -> memref<4096xf32, #tpu.memory_space<hbm>>
    %dma_wait3A_942 = tpu.memref_slice %arg4[%select_n3A_903, %dma_wait3A_937, %mul3A_923] : memref<200x4x131072xf32, #tpu.memory_space<hbm>> -> memref<1x1x4096xf32, #tpu.memory_space<hbm>>
    %dma_wait3A_943 = tpu.memref_squeeze %dma_wait3A_942 : memref<1x1x4096xf32, #tpu.memory_space<hbm>> -> memref<4096xf32, #tpu.memory_space<hbm>>
    %dma_wait3A_944 = arith.constant 4096 : i32
    %dma_wait3A_945 = tpu.memref_slice %arg10[%dma_wait3A_944] : memref<16384xf32, #tpu.memory_space<vmem>> -> memref<4096xf32, #tpu.memory_space<vmem>>
    tpu.wait_dma2 semaphore(%arg16 : memref<!tpu.dma_semaphore, #tpu.memory_space<semaphore_mem>>) src(%dma_wait3A_945 : memref<4096xf32, #tpu.memory_space<vmem>>) dst(%dma_wait3A_943 : memref<4096xf32, #tpu.memory_space<hbm>>)
    %dma_wait3A_946 = arith.constant 2 : i32
    %dma_wait3A_947 = arith.constant 8192 : i32
    %dma_wait3A_948 = tpu.memref_slice %arg10[%dma_wait3A_947] : memref<16384xf32, #tpu.memory_space<vmem>> -> memref<4096xf32, #tpu.memory_space<vmem>>
    %dma_wait3A_949 = tpu.memref_slice %arg4[%select_n3A_903, %dma_wait3A_946, %mul3A_925] : memref<200x4x131072xf32, #tpu.memory_space<hbm>> -> memref<1x1x4096xf32, #tpu.memory_space<hbm>>
    %dma_wait3A_950 = tpu.memref_squeeze %dma_wait3A_949 : memref<1x1x4096xf32, #tpu.memory_space<hbm>> -> memref<4096xf32, #tpu.memory_space<hbm>>
    %dma_wait3A_951 = tpu.memref_slice %arg4[%select_n3A_903, %dma_wait3A_946, %mul3A_925] : memref<200x4x131072xf32, #tpu.memory_space<hbm>> -> memref<1x1x4096xf32, #tpu.memory_space<hbm>>
    %dma_wait3A_952 = tpu.memref_squeeze %dma_wait3A_951 : memref<1x1x4096xf32, #tpu.memory_space<hbm>> -> memref<4096xf32, #tpu.memory_space<hbm>>
    %dma_wait3A_953 = arith.constant 8192 : i32
    %dma_wait3A_954 = tpu.memref_slice %arg10[%dma_wait3A_953] : memref<16384xf32, #tpu.memory_space<vmem>> -> memref<4096xf32, #tpu.memory_space<vmem>>
    tpu.wait_dma2 semaphore(%arg16 : memref<!tpu.dma_semaphore, #tpu.memory_space<semaphore_mem>>) src(%dma_wait3A_954 : memref<4096xf32, #tpu.memory_space<vmem>>) dst(%dma_wait3A_952 : memref<4096xf32, #tpu.memory_space<hbm>>)
    %dma_wait3A_955 = arith.constant 3 : i32
    %dma_wait3A_956 = arith.constant 12288 : i32
    %dma_wait3A_957 = tpu.memref_slice %arg10[%dma_wait3A_956] : memref<16384xf32, #tpu.memory_space<vmem>> -> memref<4096xf32, #tpu.memory_space<vmem>>
    %dma_wait3A_958 = tpu.memref_slice %arg4[%select_n3A_903, %dma_wait3A_955, %mul3A_927] : memref<200x4x131072xf32, #tpu.memory_space<hbm>> -> memref<1x1x4096xf32, #tpu.memory_space<hbm>>
    %dma_wait3A_959 = tpu.memref_squeeze %dma_wait3A_958 : memref<1x1x4096xf32, #tpu.memory_space<hbm>> -> memref<4096xf32, #tpu.memory_space<hbm>>
    %dma_wait3A_960 = tpu.memref_slice %arg4[%select_n3A_903, %dma_wait3A_955, %mul3A_927] : memref<200x4x131072xf32, #tpu.memory_space<hbm>> -> memref<1x1x4096xf32, #tpu.memory_space<hbm>>
    %dma_wait3A_961 = tpu.memref_squeeze %dma_wait3A_960 : memref<1x1x4096xf32, #tpu.memory_space<hbm>> -> memref<4096xf32, #tpu.memory_space<hbm>>
    %dma_wait3A_962 = arith.constant 12288 : i32
    %dma_wait3A_963 = tpu.memref_slice %arg10[%dma_wait3A_962] : memref<16384xf32, #tpu.memory_space<vmem>> -> memref<4096xf32, #tpu.memory_space<vmem>>
    tpu.wait_dma2 semaphore(%arg16 : memref<!tpu.dma_semaphore, #tpu.memory_space<semaphore_mem>>) src(%dma_wait3A_963 : memref<4096xf32, #tpu.memory_space<vmem>>) dst(%dma_wait3A_961 : memref<4096xf32, #tpu.memory_space<hbm>>)
    %scan3A_964 = arith.constant 0 : i32
    %scan3A_965 = arith.constant 0 : i32
    %scan3A_966 = arith.constant 32 : i32
    %scan3A_967 = arith.addi %scan3A_965, %scan3A_966 : i32
    %scan3A_968 = arith.constant 1 : i32
    scf.for %scan3A_1228 = %scan3A_965 to %scan3A_967 step %scan3A_968  : i32 {
      %add3A_1229 = vector.broadcast %scan3A_1228 : i32 to vector<16xi32>
      %add3A_1230 = arith.addi %add3A_1229, %iota3A : vector<16xi32>
      %and3A_1231 = arith.constant 31 : i32
      %and3A_1232 = vector.broadcast %and3A_1231 : i32 to vector<16xi32>
      %and3A_1233 = arith.andi %add3A_1230, %and3A_1232 : vector<16xi32>
      %and3A_1234 = arith.constant 24 : i32
      %and3A_1235 = vector.broadcast %and3A_1234 : i32 to vector<16xi32>
      %and3A_1236 = arith.andi %and3A_1233, %and3A_1235 : vector<16xi32>
      %shift_left3A = arith.constant 9 : i32
      %shift_left3A_1237 = vector.broadcast %shift_left3A : i32 to vector<16xi32>
      %shift_left3A_1238 = arith.shli %and3A_1236, %shift_left3A_1237 : vector<16xi32>
      %and3A_1239 = arith.constant 7 : i32
      %and3A_1240 = vector.broadcast %and3A_1239 : i32 to vector<16xi32>
      %and3A_1241 = arith.andi %and3A_1233, %and3A_1240 : vector<16xi32>
      %shift_left3A_1242 = arith.constant 7 : i32
      %shift_left3A_1243 = vector.broadcast %shift_left3A_1242 : i32 to vector<16xi32>
      %shift_left3A_1244 = arith.shli %and3A_1241, %shift_left3A_1243 : vector<16xi32>
      %add3A_1245 = arith.addi %shift_left3A_1238, %shift_left3A_1244 : vector<16xi32>
      %add3A_1246 = arith.addi %add3A_1245, %iota3A : vector<16xi32>
      %add3A_1247 = arith.constant 0 : i32
      %add3A_1248 = vector.broadcast %add3A_1247 : i32 to vector<16xi32>
      %add3A_1249 = arith.addi %iota3A, %add3A_1248 : vector<16xi32>
      %gather3A = tpu.vector_load_idx %arg8[%add3A_1249, %and3A_1233] : memref<512x32xf32, #tpu.memory_space<vmem>>[vector<16xi32>, vector<16xi32>], vector<16xf32>,
      %add3A_1250 = arith.constant 16 : i32
      %add3A_1251 = vector.broadcast %add3A_1250 : i32 to vector<16xi32>
      %add3A_1252 = arith.addi %iota3A, %add3A_1251 : vector<16xi32>
      %gather3A_1253 = tpu.vector_load_idx %arg8[%add3A_1252, %and3A_1233] : memref<512x32xf32, #tpu.memory_space<vmem>>[vector<16xi32>, vector<16xi32>], vector<16xf32>,
      %add3A_1254 = arith.constant 32 : i32
      %add3A_1255 = vector.broadcast %add3A_1254 : i32 to vector<16xi32>
      %add3A_1256 = arith.addi %iota3A, %add3A_1255 : vector<16xi32>
      %gather3A_1257 = tpu.vector_load_idx %arg8[%add3A_1256, %and3A_1233] : memref<512x32xf32, #tpu.memory_space<vmem>>[vector<16xi32>, vector<16xi32>], vector<16xf32>,
      %add3A_1258 = arith.constant 48 : i32
      %add3A_1259 = vector.broadcast %add3A_1258 : i32 to vector<16xi32>
      %add3A_1260 = arith.addi %iota3A, %add3A_1259 : vector<16xi32>
      %gather3A_1261 = tpu.vector_load_idx %arg8[%add3A_1260, %and3A_1233] : memref<512x32xf32, #tpu.memory_space<vmem>>[vector<16xi32>, vector<16xi32>], vector<16xf32>,
      %add3A_1262 = arith.constant 64 : i32
      %add3A_1263 = vector.broadcast %add3A_1262 : i32 to vector<16xi32>
      %add3A_1264 = arith.addi %iota3A, %add3A_1263 : vector<16xi32>
      %gather3A_1265 = tpu.vector_load_idx %arg8[%add3A_1264, %and3A_1233] : memref<512x32xf32, #tpu.memory_space<vmem>>[vector<16xi32>, vector<16xi32>], vector<16xf32>,
      %add3A_1266 = arith.constant 0 : i32
      %add3A_1267 = vector.broadcast %add3A_1266 : i32 to vector<16xi32>
      %add3A_1268 = arith.addi %add3A_1246, %add3A_1267 : vector<16xi32>
      tpu.vector_store_idx %arg10[%add3A_1268], %gather3A : memref<16384xf32, #tpu.memory_space<vmem>>[vector<16xi32>], vector<16xf32>,
      %add3A_1269 = arith.constant 80 : i32
      %add3A_1270 = vector.broadcast %add3A_1269 : i32 to vector<16xi32>
      %add3A_1271 = arith.addi %iota3A, %add3A_1270 : vector<16xi32>
      %gather3A_1272 = tpu.vector_load_idx %arg8[%add3A_1271, %and3A_1233] : memref<512x32xf32, #tpu.memory_space<vmem>>[vector<16xi32>, vector<16xi32>], vector<16xf32>,
      %add3A_1273 = arith.constant 16 : i32
      %add3A_1274 = vector.broadcast %add3A_1273 : i32 to vector<16xi32>
      %add3A_1275 = arith.addi %add3A_1246, %add3A_1274 : vector<16xi32>
      tpu.vector_store_idx %arg10[%add3A_1275], %gather3A_1253 : memref<16384xf32, #tpu.memory_space<vmem>>[vector<16xi32>], vector<16xf32>,
      %add3A_1276 = arith.constant 96 : i32
      %add3A_1277 = vector.broadcast %add3A_1276 : i32 to vector<16xi32>
      %add3A_1278 = arith.addi %iota3A, %add3A_1277 : vector<16xi32>
      %gather3A_1279 = tpu.vector_load_idx %arg8[%add3A_1278, %and3A_1233] : memref<512x32xf32, #tpu.memory_space<vmem>>[vector<16xi32>, vector<16xi32>], vector<16xf32>,
      %add3A_1280 = arith.constant 32 : i32
      %add3A_1281 = vector.broadcast %add3A_1280 : i32 to vector<16xi32>
      %add3A_1282 = arith.addi %add3A_1246, %add3A_1281 : vector<16xi32>
      tpu.vector_store_idx %arg10[%add3A_1282], %gather3A_1257 : memref<16384xf32, #tpu.memory_space<vmem>>[vector<16xi32>], vector<16xf32>,
      %add3A_1283 = arith.constant 112 : i32
      %add3A_1284 = vector.broadcast %add3A_1283 : i32 to vector<16xi32>
      %add3A_1285 = arith.addi %iota3A, %add3A_1284 : vector<16xi32>
      %gather3A_1286 = tpu.vector_load_idx %arg8[%add3A_1285, %and3A_1233] : memref<512x32xf32, #tpu.memory_space<vmem>>[vector<16xi32>, vector<16xi32>], vector<16xf32>,
      %add3A_1287 = arith.constant 48 : i32
      %add3A_1288 = vector.broadcast %add3A_1287 : i32 to vector<16xi32>
      %add3A_1289 = arith.addi %add3A_1246, %add3A_1288 : vector<16xi32>
      tpu.vector_store_idx %arg10[%add3A_1289], %gather3A_1261 : memref<16384xf32, #tpu.memory_space<vmem>>[vector<16xi32>], vector<16xf32>,
      %add3A_1290 = arith.constant 128 : i32
      %add3A_1291 = vector.broadcast %add3A_1290 : i32 to vector<16xi32>
      %add3A_1292 = arith.addi %iota3A, %add3A_1291 : vector<16xi32>
      %gather3A_1293 = tpu.vector_load_idx %arg8[%add3A_1292, %and3A_1233] : memref<512x32xf32, #tpu.memory_space<vmem>>[vector<16xi32>, vector<16xi32>], vector<16xf32>,
      %add3A_1294 = arith.constant 64 : i32
      %add3A_1295 = vector.broadcast %add3A_1294 : i32 to vector<16xi32>
      %add3A_1296 = arith.addi %add3A_1246, %add3A_1295 : vector<16xi32>
      tpu.vector_store_idx %arg10[%add3A_1296], %gather3A_1265 : memref<16384xf32, #tpu.memory_space<vmem>>[vector<16xi32>], vector<16xf32>,
      %add3A_1297 = arith.constant 144 : i32
      %add3A_1298 = vector.broadcast %add3A_1297 : i32 to vector<16xi32>
      %add3A_1299 = arith.addi %iota3A, %add3A_1298 : vector<16xi32>
      %gather3A_1300 = tpu.vector_load_idx %arg8[%add3A_1299, %and3A_1233] : memref<512x32xf32, #tpu.memory_space<vmem>>[vector<16xi32>, vector<16xi32>], vector<16xf32>,
      %add3A_1301 = arith.constant 80 : i32
      %add3A_1302 = vector.broadcast %add3A_1301 : i32 to vector<16xi32>
      %add3A_1303 = arith.addi %add3A_1246, %add3A_1302 : vector<16xi32>
      tpu.vector_store_idx %arg10[%add3A_1303], %gather3A_1272 : memref<16384xf32, #tpu.memory_space<vmem>>[vector<16xi32>], vector<16xf32>,
      %add3A_1304 = arith.constant 160 : i32
      %add3A_1305 = vector.broadcast %add3A_1304 : i32 to vector<16xi32>
      %add3A_1306 = arith.addi %iota3A, %add3A_1305 : vector<16xi32>
      %gather3A_1307 = tpu.vector_load_idx %arg8[%add3A_1306, %and3A_1233] : memref<512x32xf32, #tpu.memory_space<vmem>>[vector<16xi32>, vector<16xi32>], vector<16xf32>,
      %add3A_1308 = arith.constant 96 : i32
      %add3A_1309 = vector.broadcast %add3A_1308 : i32 to vector<16xi32>
      %add3A_1310 = arith.addi %add3A_1246, %add3A_1309 : vector<16xi32>
      tpu.vector_store_idx %arg10[%add3A_1310], %gather3A_1279 : memref<16384xf32, #tpu.memory_space<vmem>>[vector<16xi32>], vector<16xf32>,
      %add3A_1311 = arith.constant 176 : i32
      %add3A_1312 = vector.broadcast %add3A_1311 : i32 to vector<16xi32>
      %add3A_1313 = arith.addi %iota3A, %add3A_1312 : vector<16xi32>
      %gather3A_1314 = tpu.vector_load_idx %arg8[%add3A_1313, %and3A_1233] : memref<512x32xf32, #tpu.memory_space<vmem>>[vector<16xi32>, vector<16xi32>], vector<16xf32>,
      %add3A_1315 = arith.constant 112 : i32
      %add3A_1316 = vector.broadcast %add3A_1315 : i32 to vector<16xi32>
      %add3A_1317 = arith.addi %add3A_1246, %add3A_1316 : vector<16xi32>
      tpu.vector_store_idx %arg10[%add3A_1317], %gather3A_1286 : memref<16384xf32, #tpu.memory_space<vmem>>[vector<16xi32>], vector<16xf32>,
      %add3A_1318 = arith.constant 192 : i32
      %add3A_1319 = vector.broadcast %add3A_1318 : i32 to vector<16xi32>
      %add3A_1320 = arith.addi %iota3A, %add3A_1319 : vector<16xi32>
      %gather3A_1321 = tpu.vector_load_idx %arg8[%add3A_1320, %and3A_1233] : memref<512x32xf32, #tpu.memory_space<vmem>>[vector<16xi32>, vector<16xi32>], vector<16xf32>,
      %add3A_1322 = arith.constant 1024 : i32
      %add3A_1323 = vector.broadcast %add3A_1322 : i32 to vector<16xi32>
      %add3A_1324 = arith.addi %add3A_1246, %add3A_1323 : vector<16xi32>
      tpu.vector_store_idx %arg10[%add3A_1324], %gather3A_1293 : memref<16384xf32, #tpu.memory_space<vmem>>[vector<16xi32>], vector<16xf32>,
      %add3A_1325 = arith.constant 208 : i32
      %add3A_1326 = vector.broadcast %add3A_1325 : i32 to vector<16xi32>
      %add3A_1327 = arith.addi %iota3A, %add3A_1326 : vector<16xi32>
      %gather3A_1328 = tpu.vector_load_idx %arg8[%add3A_1327, %and3A_1233] : memref<512x32xf32, #tpu.memory_space<vmem>>[vector<16xi32>, vector<16xi32>], vector<16xf32>,
      %add3A_1329 = arith.constant 1040 : i32
      %add3A_1330 = vector.broadcast %add3A_1329 : i32 to vector<16xi32>
      %add3A_1331 = arith.addi %add3A_1246, %add3A_1330 : vector<16xi32>
      tpu.vector_store_idx %arg10[%add3A_1331], %gather3A_1300 : memref<16384xf32, #tpu.memory_space<vmem>>[vector<16xi32>], vector<16xf32>,
      %add3A_1332 = arith.constant 224 : i32
      %add3A_1333 = vector.broadcast %add3A_1332 : i32 to vector<16xi32>
      %add3A_1334 = arith.addi %iota3A, %add3A_1333 : vector<16xi32>
      %gather3A_1335 = tpu.vector_load_idx %arg8[%add3A_1334, %and3A_1233] : memref<512x32xf32, #tpu.memory_space<vmem>>[vector<16xi32>, vector<16xi32>], vector<16xf32>,
      %add3A_1336 = arith.constant 1056 : i32
      %add3A_1337 = vector.broadcast %add3A_1336 : i32 to vector<16xi32>
      %add3A_1338 = arith.addi %add3A_1246, %add3A_1337 : vector<16xi32>
      tpu.vector_store_idx %arg10[%add3A_1338], %gather3A_1307 : memref<16384xf32, #tpu.memory_space<vmem>>[vector<16xi32>], vector<16xf32>,
      %add3A_1339 = arith.constant 240 : i32
      %add3A_1340 = vector.broadcast %add3A_1339 : i32 to vector<16xi32>
      %add3A_1341 = arith.addi %iota3A, %add3A_1340 : vector<16xi32>
      %gather3A_1342 = tpu.vector_load_idx %arg8[%add3A_1341, %and3A_1233] : memref<512x32xf32, #tpu.memory_space<vmem>>[vector<16xi32>, vector<16xi32>], vector<16xf32>,
      %add3A_1343 = arith.constant 1072 : i32
      %add3A_1344 = vector.broadcast %add3A_1343 : i32 to vector<16xi32>
      %add3A_1345 = arith.addi %add3A_1246, %add3A_1344 : vector<16xi32>
      tpu.vector_store_idx %arg10[%add3A_1345], %gather3A_1314 : memref<16384xf32, #tpu.memory_space<vmem>>[vector<16xi32>], vector<16xf32>,
      %add3A_1346 = arith.constant 256 : i32
      %add3A_1347 = vector.broadcast %add3A_1346 : i32 to vector<16xi32>
      %add3A_1348 = arith.addi %iota3A, %add3A_1347 : vector<16xi32>
      %gather3A_1349 = tpu.vector_load_idx %arg8[%add3A_1348, %and3A_1233] : memref<512x32xf32, #tpu.memory_space<vmem>>[vector<16xi32>, vector<16xi32>], vector<16xf32>,
      %add3A_1350 = arith.constant 1088 : i32
      %add3A_1351 = vector.broadcast %add3A_1350 : i32 to vector<16xi32>
      %add3A_1352 = arith.addi %add3A_1246, %add3A_1351 : vector<16xi32>
      tpu.vector_store_idx %arg10[%add3A_1352], %gather3A_1321 : memref<16384xf32, #tpu.memory_space<vmem>>[vector<16xi32>], vector<16xf32>,
      %add3A_1353 = arith.constant 272 : i32
      %add3A_1354 = vector.broadcast %add3A_1353 : i32 to vector<16xi32>
      %add3A_1355 = arith.addi %iota3A, %add3A_1354 : vector<16xi32>
      %gather3A_1356 = tpu.vector_load_idx %arg8[%add3A_1355, %and3A_1233] : memref<512x32xf32, #tpu.memory_space<vmem>>[vector<16xi32>, vector<16xi32>], vector<16xf32>,
      %add3A_1357 = arith.constant 1104 : i32
      %add3A_1358 = vector.broadcast %add3A_1357 : i32 to vector<16xi32>
      %add3A_1359 = arith.addi %add3A_1246, %add3A_1358 : vector<16xi32>
      tpu.vector_store_idx %arg10[%add3A_1359], %gather3A_1328 : memref<16384xf32, #tpu.memory_space<vmem>>[vector<16xi32>], vector<16xf32>,
      %add3A_1360 = arith.constant 288 : i32
      %add3A_1361 = vector.broadcast %add3A_1360 : i32 to vector<16xi32>
      %add3A_1362 = arith.addi %iota3A, %add3A_1361 : vector<16xi32>
      %gather3A_1363 = tpu.vector_load_idx %arg8[%add3A_1362, %and3A_1233] : memref<512x32xf32, #tpu.memory_space<vmem>>[vector<16xi32>, vector<16xi32>], vector<16xf32>,
      %add3A_1364 = arith.constant 1120 : i32
      %add3A_1365 = vector.broadcast %add3A_1364 : i32 to vector<16xi32>
      %add3A_1366 = arith.addi %add3A_1246, %add3A_1365 : vector<16xi32>
      tpu.vector_store_idx %arg10[%add3A_1366], %gather3A_1335 : memref<16384xf32, #tpu.memory_space<vmem>>[vector<16xi32>], vector<16xf32>,
      %add3A_1367 = arith.constant 304 : i32
      %add3A_1368 = vector.broadcast %add3A_1367 : i32 to vector<16xi32>
      %add3A_1369 = arith.addi %iota3A, %add3A_1368 : vector<16xi32>
      %gather3A_1370 = tpu.vector_load_idx %arg8[%add3A_1369, %and3A_1233] : memref<512x32xf32, #tpu.memory_space<vmem>>[vector<16xi32>, vector<16xi32>], vector<16xf32>,
      %add3A_1371 = arith.constant 1136 : i32
      %add3A_1372 = vector.broadcast %add3A_1371 : i32 to vector<16xi32>
      %add3A_1373 = arith.addi %add3A_1246, %add3A_1372 : vector<16xi32>
      tpu.vector_store_idx %arg10[%add3A_1373], %gather3A_1342 : memref<16384xf32, #tpu.memory_space<vmem>>[vector<16xi32>], vector<16xf32>,
      %add3A_1374 = arith.constant 320 : i32
      %add3A_1375 = vector.broadcast %add3A_1374 : i32 to vector<16xi32>
      %add3A_1376 = arith.addi %iota3A, %add3A_1375 : vector<16xi32>
      %gather3A_1377 = tpu.vector_load_idx %arg8[%add3A_1376, %and3A_1233] : memref<512x32xf32, #tpu.memory_space<vmem>>[vector<16xi32>, vector<16xi32>], vector<16xf32>,
      %add3A_1378 = arith.constant 2048 : i32
      %add3A_1379 = vector.broadcast %add3A_1378 : i32 to vector<16xi32>
      %add3A_1380 = arith.addi %add3A_1246, %add3A_1379 : vector<16xi32>
      tpu.vector_store_idx %arg10[%add3A_1380], %gather3A_1349 : memref<16384xf32, #tpu.memory_space<vmem>>[vector<16xi32>], vector<16xf32>,
      %add3A_1381 = arith.constant 336 : i32
      %add3A_1382 = vector.broadcast %add3A_1381 : i32 to vector<16xi32>
      %add3A_1383 = arith.addi %iota3A, %add3A_1382 : vector<16xi32>
      %gather3A_1384 = tpu.vector_load_idx %arg8[%add3A_1383, %and3A_1233] : memref<512x32xf32, #tpu.memory_space<vmem>>[vector<16xi32>, vector<16xi32>], vector<16xf32>,
      %add3A_1385 = arith.constant 2064 : i32
      %add3A_1386 = vector.broadcast %add3A_1385 : i32 to vector<16xi32>
      %add3A_1387 = arith.addi %add3A_1246, %add3A_1386 : vector<16xi32>
      tpu.vector_store_idx %arg10[%add3A_1387], %gather3A_1356 : memref<16384xf32, #tpu.memory_space<vmem>>[vector<16xi32>], vector<16xf32>,
      %add3A_1388 = arith.constant 352 : i32
      %add3A_1389 = vector.broadcast %add3A_1388 : i32 to vector<16xi32>
      %add3A_1390 = arith.addi %iota3A, %add3A_1389 : vector<16xi32>
      %gather3A_1391 = tpu.vector_load_idx %arg8[%add3A_1390, %and3A_1233] : memref<512x32xf32, #tpu.memory_space<vmem>>[vector<16xi32>, vector<16xi32>], vector<16xf32>,
      %add3A_1392 = arith.constant 2080 : i32
      %add3A_1393 = vector.broadcast %add3A_1392 : i32 to vector<16xi32>
      %add3A_1394 = arith.addi %add3A_1246, %add3A_1393 : vector<16xi32>
      tpu.vector_store_idx %arg10[%add3A_1394], %gather3A_1363 : memref<16384xf32, #tpu.memory_space<vmem>>[vector<16xi32>], vector<16xf32>,
      %add3A_1395 = arith.constant 368 : i32
      %add3A_1396 = vector.broadcast %add3A_1395 : i32 to vector<16xi32>
      %add3A_1397 = arith.addi %iota3A, %add3A_1396 : vector<16xi32>
      %gather3A_1398 = tpu.vector_load_idx %arg8[%add3A_1397, %and3A_1233] : memref<512x32xf32, #tpu.memory_space<vmem>>[vector<16xi32>, vector<16xi32>], vector<16xf32>,
      %add3A_1399 = arith.constant 2096 : i32
      %add3A_1400 = vector.broadcast %add3A_1399 : i32 to vector<16xi32>
      %add3A_1401 = arith.addi %add3A_1246, %add3A_1400 : vector<16xi32>
      tpu.vector_store_idx %arg10[%add3A_1401], %gather3A_1370 : memref<16384xf32, #tpu.memory_space<vmem>>[vector<16xi32>], vector<16xf32>,
      %add3A_1402 = arith.constant 384 : i32
      %add3A_1403 = vector.broadcast %add3A_1402 : i32 to vector<16xi32>
      %add3A_1404 = arith.addi %iota3A, %add3A_1403 : vector<16xi32>
      %gather3A_1405 = tpu.vector_load_idx %arg8[%add3A_1404, %and3A_1233] : memref<512x32xf32, #tpu.memory_space<vmem>>[vector<16xi32>, vector<16xi32>], vector<16xf32>,
      %add3A_1406 = arith.constant 2112 : i32
      %add3A_1407 = vector.broadcast %add3A_1406 : i32 to vector<16xi32>
      %add3A_1408 = arith.addi %add3A_1246, %add3A_1407 : vector<16xi32>
      tpu.vector_store_idx %arg10[%add3A_1408], %gather3A_1377 : memref<16384xf32, #tpu.memory_space<vmem>>[vector<16xi32>], vector<16xf32>,
      %add3A_1409 = arith.constant 400 : i32
      %add3A_1410 = vector.broadcast %add3A_1409 : i32 to vector<16xi32>
      %add3A_1411 = arith.addi %iota3A, %add3A_1410 : vector<16xi32>
      %gather3A_1412 = tpu.vector_load_idx %arg8[%add3A_1411, %and3A_1233] : memref<512x32xf32, #tpu.memory_space<vmem>>[vector<16xi32>, vector<16xi32>], vector<16xf32>,
      %add3A_1413 = arith.constant 2128 : i32
      %add3A_1414 = vector.broadcast %add3A_1413 : i32 to vector<16xi32>
      %add3A_1415 = arith.addi %add3A_1246, %add3A_1414 : vector<16xi32>
      tpu.vector_store_idx %arg10[%add3A_1415], %gather3A_1384 : memref<16384xf32, #tpu.memory_space<vmem>>[vector<16xi32>], vector<16xf32>,
      %add3A_1416 = arith.constant 416 : i32
      %add3A_1417 = vector.broadcast %add3A_1416 : i32 to vector<16xi32>
      %add3A_1418 = arith.addi %iota3A, %add3A_1417 : vector<16xi32>
      %gather3A_1419 = tpu.vector_load_idx %arg8[%add3A_1418, %and3A_1233] : memref<512x32xf32, #tpu.memory_space<vmem>>[vector<16xi32>, vector<16xi32>], vector<16xf32>,
      %add3A_1420 = arith.constant 2144 : i32
      %add3A_1421 = vector.broadcast %add3A_1420 : i32 to vector<16xi32>
      %add3A_1422 = arith.addi %add3A_1246, %add3A_1421 : vector<16xi32>
      tpu.vector_store_idx %arg10[%add3A_1422], %gather3A_1391 : memref<16384xf32, #tpu.memory_space<vmem>>[vector<16xi32>], vector<16xf32>,
      %add3A_1423 = arith.constant 432 : i32
      %add3A_1424 = vector.broadcast %add3A_1423 : i32 to vector<16xi32>
      %add3A_1425 = arith.addi %iota3A, %add3A_1424 : vector<16xi32>
      %gather3A_1426 = tpu.vector_load_idx %arg8[%add3A_1425, %and3A_1233] : memref<512x32xf32, #tpu.memory_space<vmem>>[vector<16xi32>, vector<16xi32>], vector<16xf32>,
      %add3A_1427 = arith.constant 2160 : i32
      %add3A_1428 = vector.broadcast %add3A_1427 : i32 to vector<16xi32>
      %add3A_1429 = arith.addi %add3A_1246, %add3A_1428 : vector<16xi32>
      tpu.vector_store_idx %arg10[%add3A_1429], %gather3A_1398 : memref<16384xf32, #tpu.memory_space<vmem>>[vector<16xi32>], vector<16xf32>,
      %add3A_1430 = arith.constant 448 : i32
      %add3A_1431 = vector.broadcast %add3A_1430 : i32 to vector<16xi32>
      %add3A_1432 = arith.addi %iota3A, %add3A_1431 : vector<16xi32>
      %gather3A_1433 = tpu.vector_load_idx %arg8[%add3A_1432, %and3A_1233] : memref<512x32xf32, #tpu.memory_space<vmem>>[vector<16xi32>, vector<16xi32>], vector<16xf32>,
      %add3A_1434 = arith.constant 3072 : i32
      %add3A_1435 = vector.broadcast %add3A_1434 : i32 to vector<16xi32>
      %add3A_1436 = arith.addi %add3A_1246, %add3A_1435 : vector<16xi32>
      tpu.vector_store_idx %arg10[%add3A_1436], %gather3A_1405 : memref<16384xf32, #tpu.memory_space<vmem>>[vector<16xi32>], vector<16xf32>,
      %add3A_1437 = arith.constant 464 : i32
      %add3A_1438 = vector.broadcast %add3A_1437 : i32 to vector<16xi32>
      %add3A_1439 = arith.addi %iota3A, %add3A_1438 : vector<16xi32>
      %gather3A_1440 = tpu.vector_load_idx %arg8[%add3A_1439, %and3A_1233] : memref<512x32xf32, #tpu.memory_space<vmem>>[vector<16xi32>, vector<16xi32>], vector<16xf32>,
      %add3A_1441 = arith.constant 3088 : i32
      %add3A_1442 = vector.broadcast %add3A_1441 : i32 to vector<16xi32>
      %add3A_1443 = arith.addi %add3A_1246, %add3A_1442 : vector<16xi32>
      tpu.vector_store_idx %arg10[%add3A_1443], %gather3A_1412 : memref<16384xf32, #tpu.memory_space<vmem>>[vector<16xi32>], vector<16xf32>,
      %add3A_1444 = arith.constant 480 : i32
      %add3A_1445 = vector.broadcast %add3A_1444 : i32 to vector<16xi32>
      %add3A_1446 = arith.addi %iota3A, %add3A_1445 : vector<16xi32>
      %gather3A_1447 = tpu.vector_load_idx %arg8[%add3A_1446, %and3A_1233] : memref<512x32xf32, #tpu.memory_space<vmem>>[vector<16xi32>, vector<16xi32>], vector<16xf32>,
      %add3A_1448 = arith.constant 3104 : i32
      %add3A_1449 = vector.broadcast %add3A_1448 : i32 to vector<16xi32>
      %add3A_1450 = arith.addi %add3A_1246, %add3A_1449 : vector<16xi32>
      tpu.vector_store_idx %arg10[%add3A_1450], %gather3A_1419 : memref<16384xf32, #tpu.memory_space<vmem>>[vector<16xi32>], vector<16xf32>,
      %add3A_1451 = arith.constant 496 : i32
      %add3A_1452 = vector.broadcast %add3A_1451 : i32 to vector<16xi32>
      %add3A_1453 = arith.addi %iota3A, %add3A_1452 : vector<16xi32>
      %gather3A_1454 = tpu.vector_load_idx %arg8[%add3A_1453, %and3A_1233] : memref<512x32xf32, #tpu.memory_space<vmem>>[vector<16xi32>, vector<16xi32>], vector<16xf32>,
      %add3A_1455 = arith.constant 3120 : i32
      %add3A_1456 = vector.broadcast %add3A_1455 : i32 to vector<16xi32>
      %add3A_1457 = arith.addi %add3A_1246, %add3A_1456 : vector<16xi32>
      tpu.vector_store_idx %arg10[%add3A_1457], %gather3A_1426 : memref<16384xf32, #tpu.memory_space<vmem>>[vector<16xi32>], vector<16xf32>,
      %add3A_1458 = arith.constant 3136 : i32
      %add3A_1459 = vector.broadcast %add3A_1458 : i32 to vector<16xi32>
      %add3A_1460 = arith.addi %add3A_1246, %add3A_1459 : vector<16xi32>
      tpu.vector_store_idx %arg10[%add3A_1460], %gather3A_1433 : memref<16384xf32, #tpu.memory_space<vmem>>[vector<16xi32>], vector<16xf32>,
      %add3A_1461 = arith.constant 3152 : i32
      %add3A_1462 = vector.broadcast %add3A_1461 : i32 to vector<16xi32>
      %add3A_1463 = arith.addi %add3A_1246, %add3A_1462 : vector<16xi32>
      tpu.vector_store_idx %arg10[%add3A_1463], %gather3A_1440 : memref<16384xf32, #tpu.memory_space<vmem>>[vector<16xi32>], vector<16xf32>,
      %add3A_1464 = arith.constant 3168 : i32
      %add3A_1465 = vector.broadcast %add3A_1464 : i32 to vector<16xi32>
      %add3A_1466 = arith.addi %add3A_1246, %add3A_1465 : vector<16xi32>
      tpu.vector_store_idx %arg10[%add3A_1466], %gather3A_1447 : memref<16384xf32, #tpu.memory_space<vmem>>[vector<16xi32>], vector<16xf32>,
      %add3A_1467 = arith.constant 3184 : i32
      %add3A_1468 = vector.broadcast %add3A_1467 : i32 to vector<16xi32>
      %add3A_1469 = arith.addi %add3A_1246, %add3A_1468 : vector<16xi32>
      tpu.vector_store_idx %arg10[%add3A_1469], %gather3A_1454 : memref<16384xf32, #tpu.memory_space<vmem>>[vector<16xi32>], vector<16xf32>,
    }
    %scan3A_969 = arith.constant 32 : i32
    %add3A_970 = arith.constant 199 : i32
    %add3A_971 = arith.addi %mul3A_2, %add3A_970 : i32
    %jit3A_972 = arith.constant 32 : i32
    %div3A_973 = arith.divsi %add3A_971, %jit3A_972 : i32
    %sign3A_974 = arith.constant 0 : i32
    %sign3A_975 = arith.cmpi sgt, %add3A_971, %sign3A_974 : i32
    %sign3A_976 = arith.extui %sign3A_975 : i1 to i32
    %sign3A_977 = arith.constant 0 : i32
    %sign3A_978 = arith.cmpi slt, %add3A_971, %sign3A_977 : i32
    %sign3A_979 = arith.extui %sign3A_978 : i1 to i32
    %sign3A_980 = arith.subi %sign3A_976, %sign3A_979 : i32
    %sign3A_981 = arith.constant 0 : i32
    %sign3A_982 = arith.cmpi sgt, %jit3A_972, %sign3A_981 : i32
    %sign3A_983 = arith.extui %sign3A_982 : i1 to i32
    %sign3A_984 = arith.constant 0 : i32
    %sign3A_985 = arith.cmpi slt, %jit3A_972, %sign3A_984 : i32
    %sign3A_986 = arith.extui %sign3A_985 : i1 to i32
    %sign3A_987 = arith.subi %sign3A_983, %sign3A_986 : i32
    %ne3A_988 = arith.cmpi ne, %sign3A_980, %sign3A_987 : i32
    %rem3A_989 = arith.remsi %add3A_971, %jit3A_972 : i32
    %ne3A_990 = arith.constant 0 : i32
    %ne3A_991 = arith.cmpi ne, %rem3A_989, %ne3A_990 : i32
    %and3A_992 = arith.andi %ne3A_988, %ne3A_991 : i1
    %sub3A_993 = arith.constant 1 : i32
    %sub3A_994 = arith.subi %div3A_973, %sub3A_993 : i32
    %select_n3A_995 = arith.select %and3A_992, %sub3A_994, %div3A_973 : i32
    %jit3A_996 = arith.constant 32 : i32
    %eq3A_997 = arith.constant 0 : i32
    %eq3A_998 = arith.cmpi eq, %jit3A_996, %eq3A_997 : i32
    %jit3A_999 = arith.constant 1 : i32
    %select_n3A_1000 = arith.select %eq3A_998, %jit3A_999, %jit3A_996 : i32
    %rem3A_1001 = arith.remsi %add3A_971, %select_n3A_1000 : i32
    %ne3A_1002 = arith.constant 0 : i32
    %ne3A_1003 = arith.cmpi ne, %rem3A_1001, %ne3A_1002 : i32
    %lt3A_1004 = arith.constant 0 : i32
    %lt3A_1005 = arith.cmpi slt, %rem3A_1001, %lt3A_1004 : i32
    %lt3A_1006 = arith.constant 0 : i32
    %lt3A_1007 = arith.cmpi slt, %select_n3A_1000, %lt3A_1006 : i32
    %ne3A_1008 = arith.xori %lt3A_1005, %lt3A_1007 : i1
    %and3A_1009 = arith.andi %ne3A_1008, %ne3A_1003 : i1
    %add3A_1010 = arith.addi %rem3A_1001, %select_n3A_1000 : i32
    %select_n3A_1011 = arith.select %and3A_1009, %add3A_1010, %rem3A_1001 : i32
    %mul3A_1012 = arith.constant 4096 : i32
    %mul3A_1013 = arith.muli %select_n3A_1011, %mul3A_1012 : i32
    %mul3A_1014 = arith.constant 4096 : i32
    %mul3A_1015 = arith.muli %select_n3A_1011, %mul3A_1014 : i32
    %mul3A_1016 = arith.constant 4096 : i32
    %mul3A_1017 = arith.muli %select_n3A_1011, %mul3A_1016 : i32
    %mul3A_1018 = arith.constant 4096 : i32
    %mul3A_1019 = arith.muli %select_n3A_1011, %mul3A_1018 : i32
    %dma_start3A_1020 = arith.constant 0 : i32
    %dma_start3A_1021 = arith.constant 0 : i32
    %dma_start3A_1022 = tpu.memref_slice %arg10[%dma_start3A_1021] : memref<16384xf32, #tpu.memory_space<vmem>> -> memref<4096xf32, #tpu.memory_space<vmem>>
    %dma_start3A_1023 = tpu.memref_slice %arg4[%select_n3A_995, %dma_start3A_1020, %mul3A_1013] : memref<200x4x131072xf32, #tpu.memory_space<hbm>> -> memref<1x1x4096xf32, #tpu.memory_space<hbm>>
    %dma_start3A_1024 = tpu.memref_squeeze %dma_start3A_1023 : memref<1x1x4096xf32, #tpu.memory_space<hbm>> -> memref<4096xf32, #tpu.memory_space<hbm>>
    %dma_start3A_1025 = tpu.memref_slice %arg4[%select_n3A_995, %dma_start3A_1020, %mul3A_1013] : memref<200x4x131072xf32, #tpu.memory_space<hbm>> -> memref<1x1x4096xf32, #tpu.memory_space<hbm>>
    %dma_start3A_1026 = tpu.memref_squeeze %dma_start3A_1025 : memref<1x1x4096xf32, #tpu.memory_space<hbm>> -> memref<4096xf32, #tpu.memory_space<hbm>>
    %dma_start3A_1027 = arith.constant 0 : i32
    %dma_start3A_1028 = tpu.memref_slice %arg10[%dma_start3A_1027] : memref<16384xf32, #tpu.memory_space<vmem>> -> memref<4096xf32, #tpu.memory_space<vmem>>
    tpu.enqueue_dma source(%dma_start3A_1028 : memref<4096xf32, #tpu.memory_space<vmem>>) target(%dma_start3A_1026 : memref<4096xf32, #tpu.memory_space<hbm>>) target_semaphore(%arg16 : memref<!tpu.dma_semaphore, #tpu.memory_space<semaphore_mem>>)
    %dma_start3A_1029 = arith.constant 1 : i32
    %dma_start3A_1030 = arith.constant 4096 : i32
    %dma_start3A_1031 = tpu.memref_slice %arg10[%dma_start3A_1030] : memref<16384xf32, #tpu.memory_space<vmem>> -> memref<4096xf32, #tpu.memory_space<vmem>>
    %dma_start3A_1032 = tpu.memref_slice %arg4[%select_n3A_995, %dma_start3A_1029, %mul3A_1015] : memref<200x4x131072xf32, #tpu.memory_space<hbm>> -> memref<1x1x4096xf32, #tpu.memory_space<hbm>>
    %dma_start3A_1033 = tpu.memref_squeeze %dma_start3A_1032 : memref<1x1x4096xf32, #tpu.memory_space<hbm>> -> memref<4096xf32, #tpu.memory_space<hbm>>
    %dma_start3A_1034 = tpu.memref_slice %arg4[%select_n3A_995, %dma_start3A_1029, %mul3A_1015] : memref<200x4x131072xf32, #tpu.memory_space<hbm>> -> memref<1x1x4096xf32, #tpu.memory_space<hbm>>
    %dma_start3A_1035 = tpu.memref_squeeze %dma_start3A_1034 : memref<1x1x4096xf32, #tpu.memory_space<hbm>> -> memref<4096xf32, #tpu.memory_space<hbm>>
    %dma_start3A_1036 = arith.constant 4096 : i32
    %dma_start3A_1037 = tpu.memref_slice %arg10[%dma_start3A_1036] : memref<16384xf32, #tpu.memory_space<vmem>> -> memref<4096xf32, #tpu.memory_space<vmem>>
    tpu.enqueue_dma source(%dma_start3A_1037 : memref<4096xf32, #tpu.memory_space<vmem>>) target(%dma_start3A_1035 : memref<4096xf32, #tpu.memory_space<hbm>>) target_semaphore(%arg16 : memref<!tpu.dma_semaphore, #tpu.memory_space<semaphore_mem>>)
    %dma_start3A_1038 = arith.constant 2 : i32
    %dma_start3A_1039 = arith.constant 8192 : i32
    %dma_start3A_1040 = tpu.memref_slice %arg10[%dma_start3A_1039] : memref<16384xf32, #tpu.memory_space<vmem>> -> memref<4096xf32, #tpu.memory_space<vmem>>
    %dma_start3A_1041 = tpu.memref_slice %arg4[%select_n3A_995, %dma_start3A_1038, %mul3A_1017] : memref<200x4x131072xf32, #tpu.memory_space<hbm>> -> memref<1x1x4096xf32, #tpu.memory_space<hbm>>
    %dma_start3A_1042 = tpu.memref_squeeze %dma_start3A_1041 : memref<1x1x4096xf32, #tpu.memory_space<hbm>> -> memref<4096xf32, #tpu.memory_space<hbm>>
    %dma_start3A_1043 = tpu.memref_slice %arg4[%select_n3A_995, %dma_start3A_1038, %mul3A_1017] : memref<200x4x131072xf32, #tpu.memory_space<hbm>> -> memref<1x1x4096xf32, #tpu.memory_space<hbm>>
    %dma_start3A_1044 = tpu.memref_squeeze %dma_start3A_1043 : memref<1x1x4096xf32, #tpu.memory_space<hbm>> -> memref<4096xf32, #tpu.memory_space<hbm>>
    %dma_start3A_1045 = arith.constant 8192 : i32
    %dma_start3A_1046 = tpu.memref_slice %arg10[%dma_start3A_1045] : memref<16384xf32, #tpu.memory_space<vmem>> -> memref<4096xf32, #tpu.memory_space<vmem>>
    tpu.enqueue_dma source(%dma_start3A_1046 : memref<4096xf32, #tpu.memory_space<vmem>>) target(%dma_start3A_1044 : memref<4096xf32, #tpu.memory_space<hbm>>) target_semaphore(%arg16 : memref<!tpu.dma_semaphore, #tpu.memory_space<semaphore_mem>>)
    %dma_start3A_1047 = arith.constant 3 : i32
    %dma_start3A_1048 = arith.constant 12288 : i32
    %dma_start3A_1049 = tpu.memref_slice %arg10[%dma_start3A_1048] : memref<16384xf32, #tpu.memory_space<vmem>> -> memref<4096xf32, #tpu.memory_space<vmem>>
    %dma_start3A_1050 = tpu.memref_slice %arg4[%select_n3A_995, %dma_start3A_1047, %mul3A_1019] : memref<200x4x131072xf32, #tpu.memory_space<hbm>> -> memref<1x1x4096xf32, #tpu.memory_space<hbm>>
    %dma_start3A_1051 = tpu.memref_squeeze %dma_start3A_1050 : memref<1x1x4096xf32, #tpu.memory_space<hbm>> -> memref<4096xf32, #tpu.memory_space<hbm>>
    %dma_start3A_1052 = tpu.memref_slice %arg4[%select_n3A_995, %dma_start3A_1047, %mul3A_1019] : memref<200x4x131072xf32, #tpu.memory_space<hbm>> -> memref<1x1x4096xf32, #tpu.memory_space<hbm>>
    %dma_start3A_1053 = tpu.memref_squeeze %dma_start3A_1052 : memref<1x1x4096xf32, #tpu.memory_space<hbm>> -> memref<4096xf32, #tpu.memory_space<hbm>>
    %dma_start3A_1054 = arith.constant 12288 : i32
    %dma_start3A_1055 = tpu.memref_slice %arg10[%dma_start3A_1054] : memref<16384xf32, #tpu.memory_space<vmem>> -> memref<4096xf32, #tpu.memory_space<vmem>>
    tpu.enqueue_dma source(%dma_start3A_1055 : memref<4096xf32, #tpu.memory_space<vmem>>) target(%dma_start3A_1053 : memref<4096xf32, #tpu.memory_space<hbm>>) target_semaphore(%arg16 : memref<!tpu.dma_semaphore, #tpu.memory_space<semaphore_mem>>)
    %add3A_1056 = arith.constant 198 : i32
    %add3A_1057 = arith.addi %mul3A_2, %add3A_1056 : i32
    %jit3A_1058 = arith.constant 32 : i32
    %div3A_1059 = arith.divsi %add3A_1057, %jit3A_1058 : i32
    %sign3A_1060 = arith.constant 0 : i32
    %sign3A_1061 = arith.cmpi sgt, %add3A_1057, %sign3A_1060 : i32
    %sign3A_1062 = arith.extui %sign3A_1061 : i1 to i32
    %sign3A_1063 = arith.constant 0 : i32
    %sign3A_1064 = arith.cmpi slt, %add3A_1057, %sign3A_1063 : i32
    %sign3A_1065 = arith.extui %sign3A_1064 : i1 to i32
    %sign3A_1066 = arith.subi %sign3A_1062, %sign3A_1065 : i32
    %sign3A_1067 = arith.constant 0 : i32
    %sign3A_1068 = arith.cmpi sgt, %jit3A_1058, %sign3A_1067 : i32
    %sign3A_1069 = arith.extui %sign3A_1068 : i1 to i32
    %sign3A_1070 = arith.constant 0 : i32
    %sign3A_1071 = arith.cmpi slt, %jit3A_1058, %sign3A_1070 : i32
    %sign3A_1072 = arith.extui %sign3A_1071 : i1 to i32
    %sign3A_1073 = arith.subi %sign3A_1069, %sign3A_1072 : i32
    %ne3A_1074 = arith.cmpi ne, %sign3A_1066, %sign3A_1073 : i32
    %rem3A_1075 = arith.remsi %add3A_1057, %jit3A_1058 : i32
    %ne3A_1076 = arith.constant 0 : i32
    %ne3A_1077 = arith.cmpi ne, %rem3A_1075, %ne3A_1076 : i32
    %and3A_1078 = arith.andi %ne3A_1074, %ne3A_1077 : i1
    %sub3A_1079 = arith.constant 1 : i32
    %sub3A_1080 = arith.subi %div3A_1059, %sub3A_1079 : i32
    %select_n3A_1081 = arith.select %and3A_1078, %sub3A_1080, %div3A_1059 : i32
    %jit3A_1082 = arith.constant 32 : i32
    %eq3A_1083 = arith.constant 0 : i32
    %eq3A_1084 = arith.cmpi eq, %jit3A_1082, %eq3A_1083 : i32
    %jit3A_1085 = arith.constant 1 : i32
    %select_n3A_1086 = arith.select %eq3A_1084, %jit3A_1085, %jit3A_1082 : i32
    %rem3A_1087 = arith.remsi %add3A_1057, %select_n3A_1086 : i32
    %ne3A_1088 = arith.constant 0 : i32
    %ne3A_1089 = arith.cmpi ne, %rem3A_1087, %ne3A_1088 : i32
    %lt3A_1090 = arith.constant 0 : i32
    %lt3A_1091 = arith.cmpi slt, %rem3A_1087, %lt3A_1090 : i32
    %lt3A_1092 = arith.constant 0 : i32
    %lt3A_1093 = arith.cmpi slt, %select_n3A_1086, %lt3A_1092 : i32
    %ne3A_1094 = arith.xori %lt3A_1091, %lt3A_1093 : i1
    %and3A_1095 = arith.andi %ne3A_1094, %ne3A_1089 : i1
    %add3A_1096 = arith.addi %rem3A_1087, %select_n3A_1086 : i32
    %select_n3A_1097 = arith.select %and3A_1095, %add3A_1096, %rem3A_1087 : i32
    %mul3A_1098 = arith.constant 4096 : i32
    %mul3A_1099 = arith.muli %select_n3A_1097, %mul3A_1098 : i32
    %mul3A_1100 = arith.constant 4096 : i32
    %mul3A_1101 = arith.muli %select_n3A_1097, %mul3A_1100 : i32
    %mul3A_1102 = arith.constant 4096 : i32
    %mul3A_1103 = arith.muli %select_n3A_1097, %mul3A_1102 : i32
    %mul3A_1104 = arith.constant 4096 : i32
    %mul3A_1105 = arith.muli %select_n3A_1097, %mul3A_1104 : i32
    %dma_wait3A_1106 = arith.constant 0 : i32
    %dma_wait3A_1107 = arith.constant 0 : i32
    %dma_wait3A_1108 = tpu.memref_slice %arg9[%dma_wait3A_1107] : memref<16384xf32, #tpu.memory_space<vmem>> -> memref<4096xf32, #tpu.memory_space<vmem>>
    %dma_wait3A_1109 = tpu.memref_slice %arg4[%select_n3A_1081, %dma_wait3A_1106, %mul3A_1099] : memref<200x4x131072xf32, #tpu.memory_space<hbm>> -> memref<1x1x4096xf32, #tpu.memory_space<hbm>>
    %dma_wait3A_1110 = tpu.memref_squeeze %dma_wait3A_1109 : memref<1x1x4096xf32, #tpu.memory_space<hbm>> -> memref<4096xf32, #tpu.memory_space<hbm>>
    %dma_wait3A_1111 = tpu.memref_slice %arg4[%select_n3A_1081, %dma_wait3A_1106, %mul3A_1099] : memref<200x4x131072xf32, #tpu.memory_space<hbm>> -> memref<1x1x4096xf32, #tpu.memory_space<hbm>>
    %dma_wait3A_1112 = tpu.memref_squeeze %dma_wait3A_1111 : memref<1x1x4096xf32, #tpu.memory_space<hbm>> -> memref<4096xf32, #tpu.memory_space<hbm>>
    %dma_wait3A_1113 = arith.constant 0 : i32
    %dma_wait3A_1114 = tpu.memref_slice %arg9[%dma_wait3A_1113] : memref<16384xf32, #tpu.memory_space<vmem>> -> memref<4096xf32, #tpu.memory_space<vmem>>
    tpu.wait_dma2 semaphore(%arg15 : memref<!tpu.dma_semaphore, #tpu.memory_space<semaphore_mem>>) src(%dma_wait3A_1114 : memref<4096xf32, #tpu.memory_space<vmem>>) dst(%dma_wait3A_1112 : memref<4096xf32, #tpu.memory_space<hbm>>)
    %dma_wait3A_1115 = arith.constant 1 : i32
    %dma_wait3A_1116 = arith.constant 4096 : i32
    %dma_wait3A_1117 = tpu.memref_slice %arg9[%dma_wait3A_1116] : memref<16384xf32, #tpu.memory_space<vmem>> -> memref<4096xf32, #tpu.memory_space<vmem>>
    %dma_wait3A_1118 = tpu.memref_slice %arg4[%select_n3A_1081, %dma_wait3A_1115, %mul3A_1101] : memref<200x4x131072xf32, #tpu.memory_space<hbm>> -> memref<1x1x4096xf32, #tpu.memory_space<hbm>>
    %dma_wait3A_1119 = tpu.memref_squeeze %dma_wait3A_1118 : memref<1x1x4096xf32, #tpu.memory_space<hbm>> -> memref<4096xf32, #tpu.memory_space<hbm>>
    %dma_wait3A_1120 = tpu.memref_slice %arg4[%select_n3A_1081, %dma_wait3A_1115, %mul3A_1101] : memref<200x4x131072xf32, #tpu.memory_space<hbm>> -> memref<1x1x4096xf32, #tpu.memory_space<hbm>>
    %dma_wait3A_1121 = tpu.memref_squeeze %dma_wait3A_1120 : memref<1x1x4096xf32, #tpu.memory_space<hbm>> -> memref<4096xf32, #tpu.memory_space<hbm>>
    %dma_wait3A_1122 = arith.constant 4096 : i32
    %dma_wait3A_1123 = tpu.memref_slice %arg9[%dma_wait3A_1122] : memref<16384xf32, #tpu.memory_space<vmem>> -> memref<4096xf32, #tpu.memory_space<vmem>>
    tpu.wait_dma2 semaphore(%arg15 : memref<!tpu.dma_semaphore, #tpu.memory_space<semaphore_mem>>) src(%dma_wait3A_1123 : memref<4096xf32, #tpu.memory_space<vmem>>) dst(%dma_wait3A_1121 : memref<4096xf32, #tpu.memory_space<hbm>>)
    %dma_wait3A_1124 = arith.constant 2 : i32
    %dma_wait3A_1125 = arith.constant 8192 : i32
    %dma_wait3A_1126 = tpu.memref_slice %arg9[%dma_wait3A_1125] : memref<16384xf32, #tpu.memory_space<vmem>> -> memref<4096xf32, #tpu.memory_space<vmem>>
    %dma_wait3A_1127 = tpu.memref_slice %arg4[%select_n3A_1081, %dma_wait3A_1124, %mul3A_1103] : memref<200x4x131072xf32, #tpu.memory_space<hbm>> -> memref<1x1x4096xf32, #tpu.memory_space<hbm>>
    %dma_wait3A_1128 = tpu.memref_squeeze %dma_wait3A_1127 : memref<1x1x4096xf32, #tpu.memory_space<hbm>> -> memref<4096xf32, #tpu.memory_space<hbm>>
    %dma_wait3A_1129 = tpu.memref_slice %arg4[%select_n3A_1081, %dma_wait3A_1124, %mul3A_1103] : memref<200x4x131072xf32, #tpu.memory_space<hbm>> -> memref<1x1x4096xf32, #tpu.memory_space<hbm>>
    %dma_wait3A_1130 = tpu.memref_squeeze %dma_wait3A_1129 : memref<1x1x4096xf32, #tpu.memory_space<hbm>> -> memref<4096xf32, #tpu.memory_space<hbm>>
    %dma_wait3A_1131 = arith.constant 8192 : i32
    %dma_wait3A_1132 = tpu.memref_slice %arg9[%dma_wait3A_1131] : memref<16384xf32, #tpu.memory_space<vmem>> -> memref<4096xf32, #tpu.memory_space<vmem>>
    tpu.wait_dma2 semaphore(%arg15 : memref<!tpu.dma_semaphore, #tpu.memory_space<semaphore_mem>>) src(%dma_wait3A_1132 : memref<4096xf32, #tpu.memory_space<vmem>>) dst(%dma_wait3A_1130 : memref<4096xf32, #tpu.memory_space<hbm>>)
    %dma_wait3A_1133 = arith.constant 3 : i32
    %dma_wait3A_1134 = arith.constant 12288 : i32
    %dma_wait3A_1135 = tpu.memref_slice %arg9[%dma_wait3A_1134] : memref<16384xf32, #tpu.memory_space<vmem>> -> memref<4096xf32, #tpu.memory_space<vmem>>
    %dma_wait3A_1136 = tpu.memref_slice %arg4[%select_n3A_1081, %dma_wait3A_1133, %mul3A_1105] : memref<200x4x131072xf32, #tpu.memory_space<hbm>> -> memref<1x1x4096xf32, #tpu.memory_space<hbm>>
    %dma_wait3A_1137 = tpu.memref_squeeze %dma_wait3A_1136 : memref<1x1x4096xf32, #tpu.memory_space<hbm>> -> memref<4096xf32, #tpu.memory_space<hbm>>
    %dma_wait3A_1138 = tpu.memref_slice %arg4[%select_n3A_1081, %dma_wait3A_1133, %mul3A_1105] : memref<200x4x131072xf32, #tpu.memory_space<hbm>> -> memref<1x1x4096xf32, #tpu.memory_space<hbm>>
    %dma_wait3A_1139 = tpu.memref_squeeze %dma_wait3A_1138 : memref<1x1x4096xf32, #tpu.memory_space<hbm>> -> memref<4096xf32, #tpu.memory_space<hbm>>
    %dma_wait3A_1140 = arith.constant 12288 : i32
    %dma_wait3A_1141 = tpu.memref_slice %arg9[%dma_wait3A_1140] : memref<16384xf32, #tpu.memory_space<vmem>> -> memref<4096xf32, #tpu.memory_space<vmem>>
    tpu.wait_dma2 semaphore(%arg15 : memref<!tpu.dma_semaphore, #tpu.memory_space<semaphore_mem>>) src(%dma_wait3A_1141 : memref<4096xf32, #tpu.memory_space<vmem>>) dst(%dma_wait3A_1139 : memref<4096xf32, #tpu.memory_space<hbm>>)
    %add3A_1142 = arith.constant 199 : i32
    %add3A_1143 = arith.addi %mul3A_2, %add3A_1142 : i32
    %jit3A_1144 = arith.constant 32 : i32
    %div3A_1145 = arith.divsi %add3A_1143, %jit3A_1144 : i32
    %sign3A_1146 = arith.constant 0 : i32
    %sign3A_1147 = arith.cmpi sgt, %add3A_1143, %sign3A_1146 : i32
    %sign3A_1148 = arith.extui %sign3A_1147 : i1 to i32
    %sign3A_1149 = arith.constant 0 : i32
    %sign3A_1150 = arith.cmpi slt, %add3A_1143, %sign3A_1149 : i32
    %sign3A_1151 = arith.extui %sign3A_1150 : i1 to i32
    %sign3A_1152 = arith.subi %sign3A_1148, %sign3A_1151 : i32
    %sign3A_1153 = arith.constant 0 : i32
    %sign3A_1154 = arith.cmpi sgt, %jit3A_1144, %sign3A_1153 : i32
    %sign3A_1155 = arith.extui %sign3A_1154 : i1 to i32
    %sign3A_1156 = arith.constant 0 : i32
    %sign3A_1157 = arith.cmpi slt, %jit3A_1144, %sign3A_1156 : i32
    %sign3A_1158 = arith.extui %sign3A_1157 : i1 to i32
    %sign3A_1159 = arith.subi %sign3A_1155, %sign3A_1158 : i32
    %ne3A_1160 = arith.cmpi ne, %sign3A_1152, %sign3A_1159 : i32
    %rem3A_1161 = arith.remsi %add3A_1143, %jit3A_1144 : i32
    %ne3A_1162 = arith.constant 0 : i32
    %ne3A_1163 = arith.cmpi ne, %rem3A_1161, %ne3A_1162 : i32
    %and3A_1164 = arith.andi %ne3A_1160, %ne3A_1163 : i1
    %sub3A_1165 = arith.constant 1 : i32
    %sub3A_1166 = arith.subi %div3A_1145, %sub3A_1165 : i32
    %select_n3A_1167 = arith.select %and3A_1164, %sub3A_1166, %div3A_1145 : i32
    %jit3A_1168 = arith.constant 32 : i32
    %eq3A_1169 = arith.constant 0 : i32
    %eq3A_1170 = arith.cmpi eq, %jit3A_1168, %eq3A_1169 : i32
    %jit3A_1171 = arith.constant 1 : i32
    %select_n3A_1172 = arith.select %eq3A_1170, %jit3A_1171, %jit3A_1168 : i32
    %rem3A_1173 = arith.remsi %add3A_1143, %select_n3A_1172 : i32
    %ne3A_1174 = arith.constant 0 : i32
    %ne3A_1175 = arith.cmpi ne, %rem3A_1173, %ne3A_1174 : i32
    %lt3A_1176 = arith.constant 0 : i32
    %lt3A_1177 = arith.cmpi slt, %rem3A_1173, %lt3A_1176 : i32
    %lt3A_1178 = arith.constant 0 : i32
    %lt3A_1179 = arith.cmpi slt, %select_n3A_1172, %lt3A_1178 : i32
    %ne3A_1180 = arith.xori %lt3A_1177, %lt3A_1179 : i1
    %and3A_1181 = arith.andi %ne3A_1180, %ne3A_1175 : i1
    %add3A_1182 = arith.addi %rem3A_1173, %select_n3A_1172 : i32
    %select_n3A_1183 = arith.select %and3A_1181, %add3A_1182, %rem3A_1173 : i32
    %mul3A_1184 = arith.constant 4096 : i32
    %mul3A_1185 = arith.muli %select_n3A_1183, %mul3A_1184 : i32
    %mul3A_1186 = arith.constant 4096 : i32
    %mul3A_1187 = arith.muli %select_n3A_1183, %mul3A_1186 : i32
    %mul3A_1188 = arith.constant 4096 : i32
    %mul3A_1189 = arith.muli %select_n3A_1183, %mul3A_1188 : i32
    %mul3A_1190 = arith.constant 4096 : i32
    %mul3A_1191 = arith.muli %select_n3A_1183, %mul3A_1190 : i32
    %dma_wait3A_1192 = arith.constant 0 : i32
    %dma_wait3A_1193 = arith.constant 0 : i32
    %dma_wait3A_1194 = tpu.memref_slice %arg10[%dma_wait3A_1193] : memref<16384xf32, #tpu.memory_space<vmem>> -> memref<4096xf32, #tpu.memory_space<vmem>>
    %dma_wait3A_1195 = tpu.memref_slice %arg4[%select_n3A_1167, %dma_wait3A_1192, %mul3A_1185] : memref<200x4x131072xf32, #tpu.memory_space<hbm>> -> memref<1x1x4096xf32, #tpu.memory_space<hbm>>
    %dma_wait3A_1196 = tpu.memref_squeeze %dma_wait3A_1195 : memref<1x1x4096xf32, #tpu.memory_space<hbm>> -> memref<4096xf32, #tpu.memory_space<hbm>>
    %dma_wait3A_1197 = tpu.memref_slice %arg4[%select_n3A_1167, %dma_wait3A_1192, %mul3A_1185] : memref<200x4x131072xf32, #tpu.memory_space<hbm>> -> memref<1x1x4096xf32, #tpu.memory_space<hbm>>
    %dma_wait3A_1198 = tpu.memref_squeeze %dma_wait3A_1197 : memref<1x1x4096xf32, #tpu.memory_space<hbm>> -> memref<4096xf32, #tpu.memory_space<hbm>>
    %dma_wait3A_1199 = arith.constant 0 : i32
    %dma_wait3A_1200 = tpu.memref_slice %arg10[%dma_wait3A_1199] : memref<16384xf32, #tpu.memory_space<vmem>> -> memref<4096xf32, #tpu.memory_space<vmem>>
    tpu.wait_dma2 semaphore(%arg16 : memref<!tpu.dma_semaphore, #tpu.memory_space<semaphore_mem>>) src(%dma_wait3A_1200 : memref<4096xf32, #tpu.memory_space<vmem>>) dst(%dma_wait3A_1198 : memref<4096xf32, #tpu.memory_space<hbm>>)
    %dma_wait3A_1201 = arith.constant 1 : i32
    %dma_wait3A_1202 = arith.constant 4096 : i32
    %dma_wait3A_1203 = tpu.memref_slice %arg10[%dma_wait3A_1202] : memref<16384xf32, #tpu.memory_space<vmem>> -> memref<4096xf32, #tpu.memory_space<vmem>>
    %dma_wait3A_1204 = tpu.memref_slice %arg4[%select_n3A_1167, %dma_wait3A_1201, %mul3A_1187] : memref<200x4x131072xf32, #tpu.memory_space<hbm>> -> memref<1x1x4096xf32, #tpu.memory_space<hbm>>
    %dma_wait3A_1205 = tpu.memref_squeeze %dma_wait3A_1204 : memref<1x1x4096xf32, #tpu.memory_space<hbm>> -> memref<4096xf32, #tpu.memory_space<hbm>>
    %dma_wait3A_1206 = tpu.memref_slice %arg4[%select_n3A_1167, %dma_wait3A_1201, %mul3A_1187] : memref<200x4x131072xf32, #tpu.memory_space<hbm>> -> memref<1x1x4096xf32, #tpu.memory_space<hbm>>
    %dma_wait3A_1207 = tpu.memref_squeeze %dma_wait3A_1206 : memref<1x1x4096xf32, #tpu.memory_space<hbm>> -> memref<4096xf32, #tpu.memory_space<hbm>>
    %dma_wait3A_1208 = arith.constant 4096 : i32
    %dma_wait3A_1209 = tpu.memref_slice %arg10[%dma_wait3A_1208] : memref<16384xf32, #tpu.memory_space<vmem>> -> memref<4096xf32, #tpu.memory_space<vmem>>
    tpu.wait_dma2 semaphore(%arg16 : memref<!tpu.dma_semaphore, #tpu.memory_space<semaphore_mem>>) src(%dma_wait3A_1209 : memref<4096xf32, #tpu.memory_space<vmem>>) dst(%dma_wait3A_1207 : memref<4096xf32, #tpu.memory_space<hbm>>)
    %dma_wait3A_1210 = arith.constant 2 : i32
    %dma_wait3A_1211 = arith.constant 8192 : i32
    %dma_wait3A_1212 = tpu.memref_slice %arg10[%dma_wait3A_1211] : memref<16384xf32, #tpu.memory_space<vmem>> -> memref<4096xf32, #tpu.memory_space<vmem>>
    %dma_wait3A_1213 = tpu.memref_slice %arg4[%select_n3A_1167, %dma_wait3A_1210, %mul3A_1189] : memref<200x4x131072xf32, #tpu.memory_space<hbm>> -> memref<1x1x4096xf32, #tpu.memory_space<hbm>>
    %dma_wait3A_1214 = tpu.memref_squeeze %dma_wait3A_1213 : memref<1x1x4096xf32, #tpu.memory_space<hbm>> -> memref<4096xf32, #tpu.memory_space<hbm>>
    %dma_wait3A_1215 = tpu.memref_slice %arg4[%select_n3A_1167, %dma_wait3A_1210, %mul3A_1189] : memref<200x4x131072xf32, #tpu.memory_space<hbm>> -> memref<1x1x4096xf32, #tpu.memory_space<hbm>>
    %dma_wait3A_1216 = tpu.memref_squeeze %dma_wait3A_1215 : memref<1x1x4096xf32, #tpu.memory_space<hbm>> -> memref<4096xf32, #tpu.memory_space<hbm>>
    %dma_wait3A_1217 = arith.constant 8192 : i32
    %dma_wait3A_1218 = tpu.memref_slice %arg10[%dma_wait3A_1217] : memref<16384xf32, #tpu.memory_space<vmem>> -> memref<4096xf32, #tpu.memory_space<vmem>>
    tpu.wait_dma2 semaphore(%arg16 : memref<!tpu.dma_semaphore, #tpu.memory_space<semaphore_mem>>) src(%dma_wait3A_1218 : memref<4096xf32, #tpu.memory_space<vmem>>) dst(%dma_wait3A_1216 : memref<4096xf32, #tpu.memory_space<hbm>>)
    %dma_wait3A_1219 = arith.constant 3 : i32
    %dma_wait3A_1220 = arith.constant 12288 : i32
    %dma_wait3A_1221 = tpu.memref_slice %arg10[%dma_wait3A_1220] : memref<16384xf32, #tpu.memory_space<vmem>> -> memref<4096xf32, #tpu.memory_space<vmem>>
    %dma_wait3A_1222 = tpu.memref_slice %arg4[%select_n3A_1167, %dma_wait3A_1219, %mul3A_1191] : memref<200x4x131072xf32, #tpu.memory_space<hbm>> -> memref<1x1x4096xf32, #tpu.memory_space<hbm>>
    %dma_wait3A_1223 = tpu.memref_squeeze %dma_wait3A_1222 : memref<1x1x4096xf32, #tpu.memory_space<hbm>> -> memref<4096xf32, #tpu.memory_space<hbm>>
    %dma_wait3A_1224 = tpu.memref_slice %arg4[%select_n3A_1167, %dma_wait3A_1219, %mul3A_1191] : memref<200x4x131072xf32, #tpu.memory_space<hbm>> -> memref<1x1x4096xf32, #tpu.memory_space<hbm>>
    %dma_wait3A_1225 = tpu.memref_squeeze %dma_wait3A_1224 : memref<1x1x4096xf32, #tpu.memory_space<hbm>> -> memref<4096xf32, #tpu.memory_space<hbm>>
    %dma_wait3A_1226 = arith.constant 12288 : i32
    %dma_wait3A_1227 = tpu.memref_slice %arg10[%dma_wait3A_1226] : memref<16384xf32, #tpu.memory_space<vmem>> -> memref<4096xf32, #tpu.memory_space<vmem>>
    tpu.wait_dma2 semaphore(%arg16 : memref<!tpu.dma_semaphore, #tpu.memory_space<semaphore_mem>>) src(%dma_wait3A_1227 : memref<4096xf32, #tpu.memory_space<vmem>>) dst(%dma_wait3A_1225 : memref<4096xf32, #tpu.memory_space<hbm>>)
    return
  }
}

</mosaic_0001>

<sc_bundles>
// kernel: kernel.3.cloned.1.call-start
scs
__scs_entry_jumppad:
0x0: {  	(pc) =	sbr.rel $0x88, $3  }
0x1: {  	(tag) =	ssettag $0x0;
	lr =	simm.s32 $0x1  }
0x2: {  	[smem:$0x3F9F] =	sst lr;
	_ =	strace $0xD0000000  }
0x3: {  	_ = 	snop  }
0x4: {  	_ = 	snop  }
0x5: {  	_ = 	snop  }
0x6: {  	_ = 	snop  }
0x7: {  	_ = 	snop  }
__scs_overlays_trampoline_lowered:
0x8: {  	[smem:$0x3FAE] =	sst s0  }
0x9: {  	[smem:$0x3FAF] =	sst s1  }
0xa: {  	[smem:$0x3FB0] =	sst s2  }
0xb: {  	[smem:$0x3FB1] =	sst s3  }
0xc: {  	[smem:$0x3FB2] =	sst s4  }
0xd: {  	[smem:$0x3FB3] =	sst s5  }
0xe: {  	[smem:$0x3FB4] =	sst s6  }
0xf: {  	[smem:$0x3FB5] =	sst s7  }
0x10: {  	[smem:$0x3FB6] =	sst s8  }
0x11: {  	[smem:$0x3FB7] =	sst s9;
	s0 =	simm.s32 @!p0 $0x0  }
0x12: {  	s1 =	sld [smem:$0x3F9D];
	s0 =	simm.s32 @p0 $0x1  }
0x13: {  	[smem:$0x3FB8] =	sst s0;
	s0 =	simm.s32 @!p1 $0x0  }
0x14: {  	s2 =	sld [smem:$0x3F9C];
	s0 =	simm.s32 @p1 $0x1  }
0x15: {  	[smem:$0x3FB9] =	sst s0;
	s0 =	simm.s32 @!p2 $0x0  }
0x16: {  	s3 =	sld [smem:$0x3FDB];
	s0 =	simm.s32 @p2 $0x1  }
0x17: {  	s4 =	simm.s32 $0x1BF5;
	[smem:$0x3FBB] =	sst s0  }
0x18: {  	s0 =	sld [smem:$0x3F9E];
	_ =	swait.ge [sflag:s4], $0x0  }
0x19: {  	s7 =	sld [smem:$0x3F9F]  }
0x1a: {  	s8 =	sadd.s32 $0xFFFFE003, lr  }
0x1b: {  	s9 =	sadd.s32 $0xFFFFFEF7, lr;
	s5 =	simm.s32 $0xFFFFFFFF;
	p2 =	slt.u32 s8, $0xFFFFF086  }
0x1c: {  	p1 =	slt.u32 s9, $0xF7A;
	s5 =	simm.s32 @!p2 $0x0  }
0x1d: {  	s5 =	simm.s32 @p1 $0x1;
	p0 =	seq.s32 s7, s2  }
0x1e: {  	s7 =	smul.u32 @!p0 $0xF7A, s2;
	p2 =	seq.s32 @!p0 s5, $0x0  }
0x1f: {  	s9 =	smul.u32 $0xF7A, s1;
	s8 =	simm.s32 @!p0 $0x1BF5;
	p2 =	por !p2, p0  }
0x20: {  	[sflag:s8] =	ssyncset.s32 @!p0 $0xFFFFF086;
	s6 =	sadd.s32 @!p0 s3, s7;
	s7 =	simm.s32 @!p0 $0x108  }
0x21: {  	s3 =	sadd.s32 s3, s9;
	s6 =	sadd.s32 @!p0 $0x88, s6;
	s7 =	simm.s32 @p2 $0x1082  }
0x22: {  	[simem:s7], [sflag:s8] =	dma.local @!p0 [hbm:s6], $0xF7A  }
0x23: {  	s9 =	sor.u32 $0xD0000000, s2;
	s6 =	simm.s32 $0x108;
	_ =	swait.ge @!p0 [sflag:s8], $0x0  }
0x24: {  	s3 =	sadd.s32 $0x88, s3;
	s6 =	simm.s32 @!p1 $0x1082;
	[sflag:s4] =	ssyncset.s32 $0xFFFFF086  }
0x25: {  	[simem:s6], [sflag:s4] =	dma.local [hbm:s3], $0xF7A  }
0x26: {  	[smem:$0x3F9F] =	sst s1;
	(tag) =	ssettag s2;
	_ =	strace s9  }
0x27: {  	s1 =	sld [smem:$0x3FAF]  }
0x28: {  	s2 =	sld [smem:$0x3FB0]  }
0x29: {  	s4 =	sld [smem:$0x3FB2]  }
0x2a: {  	p0 =	seq.s32 s5, $0x0;
	s5 =	sld [smem:$0x3FB3]  }
0x2b: {  	s6 =	sld [smem:$0x3FB4]  }
0x2c: {  	s7 =	sld [smem:$0x3FB5]  }
0x2d: {  	s3 =	simm.s32 $0x108;
	s8 =	sld [smem:$0x3FB6]  }
0x2e: {  	s3 =	simm.s32 @!p0 $0x1082;
	s9 =	sld [smem:$0x3FB7]  }
0x2f: {  	lr =	sadd.s32 s0, s3;
	s0 =	sld [smem:$0x3FAE]  }
0x30: {  	s3 =	sld [smem:$0x3FB1]  }
0x31: {  	[smem:$0x3FBA] =	sst s10  }
0x32: {  	s10 =	sld [smem:$0x3FB8];
	_ =	sdelay $0x3  }
0x33: {  	p0 =	seq.s32 s10, $0x1;
	s10 =	sld [smem:$0x3FBA];
	_ =	sdelay $0x3  }
0x34: {  	[smem:$0x3FBA] =	sst s10  }
0x35: {  	s10 =	sld [smem:$0x3FB9];
	_ =	sdelay $0x3  }
0x36: {  	p1 =	seq.s32 s10, $0x1;
	s10 =	sld [smem:$0x3FBA];
	_ =	sdelay $0x3  }
0x37: {  	[smem:$0x3FBA] =	sst s10  }
0x38: {  	s10 =	sld [smem:$0x3FBB]  }
0x39: {  	_ = 	snop;
	(pc) =	sbr.ind lr, $3  }
0x3a: {  	_ = 	snop  }
0x3b: {  	_ = 	snop  }
0x3c: {  	p2 =	seq.s32 s10, $0x1;
	s10 =	sld [smem:$0x3FBA]  }
0x3d: {  	_ =	shalt  }
0x3e: {  	_ =	shalt  }
0x3f: {  	_ =	shalt  }
0x40: {  	_ =	shalt  }
0x41: {  	_ =	shalt  }
0x42: {  	_ =	shalt  }
0x43: {  	_ =	shalt  }
0x44: {  	_ =	shalt  }
0x45: {  	_ =	shalt  }
0x46: {  	_ =	shalt  }
0x47: {  	_ =	shalt  }
0x48: {  	_ =	shalt  }
0x49: {  	_ =	shalt  }
0x4a: {  	_ =	shalt  }
0x4b: {  	_ =	shalt  }
0x4c: {  	_ =	shalt  }
0x4d: {  	_ =	shalt  }
0x4e: {  	_ =	shalt  }
0x4f: {  	_ =	shalt  }
0x50: {  	_ =	shalt  }
0x51: {  	_ =	shalt  }
0x52: {  	_ =	shalt  }
0x53: {  	_ =	shalt  }
0x54: {  	_ =	shalt  }
0x55: {  	_ =	shalt  }
0x56: {  	_ =	shalt  }
0x57: {  	_ =	shalt  }
0x58: {  	_ =	shalt  }
0x59: {  	_ =	shalt  }
0x5a: {  	_ =	shalt  }
0x5b: {  	_ =	shalt  }
0x5c: {  	_ =	shalt  }
0x5d: {  	_ =	shalt  }
0x5e: {  	_ =	shalt  }
0x5f: {  	_ =	shalt  }
0x60: {  	_ =	shalt  }
0x61: {  	_ =	shalt  }
0x62: {  	_ =	shalt  }
0x63: {  	_ =	shalt  }
0x64: {  	_ =	shalt  }
0x65: {  	_ =	shalt  }
0x66: {  	_ =	shalt  }
0x67: {  	_ =	shalt  }
0x68: {  	_ =	shalt  }
0x69: {  	_ =	shalt  }
0x6a: {  	_ =	shalt  }
0x6b: {  	_ =	shalt  }
0x6c: {  	_ =	shalt  }
0x6d: {  	_ =	shalt  }
0x6e: {  	_ =	shalt  }
0x6f: {  	_ =	shalt  }
0x70: {  	_ =	shalt  }
0x71: {  	_ =	shalt  }
0x72: {  	_ =	shalt  }
0x73: {  	_ =	shalt  }
0x74: {  	_ =	shalt  }
0x75: {  	_ =	shalt  }
0x76: {  	_ =	shalt  }
0x77: {  	_ =	shalt  }
0x78: {  	_ =	shalt  }
0x79: {  	_ =	shalt  }
0x7a: {  	_ =	shalt  }
0x7b: {  	_ =	shalt  }
0x7c: {  	_ =	shalt  }
0x7d: {  	_ =	shalt  }
0x7e: {  	_ =	shalt  }
0x7f: {  	_ =	shalt  }
0x80: {  	_ =	shalt  }
0x81: {  	_ =	shalt  }
0x82: {  	_ =	shalt  }
0x83: {  	_ =	shalt  }
0x84: {  	_ =	shalt  }
0x85: {  	_ =	shalt  }
0x86: {  	_ =	shalt  }
0x87: {  	_ =	shalt  }
.Lfunc_end0:
.L_simem_size_0:
called_computation_lowered:
.L_overlay_start_0:
0x88: {  	s2 =	sld [smem:$0x3FD9]  }
0x89: {  	s3 =	sld [smem:$0x3FFE];
	_ =	sdelay $0x1  }
0x8a: {  	s1 =	srdreg.scid  }
0x8b: {  	s0 =	sand.u32 $0x1, s1  }
0x8c: {  	s17 =	sshll.u32 s0, $0xA;
	s2 =	sadd.s32 s3, s2  }
0x8d: {  	s2 =	sadd.s32 s2, s17  }
0x8e: {  	[smem:$0x3FC6] =	sst s2  }
0x8f: {  	_ = 	snop  }
0x90: {  	s2 =	sld [smem:$0x3FD0];
	(tm) =	ssettm $0x1  }
0x91: {  	s18 =	sld [smem:$0x3FFB];
	_ =	sdelay $0x3  }
0x92: {  	_ =	strace s18  }
0x93: {  	s3 =	sld [smem:$0x3FFC];
	_ =	sdelay $0x3  }
0x94: {  	_ =	strace s3  }
0x95: {  	s3 =	sld [smem:$0x3FFD];
	_ =	sdelay $0x3  }
0x96: {  	_ =	strace s3  }
0x97: {  	_ =	strace $0x8FFFFFFF  }
0x98: {  	s19 =	sld [smem:$0x3FDB];
	_ =	sdelay $0x1  }
0x99: {  	s4 =	simm.s32 $_scs_section_size  }
0x9a: {  	s5 =	simm.s32 $_size__tile_overlayer_lowered;
	s6 =	simm.s32 $_tile_overlayer_lowered  }
0x9b: {  	s22 =	simm.s32 $0x1BFF;
	s21 =	sshll.u32 s6, $0x1;
	s3 =	sadd.s32 s4, s19  }
0x9c: {  	s7 =	simm.s32 $0x0;
	s20 =	sshll.u32 s5, $0x1;
	s5 =	sadd.s32 s21, s3  }
0x9d: {  	[timem:s7], [sflag:s22] =	dma.local [hbm:s5], s20  }
0x9e: {  	_ =	swait.ge [sflag:s22], s20  }
0x9f: {  	s4 =	ssub.s32 $0x0, s20;
	[sflag:s22] =	ssyncset.done $0x0  }
0xa0: {  	[sflag:s22] =	ssyncadd.s32 s4;
	_ =	sdelay $0x1  }
0xa1: {  	s23 =	simm.s32 $0x1B8B  }
0xa2: {  	_ =	swait.ge [sflag:s23], $0x1  }
0xa3: {  	[sflag:s23] =	ssyncset.done $0x0  }
0xa4: {  	s25 =	simm.s32 $0x1B8E;
	s24 =	sld [smem:$0x3FFE];
	[sflag:s23] =	ssyncadd.s32 $0xFFFFFFFF  }
0xa5: {  	s26 =	simm.s32 $execute0_lowered;
	[smem:$0x3FD2] =	sst s25  }
0xa6: {  	s5 =	sshll.u32 s26, $0x1;
	_ =	strace $0x80000046;
	[dreg:$0x1] =	wrdreg $0xFFFFFFFF  }
0xa7: {  	s28 =	simm.s32 $_size_execute0_lowered;
	s3 =	sadd.s32 s3, s5;
	[dreg:$0x0] =	wrdreg $0x0  }
0xa8: {  	s5 =	sshll.u32 s28, $0x1;
	[dreg:$0x2] =	wrdreg s3  }
0xa9: {  	[dreg:$0x3] =	wrdreg s5  }
0xaa: {  	[dreg:$0x4] =	wrdreg $0xC0  }
0xab: {  	_ =	task [dreg:s7], $0x5FFFF  }
0xac: {  	[dreg:$0x1] =	wrdreg $0xFFFFFFFF  }
0xad: {  	[dreg:$0x0] =	wrdreg $0x60  }
0xae: {  	[dreg:$0x2] =	wrdreg s24  }
0xaf: {  	[dreg:$0x3] =	wrdreg s2  }
0xb0: {  	[dreg:$0x4] =	wrdreg $0x9  }
0xb1: {  	_ =	task.clear_ibuf [dreg:s7], $0x5FFFF;
	_ =	strace $0x90000046  }
0xb2: {  	s29 =	simm.s32 $0x9;
	_ =	strace $0x80000048  }
0xb3: {  	_ =	swait.ge [sflag:s29], $0x1  }
0xb4: {  	[sflag:s29] =	ssyncadd.s32 $0xFFFFFFFF  }
0xb5: {  	_ =	strace $0x90000048  }
0xb6: {  	_ =	sfence  }
0xb7: {  	s30 =	sld [smem:$0x0];
	_ =	sdelay $0x2  }
0xb8: {  	s31 =	sshll.u32 s1, $0xD;
	s1 =	sshrl.u32 s1, $0x2  }
0xb9: {  	s3 =	sand.u32 $0x4000, s31;
	s1 =	sadd.s32 s1, s30  }
0xba: {  	s0 =	sor.u32 s3, s0;
	s1 =	sshll.u32 s1, $0x11  }
0xbb: {  	s0 =	sor.u32 s1, s0  }
0xbc: {  	s0 =	sadd.s32 $0x8F2B, s0  }
0xbd: {  	[sflag:s0] =	ssyncadd.remote.s32 $0x1  }
0xbe: {  	_ =	sfence.sel $0xFFFF  }
0xbf: {  	[dreg:$0x0] =	wrdreg $0xFFFFFFFF;
	(pc) =	sbr.abs _section_cstart, $3  }
0xc0: {  	[dreg:$0x1] =	wrdreg $0xFFFFFFFF  }
0xc1: {  	_ =	task.clear_ibuf [dreg:s7], $0x2FFFF;
	_ =	strace $0x9FFFFFFF  }
0xc2: {  	(tm) =	ssettm $0x7FFFFFFF  }
0xc3: {  	_ =	shalt  }
tec
execute0_lowered:
.L_overlay_start_1:
0x0: {  	(tag) =	ssettag $0x1  }
0x1: {  	s0 =	rddreg [dreg:$0x0];
	s3 =	simm.s32 $0x0;
	v11 =	vlaneseq.u32  }
0x2: {  	[smem:$0x7FF] =	sst s3;
	v0 =	vor.u32 $0x20, v11  }
0x3: {  	s2 =	rddreg [dreg:$0x1];
	v2 =	vmul.u32 $0x20, v11;
	v9 =	vor.u32 $0x10, v11;
	_ =	strace $0x80000047;
	[tilespmem:$0x1FC10] =	vst v0  }
0x4: {  	[tilespmem:$0x1FFE0] =	vst v9  }
0x5: {  	v0 =	vor.u32 $0xE00, v2;
	[tilespmem:$0x1FFC0] =	vst v2  }
0x6: {  	v7 =	vor.u32 $0x800, v2;
	[tilespmem:$0x1FC20] =	vst v0  }
0x7: {  	v3 =	vor.u32 $0x200, v2;
	[tilespmem:$0x1FF80] =	vst v7  }
0x8: {  	v5 =	vor.u32 $0x400, v2;
	[tilespmem:$0x1FF90] =	vst v3  }
0x9: {  	v6 =	vor.u32 $0x600, v2;
	[tilespmem:$0x1FFA0] =	vst v5  }
0xa: {  	v8 =	vor.u32 $0xA00, v2;
	[tilespmem:$0x1FFB0] =	vst v6  }
0xb: {  	v10 =	vor.u32 $0xC00, v2;
	[tilespmem:$0x1FFD0] =	vst v8  }
0xc: {  	v0 =	vor.u32 $0x30, v11;
	[tilespmem:$0x1FFF0] =	vst v10  }
0xd: {  	[tilespmem:$0x1FC30] =	vst v0;
	v0 =	vor.u32 $0x1000, v2  }
0xe: {  	[tilespmem:$0x1FC40] =	vst v0;
	v0 =	vor.u32 $0x40, v11  }
0xf: {  	[tilespmem:$0x1FC50] =	vst v0;
	v0 =	vor.u32 $0x1200, v2  }
0x10: {  	[tilespmem:$0x1FC60] =	vst v0;
	v0 =	vor.u32 $0x50, v11  }
0x11: {  	[tilespmem:$0x1FC70] =	vst v0;
	v0 =	vor.u32 $0x1400, v2  }
0x12: {  	[tilespmem:$0x1FC80] =	vst v0;
	v0 =	vor.u32 $0x60, v11  }
0x13: {  	[tilespmem:$0x1FC90] =	vst v0;
	v0 =	vor.u32 $0x1600, v2  }
0x14: {  	[tilespmem:$0x1FCA0] =	vst v0;
	v0 =	vor.u32 $0x70, v11  }
0x15: {  	[tilespmem:$0x1FCB0] =	vst v0;
	v0 =	vor.u32 $0x1800, v2  }
0x16: {  	[tilespmem:$0x1FCC0] =	vst v0;
	v0 =	vor.u32 $0x400, v11  }
0x17: {  	[tilespmem:$0x1FCD0] =	vst v0;
	v0 =	vor.u32 $0x1A00, v2  }
0x18: {  	[tilespmem:$0x1FCE0] =	vst v0;
	v0 =	vor.u32 $0x410, v11  }
0x19: {  	[tilespmem:$0x1FCF0] =	vst v0;
	v0 =	vor.u32 $0x1C00, v2  }
0x1a: {  	[tilespmem:$0x1FD00] =	vst v0;
	v0 =	vor.u32 $0x420, v11  }
0x1b: {  	[tilespmem:$0x1FD10] =	vst v0;
	v0 =	vor.u32 $0x1E00, v2  }
0x1c: {  	[tilespmem:$0x1FD20] =	vst v0;
	v0 =	vor.u32 $0x430, v11  }
0x1d: {  	s1 =	srdreg.scid;
	s4 =	stileid.u32;
	[tilespmem:$0x1FD30] =	vst v0;
	v0 =	vor.u32 $0x2000, v2  }
0x1e: {  	s28 =	simm.s32 $0xE400;
	s29 =	simm.s32 $0xF400;
	s30 =	simm.s32 $0x5;
	[tilespmem:$0x1FD40] =	vst v0;
	v0 =	vor.u32 $0x440, v11  }
0x1f: {  	s31 =	simm.s32 $0x6;
	s1 =	sand.u32 $0x1, s1;
	s4 =	sshll.u32 s4, $0x1;
	[tilespmem:$0x1FD50] =	vst v0;
	v0 =	vor.u32 $0x2200, v2  }
0x20: {  	s5 =	sadd.s32 $0x600, s0;
	s6 =	sadd.s32 $0xF42A00, s0;
	s7 =	sor.u32 s1, s4;
	[tilespmem:$0x1FD60] =	vst v0;
	v0 =	vor.u32 $0x450, v11  }
0x21: {  	s14 =	sadd.s32 $0xC000, s2;
	s17 =	ssub.s32 $0x2, s1;
	s4 =	smul.u32 $0xC8, s7;
	[tilespmem:$0x1FD70] =	vst v0;
	v0 =	vor.u32 $0x2400, v2  }
0x22: {  	s12 =	sshrl.u32 s17, $0x1;
	s19 =	smul.u32 $0x19000, s7;
	s7 =	sshll.u32 s7, $0xC;
	[tilespmem:$0x1FD80] =	vst v0;
	v0 =	vor.u32 $0x460, v11  }
0x23: {  	s0 =	ssub.s32 s17, s12;
	s12 =	sadd.s32 $0x8000, s2;
	s7 =	sand.u32 $0x3000, s7;
	[tilespmem:$0x1FD90] =	vst v0;
	v0 =	vor.u32 $0x2600, v2  }
0x24: {  	s18 =	sshrl.u32 s4, $0x5;
	s8 =	sand.u32 $0x18, s4;
	s26 =	sadd.s32 $0xC6, s4;
	[tilespmem:$0x1FDA0] =	vst v0;
	v0 =	vor.u32 $0x470, v11  }
0x25: {  	s15 =	sadd.s32 $0xC7, s4;
	s0 =	smax.u32 s0, $0x1;
	s9 =	sshll.u32 s18, $0xE;
	[tilespmem:$0x1FDB0] =	vst v0;
	v0 =	vor.u32 $0x2800, v2  }
0x26: {  	s10 =	sshll.u32 s8, $0x9;
	s11 =	sor.u32 $0x1, s8;
	s1 =	sshll.u32 s18, $0x13;
	[tilespmem:$0x1FDC0] =	vst v0;
	v0 =	vor.u32 $0x800, v11  }
0x27: {  	s8 =	sshll.u32 s8, $0xC;
	s16 =	sshll.u32 s15, $0x9;
	[dreg:$0x17] =	wrdreg s0;
	[tilespmem:$0x1FDD0] =	vst v0;
	v0 =	vor.u32 $0x2A00, v2  }
0x28: {  	s0 =	sor.u32 $0x2, s4;
	s10 =	sor.u32 s10, s9;
	s13 =	sshll.u32 s11, $0x9;
	[tilespmem:$0x1FDE0] =	vst v0;
	v0 =	vor.u32 $0x810, v11  }
0x29: {  	s8 =	sor.u32 s8, s1;
	s23 =	sshll.u32 s11, $0xC;
	s10 =	sshrl.u32 s10, $0x3;
	[tilespmem:$0x1FDF0] =	vst v0;
	v0 =	vor.u32 $0x2C00, v2  }
0x2a: {  	s9 =	sor.u32 s9, s13;
	s8 =	sshrl.u32 s8, $0x3;
	s1 =	sor.u32 s1, s23;
	[tilespmem:$0x1FE00] =	vst v0;
	v0 =	vor.u32 $0x820, v11  }
0x2b: {  	s13 =	sshll.u32 s26, $0x9;
	s9 =	sshrl.u32 s9, $0x3;
	s10 =	sadd.s32 s5, s10;
	[tilespmem:$0x1FE10] =	vst v0;
	v0 =	vor.u32 $0x2E00, v2  }
0x2c: {  	s20 =	sadd.s32 s2, s8;
	s22 =	sadd.s32 s8, s12;
	[dreg:$0x3] =	wrdreg s10;
	[tilespmem:$0x1FE20] =	vst v0;
	v0 =	vor.u32 $0x830, v11  }
0x2d: {  	s1 =	sshrl.u32 s1, $0x3;
	s9 =	sadd.s32 s5, s9;
	[dreg:$0x5] =	wrdreg s20;
	[tilespmem:$0x1FE30] =	vst v0;
	v0 =	vor.u32 $0x3000, v2  }
0x2e: {  	s10 =	sand.u32 $0x3FC000, s19;
	[dreg:$0x7] =	wrdreg s22;
	s25 =	sadd.s32 s2, s1;
	[tilespmem:$0x1FE40] =	vst v0;
	v0 =	vor.u32 $0x840, v11  }
0x2f: {  	s17 =	sadd.s32 s1, s12;
	[dreg:$0x4] =	wrdreg s9;
	s9 =	sadd.s32 $0x4000, s2;
	[tilespmem:$0x1FE50] =	vst v0;
	v0 =	vor.u32 $0x3200, v2  }
0x30: {  	s7 =	sor.u32 s7, s10;
	[dreg:$0xa] =	wrdreg s25;
	s10 =	sand.u32 $0x3C00, s13;
	[tilespmem:$0x1FE60] =	vst v0;
	v0 =	vor.u32 $0x850, v11  }
0x31: {  	[dreg:$0xc] =	wrdreg s17;
	s17 =	simm.s32 $0x4400;
	s21 =	sadd.s32 s8, s9;
	[tilespmem:$0x1FE70] =	vst v0;
	v0 =	vor.u32 $0x3400, v2  }
0x32: {  	s7 =	sshrl.u32 s7, $0x3;
	s8 =	sadd.s32 s8, s14;
	[dreg:$0x6] =	wrdreg s21;
	[tilespmem:$0x1FE80] =	vst v0;
	v0 =	vor.u32 $0x860, v11  }
0x33: {  	s11 =	sadd.s32 s1, s9;
	s1 =	sadd.s32 s1, s14;
	[dreg:$0x8] =	wrdreg s8;
	[tilespmem:$0x1FE90] =	vst v0;
	v0 =	vor.u32 $0x3600, v2  }
0x34: {  	s7 =	sadd.s32 s7, s5;
	[dreg:$0xb] =	wrdreg s11;
	s8 =	sshll.u32 s26, $0xB;
	[tilespmem:$0x1FEA0] =	vst v0;
	v0 =	vor.u32 $0x870, v11  }
0x35: {  	s11 =	sshll.u32 s15, $0xB;
	[dreg:$0xd] =	wrdreg s1;
	s15 =	simm.s32 $0x3;
	[tilespmem:$0x1FEB0] =	vst v0;
	v0 =	vor.u32 $0x3800, v2  }
0x36: {  	s24 =	sadd.s32 $0x80, s7;
	s8 =	sand.u32 $0x1FF0000, s8;
	s11 =	sand.u32 $0x1FF0000, s11;
	[tilespmem:$0x1FEC0] =	vst v0;
	v0 =	vor.u32 $0xC00, v11  }
0x37: {  	s18 =	sadd.s32 $0xC0, s7;
	[dreg:$0x9] =	wrdreg s24;
	s8 =	sor.u32 s10, s8;
	[tilespmem:$0x1FED0] =	vst v0;
	v0 =	vor.u32 $0x3A00, v2  }
0x38: {  	s7 =	simm.s32 $0x200;
	[dreg:$0xe] =	wrdreg s18;
	s20 =	sadd.s32 s2, s8;
	[tilespmem:$0x1FEE0] =	vst v0;
	v0 =	vor.u32 $0xC10, v11  }
0x39: {  	s10 =	sand.u32 $0x3E00, s16;
	s21 =	sadd.s32 s8, s9;
	[dreg:$0xf] =	wrdreg s20;
	[tilespmem:$0x1FEF0] =	vst v0;
	v0 =	vor.u32 $0x3C00, v2  }
0x3a: {  	s16 =	simm.s32 $0x2;
	s22 =	sadd.s32 s8, s12;
	[dreg:$0x10] =	wrdreg s21;
	[tilespmem:$0x1FF00] =	vst v0;
	v0 =	vor.u32 $0xC20, v11  }
0x3b: {  	s19 =	sor.u32 s10, s11;
	s23 =	sadd.s32 s8, s14;
	[dreg:$0x11] =	wrdreg s22;
	[tilespmem:$0x1FF10] =	vst v0;
	v0 =	vor.u32 $0x3E00, v2  }
0x3c: {  	s18 =	simm.s32 $0x0;
	[dreg:$0x12] =	wrdreg s23;
	s24 =	sadd.s32 s2, s19;
	[tilespmem:$0x1FF20] =	vst v0;
	v0 =	vor.u32 $0xC30, v11  }
0x3d: {  	s8 =	simm.s32 $0x1;
	s25 =	sadd.s32 s19, s9;
	[dreg:$0x13] =	wrdreg s24;
	[tilespmem:$0x1FF30] =	vst v0;
	v0 =	vor.u32 $0xC40, v11  }
0x3e: {  	s10 =	simm.s32 $0x100;
	s26 =	sadd.s32 s19, s12;
	[dreg:$0x14] =	wrdreg s25;
	[tilespmem:$0x1FF40] =	vst v0;
	v0 =	vor.u32 $0xC50, v11  }
0x3f: {  	s11 =	simm.s32 $0x400;
	s1 =	sadd.s32 s19, s14;
	[dreg:$0x15] =	wrdreg s26;
	[tilespmem:$0x1FF50] =	vst v0;
	v0 =	vor.u32 $0xC60, v11  }
0x40: {  	s20 =	simm.s32 $0x8400;
	[dreg:$0x16] =	wrdreg s1;
	s1 =	sor.u32 $0x3, s4;
	[tilespmem:$0x1FF60] =	vst v0;
	v0 =	vor.u32 $0xC70, v11  }
0x41: {  	s24 =	simm.s32 $0x4;
	s25 =	simm.s32 $0xC400;
	s26 =	simm.s32 $0xD400;
	[tilespmem:$0x1FF70] =	vst v0  }
.LBB2_1:
0x42: {  	[dreg:$0x18] =	wrdreg s18  }
0x43: {  	s13 =	rddreg [dreg:$0x3]  }
0x44: {  	[tilespmem:s3], [sflag:$0x1] =	stream.linear.gather [hbm4b:s13+s3], $0x200, $0x38;
	[tilespmem:$0x10400] =	vst v63  }
0x45: {  	s19 =	rddreg [dreg:$0x4]  }
0x46: {  	[tilespmem:s7], [sflag:$0x2] =	stream.linear.gather [hbm4b:s19+s3], $0x200, $0x38;
	[tilespmem:$0x10400] =	vst v63  }
0x47: {  	_ =	swait.ge [sflag:s8], $0x200  }
0x48: {  	[sflag:s8] =	ssyncset.done $0x0  }
0x49: {  	[sflag:s8] =	ssyncadd.s32 $0xFFFFFE00  }
0x4a: {  	[tilespmem:s11], [sflag:$0x3] =	stream.indirect.gather [hbm4b:s6+s10], $0x20, s3, s10, $0xb8;
	[tilespmem:$0x10400] =	vst v63  }
0x4b: {  	s21 =	simm.s32 $0x2400  }
0x4c: {  	[tilespmem:s21], [sflag:$0x3] =	stream.indirect.gather [hbm4b:s6+s10], $0x20, s10, s10, $0xb8;
	[tilespmem:$0x10400] =	vst v63  }
0x4d: {  	_ =	swait.ge [sflag:s15], $0x2000  }
0x4e: {  	[sflag:s15] =	ssyncset.done $0x0  }
0x4f: {  	[sflag:s15] =	ssyncadd.s32 $0xFFFFE000  }
0x50: {  	_ =	swait.ge [sflag:s15], $0x2000  }
0x51: {  	[sflag:s15] =	ssyncset.done $0x0  }
0x52: {  	[sflag:s15] =	ssyncadd.s32 $0xFFFFE000  }
0x53: {  	_ =	swait.ge [sflag:s16], $0x200  }
0x54: {  	v23 =	vld [tilespmem:$0x1FC40]  }
0x55: {  	v24 =	vld [tilespmem:$0x1FC50]  }
0x56: {  	v25 =	vld [tilespmem:$0x1FC60]  }
0x57: {  	v26 =	vld [tilespmem:$0x1FC70]  }
0x58: {  	v27 =	vld [tilespmem:$0x1FC80]  }
0x59: {  	v28 =	vld [tilespmem:$0x1FC90]  }
0x5a: {  	v29 =	vld [tilespmem:$0x1FCA0]  }
0x5b: {  	v30 =	vld [tilespmem:$0x1FCB0]  }
0x5c: {  	v31 =	vld [tilespmem:$0x1FCC0]  }
0x5d: {  	v32 =	vld [tilespmem:$0x1FCD0]  }
0x5e: {  	v33 =	vld [tilespmem:$0x1FCE0]  }
0x5f: {  	v34 =	vld [tilespmem:$0x1FCF0]  }
0x60: {  	v35 =	vld [tilespmem:$0x1FD00]  }
0x61: {  	v36 =	vld [tilespmem:$0x1FD10]  }
0x62: {  	v37 =	vld [tilespmem:$0x1FD20]  }
0x63: {  	v38 =	vld [tilespmem:$0x1FD30]  }
0x64: {  	v39 =	vld [tilespmem:$0x1FD40]  }
0x65: {  	v40 =	vld [tilespmem:$0x1FD50]  }
0x66: {  	v41 =	vld [tilespmem:$0x1FD60]  }
0x67: {  	v42 =	vld [tilespmem:$0x1FD70]  }
0x68: {  	v43 =	vld [tilespmem:$0x1FD80]  }
0x69: {  	v44 =	vld [tilespmem:$0x1FD90]  }
0x6a: {  	v45 =	vld [tilespmem:$0x1FDA0]  }
0x6b: {  	v46 =	vld [tilespmem:$0x1FDB0]  }
0x6c: {  	v47 =	vld [tilespmem:$0x1FDC0]  }
0x6d: {  	v48 =	vld [tilespmem:$0x1FDD0]  }
0x6e: {  	v49 =	vld [tilespmem:$0x1FDE0]  }
0x6f: {  	v50 =	vld [tilespmem:$0x1FDF0]  }
0x70: {  	v51 =	vld [tilespmem:$0x1FE00]  }
0x71: {  	v52 =	vld [tilespmem:$0x1FE10]  }
0x72: {  	v53 =	vld [tilespmem:$0x1FE20]  }
0x73: {  	v54 =	vld [tilespmem:$0x1FE30]  }
0x74: {  	v55 =	vld [tilespmem:$0x1FE40]  }
0x75: {  	v56 =	vld [tilespmem:$0x1FE50]  }
0x76: {  	v57 =	vld [tilespmem:$0x1FE60]  }
0x77: {  	v58 =	vld [tilespmem:$0x1FE70]  }
0x78: {  	v59 =	vld [tilespmem:$0x1FE80]  }
0x79: {  	v60 =	vld [tilespmem:$0x1FE90]  }
0x7a: {  	v61 =	vld [tilespmem:$0x1FEA0]  }
0x7b: {  	v62 =	vld [tilespmem:$0x1FEB0]  }
0x7c: {  	v63 =	vld [tilespmem:$0x1FEC0]  }
0x7d: {  	v16 =	vld [tilespmem:$0x1FED0]  }
0x7e: {  	v13 =	vld [tilespmem:$0x1FEE0]  }
0x7f: {  	v14 =	vld [tilespmem:$0x1FEF0]  }
0x80: {  	v15 =	vld [tilespmem:$0x1FF00]  }
0x81: {  	v12 =	vld [tilespmem:$0x1FF10]  }
0x82: {  	[sflag:s16] =	ssyncset.done $0x0;
	v17 =	vld [tilespmem:$0x1FF20]  }
0x83: {  	v18 =	vld [tilespmem:$0x1FF30];
	[sflag:s16] =	ssyncadd.s32 $0xFFFFFE00  }
0x84: {  	v19 =	vld [tilespmem:$0x1FF40];
	[tilespmem:s17], [sflag:$0x4] =	stream.indirect.gather [hbm4b:s6+s10], $0x20, s7, s10, $0xb8  }
0x85: {  	s22 =	simm.s32 $0x300;
	s23 =	simm.s32 $0x6400;
	s13 =	simm.s32 $0x0;
	v20 =	vld [tilespmem:$0x1FF50]  }
0x86: {  	v21 =	vld [tilespmem:$0x1FF60];
	[tilespmem:s23], [sflag:$0x4] =	stream.indirect.gather [hbm4b:s6+s10], $0x20, s22, s10, $0xb8  }
.LBB2_2:
0x87: {  	_ = 	snop  }
0x88: {  	v0 =	vadd.s32 s13, v11;
	v2 =	vld [tilespmem:$0x1FFC0]  }
0x89: {  	v1 =	vand.u32 $0x1F, v0  }
0x8a: {  	v22 =	vor.u32 v3, v1;
	v3 =	vshll.u32 v0, $0x9;
	v0 =	vshll.u32 v0, $0x7  }
0x8b: {  	v3 =	vand.u32 $0x3000, v3;
	v0 =	vand.u32 $0x380, v0  }
0x8c: {  	v0 =	vor.u32 v0, v3;
	v3 =	vor.u32 v7, v1  }
0x8d: {  	v2 =	vor.u32 v2, v1;
	_ =	sdelay $0x1  }
0x8e: {  	v4 =	vor.u32 v5, v1  }
0x8f: {  	v5 =	vor.u32 v6, v1  }
0x90: {  	v3 =	vld.idx.msk [tilespmem:v3+s11+$0x0], $0xffff  }
0x91: {  	v6 =	vor.u32 v11, v0;
	v2 =	vld.idx.msk [tilespmem:v2+s11+$0x0], $0xffff  }
0x92: {  	v22 =	vld.idx.msk [tilespmem:v22+s11+$0x0], $0xffff  }
0x93: {  	v4 =	vld.idx.msk [tilespmem:v4+s11+$0x0], $0xffff  }
0x94: {  	v5 =	vld.idx.msk [tilespmem:v5+s11+$0x0], $0xffff  }
0x95: {  	[tilespmem:$0x1FBA0] =	vst v3;
	v3 =	vld [tilespmem:$0x1FC10]  }
0x96: {  	[tilespmem:v6+s20+$0x0] =	vst.idx.msk $0xffff, v2;
	v2 =	vld [tilespmem:$0x1FC20];
	_ =	sdelay $0x1  }
0x97: {  	v7 =	vor.u32 v8, v1  }
0x98: {  	v8 =	vor.u32 v9, v0  }
0x99: {  	v9 =	vor.u32 v10, v1;
	v10 =	vor.u32 v3, v0  }
0x9a: {  	v2 =	vor.u32 v2, v1;
	_ =	sdelay $0x1  }
0x9b: {  	v6 =	vld.idx.msk [tilespmem:v7+s11+$0x0], $0xffff  }
0x9c: {  	[tilespmem:v8+s20+$0x0] =	vst.idx.msk $0xffff, v22;
	v3 =	vld [tilespmem:$0x1FC30]  }
0x9d: {  	v9 =	vld.idx.msk [tilespmem:v9+s11+$0x0], $0xffff;
	[tilespmem:v10+s20+$0x0] =	vst.idx.msk $0xffff, v4  }
0x9e: {  	v2 =	vld.idx.msk [tilespmem:v2+s11+$0x0], $0xffff;
	_ =	sdelay $0x2  }
0x9f: {  	v7 =	vor.u32 v3, v0  }
0xa0: {  	v8 =	vor.u32 v23, v1  }
0xa1: {  	v3 =	vor.u32 v24, v0;
	[tilespmem:$0x1FBB0] =	vst v2;
	v2 =	vld [tilespmem:$0x1FBA0];
	_ =	sdelay $0x2  }
0xa2: {  	v4 =	vor.u32 v25, v1;
	v10 =	vor.u32 v26, v0;
	[tilespmem:v7+s20+$0x0] =	vst.idx.msk $0xffff, v5  }
0xa3: {  	v5 =	vor.u32 v27, v1;
	v7 =	vld.idx.msk [tilespmem:v8+s11+$0x0], $0xffff;
	v8 =	vor.u32 v28, v0  }
0xa4: {  	[tilespmem:v3+s20+$0x0] =	vst.idx.msk $0xffff, v2;
	v3 =	vor.u32 v29, v1;
	_ =	sdelay $0x2  }
0xa5: {  	v4 =	vld.idx.msk [tilespmem:v4+s11+$0x0], $0xffff;
	[tilespmem:v10+s20+$0x0] =	vst.idx.msk $0xffff, v6  }
0xa6: {  	v5 =	vld.idx.msk [tilespmem:v5+s11+$0x0], $0xffff;
	[tilespmem:v8+s20+$0x0] =	vst.idx.msk $0xffff, v9  }
0xa7: {  	v3 =	vld.idx.msk [tilespmem:v3+s11+$0x0], $0xffff;
	_ =	sdelay $0x4  }
0xa8: {  	v2 =	vor.u32 v30, v0;
	[tilespmem:$0x1FBC0] =	vst v3;
	v3 =	vld [tilespmem:$0x1FBB0];
	_ =	sdelay $0x2  }
0xa9: {  	v6 =	vor.u32 v31, v1;
	v10 =	vor.u32 v32, v0  }
0xaa: {  	v8 =	vor.u32 v33, v1;
	v9 =	vor.u32 v34, v0  }
0xab: {  	[tilespmem:v2+s20+$0x0] =	vst.idx.msk $0xffff, v3;
	v2 =	vor.u32 v35, v1;
	_ =	sdelay $0x2  }
0xac: {  	v6 =	vld.idx.msk [tilespmem:v6+s11+$0x0], $0xffff;
	[tilespmem:v10+s20+$0x0] =	vst.idx.msk $0xffff, v7  }
0xad: {  	v8 =	vld.idx.msk [tilespmem:v8+s11+$0x0], $0xffff;
	[tilespmem:v9+s20+$0x0] =	vst.idx.msk $0xffff, v4  }
0xae: {  	v2 =	vld.idx.msk [tilespmem:v2+s11+$0x0], $0xffff;
	_ =	sdelay $0x1  }
0xaf: {  	v3 =	vor.u32 v36, v0;
	_ =	sdelay $0x2  }
0xb0: {  	v7 =	vor.u32 v37, v1;
	v10 =	vor.u32 v38, v0;
	[tilespmem:$0x1FBD0] =	vst v2;
	v2 =	vld [tilespmem:$0x1FBC0]  }
0xb1: {  	v4 =	vor.u32 v39, v1;
	v9 =	vor.u32 v40, v0  }
0xb2: {  	[tilespmem:v3+s20+$0x0] =	vst.idx.msk $0xffff, v5;
	v3 =	vor.u32 v41, v1;
	_ =	sdelay $0x2  }
0xb3: {  	v5 =	vld.idx.msk [tilespmem:v7+s11+$0x0], $0xffff;
	[tilespmem:v10+s20+$0x0] =	vst.idx.msk $0xffff, v2  }
0xb4: {  	v4 =	vld.idx.msk [tilespmem:v4+s11+$0x0], $0xffff;
	[tilespmem:v9+s20+$0x0] =	vst.idx.msk $0xffff, v6  }
0xb5: {  	v3 =	vld.idx.msk [tilespmem:v3+s11+$0x0], $0xffff;
	_ =	sdelay $0x2  }
0xb6: {  	v7 =	vor.u32 v42, v0  }
0xb7: {  	v10 =	vor.u32 v43, v1  }
0xb8: {  	v2 =	vor.u32 v44, v0;
	[tilespmem:$0x1FBE0] =	vst v3;
	v3 =	vld [tilespmem:$0x1FBD0];
	_ =	sdelay $0x2  }
0xb9: {  	v6 =	vor.u32 v45, v1;
	v9 =	vor.u32 v46, v0;
	[tilespmem:v7+s20+$0x0] =	vst.idx.msk $0xffff, v8  }
0xba: {  	v7 =	vor.u32 v47, v1;
	v8 =	vld.idx.msk [tilespmem:v10+s11+$0x0], $0xffff;
	v10 =	vor.u32 v48, v0  }
0xbb: {  	[tilespmem:v2+s20+$0x0] =	vst.idx.msk $0xffff, v3;
	v2 =	vor.u32 v49, v1;
	_ =	sdelay $0x2  }
0xbc: {  	v6 =	vld.idx.msk [tilespmem:v6+s11+$0x0], $0xffff;
	[tilespmem:v9+s20+$0x0] =	vst.idx.msk $0xffff, v5  }
0xbd: {  	v7 =	vld.idx.msk [tilespmem:v7+s11+$0x0], $0xffff;
	[tilespmem:v10+s20+$0x0] =	vst.idx.msk $0xffff, v4  }
0xbe: {  	v2 =	vld.idx.msk [tilespmem:v2+s11+$0x0], $0xffff;
	_ =	sdelay $0x4  }
0xbf: {  	v3 =	vor.u32 v50, v0;
	[tilespmem:$0x1FBF0] =	vst v2;
	v2 =	vld [tilespmem:$0x1FBE0];
	_ =	sdelay $0x2  }
0xc0: {  	v5 =	vor.u32 v51, v1;
	v9 =	vor.u32 v52, v0  }
0xc1: {  	v4 =	vor.u32 v53, v1;
	v10 =	vor.u32 v54, v0  }
0xc2: {  	[tilespmem:v3+s20+$0x0] =	vst.idx.msk $0xffff, v2;
	v3 =	vor.u32 v55, v1;
	_ =	sdelay $0x2  }
0xc3: {  	v5 =	vld.idx.msk [tilespmem:v5+s11+$0x0], $0xffff;
	[tilespmem:v9+s20+$0x0] =	vst.idx.msk $0xffff, v8  }
0xc4: {  	v4 =	vld.idx.msk [tilespmem:v4+s11+$0x0], $0xffff;
	[tilespmem:v10+s20+$0x0] =	vst.idx.msk $0xffff, v6  }
0xc5: {  	v3 =	vld.idx.msk [tilespmem:v3+s11+$0x0], $0xffff;
	_ =	sdelay $0x2  }
0xc6: {  	v2 =	vor.u32 v56, v0  }
0xc7: {  	v8 =	vor.u32 v57, v1  }
0xc8: {  	v9 =	vor.u32 v58, v0;
	[tilespmem:$0x1FC00] =	vst v3;
	v3 =	vld [tilespmem:$0x1FBF0];
	_ =	sdelay $0x2  }
0xc9: {  	v6 =	vor.u32 v59, v1;
	v10 =	vor.u32 v60, v0;
	[tilespmem:v2+s20+$0x0] =	vst.idx.msk $0xffff, v7  }
0xca: {  	v2 =	vor.u32 v61, v1;
	v7 =	vld.idx.msk [tilespmem:v8+s11+$0x0], $0xffff;
	v8 =	vor.u32 v62, v0  }
0xcb: {  	[tilespmem:v9+s20+$0x0] =	vst.idx.msk $0xffff, v3;
	v9 =	vor.u32 v63, v1;
	_ =	sdelay $0x1  }
0xcc: {  	v22 =	vmov v21;
	v21 =	vmov v20  }
0xcd: {  	v20 =	vmovc v19;
	v19 =	vmov v18;
	v18 =	vmov v17;
	v17 =	vmov v12;
	v6 =	vld.idx.msk [tilespmem:v6+s11+$0x0], $0xffff;
	[tilespmem:v10+s20+$0x0] =	vst.idx.msk $0xffff, v5  }
0xce: {  	v3 =	vor.u32 v16, v0;
	v5 =	vor.u32 v13, v1;
	v2 =	vld.idx.msk [tilespmem:v2+s11+$0x0], $0xffff;
	[tilespmem:v8+s20+$0x0] =	vst.idx.msk $0xffff, v4  }
0xcf: {  	v10 =	vor.u32 v14, v0;
	v4 =	vor.u32 v15, v1;
	v8 =	vld.idx.msk [tilespmem:v9+s11+$0x0], $0xffff;
	v9 =	vor.u32 v12, v0  }
0xd0: {  	v12 =	vmovc v15;
	v15 =	vmovc v14;
	v14 =	vmov v13;
	v13 =	vmov v16;
	v16 =	vmov v63  }
0xd1: {  	v63 =	vmovc v62;
	v62 =	vmovc v61;
	v61 =	vmov v60;
	v60 =	vmov v59;
	v59 =	vmov v58  }
0xd2: {  	v58 =	vmovc v57;
	v57 =	vmovc v56;
	v56 =	vmov v55;
	v55 =	vmov v54;
	v54 =	vmov v53  }
0xd3: {  	v53 =	vmovc v52;
	v52 =	vmovc v51;
	v51 =	vmov v50;
	v50 =	vmov v49;
	v49 =	vmov v48  }
0xd4: {  	v48 =	vmovc v47;
	v47 =	vmovc v46;
	v46 =	vmov v45;
	v45 =	vmov v44;
	v44 =	vmov v43  }
0xd5: {  	v43 =	vmovc v42;
	v42 =	vmovc v41;
	v41 =	vmov v40;
	v40 =	vmov v39;
	v39 =	vmov v38  }
0xd6: {  	v38 =	vmovc v37;
	v37 =	vmovc v36;
	v36 =	vmov v35;
	v35 =	vmov v34;
	v34 =	vmov v33  }
0xd7: {  	v33 =	vmovc v32;
	v32 =	vmovc v31;
	v31 =	vmov v30;
	v30 =	vmov v29;
	v29 =	vmov v28  }
0xd8: {  	v28 =	vmovc v27;
	v27 =	vmovc v26;
	v26 =	vmov v25;
	v25 =	vmov v24;
	v24 =	vmov v23;
	v23 =	vld [tilespmem:$0x1FC00];
	_ =	sdelay $0x4  }
0xd9: {  	[tilespmem:v3+s20+$0x0] =	vst.idx.msk $0xffff, v23;
	v23 =	vmov v24;
	v24 =	vmov v25  }
0xda: {  	v25 =	vmovc v26;
	v26 =	vmovc v27;
	v27 =	vmov v28;
	v28 =	vmov v29;
	v29 =	vmov v30  }
0xdb: {  	v30 =	vmovc v31;
	v31 =	vmovc v32;
	v32 =	vmov v33;
	v33 =	vmov v34;
	v34 =	vmov v35  }
0xdc: {  	v35 =	vmovc v36;
	v36 =	vmovc v37;
	v37 =	vmov v38;
	v38 =	vmov v39;
	v39 =	vmov v40  }
0xdd: {  	v40 =	vmovc v41;
	v41 =	vmovc v42;
	v42 =	vmov v43;
	v43 =	vmov v44;
	v44 =	vmov v45  }
0xde: {  	v45 =	vmovc v46;
	v46 =	vmovc v47;
	v47 =	vmov v48;
	v48 =	vmov v49;
	v49 =	vmov v50  }
0xdf: {  	v50 =	vmovc v51;
	v51 =	vmovc v52;
	v52 =	vmov v53;
	v53 =	vmov v54;
	v54 =	vmov v55  }
0xe0: {  	v55 =	vmovc v56;
	v56 =	vmovc v57;
	v57 =	vmov v58;
	v58 =	vmov v59;
	v59 =	vmov v60  }
0xe1: {  	v60 =	vmovc v61;
	v61 =	vmovc v62;
	v62 =	vmov v63;
	v63 =	vmov v16;
	v16 =	vmov v13  }
0xe2: {  	v13 =	vmovc v14;
	v14 =	vmovc v15;
	v15 =	vmov v12;
	v12 =	vmov v17;
	v17 =	vmov v18  }
0xe3: {  	v18 =	vmovc v19;
	v19 =	vmovc v20;
	v20 =	vmov v21;
	v21 =	vmov v22;
	v22 =	vld [tilespmem:$0x1FF70];
	v1 =	vor.u32 v17, v1  }
0xe4: {  	v3 =	vld.idx.msk [tilespmem:v5+s11+$0x0], $0xffff;
	v5 =	vor.u32 v18, v0  }
0xe5: {  	[tilespmem:v10+s20+$0x0] =	vst.idx.msk $0xffff, v7;
	v7 =	vor.u32 v19, v0  }
0xe6: {  	v4 =	vld.idx.msk [tilespmem:v4+s11+$0x0], $0xffff  }
0xe7: {  	v10 =	vor.u32 v20, v0;
	[tilespmem:v9+s20+$0x0] =	vst.idx.msk $0xffff, v6;
	v9 =	vld [tilespmem:$0x1FFE0]  }
0xe8: {  	v6 =	vor.u32 v21, v0;
	v1 =	vld.idx.msk [tilespmem:v1+s11+$0x0], $0xffff  }
0xe9: {  	p0 =	sne.s32 s13, $0x1F;
	v0 =	vor.u32 v22, v0;
	[tilespmem:v5+s20+$0x0] =	vst.idx.msk $0xffff, v2;
	v5 =	vld [tilespmem:$0x1FFA0]  }
.Ltmp0:
0xea: {  	[tilespmem:v7+s20+$0x0] =	vst.idx.msk $0xffff, v8;
	v8 =	vld [tilespmem:$0x1FFD0];
	(pc) =	sbr.rel @p0 .LBB2_2-.Ltmp0, $4  }
0xeb: {  	v7 =	vld [tilespmem:$0x1FF80]  }
0xec: {  	[tilespmem:v10+s20+$0x0] =	vst.idx.msk $0xffff, v3;
	v10 =	vld [tilespmem:$0x1FFF0]  }
0xed: {  	v3 =	vld [tilespmem:$0x1FF90];
	[tilespmem:v6+s20+$0x0] =	vst.idx.msk $0xffff, v4  }
0xee: {  	s13 =	sadd.s32 $0x1, s13;
	v6 =	vld [tilespmem:$0x1FFB0];
	[tilespmem:v0+s20+$0x0] =	vst.idx.msk $0xffff, v1  }
0xef: {  	s13 =	simm.s32 $0x0;
	s18 =	rddreg [dreg:$0x5]  }
0xf0: {  	[hbm4b:s18+s13] =	stream.linear.scatter [tilespmem:s20], [sflag:$0x5], $0x1000, $0x38;
	[tilespmem:$0x10400] =	vst v63  }
0xf1: {  	s21 =	rddreg [dreg:$0x6];
	s19 =	simm.s32 $0x9400  }
0xf2: {  	[hbm4b:s21+s13] =	stream.linear.scatter [tilespmem:s19], [sflag:$0x5], $0x1000, $0x38;
	[tilespmem:$0x10400] =	vst v63  }
0xf3: {  	s22 =	rddreg [dreg:$0x7];
	s23 =	simm.s32 $0xA400  }
0xf4: {  	[hbm4b:s22+s13] =	stream.linear.scatter [tilespmem:s23], [sflag:$0x5], $0x1000, $0x38;
	[tilespmem:$0x10400] =	vst v63  }
0xf5: {  	s19 =	rddreg [dreg:$0x8];
	s21 =	simm.s32 $0xB400  }
0xf6: {  	[hbm4b:s19+s13] =	stream.linear.scatter [tilespmem:s21], [sflag:$0x5], $0x1000, $0x38;
	[tilespmem:$0x10400] =	vst v63  }
0xf7: {  	s22 =	rddreg [dreg:$0x9]  }
0xf8: {  	[tilespmem:s13], [sflag:$0x1] =	stream.linear.gather [hbm4b:s22+s13], $0x200, $0x38;
	[tilespmem:$0x10400] =	vst v63  }
0xf9: {  	_ =	swait.ge [sflag:s24], $0x2000  }
0xfa: {  	[sflag:s24] =	ssyncset.done $0x0  }
0xfb: {  	[sflag:s24] =	ssyncadd.s32 $0xFFFFE000  }
0xfc: {  	_ =	swait.ge [sflag:s24], $0x2000  }
0xfd: {  	[sflag:s24] =	ssyncset.done $0x0  }
0xfe: {  	[sflag:s24] =	ssyncadd.s32 $0xFFFFE000  }
0xff: {  	_ =	swait.ge [sflag:s8], $0x200  }
0x100: {  	[sflag:s8] =	ssyncset.done $0x0  }
0x101: {  	[sflag:s8] =	ssyncadd.s32 $0xFFFFFE00  }
0x102: {  	[tilespmem:s11], [sflag:$0x3] =	stream.indirect.gather [hbm4b:s6+s10], $0x20, s13, s10, $0xb8;
	[tilespmem:$0x10400] =	vst v63  }
0x103: {  	s23 =	simm.s32 $0x2400  }
0x104: {  	[tilespmem:s23], [sflag:$0x3] =	stream.indirect.gather [hbm4b:s6+s10], $0x20, s10, s10, $0xb8;
	[tilespmem:$0x10400] =	vst v63  }
.LBB2_4:
0x105: {  	v2 =	vld [tilespmem:$0x1FFC0];
	_ =	sdelay $0x1  }
0x106: {  	v3 =	vld [tilespmem:$0x1FF90]  }
0x107: {  	v0 =	vadd.s32 s13, v11;
	v5 =	vld [tilespmem:$0x1FFA0]  }
0x108: {  	v6 =	vld [tilespmem:$0x1FFB0];
	v1 =	vand.u32 $0x1F, v0;
	v4 =	vshll.u32 v0, $0x9;
	v0 =	vshll.u32 v0, $0x7  }
0x109: {  	v4 =	vand.u32 $0x3000, v4;
	v0 =	vand.u32 $0x380, v0;
	v2 =	vor.u32 v2, v1  }
0x10a: {  	v8 =	vld [tilespmem:$0x1FFD0];
	v0 =	vor.u32 v0, v4;
	v4 =	vor.u32 v7, v1  }
0x10b: {  	v9 =	vld [tilespmem:$0x1FFE0];
	v3 =	vor.u32 v3, v1  }
0x10c: {  	v10 =	vld [tilespmem:$0x1FFF0];
	v5 =	vor.u32 v5, v1  }
0x10d: {  	v7 =	vor.u32 v11, v0;
	v11 =	vld [tilespmem:$0x1FC10];
	v6 =	vor.u32 v6, v1  }
0x10e: {  	v2 =	vld.idx.msk [tilespmem:v2+s17+$0x0], $0xffff  }
0x10f: {  	v8 =	vor.u32 v8, v1;
	v4 =	vld.idx.msk [tilespmem:v4+s17+$0x0], $0xffff  }
0x110: {  	v3 =	vld.idx.msk [tilespmem:v3+s17+$0x0], $0xffff  }
0x111: {  	v5 =	vld.idx.msk [tilespmem:v5+s17+$0x0], $0xffff  }
0x112: {  	v6 =	vld.idx.msk [tilespmem:v6+s17+$0x0], $0xffff  }
0x113: {  	[tilespmem:v7+s25+$0x0] =	vst.idx.msk $0xffff, v2;
	v2 =	vld [tilespmem:$0x1FC20]  }
0x114: {  	v7 =	vld.idx.msk [tilespmem:v8+s17+$0x0], $0xffff  }
0x115: {  	v9 =	vor.u32 v9, v0;
	v8 =	vld [tilespmem:$0x1FC30]  }
0x116: {  	v10 =	vor.u32 v10, v1;
	_ =	sdelay $0x1  }
0x117: {  	v11 =	vor.u32 v11, v0;
	_ =	sdelay $0x1  }
0x118: {  	[tilespmem:v9+s25+$0x0] =	vst.idx.msk $0xffff, v3;
	v2 =	vor.u32 v2, v1;
	v8 =	vor.u32 v8, v0  }
0x119: {  	v3 =	vor.u32 v23, v1;
	v9 =	vld.idx.msk [tilespmem:v10+s17+$0x0], $0xffff;
	v10 =	vor.u32 v24, v0;
	_ =	sdelay $0x1  }
0x11a: {  	[tilespmem:v11+s25+$0x0] =	vst.idx.msk $0xffff, v5;
	v5 =	vor.u32 v25, v1;
	v11 =	vor.u32 v26, v0;
	_ =	sdelay $0x1  }
0x11b: {  	v2 =	vld.idx.msk [tilespmem:v2+s17+$0x0], $0xffff;
	[tilespmem:v8+s25+$0x0] =	vst.idx.msk $0xffff, v6;
	v6 =	vor.u32 v27, v1;
	v8 =	vor.u32 v28, v0  }
0x11c: {  	v3 =	vld.idx.msk [tilespmem:v3+s17+$0x0], $0xffff;
	[tilespmem:v10+s25+$0x0] =	vst.idx.msk $0xffff, v4;
	v4 =	vor.u32 v29, v1;
	v10 =	vor.u32 v30, v0;
	_ =	sdelay $0x1  }
0x11d: {  	v5 =	vld.idx.msk [tilespmem:v5+s17+$0x0], $0xffff;
	[tilespmem:v11+s25+$0x0] =	vst.idx.msk $0xffff, v7;
	v7 =	vor.u32 v31, v1;
	v11 =	vor.u32 v32, v0;
	_ =	sdelay $0x1  }
0x11e: {  	v6 =	vld.idx.msk [tilespmem:v6+s17+$0x0], $0xffff;
	[tilespmem:v8+s25+$0x0] =	vst.idx.msk $0xffff, v9;
	v8 =	vor.u32 v33, v1;
	v9 =	vor.u32 v34, v0  }
0x11f: {  	v4 =	vld.idx.msk [tilespmem:v4+s17+$0x0], $0xffff;
	[tilespmem:v10+s25+$0x0] =	vst.idx.msk $0xffff, v2;
	v2 =	vor.u32 v35, v1;
	v10 =	vor.u32 v36, v0;
	_ =	sdelay $0x1  }
0x120: {  	v7 =	vld.idx.msk [tilespmem:v7+s17+$0x0], $0xffff;
	[tilespmem:v11+s25+$0x0] =	vst.idx.msk $0xffff, v3;
	v3 =	vor.u32 v37, v1;
	v11 =	vor.u32 v38, v0;
	_ =	sdelay $0x1  }
0x121: {  	v8 =	vld.idx.msk [tilespmem:v8+s17+$0x0], $0xffff;
	[tilespmem:v9+s25+$0x0] =	vst.idx.msk $0xffff, v5;
	v5 =	vor.u32 v39, v1;
	v9 =	vor.u32 v40, v0  }
0x122: {  	v2 =	vld.idx.msk [tilespmem:v2+s17+$0x0], $0xffff;
	[tilespmem:v10+s25+$0x0] =	vst.idx.msk $0xffff, v6;
	v6 =	vor.u32 v41, v1;
	v10 =	vor.u32 v42, v0;
	_ =	sdelay $0x1  }
0x123: {  	v3 =	vld.idx.msk [tilespmem:v3+s17+$0x0], $0xffff;
	[tilespmem:v11+s25+$0x0] =	vst.idx.msk $0xffff, v4;
	v4 =	vor.u32 v43, v1;
	v11 =	vor.u32 v44, v0;
	_ =	sdelay $0x1  }
0x124: {  	v5 =	vld.idx.msk [tilespmem:v5+s17+$0x0], $0xffff;
	[tilespmem:v9+s25+$0x0] =	vst.idx.msk $0xffff, v7;
	v7 =	vor.u32 v45, v1;
	v9 =	vor.u32 v46, v0  }
0x125: {  	v6 =	vld.idx.msk [tilespmem:v6+s17+$0x0], $0xffff;
	[tilespmem:v10+s25+$0x0] =	vst.idx.msk $0xffff, v8;
	v8 =	vor.u32 v47, v1;
	v10 =	vor.u32 v48, v0;
	_ =	sdelay $0x1  }
0x126: {  	v4 =	vld.idx.msk [tilespmem:v4+s17+$0x0], $0xffff;
	[tilespmem:v11+s25+$0x0] =	vst.idx.msk $0xffff, v2;
	v2 =	vor.u32 v49, v1;
	v11 =	vor.u32 v50, v0;
	_ =	sdelay $0x1  }
0x127: {  	v7 =	vld.idx.msk [tilespmem:v7+s17+$0x0], $0xffff;
	[tilespmem:v9+s25+$0x0] =	vst.idx.msk $0xffff, v3;
	v3 =	vor.u32 v51, v1;
	v9 =	vor.u32 v52, v0  }
0x128: {  	v8 =	vld.idx.msk [tilespmem:v8+s17+$0x0], $0xffff;
	[tilespmem:v10+s25+$0x0] =	vst.idx.msk $0xffff, v5;
	v5 =	vor.u32 v53, v1;
	v10 =	vor.u32 v54, v0;
	_ =	sdelay $0x1  }
0x129: {  	v2 =	vld.idx.msk [tilespmem:v2+s17+$0x0], $0xffff;
	[tilespmem:v11+s25+$0x0] =	vst.idx.msk $0xffff, v6;
	v6 =	vor.u32 v55, v1;
	v11 =	vor.u32 v56, v0;
	_ =	sdelay $0x1  }
0x12a: {  	v3 =	vld.idx.msk [tilespmem:v3+s17+$0x0], $0xffff;
	[tilespmem:v9+s25+$0x0] =	vst.idx.msk $0xffff, v4;
	v4 =	vor.u32 v57, v1;
	v9 =	vor.u32 v58, v0  }
0x12b: {  	v5 =	vld.idx.msk [tilespmem:v5+s17+$0x0], $0xffff;
	[tilespmem:v10+s25+$0x0] =	vst.idx.msk $0xffff, v7;
	v7 =	vor.u32 v59, v1;
	v10 =	vor.u32 v60, v0;
	_ =	sdelay $0x1  }
0x12c: {  	v6 =	vld.idx.msk [tilespmem:v6+s17+$0x0], $0xffff;
	[tilespmem:v11+s25+$0x0] =	vst.idx.msk $0xffff, v8;
	v8 =	vor.u32 v61, v1;
	v11 =	vor.u32 v62, v0;
	_ =	sdelay $0x1  }
0x12d: {  	v4 =	vld.idx.msk [tilespmem:v4+s17+$0x0], $0xffff;
	[tilespmem:v9+s25+$0x0] =	vst.idx.msk $0xffff, v2;
	v2 =	vor.u32 v63, v1;
	v9 =	vor.u32 v16, v0  }
0x12e: {  	v7 =	vld.idx.msk [tilespmem:v7+s17+$0x0], $0xffff;
	[tilespmem:v10+s25+$0x0] =	vst.idx.msk $0xffff, v3;
	v3 =	vor.u32 v13, v1;
	v10 =	vor.u32 v14, v0;
	_ =	sdelay $0x1  }
0x12f: {  	v8 =	vld.idx.msk [tilespmem:v8+s17+$0x0], $0xffff;
	[tilespmem:v11+s25+$0x0] =	vst.idx.msk $0xffff, v5;
	v5 =	vor.u32 v15, v1;
	v11 =	vor.u32 v12, v0  }
0x130: {  	v1 =	vor.u32 v17, v1  }
0x131: {  	v2 =	vld.idx.msk [tilespmem:v2+s17+$0x0], $0xffff;
	[tilespmem:v9+s25+$0x0] =	vst.idx.msk $0xffff, v6;
	v6 =	vor.u32 v18, v0  }
0x132: {  	v3 =	vld.idx.msk [tilespmem:v3+s17+$0x0], $0xffff;
	[tilespmem:v10+s25+$0x0] =	vst.idx.msk $0xffff, v4;
	v4 =	vor.u32 v19, v0  }
0x133: {  	v9 =	vor.u32 v20, v0  }
0x134: {  	v5 =	vld.idx.msk [tilespmem:v5+s17+$0x0], $0xffff;
	[tilespmem:v11+s25+$0x0] =	vst.idx.msk $0xffff, v7;
	v7 =	vor.u32 v21, v0  }
0x135: {  	p0 =	sne.s32 s13, $0x1F;
	v0 =	vor.u32 v22, v0;
	v1 =	vld.idx.msk [tilespmem:v1+s17+$0x0], $0xffff  }
.Ltmp1:
0x136: {  	[tilespmem:v6+s25+$0x0] =	vst.idx.msk $0xffff, v8;
	(pc) =	sbr.rel @p0 .LBB2_4-.Ltmp1, $4  }
0x137: {  	[tilespmem:v4+s25+$0x0] =	vst.idx.msk $0xffff, v2  }
0x138: {  	[tilespmem:v9+s25+$0x0] =	vst.idx.msk $0xffff, v3  }
0x139: {  	[tilespmem:v7+s25+$0x0] =	vst.idx.msk $0xffff, v5  }
0x13a: {  	s13 =	sadd.s32 $0x1, s13;
	v11 =	vlaneseq.u32;
	v7 =	vld [tilespmem:$0x1FF80];
	[tilespmem:v0+s25+$0x0] =	vst.idx.msk $0xffff, v1  }
0x13b: {  	s13 =	rddreg [dreg:$0xa]  }
0x13c: {  	[hbm4b:s13+s3] =	stream.linear.scatter [tilespmem:s25], [sflag:$0x6], $0x1000, $0x38;
	[tilespmem:$0x10400] =	vst v63  }
0x13d: {  	s19 =	rddreg [dreg:$0xb]  }
0x13e: {  	[hbm4b:s19+s3] =	stream.linear.scatter [tilespmem:s26], [sflag:$0x6], $0x1000, $0x38;
	[tilespmem:$0x10400] =	vst v63  }
0x13f: {  	s21 =	rddreg [dreg:$0xc]  }
0x140: {  	[hbm4b:s21+s3] =	stream.linear.scatter [tilespmem:s28], [sflag:$0x6], $0x1000, $0x38;
	[tilespmem:$0x10400] =	vst v63  }
0x141: {  	s22 =	rddreg [dreg:$0xd]  }
0x142: {  	[hbm4b:s22+s3] =	stream.linear.scatter [tilespmem:s29], [sflag:$0x6], $0x1000, $0x38;
	[tilespmem:$0x10400] =	vst v63  }
0x143: {  	s23 =	rddreg [dreg:$0xe];
	s13 =	simm.s32 $0x1  }
0x144: {  	[tilespmem:s7], [sflag:$0x2] =	stream.linear.gather [hbm4b:s23+s3], $0x200, $0x38;
	[tilespmem:$0x10400] =	vst v63  }
.LBB2_6:
0x145: {  	_ =	swait.ge [sflag:s15], $0x2000  }
0x146: {  	[sflag:s15] =	ssyncset.done $0x0  }
0x147: {  	[sflag:s15] =	ssyncadd.s32 $0xFFFFE000  }
0x148: {  	_ =	swait.ge [sflag:s15], $0x2000  }
0x149: {  	[sflag:s15] =	ssyncset.done $0x0  }
0x14a: {  	[sflag:s15] =	ssyncadd.s32 $0xFFFFE000  }
0x14b: {  	_ =	swait.ge [sflag:s16], $0x200  }
0x14c: {  	[sflag:s16] =	ssyncset.done $0x0  }
0x14d: {  	[sflag:s16] =	ssyncadd.s32 $0xFFFFFE00  }
0x14e: {  	[tilespmem:s17], [sflag:$0x4] =	stream.indirect.gather [hbm4b:s6+s10], $0x20, s7, s10, $0xb8;
	[tilespmem:$0x10400] =	vst v63  }
0x14f: {  	s18 =	simm.s32 $0x300;
	s19 =	simm.s32 $0x6400  }
0x150: {  	[tilespmem:s19], [sflag:$0x4] =	stream.indirect.gather [hbm4b:s6+s10], $0x20, s18, s10, $0xb8;
	[tilespmem:$0x10400] =	vst v63  }
0x151: {  	_ =	swait.ge [sflag:s30], $0x1000  }
0x152: {  	[sflag:s30] =	ssyncset.done $0x0  }
0x153: {  	[sflag:s30] =	ssyncadd.s32 $0xFFFFF000  }
0x154: {  	_ =	swait.ge [sflag:s30], $0x1000  }
0x155: {  	[sflag:s30] =	ssyncset.done $0x0  }
0x156: {  	[sflag:s30] =	ssyncadd.s32 $0xFFFFF000  }
0x157: {  	_ =	swait.ge [sflag:s30], $0x1000  }
0x158: {  	[sflag:s30] =	ssyncset.done $0x0  }
0x159: {  	[sflag:s30] =	ssyncadd.s32 $0xFFFFF000  }
0x15a: {  	_ =	swait.ge [sflag:s30], $0x1000  }
0x15b: {  	v26 =	vld [tilespmem:$0x1FC40]  }
0x15c: {  	v27 =	vld [tilespmem:$0x1FC50]  }
0x15d: {  	v28 =	vld [tilespmem:$0x1FC60]  }
0x15e: {  	v29 =	vld [tilespmem:$0x1FC70]  }
0x15f: {  	v30 =	vld [tilespmem:$0x1FC80]  }
0x160: {  	v31 =	vld [tilespmem:$0x1FC90]  }
0x161: {  	v32 =	vld [tilespmem:$0x1FCA0]  }
0x162: {  	v33 =	vld [tilespmem:$0x1FCB0]  }
0x163: {  	v34 =	vld [tilespmem:$0x1FCC0]  }
0x164: {  	v35 =	vld [tilespmem:$0x1FCD0]  }
0x165: {  	v36 =	vld [tilespmem:$0x1FCE0]  }
0x166: {  	v37 =	vld [tilespmem:$0x1FCF0]  }
0x167: {  	v38 =	vld [tilespmem:$0x1FD00]  }
0x168: {  	v39 =	vld [tilespmem:$0x1FD10]  }
0x169: {  	v40 =	vld [tilespmem:$0x1FD20]  }
0x16a: {  	v41 =	vld [tilespmem:$0x1FD30]  }
0x16b: {  	v42 =	vld [tilespmem:$0x1FD40]  }
0x16c: {  	v43 =	vld [tilespmem:$0x1FD50]  }
0x16d: {  	v44 =	vld [tilespmem:$0x1FD60]  }
0x16e: {  	v45 =	vld [tilespmem:$0x1FD70]  }
0x16f: {  	v46 =	vld [tilespmem:$0x1FD80]  }
0x170: {  	v23 =	vld [tilespmem:$0x1FD90]  }
0x171: {  	v24 =	vld [tilespmem:$0x1FDA0]  }
0x172: {  	v25 =	vld [tilespmem:$0x1FDB0]  }
0x173: {  	v47 =	vld [tilespmem:$0x1FDC0]  }
0x174: {  	v48 =	vld [tilespmem:$0x1FDD0]  }
0x175: {  	v49 =	vld [tilespmem:$0x1FDE0]  }
0x176: {  	v50 =	vld [tilespmem:$0x1FDF0]  }
0x177: {  	v51 =	vld [tilespmem:$0x1FE00]  }
0x178: {  	v52 =	vld [tilespmem:$0x1FE10]  }
0x179: {  	v53 =	vld [tilespmem:$0x1FE20]  }
0x17a: {  	v54 =	vld [tilespmem:$0x1FE30]  }
0x17b: {  	v55 =	vld [tilespmem:$0x1FE40]  }
0x17c: {  	v56 =	vld [tilespmem:$0x1FE50]  }
0x17d: {  	v57 =	vld [tilespmem:$0x1FE60]  }
0x17e: {  	v58 =	vld [tilespmem:$0x1FE70]  }
0x17f: {  	v59 =	vld [tilespmem:$0x1FE80]  }
0x180: {  	v60 =	vld [tilespmem:$0x1FE90]  }
0x181: {  	v61 =	vld [tilespmem:$0x1FEA0]  }
0x182: {  	v62 =	vld [tilespmem:$0x1FEB0]  }
0x183: {  	v63 =	vld [tilespmem:$0x1FEC0]  }
0x184: {  	v16 =	vld [tilespmem:$0x1FED0]  }
0x185: {  	v13 =	vld [tilespmem:$0x1FEE0]  }
0x186: {  	v14 =	vld [tilespmem:$0x1FEF0]  }
0x187: {  	v15 =	vld [tilespmem:$0x1FF00]  }
0x188: {  	v12 =	vld [tilespmem:$0x1FF10]  }
0x189: {  	v17 =	vld [tilespmem:$0x1FF20]  }
0x18a: {  	v18 =	vld [tilespmem:$0x1FF30]  }
0x18b: {  	v19 =	vld [tilespmem:$0x1FF40]  }
0x18c: {  	v20 =	vld [tilespmem:$0x1FF50]  }
0x18d: {  	[sflag:s30] =	ssyncset.done $0x0;
	v21 =	vld [tilespmem:$0x1FF60]  }
0x18e: {  	s18 =	simm.s32 $0x0;
	v22 =	vld [tilespmem:$0x1FF70];
	[sflag:s30] =	ssyncadd.s32 $0xFFFFF000  }
.LBB2_7:
0x18f: {  	v2 =	vld [tilespmem:$0x1FFC0];
	_ =	sdelay $0x1  }
0x190: {  	v3 =	vld [tilespmem:$0x1FF90]  }
0x191: {  	v0 =	vadd.s32 s18, v11;
	v5 =	vld [tilespmem:$0x1FFA0]  }
0x192: {  	v6 =	vld [tilespmem:$0x1FFB0];
	v1 =	vand.u32 $0x1F, v0;
	v4 =	vshll.u32 v0, $0x9;
	v0 =	vshll.u32 v0, $0x7  }
0x193: {  	v4 =	vand.u32 $0x3000, v4;
	v0 =	vand.u32 $0x380, v0;
	v2 =	vor.u32 v2, v1  }
0x194: {  	v8 =	vld [tilespmem:$0x1FFD0];
	v0 =	vor.u32 v0, v4;
	v4 =	vor.u32 v7, v1  }
0x195: {  	v9 =	vld [tilespmem:$0x1FFE0];
	v3 =	vor.u32 v3, v1  }
0x196: {  	v10 =	vld [tilespmem:$0x1FFF0];
	v5 =	vor.u32 v5, v1  }
0x197: {  	v7 =	vor.u32 v11, v0;
	v11 =	vld [tilespmem:$0x1FC10];
	v6 =	vor.u32 v6, v1  }
0x198: {  	v2 =	vld.idx.msk [tilespmem:v2+s11+$0x0], $0xffff  }
0x199: {  	v8 =	vor.u32 v8, v1;
	v4 =	vld.idx.msk [tilespmem:v4+s11+$0x0], $0xffff  }
0x19a: {  	v3 =	vld.idx.msk [tilespmem:v3+s11+$0x0], $0xffff  }
0x19b: {  	v5 =	vld.idx.msk [tilespmem:v5+s11+$0x0], $0xffff  }
0x19c: {  	v6 =	vld.idx.msk [tilespmem:v6+s11+$0x0], $0xffff  }
0x19d: {  	[tilespmem:v7+s20+$0x0] =	vst.idx.msk $0xffff, v2;
	v2 =	vld [tilespmem:$0x1FC20]  }
0x19e: {  	v7 =	vld.idx.msk [tilespmem:v8+s11+$0x0], $0xffff  }
0x19f: {  	v9 =	vor.u32 v9, v0;
	v8 =	vld [tilespmem:$0x1FC30]  }
0x1a0: {  	v10 =	vor.u32 v10, v1;
	_ =	sdelay $0x1  }
0x1a1: {  	v11 =	vor.u32 v11, v0;
	_ =	sdelay $0x1  }
0x1a2: {  	[tilespmem:v9+s20+$0x0] =	vst.idx.msk $0xffff, v3;
	v2 =	vor.u32 v2, v1;
	v8 =	vor.u32 v8, v0  }
0x1a3: {  	v3 =	vor.u32 v26, v1;
	v9 =	vld.idx.msk [tilespmem:v10+s11+$0x0], $0xffff;
	v10 =	vor.u32 v27, v0;
	_ =	sdelay $0x1  }
0x1a4: {  	[tilespmem:v11+s20+$0x0] =	vst.idx.msk $0xffff, v5;
	v5 =	vor.u32 v28, v1;
	v11 =	vor.u32 v29, v0;
	_ =	sdelay $0x1  }
0x1a5: {  	v2 =	vld.idx.msk [tilespmem:v2+s11+$0x0], $0xffff;
	[tilespmem:v8+s20+$0x0] =	vst.idx.msk $0xffff, v6;
	v6 =	vor.u32 v30, v1;
	v8 =	vor.u32 v31, v0  }
0x1a6: {  	v3 =	vld.idx.msk [tilespmem:v3+s11+$0x0], $0xffff;
	[tilespmem:v10+s20+$0x0] =	vst.idx.msk $0xffff, v4;
	v4 =	vor.u32 v32, v1;
	v10 =	vor.u32 v33, v0;
	_ =	sdelay $0x1  }
0x1a7: {  	v5 =	vld.idx.msk [tilespmem:v5+s11+$0x0], $0xffff;
	[tilespmem:v11+s20+$0x0] =	vst.idx.msk $0xffff, v7;
	v7 =	vor.u32 v34, v1;
	v11 =	vor.u32 v35, v0;
	_ =	sdelay $0x1  }
0x1a8: {  	v6 =	vld.idx.msk [tilespmem:v6+s11+$0x0], $0xffff;
	[tilespmem:v8+s20+$0x0] =	vst.idx.msk $0xffff, v9;
	v8 =	vor.u32 v36, v1;
	v9 =	vor.u32 v37, v0  }
0x1a9: {  	v4 =	vld.idx.msk [tilespmem:v4+s11+$0x0], $0xffff;
	[tilespmem:v10+s20+$0x0] =	vst.idx.msk $0xffff, v2;
	v2 =	vor.u32 v38, v1;
	v10 =	vor.u32 v39, v0;
	_ =	sdelay $0x1  }
0x1aa: {  	v7 =	vld.idx.msk [tilespmem:v7+s11+$0x0], $0xffff;
	[tilespmem:v11+s20+$0x0] =	vst.idx.msk $0xffff, v3;
	v3 =	vor.u32 v40, v1;
	v11 =	vor.u32 v41, v0;
	_ =	sdelay $0x1  }
0x1ab: {  	v8 =	vld.idx.msk [tilespmem:v8+s11+$0x0], $0xffff;
	[tilespmem:v9+s20+$0x0] =	vst.idx.msk $0xffff, v5;
	v5 =	vor.u32 v42, v1;
	v9 =	vor.u32 v43, v0  }
0x1ac: {  	v2 =	vld.idx.msk [tilespmem:v2+s11+$0x0], $0xffff;
	[tilespmem:v10+s20+$0x0] =	vst.idx.msk $0xffff, v6;
	v6 =	vor.u32 v44, v1;
	v10 =	vor.u32 v45, v0;
	_ =	sdelay $0x1  }
0x1ad: {  	v3 =	vld.idx.msk [tilespmem:v3+s11+$0x0], $0xffff;
	[tilespmem:v11+s20+$0x0] =	vst.idx.msk $0xffff, v4;
	v4 =	vor.u32 v46, v1;
	v11 =	vor.u32 v23, v0;
	_ =	sdelay $0x1  }
0x1ae: {  	v5 =	vld.idx.msk [tilespmem:v5+s11+$0x0], $0xffff;
	[tilespmem:v9+s20+$0x0] =	vst.idx.msk $0xffff, v7;
	v7 =	vor.u32 v24, v1;
	v9 =	vor.u32 v25, v0  }
0x1af: {  	v6 =	vld.idx.msk [tilespmem:v6+s11+$0x0], $0xffff;
	[tilespmem:v10+s20+$0x0] =	vst.idx.msk $0xffff, v8;
	v8 =	vor.u32 v47, v1;
	v10 =	vor.u32 v48, v0;
	_ =	sdelay $0x1  }
0x1b0: {  	v4 =	vld.idx.msk [tilespmem:v4+s11+$0x0], $0xffff;
	[tilespmem:v11+s20+$0x0] =	vst.idx.msk $0xffff, v2;
	v2 =	vor.u32 v49, v1;
	v11 =	vor.u32 v50, v0;
	_ =	sdelay $0x1  }
0x1b1: {  	v7 =	vld.idx.msk [tilespmem:v7+s11+$0x0], $0xffff;
	[tilespmem:v9+s20+$0x0] =	vst.idx.msk $0xffff, v3;
	v3 =	vor.u32 v51, v1;
	v9 =	vor.u32 v52, v0  }
0x1b2: {  	v8 =	vld.idx.msk [tilespmem:v8+s11+$0x0], $0xffff;
	[tilespmem:v10+s20+$0x0] =	vst.idx.msk $0xffff, v5;
	v5 =	vor.u32 v53, v1;
	v10 =	vor.u32 v54, v0;
	_ =	sdelay $0x1  }
0x1b3: {  	v2 =	vld.idx.msk [tilespmem:v2+s11+$0x0], $0xffff;
	[tilespmem:v11+s20+$0x0] =	vst.idx.msk $0xffff, v6;
	v6 =	vor.u32 v55, v1;
	v11 =	vor.u32 v56, v0;
	_ =	sdelay $0x1  }
0x1b4: {  	v3 =	vld.idx.msk [tilespmem:v3+s11+$0x0], $0xffff;
	[tilespmem:v9+s20+$0x0] =	vst.idx.msk $0xffff, v4;
	v4 =	vor.u32 v57, v1;
	v9 =	vor.u32 v58, v0  }
0x1b5: {  	v5 =	vld.idx.msk [tilespmem:v5+s11+$0x0], $0xffff;
	[tilespmem:v10+s20+$0x0] =	vst.idx.msk $0xffff, v7;
	v7 =	vor.u32 v59, v1;
	v10 =	vor.u32 v60, v0;
	_ =	sdelay $0x1  }
0x1b6: {  	v6 =	vld.idx.msk [tilespmem:v6+s11+$0x0], $0xffff;
	[tilespmem:v11+s20+$0x0] =	vst.idx.msk $0xffff, v8;
	v8 =	vor.u32 v61, v1;
	v11 =	vor.u32 v62, v0;
	_ =	sdelay $0x1  }
0x1b7: {  	v4 =	vld.idx.msk [tilespmem:v4+s11+$0x0], $0xffff;
	[tilespmem:v9+s20+$0x0] =	vst.idx.msk $0xffff, v2;
	v2 =	vor.u32 v63, v1;
	v9 =	vor.u32 v16, v0  }
0x1b8: {  	v7 =	vld.idx.msk [tilespmem:v7+s11+$0x0], $0xffff;
	[tilespmem:v10+s20+$0x0] =	vst.idx.msk $0xffff, v3;
	v3 =	vor.u32 v13, v1;
	v10 =	vor.u32 v14, v0;
	_ =	sdelay $0x1  }
0x1b9: {  	v8 =	vld.idx.msk [tilespmem:v8+s11+$0x0], $0xffff;
	[tilespmem:v11+s20+$0x0] =	vst.idx.msk $0xffff, v5;
	v5 =	vor.u32 v15, v1;
	v11 =	vor.u32 v12, v0  }
0x1ba: {  	v1 =	vor.u32 v17, v1  }
0x1bb: {  	v2 =	vld.idx.msk [tilespmem:v2+s11+$0x0], $0xffff;
	[tilespmem:v9+s20+$0x0] =	vst.idx.msk $0xffff, v6;
	v6 =	vor.u32 v18, v0  }
0x1bc: {  	v3 =	vld.idx.msk [tilespmem:v3+s11+$0x0], $0xffff;
	[tilespmem:v10+s20+$0x0] =	vst.idx.msk $0xffff, v4;
	v4 =	vor.u32 v19, v0  }
0x1bd: {  	v9 =	vor.u32 v20, v0  }
0x1be: {  	v5 =	vld.idx.msk [tilespmem:v5+s11+$0x0], $0xffff;
	[tilespmem:v11+s20+$0x0] =	vst.idx.msk $0xffff, v7;
	v7 =	vor.u32 v21, v0  }
0x1bf: {  	p0 =	sne.s32 s18, $0x1F;
	v0 =	vor.u32 v22, v0;
	v1 =	vld.idx.msk [tilespmem:v1+s11+$0x0], $0xffff  }
.Ltmp2:
0x1c0: {  	[tilespmem:v6+s20+$0x0] =	vst.idx.msk $0xffff, v8;
	(pc) =	sbr.rel @p0 .LBB2_7-.Ltmp2, $4  }
0x1c1: {  	[tilespmem:v4+s20+$0x0] =	vst.idx.msk $0xffff, v2  }
0x1c2: {  	[tilespmem:v9+s20+$0x0] =	vst.idx.msk $0xffff, v3  }
0x1c3: {  	[tilespmem:v7+s20+$0x0] =	vst.idx.msk $0xffff, v5  }
0x1c4: {  	s18 =	sadd.s32 $0x1, s18;
	v11 =	vlaneseq.u32;
	v7 =	vld [tilespmem:$0x1FF80];
	[tilespmem:v0+s20+$0x0] =	vst.idx.msk $0xffff, v1  }
0x1c5: {  	s18 =	sshll.u32 s13, $0x1  }
0x1c6: {  	s19 =	sadd.s32 s4, s18  }
0x1c7: {  	s21 =	sshll.u32 s19, $0x9;
	s19 =	sshll.u32 s19, $0xB  }
0x1c8: {  	s21 =	sand.u32 $0x3C00, s21;
	s19 =	sand.u32 $0xFFF0000, s19  }
0x1c9: {  	s21 =	sor.u32 s21, s19  }
0x1ca: {  	s19 =	simm.s32 $0x0;
	s22 =	sadd.s32 s2, s21  }
0x1cb: {  	[hbm4b:s22+s19] =	stream.linear.scatter [tilespmem:s20], [sflag:$0x5], $0x1000, $0x38;
	[tilespmem:$0x10400] =	vst v63  }
0x1cc: {  	s23 =	simm.s32 $0x9400;
	s22 =	sadd.s32 s21, s9  }
0x1cd: {  	[hbm4b:s22+s19] =	stream.linear.scatter [tilespmem:s23], [sflag:$0x5], $0x1000, $0x38;
	[tilespmem:$0x10400] =	vst v63  }
0x1ce: {  	s22 =	sadd.s32 s21, s12;
	s23 =	simm.s32 $0xA400  }
0x1cf: {  	[hbm4b:s22+s19] =	stream.linear.scatter [tilespmem:s23], [sflag:$0x5], $0x1000, $0x38;
	[tilespmem:$0x10400] =	vst v63  }
0x1d0: {  	s21 =	sadd.s32 s21, s14;
	s23 =	simm.s32 $0xB400;
	s22 =	sadd.s32 s18, s0  }
0x1d1: {  	[hbm4b:s21+s19] =	stream.linear.scatter [tilespmem:s23], [sflag:$0x5], $0x1000, $0x38;
	[tilespmem:$0x10400] =	vst v63  }
0x1d2: {  	s21 =	sshll.u32 s22, $0x6  }
0x1d3: {  	s21 =	sand.u32 $0xFFFFF80, s21  }
0x1d4: {  	s21 =	sadd.s32 s5, s21  }
0x1d5: {  	[tilespmem:s19], [sflag:$0x1] =	stream.linear.gather [hbm4b:s21+s19], $0x200, $0x38;
	[tilespmem:$0x10400] =	vst v63  }
0x1d6: {  	_ =	swait.ge [sflag:s24], $0x2000  }
0x1d7: {  	[sflag:s24] =	ssyncset.done $0x0  }
0x1d8: {  	[sflag:s24] =	ssyncadd.s32 $0xFFFFE000  }
0x1d9: {  	_ =	swait.ge [sflag:s24], $0x2000  }
0x1da: {  	[sflag:s24] =	ssyncset.done $0x0  }
0x1db: {  	[sflag:s24] =	ssyncadd.s32 $0xFFFFE000  }
0x1dc: {  	_ =	swait.ge [sflag:s8], $0x200  }
0x1dd: {  	[sflag:s8] =	ssyncset.done $0x0  }
0x1de: {  	[sflag:s8] =	ssyncadd.s32 $0xFFFFFE00  }
0x1df: {  	[tilespmem:s11], [sflag:$0x3] =	stream.indirect.gather [hbm4b:s6+s10], $0x20, s19, s10, $0xb8;
	[tilespmem:$0x10400] =	vst v63  }
0x1e0: {  	s23 =	simm.s32 $0x2400  }
0x1e1: {  	[tilespmem:s23], [sflag:$0x3] =	stream.indirect.gather [hbm4b:s6+s10], $0x20, s10, s10, $0xb8;
	[tilespmem:$0x10400] =	vst v63  }
0x1e2: {  	_ =	swait.ge [sflag:s31], $0x1000  }
0x1e3: {  	[sflag:s31] =	ssyncset.done $0x0  }
0x1e4: {  	[sflag:s31] =	ssyncadd.s32 $0xFFFFF000  }
0x1e5: {  	_ =	swait.ge [sflag:s31], $0x1000  }
0x1e6: {  	[sflag:s31] =	ssyncset.done $0x0  }
0x1e7: {  	[sflag:s31] =	ssyncadd.s32 $0xFFFFF000  }
0x1e8: {  	_ =	swait.ge [sflag:s31], $0x1000  }
0x1e9: {  	[sflag:s31] =	ssyncset.done $0x0  }
0x1ea: {  	[sflag:s31] =	ssyncadd.s32 $0xFFFFF000  }
0x1eb: {  	_ =	swait.ge [sflag:s31], $0x1000  }
0x1ec: {  	[sflag:s31] =	ssyncset.done $0x0  }
0x1ed: {  	[sflag:s31] =	ssyncadd.s32 $0xFFFFF000  }
.LBB2_9:
0x1ee: {  	v2 =	vld [tilespmem:$0x1FFC0];
	_ =	sdelay $0x1  }
0x1ef: {  	v3 =	vld [tilespmem:$0x1FF90]  }
0x1f0: {  	v0 =	vadd.s32 s19, v11;
	v5 =	vld [tilespmem:$0x1FFA0]  }
0x1f1: {  	v6 =	vld [tilespmem:$0x1FFB0];
	v1 =	vand.u32 $0x1F, v0;
	v4 =	vshll.u32 v0, $0x9;
	v0 =	vshll.u32 v0, $0x7  }
0x1f2: {  	v4 =	vand.u32 $0x3000, v4;
	v0 =	vand.u32 $0x380, v0;
	v2 =	vor.u32 v2, v1  }
0x1f3: {  	v8 =	vld [tilespmem:$0x1FFD0];
	v0 =	vor.u32 v0, v4;
	v4 =	vor.u32 v7, v1  }
0x1f4: {  	v9 =	vld [tilespmem:$0x1FFE0];
	v3 =	vor.u32 v3, v1  }
0x1f5: {  	v10 =	vld [tilespmem:$0x1FFF0];
	v5 =	vor.u32 v5, v1  }
0x1f6: {  	v7 =	vor.u32 v11, v0;
	v11 =	vld [tilespmem:$0x1FC10];
	v6 =	vor.u32 v6, v1  }
0x1f7: {  	v2 =	vld.idx.msk [tilespmem:v2+s17+$0x0], $0xffff  }
0x1f8: {  	v8 =	vor.u32 v8, v1;
	v4 =	vld.idx.msk [tilespmem:v4+s17+$0x0], $0xffff  }
0x1f9: {  	v3 =	vld.idx.msk [tilespmem:v3+s17+$0x0], $0xffff  }
0x1fa: {  	v5 =	vld.idx.msk [tilespmem:v5+s17+$0x0], $0xffff  }
0x1fb: {  	v6 =	vld.idx.msk [tilespmem:v6+s17+$0x0], $0xffff  }
0x1fc: {  	[tilespmem:v7+s25+$0x0] =	vst.idx.msk $0xffff, v2;
	v2 =	vld [tilespmem:$0x1FC20]  }
0x1fd: {  	v7 =	vld.idx.msk [tilespmem:v8+s17+$0x0], $0xffff  }
0x1fe: {  	v9 =	vor.u32 v9, v0;
	v8 =	vld [tilespmem:$0x1FC30]  }
0x1ff: {  	v10 =	vor.u32 v10, v1;
	_ =	sdelay $0x1  }
0x200: {  	v11 =	vor.u32 v11, v0;
	_ =	sdelay $0x1  }
0x201: {  	[tilespmem:v9+s25+$0x0] =	vst.idx.msk $0xffff, v3;
	v2 =	vor.u32 v2, v1;
	v8 =	vor.u32 v8, v0  }
0x202: {  	v3 =	vor.u32 v26, v1;
	v9 =	vld.idx.msk [tilespmem:v10+s17+$0x0], $0xffff;
	v10 =	vor.u32 v27, v0;
	_ =	sdelay $0x1  }
0x203: {  	[tilespmem:v11+s25+$0x0] =	vst.idx.msk $0xffff, v5;
	v5 =	vor.u32 v28, v1;
	v11 =	vor.u32 v29, v0;
	_ =	sdelay $0x1  }
0x204: {  	v2 =	vld.idx.msk [tilespmem:v2+s17+$0x0], $0xffff;
	[tilespmem:v8+s25+$0x0] =	vst.idx.msk $0xffff, v6;
	v6 =	vor.u32 v30, v1;
	v8 =	vor.u32 v31, v0  }
0x205: {  	v3 =	vld.idx.msk [tilespmem:v3+s17+$0x0], $0xffff;
	[tilespmem:v10+s25+$0x0] =	vst.idx.msk $0xffff, v4;
	v4 =	vor.u32 v32, v1;
	v10 =	vor.u32 v33, v0;
	_ =	sdelay $0x1  }
0x206: {  	v5 =	vld.idx.msk [tilespmem:v5+s17+$0x0], $0xffff;
	[tilespmem:v11+s25+$0x0] =	vst.idx.msk $0xffff, v7;
	v7 =	vor.u32 v34, v1;
	v11 =	vor.u32 v35, v0;
	_ =	sdelay $0x1  }
0x207: {  	v6 =	vld.idx.msk [tilespmem:v6+s17+$0x0], $0xffff;
	[tilespmem:v8+s25+$0x0] =	vst.idx.msk $0xffff, v9;
	v8 =	vor.u32 v36, v1;
	v9 =	vor.u32 v37, v0  }
0x208: {  	v4 =	vld.idx.msk [tilespmem:v4+s17+$0x0], $0xffff;
	[tilespmem:v10+s25+$0x0] =	vst.idx.msk $0xffff, v2;
	v2 =	vor.u32 v38, v1;
	v10 =	vor.u32 v39, v0;
	_ =	sdelay $0x1  }
0x209: {  	v7 =	vld.idx.msk [tilespmem:v7+s17+$0x0], $0xffff;
	[tilespmem:v11+s25+$0x0] =	vst.idx.msk $0xffff, v3;
	v3 =	vor.u32 v40, v1;
	v11 =	vor.u32 v41, v0;
	_ =	sdelay $0x1  }
0x20a: {  	v8 =	vld.idx.msk [tilespmem:v8+s17+$0x0], $0xffff;
	[tilespmem:v9+s25+$0x0] =	vst.idx.msk $0xffff, v5;
	v5 =	vor.u32 v42, v1;
	v9 =	vor.u32 v43, v0  }
0x20b: {  	v2 =	vld.idx.msk [tilespmem:v2+s17+$0x0], $0xffff;
	[tilespmem:v10+s25+$0x0] =	vst.idx.msk $0xffff, v6;
	v6 =	vor.u32 v44, v1;
	v10 =	vor.u32 v45, v0;
	_ =	sdelay $0x1  }
0x20c: {  	v3 =	vld.idx.msk [tilespmem:v3+s17+$0x0], $0xffff;
	[tilespmem:v11+s25+$0x0] =	vst.idx.msk $0xffff, v4;
	v4 =	vor.u32 v46, v1;
	v11 =	vor.u32 v23, v0;
	_ =	sdelay $0x1  }
0x20d: {  	v5 =	vld.idx.msk [tilespmem:v5+s17+$0x0], $0xffff;
	[tilespmem:v9+s25+$0x0] =	vst.idx.msk $0xffff, v7;
	v7 =	vor.u32 v24, v1;
	v9 =	vor.u32 v25, v0  }
0x20e: {  	v6 =	vld.idx.msk [tilespmem:v6+s17+$0x0], $0xffff;
	[tilespmem:v10+s25+$0x0] =	vst.idx.msk $0xffff, v8;
	v8 =	vor.u32 v47, v1;
	v10 =	vor.u32 v48, v0;
	_ =	sdelay $0x1  }
0x20f: {  	v4 =	vld.idx.msk [tilespmem:v4+s17+$0x0], $0xffff;
	[tilespmem:v11+s25+$0x0] =	vst.idx.msk $0xffff, v2;
	v2 =	vor.u32 v49, v1;
	v11 =	vor.u32 v50, v0;
	_ =	sdelay $0x1  }
0x210: {  	v7 =	vld.idx.msk [tilespmem:v7+s17+$0x0], $0xffff;
	[tilespmem:v9+s25+$0x0] =	vst.idx.msk $0xffff, v3;
	v3 =	vor.u32 v51, v1;
	v9 =	vor.u32 v52, v0  }
0x211: {  	v8 =	vld.idx.msk [tilespmem:v8+s17+$0x0], $0xffff;
	[tilespmem:v10+s25+$0x0] =	vst.idx.msk $0xffff, v5;
	v5 =	vor.u32 v53, v1;
	v10 =	vor.u32 v54, v0;
	_ =	sdelay $0x1  }
0x212: {  	v2 =	vld.idx.msk [tilespmem:v2+s17+$0x0], $0xffff;
	[tilespmem:v11+s25+$0x0] =	vst.idx.msk $0xffff, v6;
	v6 =	vor.u32 v55, v1;
	v11 =	vor.u32 v56, v0;
	_ =	sdelay $0x1  }
0x213: {  	v3 =	vld.idx.msk [tilespmem:v3+s17+$0x0], $0xffff;
	[tilespmem:v9+s25+$0x0] =	vst.idx.msk $0xffff, v4;
	v4 =	vor.u32 v57, v1;
	v9 =	vor.u32 v58, v0  }
0x214: {  	v5 =	vld.idx.msk [tilespmem:v5+s17+$0x0], $0xffff;
	[tilespmem:v10+s25+$0x0] =	vst.idx.msk $0xffff, v7;
	v7 =	vor.u32 v59, v1;
	v10 =	vor.u32 v60, v0;
	_ =	sdelay $0x1  }
0x215: {  	v6 =	vld.idx.msk [tilespmem:v6+s17+$0x0], $0xffff;
	[tilespmem:v11+s25+$0x0] =	vst.idx.msk $0xffff, v8;
	v8 =	vor.u32 v61, v1;
	v11 =	vor.u32 v62, v0;
	_ =	sdelay $0x1  }
0x216: {  	v4 =	vld.idx.msk [tilespmem:v4+s17+$0x0], $0xffff;
	[tilespmem:v9+s25+$0x0] =	vst.idx.msk $0xffff, v2;
	v2 =	vor.u32 v63, v1;
	v9 =	vor.u32 v16, v0  }
0x217: {  	v7 =	vld.idx.msk [tilespmem:v7+s17+$0x0], $0xffff;
	[tilespmem:v10+s25+$0x0] =	vst.idx.msk $0xffff, v3;
	v3 =	vor.u32 v13, v1;
	v10 =	vor.u32 v14, v0;
	_ =	sdelay $0x1  }
0x218: {  	v8 =	vld.idx.msk [tilespmem:v8+s17+$0x0], $0xffff;
	[tilespmem:v11+s25+$0x0] =	vst.idx.msk $0xffff, v5;
	v5 =	vor.u32 v15, v1;
	v11 =	vor.u32 v12, v0  }
0x219: {  	v1 =	vor.u32 v17, v1  }
0x21a: {  	v2 =	vld.idx.msk [tilespmem:v2+s17+$0x0], $0xffff;
	[tilespmem:v9+s25+$0x0] =	vst.idx.msk $0xffff, v6;
	v6 =	vor.u32 v18, v0  }
0x21b: {  	v3 =	vld.idx.msk [tilespmem:v3+s17+$0x0], $0xffff;
	[tilespmem:v10+s25+$0x0] =	vst.idx.msk $0xffff, v4;
	v4 =	vor.u32 v19, v0  }
0x21c: {  	v9 =	vor.u32 v20, v0  }
0x21d: {  	v5 =	vld.idx.msk [tilespmem:v5+s17+$0x0], $0xffff;
	[tilespmem:v11+s25+$0x0] =	vst.idx.msk $0xffff, v7;
	v7 =	vor.u32 v21, v0  }
0x21e: {  	p0 =	sne.s32 s19, $0x1F;
	v0 =	vor.u32 v22, v0;
	v1 =	vld.idx.msk [tilespmem:v1+s17+$0x0], $0xffff  }
.Ltmp3:
0x21f: {  	[tilespmem:v6+s25+$0x0] =	vst.idx.msk $0xffff, v8;
	(pc) =	sbr.rel @p0 .LBB2_9-.Ltmp3, $4  }
0x220: {  	[tilespmem:v4+s25+$0x0] =	vst.idx.msk $0xffff, v2  }
0x221: {  	[tilespmem:v9+s25+$0x0] =	vst.idx.msk $0xffff, v3  }
0x222: {  	[tilespmem:v7+s25+$0x0] =	vst.idx.msk $0xffff, v5  }
0x223: {  	s19 =	sadd.s32 $0x1, s19;
	v11 =	vlaneseq.u32;
	v7 =	vld [tilespmem:$0x1FF80];
	[tilespmem:v0+s25+$0x0] =	vst.idx.msk $0xffff, v1  }
0x224: {  	s19 =	sadd.s32 s18, s4  }
0x225: {  	s19 =	sadd.s32 $0x1, s19  }
0x226: {  	s21 =	sshll.u32 s19, $0x9;
	s19 =	sshll.u32 s19, $0xB  }
0x227: {  	s21 =	sand.u32 $0x3E00, s21;
	s19 =	sand.u32 $0xFFF0000, s19  }
0x228: {  	s19 =	sor.u32 s21, s19  }
0x229: {  	s21 =	sadd.s32 s2, s19  }
0x22a: {  	[hbm4b:s21+s3] =	stream.linear.scatter [tilespmem:s25], [sflag:$0x6], $0x1000, $0x38;
	[tilespmem:$0x10400] =	vst v63  }
0x22b: {  	s13 =	sadd.s32 $0x1, s13;
	s23 =	sadd.s32 s19, s9  }
0x22c: {  	[hbm4b:s23+s3] =	stream.linear.scatter [tilespmem:s26], [sflag:$0x6], $0x1000, $0x38;
	[tilespmem:$0x10400] =	vst v63  }
0x22d: {  	p0 =	sne.s32 s13, $0x63;
	s22 =	sadd.s32 s19, s12;
	s23 =	sadd.s32 s18, s1  }
0x22e: {  	[hbm4b:s22+s3] =	stream.linear.scatter [tilespmem:s28], [sflag:$0x6], $0x1000, $0x38;
	[tilespmem:$0x10400] =	vst v63  }
.Ltmp4:
0x22f: {  	s18 =	sshll.u32 s23, $0x6;
	(pc) =	sbr.rel @p0 .LBB2_6-.Ltmp4, $4  }
0x230: {  	s19 =	sadd.s32 s19, s14;
	s18 =	sand.u32 $0xFFFFFC0, s18  }
0x231: {  	[hbm4b:s19+s3] =	stream.linear.scatter [tilespmem:s29], [sflag:$0x6], $0x1000, $0x38;
	[tilespmem:$0x10400] =	vst v63  }
0x232: {  	s18 =	sadd.s32 s5, s18  }
0x233: {  	[tilespmem:s7], [sflag:$0x2] =	stream.linear.gather [hbm4b:s18+s3], $0x200, $0x38;
	[tilespmem:$0x10400] =	vst v63  }
0x234: {  	_ =	swait.ge [sflag:s15], $0x2000  }
0x235: {  	[sflag:s15] =	ssyncset.done $0x0  }
0x236: {  	[sflag:s15] =	ssyncadd.s32 $0xFFFFE000  }
0x237: {  	_ =	swait.ge [sflag:s15], $0x2000  }
0x238: {  	[sflag:s15] =	ssyncset.done $0x0  }
0x239: {  	[sflag:s15] =	ssyncadd.s32 $0xFFFFE000  }
0x23a: {  	_ =	swait.ge [sflag:s16], $0x200  }
0x23b: {  	[sflag:s16] =	ssyncset.done $0x0  }
0x23c: {  	[sflag:s16] =	ssyncadd.s32 $0xFFFFFE00  }
0x23d: {  	[tilespmem:s17], [sflag:$0x4] =	stream.indirect.gather [hbm4b:s6+s10], $0x20, s7, s10, $0xb8;
	[tilespmem:$0x10400] =	vst v63  }
0x23e: {  	s13 =	simm.s32 $0x300;
	s18 =	simm.s32 $0x6400  }
0x23f: {  	[tilespmem:s18], [sflag:$0x4] =	stream.indirect.gather [hbm4b:s6+s10], $0x20, s13, s10, $0xb8;
	[tilespmem:$0x10400] =	vst v63  }
0x240: {  	_ =	swait.ge [sflag:s30], $0x1000  }
0x241: {  	[sflag:s30] =	ssyncset.done $0x0  }
0x242: {  	[sflag:s30] =	ssyncadd.s32 $0xFFFFF000  }
0x243: {  	_ =	swait.ge [sflag:s30], $0x1000  }
0x244: {  	[sflag:s30] =	ssyncset.done $0x0  }
0x245: {  	[sflag:s30] =	ssyncadd.s32 $0xFFFFF000  }
0x246: {  	_ =	swait.ge [sflag:s30], $0x1000  }
0x247: {  	[sflag:s30] =	ssyncset.done $0x0  }
0x248: {  	[sflag:s30] =	ssyncadd.s32 $0xFFFFF000  }
0x249: {  	_ =	swait.ge [sflag:s30], $0x1000  }
0x24a: {  	v24 =	vld [tilespmem:$0x1FC40]  }
0x24b: {  	v25 =	vld [tilespmem:$0x1FC50]  }
0x24c: {  	v23 =	vld [tilespmem:$0x1FC60]  }
0x24d: {  	v26 =	vld [tilespmem:$0x1FC70]  }
0x24e: {  	v27 =	vld [tilespmem:$0x1FC80]  }
0x24f: {  	v28 =	vld [tilespmem:$0x1FC90]  }
0x250: {  	v29 =	vld [tilespmem:$0x1FCA0]  }
0x251: {  	v30 =	vld [tilespmem:$0x1FCB0]  }
0x252: {  	v31 =	vld [tilespmem:$0x1FCC0]  }
0x253: {  	v32 =	vld [tilespmem:$0x1FCD0]  }
0x254: {  	v33 =	vld [tilespmem:$0x1FCE0]  }
0x255: {  	v34 =	vld [tilespmem:$0x1FCF0]  }
0x256: {  	v35 =	vld [tilespmem:$0x1FD00]  }
0x257: {  	v36 =	vld [tilespmem:$0x1FD10]  }
0x258: {  	v37 =	vld [tilespmem:$0x1FD20]  }
0x259: {  	v38 =	vld [tilespmem:$0x1FD30]  }
0x25a: {  	v39 =	vld [tilespmem:$0x1FD40]  }
0x25b: {  	v40 =	vld [tilespmem:$0x1FD50]  }
0x25c: {  	v41 =	vld [tilespmem:$0x1FD60]  }
0x25d: {  	v42 =	vld [tilespmem:$0x1FD70]  }
0x25e: {  	v43 =	vld [tilespmem:$0x1FD80]  }
0x25f: {  	v44 =	vld [tilespmem:$0x1FD90]  }
0x260: {  	v45 =	vld [tilespmem:$0x1FDA0]  }
0x261: {  	v46 =	vld [tilespmem:$0x1FDB0]  }
0x262: {  	v47 =	vld [tilespmem:$0x1FDC0]  }
0x263: {  	v48 =	vld [tilespmem:$0x1FDD0]  }
0x264: {  	v49 =	vld [tilespmem:$0x1FDE0]  }
0x265: {  	v50 =	vld [tilespmem:$0x1FDF0]  }
0x266: {  	v51 =	vld [tilespmem:$0x1FE00]  }
0x267: {  	v52 =	vld [tilespmem:$0x1FE10]  }
0x268: {  	v53 =	vld [tilespmem:$0x1FE20]  }
0x269: {  	v54 =	vld [tilespmem:$0x1FE30]  }
0x26a: {  	v55 =	vld [tilespmem:$0x1FE40]  }
0x26b: {  	v56 =	vld [tilespmem:$0x1FE50]  }
0x26c: {  	v57 =	vld [tilespmem:$0x1FE60]  }
0x26d: {  	v58 =	vld [tilespmem:$0x1FE70]  }
0x26e: {  	v59 =	vld [tilespmem:$0x1FE80]  }
0x26f: {  	v60 =	vld [tilespmem:$0x1FE90]  }
0x270: {  	v61 =	vld [tilespmem:$0x1FEA0]  }
0x271: {  	v62 =	vld [tilespmem:$0x1FEB0]  }
0x272: {  	v63 =	vld [tilespmem:$0x1FEC0]  }
0x273: {  	v16 =	vld [tilespmem:$0x1FED0]  }
0x274: {  	v13 =	vld [tilespmem:$0x1FEE0]  }
0x275: {  	v14 =	vld [tilespmem:$0x1FEF0]  }
0x276: {  	v15 =	vld [tilespmem:$0x1FF00]  }
0x277: {  	v12 =	vld [tilespmem:$0x1FF10]  }
0x278: {  	v17 =	vld [tilespmem:$0x1FF20]  }
0x279: {  	v18 =	vld [tilespmem:$0x1FF30]  }
0x27a: {  	v19 =	vld [tilespmem:$0x1FF40]  }
0x27b: {  	v20 =	vld [tilespmem:$0x1FF50]  }
0x27c: {  	[sflag:s30] =	ssyncset.done $0x0;
	v21 =	vld [tilespmem:$0x1FF60]  }
0x27d: {  	s13 =	simm.s32 $0x0;
	v22 =	vld [tilespmem:$0x1FF70];
	[sflag:s30] =	ssyncadd.s32 $0xFFFFF000  }
.LBB2_12:
0x27e: {  	v2 =	vld [tilespmem:$0x1FFC0];
	_ =	sdelay $0x1  }
0x27f: {  	v3 =	vld [tilespmem:$0x1FF90]  }
0x280: {  	v0 =	vadd.s32 s13, v11;
	v5 =	vld [tilespmem:$0x1FFA0]  }
0x281: {  	v6 =	vld [tilespmem:$0x1FFB0];
	v1 =	vand.u32 $0x1F, v0;
	v4 =	vshll.u32 v0, $0x9;
	v0 =	vshll.u32 v0, $0x7  }
0x282: {  	v4 =	vand.u32 $0x3000, v4;
	v0 =	vand.u32 $0x380, v0;
	v2 =	vor.u32 v2, v1  }
0x283: {  	v8 =	vld [tilespmem:$0x1FFD0];
	v0 =	vor.u32 v0, v4;
	v4 =	vor.u32 v7, v1  }
0x284: {  	v9 =	vld [tilespmem:$0x1FFE0];
	v3 =	vor.u32 v3, v1  }
0x285: {  	v10 =	vld [tilespmem:$0x1FFF0];
	v5 =	vor.u32 v5, v1  }
0x286: {  	v7 =	vor.u32 v11, v0;
	v11 =	vld [tilespmem:$0x1FC10];
	v6 =	vor.u32 v6, v1  }
0x287: {  	v2 =	vld.idx.msk [tilespmem:v2+s11+$0x0], $0xffff  }
0x288: {  	v8 =	vor.u32 v8, v1;
	v4 =	vld.idx.msk [tilespmem:v4+s11+$0x0], $0xffff  }
0x289: {  	v3 =	vld.idx.msk [tilespmem:v3+s11+$0x0], $0xffff  }
0x28a: {  	v5 =	vld.idx.msk [tilespmem:v5+s11+$0x0], $0xffff  }
0x28b: {  	v6 =	vld.idx.msk [tilespmem:v6+s11+$0x0], $0xffff  }
0x28c: {  	[tilespmem:v7+s20+$0x0] =	vst.idx.msk $0xffff, v2;
	v2 =	vld [tilespmem:$0x1FC20]  }
0x28d: {  	v7 =	vld.idx.msk [tilespmem:v8+s11+$0x0], $0xffff  }
0x28e: {  	v9 =	vor.u32 v9, v0;
	v8 =	vld [tilespmem:$0x1FC30]  }
0x28f: {  	v10 =	vor.u32 v10, v1;
	_ =	sdelay $0x1  }
0x290: {  	v11 =	vor.u32 v11, v0;
	_ =	sdelay $0x1  }
0x291: {  	[tilespmem:v9+s20+$0x0] =	vst.idx.msk $0xffff, v3;
	v2 =	vor.u32 v2, v1;
	v8 =	vor.u32 v8, v0  }
0x292: {  	v3 =	vor.u32 v24, v1;
	v9 =	vld.idx.msk [tilespmem:v10+s11+$0x0], $0xffff;
	v10 =	vor.u32 v25, v0;
	_ =	sdelay $0x1  }
0x293: {  	[tilespmem:v11+s20+$0x0] =	vst.idx.msk $0xffff, v5;
	v5 =	vor.u32 v23, v1;
	v11 =	vor.u32 v26, v0;
	_ =	sdelay $0x1  }
0x294: {  	v2 =	vld.idx.msk [tilespmem:v2+s11+$0x0], $0xffff;
	[tilespmem:v8+s20+$0x0] =	vst.idx.msk $0xffff, v6;
	v6 =	vor.u32 v27, v1;
	v8 =	vor.u32 v28, v0  }
0x295: {  	v3 =	vld.idx.msk [tilespmem:v3+s11+$0x0], $0xffff;
	[tilespmem:v10+s20+$0x0] =	vst.idx.msk $0xffff, v4;
	v4 =	vor.u32 v29, v1;
	v10 =	vor.u32 v30, v0;
	_ =	sdelay $0x1  }
0x296: {  	v5 =	vld.idx.msk [tilespmem:v5+s11+$0x0], $0xffff;
	[tilespmem:v11+s20+$0x0] =	vst.idx.msk $0xffff, v7;
	v7 =	vor.u32 v31, v1;
	v11 =	vor.u32 v32, v0;
	_ =	sdelay $0x1  }
0x297: {  	v6 =	vld.idx.msk [tilespmem:v6+s11+$0x0], $0xffff;
	[tilespmem:v8+s20+$0x0] =	vst.idx.msk $0xffff, v9;
	v8 =	vor.u32 v33, v1;
	v9 =	vor.u32 v34, v0  }
0x298: {  	v4 =	vld.idx.msk [tilespmem:v4+s11+$0x0], $0xffff;
	[tilespmem:v10+s20+$0x0] =	vst.idx.msk $0xffff, v2;
	v2 =	vor.u32 v35, v1;
	v10 =	vor.u32 v36, v0;
	_ =	sdelay $0x1  }
0x299: {  	v7 =	vld.idx.msk [tilespmem:v7+s11+$0x0], $0xffff;
	[tilespmem:v11+s20+$0x0] =	vst.idx.msk $0xffff, v3;
	v3 =	vor.u32 v37, v1;
	v11 =	vor.u32 v38, v0;
	_ =	sdelay $0x1  }
0x29a: {  	v8 =	vld.idx.msk [tilespmem:v8+s11+$0x0], $0xffff;
	[tilespmem:v9+s20+$0x0] =	vst.idx.msk $0xffff, v5;
	v5 =	vor.u32 v39, v1;
	v9 =	vor.u32 v40, v0  }
0x29b: {  	v2 =	vld.idx.msk [tilespmem:v2+s11+$0x0], $0xffff;
	[tilespmem:v10+s20+$0x0] =	vst.idx.msk $0xffff, v6;
	v6 =	vor.u32 v41, v1;
	v10 =	vor.u32 v42, v0;
	_ =	sdelay $0x1  }
0x29c: {  	v3 =	vld.idx.msk [tilespmem:v3+s11+$0x0], $0xffff;
	[tilespmem:v11+s20+$0x0] =	vst.idx.msk $0xffff, v4;
	v4 =	vor.u32 v43, v1;
	v11 =	vor.u32 v44, v0;
	_ =	sdelay $0x1  }
0x29d: {  	v5 =	vld.idx.msk [tilespmem:v5+s11+$0x0], $0xffff;
	[tilespmem:v9+s20+$0x0] =	vst.idx.msk $0xffff, v7;
	v7 =	vor.u32 v45, v1;
	v9 =	vor.u32 v46, v0  }
0x29e: {  	v6 =	vld.idx.msk [tilespmem:v6+s11+$0x0], $0xffff;
	[tilespmem:v10+s20+$0x0] =	vst.idx.msk $0xffff, v8;
	v8 =	vor.u32 v47, v1;
	v10 =	vor.u32 v48, v0;
	_ =	sdelay $0x1  }
0x29f: {  	v4 =	vld.idx.msk [tilespmem:v4+s11+$0x0], $0xffff;
	[tilespmem:v11+s20+$0x0] =	vst.idx.msk $0xffff, v2;
	v2 =	vor.u32 v49, v1;
	v11 =	vor.u32 v50, v0;
	_ =	sdelay $0x1  }
0x2a0: {  	v7 =	vld.idx.msk [tilespmem:v7+s11+$0x0], $0xffff;
	[tilespmem:v9+s20+$0x0] =	vst.idx.msk $0xffff, v3;
	v3 =	vor.u32 v51, v1;
	v9 =	vor.u32 v52, v0  }
0x2a1: {  	v8 =	vld.idx.msk [tilespmem:v8+s11+$0x0], $0xffff;
	[tilespmem:v10+s20+$0x0] =	vst.idx.msk $0xffff, v5;
	v5 =	vor.u32 v53, v1;
	v10 =	vor.u32 v54, v0;
	_ =	sdelay $0x1  }
0x2a2: {  	v2 =	vld.idx.msk [tilespmem:v2+s11+$0x0], $0xffff;
	[tilespmem:v11+s20+$0x0] =	vst.idx.msk $0xffff, v6;
	v6 =	vor.u32 v55, v1;
	v11 =	vor.u32 v56, v0;
	_ =	sdelay $0x1  }
0x2a3: {  	v3 =	vld.idx.msk [tilespmem:v3+s11+$0x0], $0xffff;
	[tilespmem:v9+s20+$0x0] =	vst.idx.msk $0xffff, v4;
	v4 =	vor.u32 v57, v1;
	v9 =	vor.u32 v58, v0  }
0x2a4: {  	v5 =	vld.idx.msk [tilespmem:v5+s11+$0x0], $0xffff;
	[tilespmem:v10+s20+$0x0] =	vst.idx.msk $0xffff, v7;
	v7 =	vor.u32 v59, v1;
	v10 =	vor.u32 v60, v0;
	_ =	sdelay $0x1  }
0x2a5: {  	v6 =	vld.idx.msk [tilespmem:v6+s11+$0x0], $0xffff;
	[tilespmem:v11+s20+$0x0] =	vst.idx.msk $0xffff, v8;
	v8 =	vor.u32 v61, v1;
	v11 =	vor.u32 v62, v0;
	_ =	sdelay $0x1  }
0x2a6: {  	v4 =	vld.idx.msk [tilespmem:v4+s11+$0x0], $0xffff;
	[tilespmem:v9+s20+$0x0] =	vst.idx.msk $0xffff, v2;
	v2 =	vor.u32 v63, v1;
	v9 =	vor.u32 v16, v0  }
0x2a7: {  	v7 =	vld.idx.msk [tilespmem:v7+s11+$0x0], $0xffff;
	[tilespmem:v10+s20+$0x0] =	vst.idx.msk $0xffff, v3;
	v3 =	vor.u32 v13, v1;
	v10 =	vor.u32 v14, v0;
	_ =	sdelay $0x1  }
0x2a8: {  	v8 =	vld.idx.msk [tilespmem:v8+s11+$0x0], $0xffff;
	[tilespmem:v11+s20+$0x0] =	vst.idx.msk $0xffff, v5;
	v5 =	vor.u32 v15, v1;
	v11 =	vor.u32 v12, v0  }
0x2a9: {  	v1 =	vor.u32 v17, v1  }
0x2aa: {  	v2 =	vld.idx.msk [tilespmem:v2+s11+$0x0], $0xffff;
	[tilespmem:v9+s20+$0x0] =	vst.idx.msk $0xffff, v6;
	v6 =	vor.u32 v18, v0  }
0x2ab: {  	v3 =	vld.idx.msk [tilespmem:v3+s11+$0x0], $0xffff;
	[tilespmem:v10+s20+$0x0] =	vst.idx.msk $0xffff, v4;
	v4 =	vor.u32 v19, v0  }
0x2ac: {  	v9 =	vor.u32 v20, v0  }
0x2ad: {  	v5 =	vld.idx.msk [tilespmem:v5+s11+$0x0], $0xffff;
	[tilespmem:v11+s20+$0x0] =	vst.idx.msk $0xffff, v7;
	v7 =	vor.u32 v21, v0  }
0x2ae: {  	p0 =	sne.s32 s13, $0x1F;
	v0 =	vor.u32 v22, v0;
	v1 =	vld.idx.msk [tilespmem:v1+s11+$0x0], $0xffff  }
.Ltmp5:
0x2af: {  	[tilespmem:v6+s20+$0x0] =	vst.idx.msk $0xffff, v8;
	(pc) =	sbr.rel @p0 .LBB2_12-.Ltmp5, $4  }
0x2b0: {  	[tilespmem:v4+s20+$0x0] =	vst.idx.msk $0xffff, v2  }
0x2b1: {  	[tilespmem:v9+s20+$0x0] =	vst.idx.msk $0xffff, v3  }
0x2b2: {  	[tilespmem:v7+s20+$0x0] =	vst.idx.msk $0xffff, v5  }
0x2b3: {  	s13 =	sadd.s32 $0x1, s13;
	v11 =	vlaneseq.u32;
	v7 =	vld [tilespmem:$0x1FF80];
	[tilespmem:v0+s20+$0x0] =	vst.idx.msk $0xffff, v1  }
0x2b4: {  	s13 =	simm.s32 $0x0;
	s18 =	rddreg [dreg:$0xf]  }
0x2b5: {  	[hbm4b:s18+s13] =	stream.linear.scatter [tilespmem:s20], [sflag:$0x5], $0x1000, $0x38;
	[tilespmem:$0x10400] =	vst v63  }
0x2b6: {  	s23 =	rddreg [dreg:$0x10];
	s19 =	simm.s32 $0x9400  }
0x2b7: {  	[hbm4b:s23+s13] =	stream.linear.scatter [tilespmem:s19], [sflag:$0x5], $0x1000, $0x38;
	[tilespmem:$0x10400] =	vst v63  }
0x2b8: {  	s21 =	simm.s32 $0xA400;
	s19 =	rddreg [dreg:$0x11]  }
0x2b9: {  	[hbm4b:s19+s13] =	stream.linear.scatter [tilespmem:s21], [sflag:$0x5], $0x1000, $0x38;
	[tilespmem:$0x10400] =	vst v63  }
0x2ba: {  	s22 =	rddreg [dreg:$0x12];
	s23 =	simm.s32 $0xB400  }
0x2bb: {  	[hbm4b:s22+s13] =	stream.linear.scatter [tilespmem:s23], [sflag:$0x5], $0x1000, $0x38;
	[tilespmem:$0x10400] =	vst v63  }
0x2bc: {  	_ =	swait.ge [sflag:s24], $0x2000  }
0x2bd: {  	[sflag:s24] =	ssyncset.done $0x0  }
0x2be: {  	[sflag:s24] =	ssyncadd.s32 $0xFFFFE000  }
0x2bf: {  	_ =	swait.ge [sflag:s24], $0x2000  }
0x2c0: {  	[sflag:s24] =	ssyncset.done $0x0  }
0x2c1: {  	[sflag:s24] =	ssyncadd.s32 $0xFFFFE000  }
0x2c2: {  	_ =	swait.ge [sflag:s31], $0x1000  }
0x2c3: {  	[sflag:s31] =	ssyncset.done $0x0  }
0x2c4: {  	[sflag:s31] =	ssyncadd.s32 $0xFFFFF000  }
0x2c5: {  	_ =	swait.ge [sflag:s31], $0x1000  }
0x2c6: {  	[sflag:s31] =	ssyncset.done $0x0  }
0x2c7: {  	[sflag:s31] =	ssyncadd.s32 $0xFFFFF000  }
0x2c8: {  	_ =	swait.ge [sflag:s31], $0x1000  }
0x2c9: {  	[sflag:s31] =	ssyncset.done $0x0  }
0x2ca: {  	[sflag:s31] =	ssyncadd.s32 $0xFFFFF000  }
0x2cb: {  	_ =	swait.ge [sflag:s31], $0x1000  }
0x2cc: {  	[sflag:s31] =	ssyncset.done $0x0  }
0x2cd: {  	[sflag:s31] =	ssyncadd.s32 $0xFFFFF000  }
.LBB2_14:
0x2ce: {  	v2 =	vld [tilespmem:$0x1FFC0];
	_ =	sdelay $0x1  }
0x2cf: {  	v3 =	vld [tilespmem:$0x1FF90]  }
0x2d0: {  	v0 =	vadd.s32 s13, v11;
	v5 =	vld [tilespmem:$0x1FFA0]  }
0x2d1: {  	v6 =	vld [tilespmem:$0x1FFB0];
	v1 =	vand.u32 $0x1F, v0;
	v4 =	vshll.u32 v0, $0x9;
	v0 =	vshll.u32 v0, $0x7  }
0x2d2: {  	v4 =	vand.u32 $0x3000, v4;
	v0 =	vand.u32 $0x380, v0;
	v2 =	vor.u32 v2, v1  }
0x2d3: {  	v8 =	vld [tilespmem:$0x1FFD0];
	v0 =	vor.u32 v0, v4;
	v4 =	vor.u32 v7, v1  }
0x2d4: {  	v9 =	vld [tilespmem:$0x1FFE0];
	v3 =	vor.u32 v3, v1  }
0x2d5: {  	v10 =	vld [tilespmem:$0x1FFF0];
	v5 =	vor.u32 v5, v1  }
0x2d6: {  	v7 =	vor.u32 v11, v0;
	v11 =	vld [tilespmem:$0x1FC10];
	v6 =	vor.u32 v6, v1  }
0x2d7: {  	v2 =	vld.idx.msk [tilespmem:v2+s17+$0x0], $0xffff  }
0x2d8: {  	v8 =	vor.u32 v8, v1;
	v4 =	vld.idx.msk [tilespmem:v4+s17+$0x0], $0xffff  }
0x2d9: {  	v3 =	vld.idx.msk [tilespmem:v3+s17+$0x0], $0xffff  }
0x2da: {  	v5 =	vld.idx.msk [tilespmem:v5+s17+$0x0], $0xffff  }
0x2db: {  	v6 =	vld.idx.msk [tilespmem:v6+s17+$0x0], $0xffff  }
0x2dc: {  	[tilespmem:v7+s25+$0x0] =	vst.idx.msk $0xffff, v2;
	v2 =	vld [tilespmem:$0x1FC20]  }
0x2dd: {  	v7 =	vld.idx.msk [tilespmem:v8+s17+$0x0], $0xffff  }
0x2de: {  	v9 =	vor.u32 v9, v0;
	v8 =	vld [tilespmem:$0x1FC30]  }
0x2df: {  	v10 =	vor.u32 v10, v1;
	_ =	sdelay $0x1  }
0x2e0: {  	v11 =	vor.u32 v11, v0;
	_ =	sdelay $0x1  }
0x2e1: {  	[tilespmem:v9+s25+$0x0] =	vst.idx.msk $0xffff, v3;
	v2 =	vor.u32 v2, v1;
	v8 =	vor.u32 v8, v0  }
0x2e2: {  	v3 =	vor.u32 v24, v1;
	v9 =	vld.idx.msk [tilespmem:v10+s17+$0x0], $0xffff;
	v10 =	vor.u32 v25, v0;
	_ =	sdelay $0x1  }
0x2e3: {  	[tilespmem:v11+s25+$0x0] =	vst.idx.msk $0xffff, v5;
	v5 =	vor.u32 v23, v1;
	v11 =	vor.u32 v26, v0;
	_ =	sdelay $0x1  }
0x2e4: {  	v2 =	vld.idx.msk [tilespmem:v2+s17+$0x0], $0xffff;
	[tilespmem:v8+s25+$0x0] =	vst.idx.msk $0xffff, v6;
	v6 =	vor.u32 v27, v1;
	v8 =	vor.u32 v28, v0  }
0x2e5: {  	v3 =	vld.idx.msk [tilespmem:v3+s17+$0x0], $0xffff;
	[tilespmem:v10+s25+$0x0] =	vst.idx.msk $0xffff, v4;
	v4 =	vor.u32 v29, v1;
	v10 =	vor.u32 v30, v0;
	_ =	sdelay $0x1  }
0x2e6: {  	v5 =	vld.idx.msk [tilespmem:v5+s17+$0x0], $0xffff;
	[tilespmem:v11+s25+$0x0] =	vst.idx.msk $0xffff, v7;
	v7 =	vor.u32 v31, v1;
	v11 =	vor.u32 v32, v0;
	_ =	sdelay $0x1  }
0x2e7: {  	v6 =	vld.idx.msk [tilespmem:v6+s17+$0x0], $0xffff;
	[tilespmem:v8+s25+$0x0] =	vst.idx.msk $0xffff, v9;
	v8 =	vor.u32 v33, v1;
	v9 =	vor.u32 v34, v0  }
0x2e8: {  	v4 =	vld.idx.msk [tilespmem:v4+s17+$0x0], $0xffff;
	[tilespmem:v10+s25+$0x0] =	vst.idx.msk $0xffff, v2;
	v2 =	vor.u32 v35, v1;
	v10 =	vor.u32 v36, v0;
	_ =	sdelay $0x1  }
0x2e9: {  	v7 =	vld.idx.msk [tilespmem:v7+s17+$0x0], $0xffff;
	[tilespmem:v11+s25+$0x0] =	vst.idx.msk $0xffff, v3;
	v3 =	vor.u32 v37, v1;
	v11 =	vor.u32 v38, v0;
	_ =	sdelay $0x1  }
0x2ea: {  	v8 =	vld.idx.msk [tilespmem:v8+s17+$0x0], $0xffff;
	[tilespmem:v9+s25+$0x0] =	vst.idx.msk $0xffff, v5;
	v5 =	vor.u32 v39, v1;
	v9 =	vor.u32 v40, v0  }
0x2eb: {  	v2 =	vld.idx.msk [tilespmem:v2+s17+$0x0], $0xffff;
	[tilespmem:v10+s25+$0x0] =	vst.idx.msk $0xffff, v6;
	v6 =	vor.u32 v41, v1;
	v10 =	vor.u32 v42, v0;
	_ =	sdelay $0x1  }
0x2ec: {  	v3 =	vld.idx.msk [tilespmem:v3+s17+$0x0], $0xffff;
	[tilespmem:v11+s25+$0x0] =	vst.idx.msk $0xffff, v4;
	v4 =	vor.u32 v43, v1;
	v11 =	vor.u32 v44, v0;
	_ =	sdelay $0x1  }
0x2ed: {  	v5 =	vld.idx.msk [tilespmem:v5+s17+$0x0], $0xffff;
	[tilespmem:v9+s25+$0x0] =	vst.idx.msk $0xffff, v7;
	v7 =	vor.u32 v45, v1;
	v9 =	vor.u32 v46, v0  }
0x2ee: {  	v6 =	vld.idx.msk [tilespmem:v6+s17+$0x0], $0xffff;
	[tilespmem:v10+s25+$0x0] =	vst.idx.msk $0xffff, v8;
	v8 =	vor.u32 v47, v1;
	v10 =	vor.u32 v48, v0;
	_ =	sdelay $0x1  }
0x2ef: {  	v4 =	vld.idx.msk [tilespmem:v4+s17+$0x0], $0xffff;
	[tilespmem:v11+s25+$0x0] =	vst.idx.msk $0xffff, v2;
	v2 =	vor.u32 v49, v1;
	v11 =	vor.u32 v50, v0;
	_ =	sdelay $0x1  }
0x2f0: {  	v7 =	vld.idx.msk [tilespmem:v7+s17+$0x0], $0xffff;
	[tilespmem:v9+s25+$0x0] =	vst.idx.msk $0xffff, v3;
	v3 =	vor.u32 v51, v1;
	v9 =	vor.u32 v52, v0  }
0x2f1: {  	v8 =	vld.idx.msk [tilespmem:v8+s17+$0x0], $0xffff;
	[tilespmem:v10+s25+$0x0] =	vst.idx.msk $0xffff, v5;
	v5 =	vor.u32 v53, v1;
	v10 =	vor.u32 v54, v0;
	_ =	sdelay $0x1  }
0x2f2: {  	v2 =	vld.idx.msk [tilespmem:v2+s17+$0x0], $0xffff;
	[tilespmem:v11+s25+$0x0] =	vst.idx.msk $0xffff, v6;
	v6 =	vor.u32 v55, v1;
	v11 =	vor.u32 v56, v0;
	_ =	sdelay $0x1  }
0x2f3: {  	v3 =	vld.idx.msk [tilespmem:v3+s17+$0x0], $0xffff;
	[tilespmem:v9+s25+$0x0] =	vst.idx.msk $0xffff, v4;
	v4 =	vor.u32 v57, v1;
	v9 =	vor.u32 v58, v0  }
0x2f4: {  	v5 =	vld.idx.msk [tilespmem:v5+s17+$0x0], $0xffff;
	[tilespmem:v10+s25+$0x0] =	vst.idx.msk $0xffff, v7;
	v7 =	vor.u32 v59, v1;
	v10 =	vor.u32 v60, v0;
	_ =	sdelay $0x1  }
0x2f5: {  	v6 =	vld.idx.msk [tilespmem:v6+s17+$0x0], $0xffff;
	[tilespmem:v11+s25+$0x0] =	vst.idx.msk $0xffff, v8;
	v8 =	vor.u32 v61, v1;
	v11 =	vor.u32 v62, v0;
	_ =	sdelay $0x1  }
0x2f6: {  	v4 =	vld.idx.msk [tilespmem:v4+s17+$0x0], $0xffff;
	[tilespmem:v9+s25+$0x0] =	vst.idx.msk $0xffff, v2;
	v2 =	vor.u32 v63, v1;
	v9 =	vor.u32 v16, v0  }
0x2f7: {  	v7 =	vld.idx.msk [tilespmem:v7+s17+$0x0], $0xffff;
	[tilespmem:v10+s25+$0x0] =	vst.idx.msk $0xffff, v3;
	v3 =	vor.u32 v13, v1;
	v10 =	vor.u32 v14, v0;
	_ =	sdelay $0x1  }
0x2f8: {  	v8 =	vld.idx.msk [tilespmem:v8+s17+$0x0], $0xffff;
	[tilespmem:v11+s25+$0x0] =	vst.idx.msk $0xffff, v5;
	v5 =	vor.u32 v15, v1;
	v11 =	vor.u32 v12, v0  }
0x2f9: {  	v1 =	vor.u32 v17, v1  }
0x2fa: {  	v2 =	vld.idx.msk [tilespmem:v2+s17+$0x0], $0xffff;
	[tilespmem:v9+s25+$0x0] =	vst.idx.msk $0xffff, v6;
	v6 =	vor.u32 v18, v0  }
0x2fb: {  	v3 =	vld.idx.msk [tilespmem:v3+s17+$0x0], $0xffff;
	[tilespmem:v10+s25+$0x0] =	vst.idx.msk $0xffff, v4;
	v4 =	vor.u32 v19, v0  }
0x2fc: {  	v9 =	vor.u32 v20, v0;
	v10 =	vld [tilespmem:$0x1FFF0]  }
0x2fd: {  	v5 =	vld.idx.msk [tilespmem:v5+s17+$0x0], $0xffff;
	[tilespmem:v11+s25+$0x0] =	vst.idx.msk $0xffff, v7  }
0x2fe: {  	v7 =	vor.u32 v21, v0;
	v1 =	vld.idx.msk [tilespmem:v1+s17+$0x0], $0xffff  }
0x2ff: {  	p0 =	sne.s32 s13, $0x1F;
	v0 =	vor.u32 v22, v0;
	[tilespmem:v6+s25+$0x0] =	vst.idx.msk $0xffff, v8;
	v8 =	vld [tilespmem:$0x1FFD0]  }
.Ltmp6:
0x300: {  	v6 =	vld [tilespmem:$0x1FFB0];
	[tilespmem:v4+s25+$0x0] =	vst.idx.msk $0xffff, v2;
	(pc) =	sbr.rel @p0 .LBB2_14-.Ltmp6, $4  }
0x301: {  	[tilespmem:v9+s25+$0x0] =	vst.idx.msk $0xffff, v3;
	v9 =	vld [tilespmem:$0x1FFE0]  }
0x302: {  	v3 =	vld [tilespmem:$0x1FF90]  }
0x303: {  	[tilespmem:v7+s25+$0x0] =	vst.idx.msk $0xffff, v5;
	v7 =	vld [tilespmem:$0x1FF80]  }
0x304: {  	s13 =	sadd.s32 $0x1, s13;
	v11 =	vlaneseq.u32;
	v5 =	vld [tilespmem:$0x1FFA0];
	[tilespmem:v0+s25+$0x0] =	vst.idx.msk $0xffff, v1  }
0x305: {  	s13 =	rddreg [dreg:$0x13]  }
0x306: {  	[hbm4b:s13+s3] =	stream.linear.scatter [tilespmem:s25], [sflag:$0x6], $0x1000, $0x38;
	[tilespmem:$0x10400] =	vst v63  }
0x307: {  	s19 =	rddreg [dreg:$0x14]  }
0x308: {  	[hbm4b:s19+s3] =	stream.linear.scatter [tilespmem:s26], [sflag:$0x6], $0x1000, $0x38;
	[tilespmem:$0x10400] =	vst v63  }
0x309: {  	s21 =	rddreg [dreg:$0x15]  }
0x30a: {  	[hbm4b:s21+s3] =	stream.linear.scatter [tilespmem:s28], [sflag:$0x6], $0x1000, $0x38;
	[tilespmem:$0x10400] =	vst v63  }
0x30b: {  	s22 =	rddreg [dreg:$0x16]  }
0x30c: {  	[hbm4b:s22+s3] =	stream.linear.scatter [tilespmem:s29], [sflag:$0x6], $0x1000, $0x38;
	[tilespmem:$0x10400] =	vst v63  }
0x30d: {  	_ =	swait.ge [sflag:s30], $0x1000  }
0x30e: {  	[sflag:s30] =	ssyncset.done $0x0  }
0x30f: {  	[sflag:s30] =	ssyncadd.s32 $0xFFFFF000  }
0x310: {  	_ =	swait.ge [sflag:s30], $0x1000  }
0x311: {  	[sflag:s30] =	ssyncset.done $0x0  }
0x312: {  	[sflag:s30] =	ssyncadd.s32 $0xFFFFF000  }
0x313: {  	_ =	swait.ge [sflag:s30], $0x1000  }
0x314: {  	[sflag:s30] =	ssyncset.done $0x0  }
0x315: {  	[sflag:s30] =	ssyncadd.s32 $0xFFFFF000  }
0x316: {  	_ =	swait.ge [sflag:s30], $0x1000  }
0x317: {  	[sflag:s30] =	ssyncset.done $0x0  }
0x318: {  	[sflag:s30] =	ssyncadd.s32 $0xFFFFF000  }
0x319: {  	_ =	swait.ge [sflag:s31], $0x1000  }
0x31a: {  	[sflag:s31] =	ssyncset.done $0x0  }
0x31b: {  	[sflag:s31] =	ssyncadd.s32 $0xFFFFF000  }
0x31c: {  	_ =	swait.ge [sflag:s31], $0x1000  }
0x31d: {  	[sflag:s31] =	ssyncset.done $0x0  }
0x31e: {  	[sflag:s31] =	ssyncadd.s32 $0xFFFFF000  }
0x31f: {  	_ =	swait.ge [sflag:s31], $0x1000  }
0x320: {  	[sflag:s31] =	ssyncset.done $0x0  }
0x321: {  	[sflag:s31] =	ssyncadd.s32 $0xFFFFF000  }
0x322: {  	_ =	swait.ge [sflag:s31], $0x1000  }
0x323: {  	s18 =	rddreg [dreg:$0x18]  }
0x324: {  	s23 =	rddreg [dreg:$0x17];
	s18 =	sadd.s32 $0x1, s18  }
0x325: {  	p0 =	sne.s32 s18, s23  }
.Ltmp7:
0x326: {  	_ = 	snop;
	(pc) =	sbr.rel @p0 .LBB2_1-.Ltmp7, $3  }
0x327: {  	_ =	sdelay $0x1  }
0x328: {  	[sflag:s31] =	ssyncset.done $0x0  }
0x329: {  	[sflag:s31] =	ssyncadd.s32 $0xFFFFF000  }
0x32a: {  	_ =	sfence.sel $0x180000  }
0x32b: {  	[bflag:$0x0] =	sbarrier.arrive $0xFFFF  }
0x32c: {  	_ =	strace $0x90000047  }
0x32d: {  	s0 =	stileid.u32;
	[bflag:$0x2] =	sbarrier.arrive $0xFFFF  }
0x32e: {  	p0 =	sne.s32 s0, $0x0;
	s0 =	rddreg [dreg:$0x2]  }
0x32f: {  	s0 =	sadd.s32 @!p0 $0x100000, s0  }
0x330: {  	[sflag:s0] =	ssyncadd.tile.s32 @!p0 $0x1;
	_ =	shalt  }
.Lfunc_end2:
_tile_overlayer_lowered:
.L_overlay_start_2:
0x331: {  	(tag) =	ssettag $0x2  }
0x332: {  	s0 =	rddreg [dreg:$0x0];
	s2 =	stileid.u32  }
0x333: {  	s1 =	rddreg [dreg:$0x1];
	p0 =	sne.s32 s2, $0x0  }
0x334: {  	s3 =	rddreg [dreg:$0x2];
	[bflag:$0x3] =	sbarrier.arrive $0xFFFF;
	s2 =	simm.s32 @!p0 $0x1C07  }
0x335: {  	[timem:s3], [sflag:s2] =	dma.local @!p0 [hbm:s0], s1  }
0x336: {  	s0 =	simm.s32 @!p0 $0x7  }
0x337: {  	_ =	swait.ge @!p0 [sflag:s0], s1  }
0x338: {  	s1 =	ssub.s32 @!p0 $0x0, s1;
	[sflag:s0] =	ssyncset.done @!p0 $0x0  }
0x339: {  	[sflag:s0] =	ssyncadd.s32 @!p0 s1  }
0x33a: {  	[bflag:$0x3] =	sbarrier.arrive $0xFFFF  }
0x33b: {  	_ =	shalt  }

</sc_bundles>
